<compile_context>
chip_gen: v7x
topology: tpu7x:2x2x1
jax: 0.10.2.dev20260603
libtpu: 0.0.44.dev20260713+nightly
codegen_flags: <defaults>
</compile_context>

<pallas_src>
import functools

import jax
import jax.numpy as jnp
from jax import lax
from jax.experimental import pallas as pl
from jax.experimental.pallas import tpu as pltpu
from jax.experimental.pallas import tpu_sc as plsc

N = 100000
E = 1600000
G = 10000
TAU = 0.1
EPS = 1e-10

NC = 2
NS = 16
L = 16
NW = NC * NS
EPT = E // NW
CHUNK = 2000
NCHUNK = EPT // CHUNK
VPC = CHUNK // L

NP = 102400
GP = 10240
RN = NP // 128
RG = GP // 128
RBLK = 200
F32 = jnp.float32




def _stage_a_body(now_ref, isinf_ref, maxinf_ref, itime_ref, trans_ref):
    tfi = now_ref[0] - itime_ref[...]
    tpos = jnp.maximum(tfi, 0.0)
    curve = (tpos * tpos) * jnp.exp(-tpos / 2.0)
    trans_ref[...] = (isinf_ref[...] * maxinf_ref[...]
                      * jnp.where(tfi > 0.0, curve, 0.0))


_stage_a = pl.pallas_call(
    _stage_a_body,
    out_shape=jax.ShapeDtypeStruct((RN, 128), F32),
    in_specs=[
        pl.BlockSpec(memory_space=pltpu.SMEM),
        pl.BlockSpec(memory_space=pltpu.VMEM),
        pl.BlockSpec(memory_space=pltpu.VMEM),
        pl.BlockSpec(memory_space=pltpu.VMEM),
    ],
)



def _split_idx(si):
    return [lax.shift_right_logical(si, 7), lax.bitwise_and(si, 127)]


def _sc_edge_pass_body(src_hbm, aidx_hbm, gidx_hbm, out_hbm,
                       src_v, acc_v, a0, a1, g0, g1, shared_src,
                       sem_src, s_a0, s_a1, s_g0, s_g1, *, gather_agent):
    sid = lax.axis_index("s")
    wid = sid * NC + lax.axis_index("c")
    base = wid * EPT
    abufs, gbufs = [a0, a1], [g0, g1]
    asems, gsems = [s_a0, s_a1], [s_g0, s_g1]

    def issue(c, b):
        sl = pl.ds(base + c * CHUNK, CHUNK)
        return (pltpu.async_copy(aidx_hbm.at[sl], abufs[b], asems[b]),
                pltpu.async_copy(gidx_hbm.at[sl], gbufs[b], gsems[b]))

    pend = [issue(0, 0), issue(1, 1)]
    zeros = jnp.zeros((L,), F32)

    if gather_agent:
        @pl.when(sid == 0)
        def _():
            pltpu.sync_copy(src_hbm, shared_src)

        plsc.subcore_barrier()
        cp_src = pltpu.async_copy(shared_src, src_v, sem_src)
    else:
        cp_src = pltpu.async_copy(src_hbm, src_v, sem_src)

    @plsc.parallel_loop(0, acc_v.shape[0], unroll=8)
    def _(r):
        for k in range(128 // L):
            acc_v[r, pl.ds(k * L, L)] = zeros

    cp_src.wait()

    for c in range(NCHUNK):
        b = c & 1
        ca, cg = pend[b]
        ca.wait()
        cg.wait()
        a_v, g_v = abufs[b], gbufs[b]

        @plsc.parallel_loop(0, VPC, unroll=5)
        def _(i, a_v=a_v, g_v=g_v):
            ai = a_v[pl.ds(i * L, L)]
            gi = g_v[pl.ds(i * L, L)]
            if gather_agent:
                vals = plsc.load_gather(src_v, [ai])
                si = gi
            else:
                vals = plsc.load_gather(src_v, [gi])
                si = ai
            plsc.addupdate_scatter(acc_v, _split_idx(si), vals)

        if c + 2 < NCHUNK:
            pend[b] = issue(c + 2, b)

    pltpu.sync_copy(acc_v, out_hbm.at[wid])


@functools.cache
def _sc_kernels():
    mesh = plsc.VectorSubcoreMesh(
        core_axis_name="c", subcore_axis_name="s",
        num_cores=NC, num_subcores=NS)

    def build(src_len, acc_len, gather_agent):
        body = functools.partial(_sc_edge_pass_body, gather_agent=gather_agent)
        if gather_agent:
            wrapped = functools.partial(
                lambda *refs, _b: _b(*refs[:10], refs[10], *refs[11:]),
                _b=body)
            extra_shared = [pltpu.VMEM_SHARED((src_len,), F32)]
        else:
            wrapped = functools.partial(
                lambda *refs, _b: _b(*refs[:10], None, *refs[10:]), _b=body)
            extra_shared = []
        return pl.kernel(
            wrapped,
            out_type=jax.ShapeDtypeStruct((NW, acc_len // 128, 128), F32),
            mesh=mesh,
            scratch_types=[
                pltpu.VMEM((src_len,), F32),
                pltpu.VMEM((acc_len // 128, 128), F32),
                pltpu.VMEM((CHUNK,), jnp.int32),
                pltpu.VMEM((CHUNK,), jnp.int32),
                pltpu.VMEM((CHUNK,), jnp.int32),
                pltpu.VMEM((CHUNK,), jnp.int32),
            ] + extra_shared + [
                pltpu.SemaphoreType.DMA,
                pltpu.SemaphoreType.DMA,
                pltpu.SemaphoreType.DMA,
                pltpu.SemaphoreType.DMA,
                pltpu.SemaphoreType.DMA,
            ],
            compiler_params=pltpu.CompilerParams(needs_layout_passes=False),
        )

    return build(NP, GP, True), build(GP, NP, False)



def _stage_b_body(part_ref, out_ref):
    out_ref[...] = jnp.sum(part_ref[...], axis=0)


_stage_b = pl.pallas_call(
    _stage_b_body,
    out_shape=jax.ShapeDtypeStruct((RG, 128), F32),
)



def _stage_c_body(now_ref, logbeta_ref, part_ref, susc_ref, isinf_ref,
                  itime_ref, gu0_ref, gu1_ref, out_ref):
    s_agent = jnp.sum(part_ref[...], axis=0)
    beta = jnp.exp(logbeta_ref[0])
    sb = (beta * 1.0) * susc_ref[...]
    cum = sb * s_agent
    p = jnp.exp(-cum)
    l0 = jnp.log((1.0 - p) + EPS)
    l1 = jnp.log(p + EPS)
    g0 = -jnp.log(-jnp.log(gu0_ref[...] + EPS) + EPS)
    g1 = -jnp.log(-jnp.log(gu1_ref[...] + EPS) + EPS)
    x0 = (l0 + g0) / TAU
    x1 = (l1 + g1) / TAU
    m = jnp.maximum(x0, x1)
    e0 = jnp.exp(x0 - m)
    e1 = jnp.exp(x1 - m)
    denom = e0 + e1
    y0 = e0 / denom
    y1 = e1 / denom
    hard0 = jnp.where(y0 >= y1, 1.0, 0.0).astype(F32)
    new_inf = (hard0 - y0) + y0
    out_ref[:, 0, :] = new_inf
    out_ref[:, 1, :] = susc_ref[...] - new_inf
    out_ref[:, 2, :] = isinf_ref[...] + new_inf
    out_ref[:, 3, :] = jnp.where(new_inf > 0.5, now_ref[0], itime_ref[...])


_stage_c = pl.pallas_call(
    _stage_c_body,
    grid=(RN // RBLK,),
    out_shape=jax.ShapeDtypeStruct((RN, 4, 128), F32),
    in_specs=[
        pl.BlockSpec(memory_space=pltpu.SMEM),
        pl.BlockSpec(memory_space=pltpu.SMEM),
        pl.BlockSpec((NW, RBLK, 128), lambda i: (0, i, 0)),
        pl.BlockSpec((RBLK, 128), lambda i: (i, 0)),
        pl.BlockSpec((RBLK, 128), lambda i: (i, 0)),
        pl.BlockSpec((RBLK, 128), lambda i: (i, 0)),
        pl.BlockSpec((RBLK, 128), lambda i: (i, 0)),
        pl.BlockSpec((RBLK, 128), lambda i: (i, 0)),
    ],
    out_specs=pl.BlockSpec((RBLK, 4, 128), lambda i: (i, 0, 0)),
)



def _pad2d(x):
    return jnp.pad(x, (0, NP - N)).reshape(RN, 128)


def kernel(susceptibility, is_infected, infection_time, max_infectiousness,
           gumbel_u, log_beta, agent_idx, group_idx, now):
    now_arr = jnp.asarray(now, F32).reshape(1)
    susc2 = _pad2d(susceptibility)
    isinf2 = _pad2d(is_infected)
    itime2 = _pad2d(infection_time)
    maxinf2 = _pad2d(max_infectiousness)
    gu0_2 = _pad2d(gumbel_u[0])
    gu1_2 = _pad2d(gumbel_u[1])

    sc_groups, sc_agents = _sc_kernels()
    trans2 = _stage_a(now_arr, isinf2, maxinf2, itime2)
    part_g = sc_groups(trans2.reshape(NP), agent_idx, group_idx)
    gt2 = _stage_b(part_g)
    part_s = sc_agents(gt2.reshape(GP), agent_idx, group_idx)
    out = _stage_c(now_arr, log_beta, part_s, susc2, isinf2, itime2,
                   gu0_2, gu1_2)
    return out.transpose(1, 0, 2).reshape(4, NP)[:, :N]

# --- scband reference (transcript-rebuilt; emitter-appended) ---
"""Pipeline reference for scband-torch-june-65566970740937 (READ-ONLY COPY).

The authoritative reference and input builder live on the scoring server;
editing this copy changes nothing except your own understanding.
"""

import jax, jax.numpy as jnp
import numpy as np

N = 100000
E = 1600000
G = 10000
TAU = 0.1
DELTA_TIME = 1.0
EPS = 1e-10


def setup_inputs(seed: int = 0) -> dict:
    key = jax.random.key(seed)
    ks = jax.random.split(key, 8)
    susceptibility = jax.random.uniform(ks[0], (N,), dtype=jnp.float32)
    is_infected = jax.random.uniform(ks[1], (N,), dtype=jnp.float32)
    infection_time = jax.random.uniform(ks[2], (N,), dtype=jnp.float32) * 10.0
    max_infectiousness = jax.random.uniform(ks[3], (N,), dtype=jnp.float32)
    gumbel_u = jax.random.uniform(ks[4], (2, N), dtype=jnp.float32)
    log_beta = jnp.zeros((1,), dtype=jnp.float32)
    agent_idx = jax.random.randint(ks[5], (E,), 0, N, dtype=jnp.int32)
    group_idx = jax.random.randint(ks[6], (E,), 0, G, dtype=jnp.int32)
    now = 10
    return {
        "susceptibility": susceptibility,
        "is_infected": is_infected,
        "infection_time": infection_time,
        "max_infectiousness": max_infectiousness,
        "gumbel_u": gumbel_u,
        "log_beta": log_beta,
        "agent_idx": agent_idx,
        "group_idx": group_idx,
        "now": now,
    }


def reference(susceptibility, is_infected, infection_time, max_infectiousness,
              gumbel_u, log_beta, agent_idx, group_idx, now):
    # --- InfectionUpdater: per-agent transmission profile (gamma-like curve) ---
    tfi = jnp.float32(now) - infection_time
    tpos = jnp.maximum(tfi, 0.0)
    curve = (tpos ** 2) * jnp.exp(-tpos / 2.0)
    transmission = is_infected * max_infectiousness * jnp.where(tfi > 0.0, curve, 0.0)

    # --- InfectionPassing: agents -> venues scatter-add, venues -> agents gather ---
    beta = jnp.exp(log_beta[0])
    edge_trans = jnp.take(transmission, agent_idx, axis=0)
    group_trans = jax.ops.segment_sum(edge_trans, group_idx, num_segments=G)
    integrand = beta * DELTA_TIME * jnp.take(susceptibility, agent_idx, axis=0) * jnp.take(group_trans, group_idx, axis=0)
    cum = jax.ops.segment_sum(integrand, agent_idx, num_segments=N)
    not_infected_probs = jnp.exp(-cum)

    # --- IsInfectedSampler: hard gumbel-softmax Bernoulli sample ---
    probs = jnp.stack([1.0 - not_infected_probs, not_infected_probs], axis=0)
    logits = jnp.log(probs + EPS)
    g = -jnp.log(-jnp.log(gumbel_u + EPS) + EPS)
    y_soft = jax.nn.softmax((logits + g) / TAU, axis=0)
    idx = jnp.argmax(y_soft, axis=0)
    y_hard = jax.nn.one_hot(idx, 2, axis=0, dtype=y_soft.dtype)
    y = y_hard - jax.lax.stop_gradient(y_soft) + y_soft
    new_infected = y[0]

    # --- state updates ---
    susc_new = susceptibility - new_infected
    is_inf_new = is_infected + new_infected
    inf_time_new = jnp.where(new_infected > 0.5, jnp.float32(now), infection_time)
    return jnp.stack([new_infected, susc_new, is_inf_new, inf_time_new], axis=0)

if __name__ == "__main__":
    import jax
    _d = setup_inputs()
    print(jax.jit(kernel)(*tuple(_d.values())))

</pallas_src>

<mosaic_0001>
#map = affine_map<(d0, d1) -> (0)>
#map1 = affine_map<(d0, d1) -> (0, 0, 0)>
module attributes {stable_mosaic.version = 14 : i64} {
  func.func @_lambda_(%arg0: i32, %arg1: i32, %arg2: memref<102400xf32, #tpu.memory_space<hbm>>, %arg3: memref<1600000xi32, #tpu.memory_space<hbm>>, %arg4: memref<1600000xi32, #tpu.memory_space<hbm>>, %arg5: memref<32x80x128xf32, #tpu.memory_space<hbm>>, %arg6: memref<102400xf32, #tpu.memory_space<vmem>>, %arg7: memref<80x128xf32, #tpu.memory_space<vmem>>, %arg8: memref<2000xi32, #tpu.memory_space<vmem>>, %arg9: memref<2000xi32, #tpu.memory_space<vmem>>, %arg10: memref<2000xi32, #tpu.memory_space<vmem>>, %arg11: memref<2000xi32, #tpu.memory_space<vmem>>, %arg12: memref<102400xf32, #tpu.memory_space<vmem_shared>>, %arg13: memref<!tpu.dma_semaphore, #tpu.memory_space<semaphore_mem>>, %arg14: memref<!tpu.dma_semaphore, #tpu.memory_space<semaphore_mem>>, %arg15: memref<!tpu.dma_semaphore, #tpu.memory_space<semaphore_mem>>, %arg16: memref<!tpu.dma_semaphore, #tpu.memory_space<semaphore_mem>>, %arg17: memref<!tpu.dma_semaphore, #tpu.memory_space<semaphore_mem>>) attributes {dimension_semantics = [#tpu.dimension_semantics<core_parallel>, #tpu.dimension_semantics<subcore_parallel>], iteration_bounds = array<i64: 2, 16>, scalar_prefetch = 0 : i64, scratch_operands = 12 : i64, tpu.core_type = #tpu.core_type<sc_vector_subcore>, window_params = [{transform_indices = #map}, {transform_indices = #map}, {transform_indices = #map}, {transform_indices = #map1}]} {
    %mul3A = arith.constant 2 : i32
    %mul3A_0 = arith.muli %arg1, %mul3A : i32
    %add3A = arith.addi %mul3A_0, %arg0 : i32
    %mul3A_1 = arith.constant 50000 : i32
    %mul3A_2 = arith.muli %add3A, %mul3A_1 : i32
    %add3A_3 = arith.constant 0 : i32
    %add3A_4 = arith.addi %mul3A_2, %add3A_3 : i32
    %dma_start3A = tpu.memref_slice %arg3[%add3A_4] : memref<1600000xi32, #tpu.memory_space<hbm>> -> memref<2000xi32, #tpu.memory_space<hbm>>
    %dma_start3A_5 = tpu.memref_slice %arg3[%add3A_4] : memref<1600000xi32, #tpu.memory_space<hbm>> -> memref<2000xi32, #tpu.memory_space<hbm>>
    tpu.enqueue_dma source(%dma_start3A_5 : memref<2000xi32, #tpu.memory_space<hbm>>) target(%arg8 : memref<2000xi32, #tpu.memory_space<vmem>>) target_semaphore(%arg14 : memref<!tpu.dma_semaphore, #tpu.memory_space<semaphore_mem>>)
    %dma_start3A_6 = tpu.memref_slice %arg4[%add3A_4] : memref<1600000xi32, #tpu.memory_space<hbm>> -> memref<2000xi32, #tpu.memory_space<hbm>>
    %dma_start3A_7 = tpu.memref_slice %arg4[%add3A_4] : memref<1600000xi32, #tpu.memory_space<hbm>> -> memref<2000xi32, #tpu.memory_space<hbm>>
    tpu.enqueue_dma source(%dma_start3A_7 : memref<2000xi32, #tpu.memory_space<hbm>>) target(%arg10 : memref<2000xi32, #tpu.memory_space<vmem>>) target_semaphore(%arg16 : memref<!tpu.dma_semaphore, #tpu.memory_space<semaphore_mem>>)
    %add3A_8 = arith.constant 2000 : i32
    %add3A_9 = arith.addi %mul3A_2, %add3A_8 : i32
    %dma_start3A_10 = tpu.memref_slice %arg3[%add3A_9] : memref<1600000xi32, #tpu.memory_space<hbm>> -> memref<2000xi32, #tpu.memory_space<hbm>>
    %dma_start3A_11 = tpu.memref_slice %arg3[%add3A_9] : memref<1600000xi32, #tpu.memory_space<hbm>> -> memref<2000xi32, #tpu.memory_space<hbm>>
    tpu.enqueue_dma source(%dma_start3A_11 : memref<2000xi32, #tpu.memory_space<hbm>>) target(%arg9 : memref<2000xi32, #tpu.memory_space<vmem>>) target_semaphore(%arg15 : memref<!tpu.dma_semaphore, #tpu.memory_space<semaphore_mem>>)
    %dma_start3A_12 = tpu.memref_slice %arg4[%add3A_9] : memref<1600000xi32, #tpu.memory_space<hbm>> -> memref<2000xi32, #tpu.memory_space<hbm>>
    %dma_start3A_13 = tpu.memref_slice %arg4[%add3A_9] : memref<1600000xi32, #tpu.memory_space<hbm>> -> memref<2000xi32, #tpu.memory_space<hbm>>
    tpu.enqueue_dma source(%dma_start3A_13 : memref<2000xi32, #tpu.memory_space<hbm>>) target(%arg11 : memref<2000xi32, #tpu.memory_space<vmem>>) target_semaphore(%arg17 : memref<!tpu.dma_semaphore, #tpu.memory_space<semaphore_mem>>)
    %broadcast_in_dim3A = arith.constant 0.000000e+00 : f32
    %broadcast_in_dim3A_14 = vector.broadcast %broadcast_in_dim3A : f32 to vector<16xf32>
    %eq3A = arith.constant 0 : i32
    %eq3A_15 = arith.cmpi eq, %arg1, %eq3A : i32
    %convert_element_type3A = arith.extui %eq3A_15 : i1 to i32
    %cond3A = arith.constant 0 : i32
    %cond3A_16 = arith.cmpi ne, %convert_element_type3A, %cond3A : i32
    scf.if %cond3A_16 {
      "tpu.region"() ({
        %run_scoped3A = tpu.sem_alloc : memref<!tpu.dma_semaphore, #tpu.memory_space<semaphore_mem>>
        tpu.enqueue_dma source(%arg2 : memref<102400xf32, #tpu.memory_space<hbm>>) target(%arg12 : memref<102400xf32, #tpu.memory_space<vmem_shared>>) target_semaphore(%run_scoped3A : memref<!tpu.dma_semaphore, #tpu.memory_space<semaphore_mem>>)
        tpu.wait_dma2 semaphore(%run_scoped3A : memref<!tpu.dma_semaphore, #tpu.memory_space<semaphore_mem>>) src(%arg2 : memref<102400xf32, #tpu.memory_space<hbm>>) dst(%arg12 : memref<102400xf32, #tpu.memory_space<vmem_shared>>)
        tpu.yield
      }) : () -> ()
    } else {
    }
    %barrier3A = arith.constant 0 : index
    tpu.barrier barrier_id(%barrier3A)
    tpu.enqueue_dma source(%arg12 : memref<102400xf32, #tpu.memory_space<vmem_shared>>) target(%arg6 : memref<102400xf32, #tpu.memory_space<vmem>>) target_semaphore(%arg13 : memref<!tpu.dma_semaphore, #tpu.memory_space<semaphore_mem>>)
    %parallel_loop3A = arith.constant 0 : i32
    %parallel_loop3A_17 = arith.constant 80 : i32
    %parallel_loop3A_18 = arith.constant 1 : i32
    scf.for %parallel_loop3A_331 = %parallel_loop3A to %parallel_loop3A_17 step %parallel_loop3A_18  : i32 {
      %parallel_loop3A_332 = arith.index_cast %parallel_loop3A_331 : i32 to index
      %parallel_loop3A_333 = arith.constant 0 : index
      %parallel_loop3A_334 = tpu.vector_load %arg7[%parallel_loop3A_332, %parallel_loop3A_333] {strides = array<i32>} : memref<80x128xf32, #tpu.memory_space<vmem>>, vector<16xf32>,
      tpu.vector_store %arg7[%parallel_loop3A_332, %parallel_loop3A_333], %broadcast_in_dim3A_14 {strides = array<i32>} : memref<80x128xf32, #tpu.memory_space<vmem>>, vector<16xf32>,
      %parallel_loop3A_335 = arith.index_cast %parallel_loop3A_331 : i32 to index
      %parallel_loop3A_336 = arith.constant 16 : index
      %parallel_loop3A_337 = tpu.vector_load %arg7[%parallel_loop3A_335, %parallel_loop3A_336] {strides = array<i32>} : memref<80x128xf32, #tpu.memory_space<vmem>>, vector<16xf32>,
      tpu.vector_store %arg7[%parallel_loop3A_335, %parallel_loop3A_336], %broadcast_in_dim3A_14 {strides = array<i32>} : memref<80x128xf32, #tpu.memory_space<vmem>>, vector<16xf32>,
      %parallel_loop3A_338 = arith.index_cast %parallel_loop3A_331 : i32 to index
      %parallel_loop3A_339 = arith.constant 32 : index
      %parallel_loop3A_340 = tpu.vector_load %arg7[%parallel_loop3A_338, %parallel_loop3A_339] {strides = array<i32>} : memref<80x128xf32, #tpu.memory_space<vmem>>, vector<16xf32>,
      tpu.vector_store %arg7[%parallel_loop3A_338, %parallel_loop3A_339], %broadcast_in_dim3A_14 {strides = array<i32>} : memref<80x128xf32, #tpu.memory_space<vmem>>, vector<16xf32>,
      %parallel_loop3A_341 = arith.index_cast %parallel_loop3A_331 : i32 to index
      %parallel_loop3A_342 = arith.constant 48 : index
      %parallel_loop3A_343 = tpu.vector_load %arg7[%parallel_loop3A_341, %parallel_loop3A_342] {strides = array<i32>} : memref<80x128xf32, #tpu.memory_space<vmem>>, vector<16xf32>,
      tpu.vector_store %arg7[%parallel_loop3A_341, %parallel_loop3A_342], %broadcast_in_dim3A_14 {strides = array<i32>} : memref<80x128xf32, #tpu.memory_space<vmem>>, vector<16xf32>,
      %parallel_loop3A_344 = arith.index_cast %parallel_loop3A_331 : i32 to index
      %parallel_loop3A_345 = arith.constant 64 : index
      %parallel_loop3A_346 = tpu.vector_load %arg7[%parallel_loop3A_344, %parallel_loop3A_345] {strides = array<i32>} : memref<80x128xf32, #tpu.memory_space<vmem>>, vector<16xf32>,
      tpu.vector_store %arg7[%parallel_loop3A_344, %parallel_loop3A_345], %broadcast_in_dim3A_14 {strides = array<i32>} : memref<80x128xf32, #tpu.memory_space<vmem>>, vector<16xf32>,
      %parallel_loop3A_347 = arith.index_cast %parallel_loop3A_331 : i32 to index
      %parallel_loop3A_348 = arith.constant 80 : index
      %parallel_loop3A_349 = tpu.vector_load %arg7[%parallel_loop3A_347, %parallel_loop3A_348] {strides = array<i32>} : memref<80x128xf32, #tpu.memory_space<vmem>>, vector<16xf32>,
      tpu.vector_store %arg7[%parallel_loop3A_347, %parallel_loop3A_348], %broadcast_in_dim3A_14 {strides = array<i32>} : memref<80x128xf32, #tpu.memory_space<vmem>>, vector<16xf32>,
      %parallel_loop3A_350 = arith.index_cast %parallel_loop3A_331 : i32 to index
      %parallel_loop3A_351 = arith.constant 96 : index
      %parallel_loop3A_352 = tpu.vector_load %arg7[%parallel_loop3A_350, %parallel_loop3A_351] {strides = array<i32>} : memref<80x128xf32, #tpu.memory_space<vmem>>, vector<16xf32>,
      tpu.vector_store %arg7[%parallel_loop3A_350, %parallel_loop3A_351], %broadcast_in_dim3A_14 {strides = array<i32>} : memref<80x128xf32, #tpu.memory_space<vmem>>, vector<16xf32>,
      %parallel_loop3A_353 = arith.index_cast %parallel_loop3A_331 : i32 to index
      %parallel_loop3A_354 = arith.constant 112 : index
      %parallel_loop3A_355 = tpu.vector_load %arg7[%parallel_loop3A_353, %parallel_loop3A_354] {strides = array<i32>} : memref<80x128xf32, #tpu.memory_space<vmem>>, vector<16xf32>,
      tpu.vector_store %arg7[%parallel_loop3A_353, %parallel_loop3A_354], %broadcast_in_dim3A_14 {strides = array<i32>} : memref<80x128xf32, #tpu.memory_space<vmem>>, vector<16xf32>,
    } {sc.loop_unroll_factor = 8 : i64, sc.parallel_access}
    tpu.wait_dma2 semaphore(%arg13 : memref<!tpu.dma_semaphore, #tpu.memory_space<semaphore_mem>>) src(%arg12 : memref<102400xf32, #tpu.memory_space<vmem_shared>>) dst(%arg6 : memref<102400xf32, #tpu.memory_space<vmem>>)
    %dma_wait3A = tpu.memref_slice %arg3[%add3A_4] : memref<1600000xi32, #tpu.memory_space<hbm>> -> memref<2000xi32, #tpu.memory_space<hbm>>
    %dma_wait3A_19 = tpu.memref_slice %arg3[%add3A_4] : memref<1600000xi32, #tpu.memory_space<hbm>> -> memref<2000xi32, #tpu.memory_space<hbm>>
    tpu.wait_dma2 semaphore(%arg14 : memref<!tpu.dma_semaphore, #tpu.memory_space<semaphore_mem>>) src(%dma_wait3A_19 : memref<2000xi32, #tpu.memory_space<hbm>>) dst(%arg8 : memref<2000xi32, #tpu.memory_space<vmem>>)
    %dma_wait3A_20 = tpu.memref_slice %arg4[%add3A_4] : memref<1600000xi32, #tpu.memory_space<hbm>> -> memref<2000xi32, #tpu.memory_space<hbm>>
    %dma_wait3A_21 = tpu.memref_slice %arg4[%add3A_4] : memref<1600000xi32, #tpu.memory_space<hbm>> -> memref<2000xi32, #tpu.memory_space<hbm>>
    tpu.wait_dma2 semaphore(%arg16 : memref<!tpu.dma_semaphore, #tpu.memory_space<semaphore_mem>>) src(%dma_wait3A_21 : memref<2000xi32, #tpu.memory_space<hbm>>) dst(%arg10 : memref<2000xi32, #tpu.memory_space<vmem>>)
    %parallel_loop3A_22 = arith.constant 0 : i32
    %parallel_loop3A_23 = arith.constant 125 : i32
    %parallel_loop3A_24 = arith.constant 1 : i32
    scf.for %parallel_loop3A_331 = %parallel_loop3A_22 to %parallel_loop3A_23 step %parallel_loop3A_24  : i32 {
      %parallel_loop3A_332 = arith.constant 16 : i32
      %parallel_loop3A_333 = arith.muli %parallel_loop3A_331, %parallel_loop3A_332 : i32
      %parallel_loop3A_334 = arith.index_cast %parallel_loop3A_333 : i32 to index
      %parallel_loop3A_335 = tpu.vector_load %arg8[%parallel_loop3A_334] {strides = array<i32>} : memref<2000xi32, #tpu.memory_space<vmem>>, vector<16xi32>,
      %parallel_loop3A_336 = arith.constant 16 : i32
      %parallel_loop3A_337 = arith.muli %parallel_loop3A_331, %parallel_loop3A_336 : i32
      %parallel_loop3A_338 = arith.index_cast %parallel_loop3A_337 : i32 to index
      %parallel_loop3A_339 = tpu.vector_load %arg10[%parallel_loop3A_338] {strides = array<i32>} : memref<2000xi32, #tpu.memory_space<vmem>>, vector<16xi32>,
      %parallel_loop3A_340 = tpu.vector_load_idx %arg6[%parallel_loop3A_335] : memref<102400xf32, #tpu.memory_space<vmem>>[vector<16xi32>], vector<16xf32>,
      %parallel_loop3A_341 = arith.constant 7 : i32
      %parallel_loop3A_342 = vector.broadcast %parallel_loop3A_341 : i32 to vector<16xi32>
      %parallel_loop3A_343 = arith.shrui %parallel_loop3A_339, %parallel_loop3A_342 : vector<16xi32>
      %parallel_loop3A_344 = arith.constant 127 : i32
      %parallel_loop3A_345 = vector.broadcast %parallel_loop3A_344 : i32 to vector<16xi32>
      %parallel_loop3A_346 = arith.andi %parallel_loop3A_339, %parallel_loop3A_345 : vector<16xi32>
      tpu.vector_store_idx %arg7[%parallel_loop3A_343, %parallel_loop3A_346], %parallel_loop3A_340 {add = true} : memref<80x128xf32, #tpu.memory_space<vmem>>[vector<16xi32>, vector<16xi32>], vector<16xf32>,
    } {sc.loop_unroll_factor = 5 : i64, sc.parallel_access}
    %add3A_25 = arith.constant 4000 : i32
    %add3A_26 = arith.addi %mul3A_2, %add3A_25 : i32
    %dma_start3A_27 = tpu.memref_slice %arg3[%add3A_26] : memref<1600000xi32, #tpu.memory_space<hbm>> -> memref<2000xi32, #tpu.memory_space<hbm>>
    %dma_start3A_28 = tpu.memref_slice %arg3[%add3A_26] : memref<1600000xi32, #tpu.memory_space<hbm>> -> memref<2000xi32, #tpu.memory_space<hbm>>
    tpu.enqueue_dma source(%dma_start3A_28 : memref<2000xi32, #tpu.memory_space<hbm>>) target(%arg8 : memref<2000xi32, #tpu.memory_space<vmem>>) target_semaphore(%arg14 : memref<!tpu.dma_semaphore, #tpu.memory_space<semaphore_mem>>)
    %dma_start3A_29 = tpu.memref_slice %arg4[%add3A_26] : memref<1600000xi32, #tpu.memory_space<hbm>> -> memref<2000xi32, #tpu.memory_space<hbm>>
    %dma_start3A_30 = tpu.memref_slice %arg4[%add3A_26] : memref<1600000xi32, #tpu.memory_space<hbm>> -> memref<2000xi32, #tpu.memory_space<hbm>>
    tpu.enqueue_dma source(%dma_start3A_30 : memref<2000xi32, #tpu.memory_space<hbm>>) target(%arg10 : memref<2000xi32, #tpu.memory_space<vmem>>) target_semaphore(%arg16 : memref<!tpu.dma_semaphore, #tpu.memory_space<semaphore_mem>>)
    %dma_wait3A_31 = tpu.memref_slice %arg3[%add3A_9] : memref<1600000xi32, #tpu.memory_space<hbm>> -> memref<2000xi32, #tpu.memory_space<hbm>>
    %dma_wait3A_32 = tpu.memref_slice %arg3[%add3A_9] : memref<1600000xi32, #tpu.memory_space<hbm>> -> memref<2000xi32, #tpu.memory_space<hbm>>
    tpu.wait_dma2 semaphore(%arg15 : memref<!tpu.dma_semaphore, #tpu.memory_space<semaphore_mem>>) src(%dma_wait3A_32 : memref<2000xi32, #tpu.memory_space<hbm>>) dst(%arg9 : memref<2000xi32, #tpu.memory_space<vmem>>)
    %dma_wait3A_33 = tpu.memref_slice %arg4[%add3A_9] : memref<1600000xi32, #tpu.memory_space<hbm>> -> memref<2000xi32, #tpu.memory_space<hbm>>
    %dma_wait3A_34 = tpu.memref_slice %arg4[%add3A_9] : memref<1600000xi32, #tpu.memory_space<hbm>> -> memref<2000xi32, #tpu.memory_space<hbm>>
    tpu.wait_dma2 semaphore(%arg17 : memref<!tpu.dma_semaphore, #tpu.memory_space<semaphore_mem>>) src(%dma_wait3A_34 : memref<2000xi32, #tpu.memory_space<hbm>>) dst(%arg11 : memref<2000xi32, #tpu.memory_space<vmem>>)
    %parallel_loop3A_35 = arith.constant 0 : i32
    %parallel_loop3A_36 = arith.constant 125 : i32
    %parallel_loop3A_37 = arith.constant 1 : i32
    scf.for %parallel_loop3A_331 = %parallel_loop3A_35 to %parallel_loop3A_36 step %parallel_loop3A_37  : i32 {
      %parallel_loop3A_332 = arith.constant 16 : i32
      %parallel_loop3A_333 = arith.muli %parallel_loop3A_331, %parallel_loop3A_332 : i32
      %parallel_loop3A_334 = arith.index_cast %parallel_loop3A_333 : i32 to index
      %parallel_loop3A_335 = tpu.vector_load %arg9[%parallel_loop3A_334] {strides = array<i32>} : memref<2000xi32, #tpu.memory_space<vmem>>, vector<16xi32>,
      %parallel_loop3A_336 = arith.constant 16 : i32
      %parallel_loop3A_337 = arith.muli %parallel_loop3A_331, %parallel_loop3A_336 : i32
      %parallel_loop3A_338 = arith.index_cast %parallel_loop3A_337 : i32 to index
      %parallel_loop3A_339 = tpu.vector_load %arg11[%parallel_loop3A_338] {strides = array<i32>} : memref<2000xi32, #tpu.memory_space<vmem>>, vector<16xi32>,
      %parallel_loop3A_340 = tpu.vector_load_idx %arg6[%parallel_loop3A_335] : memref<102400xf32, #tpu.memory_space<vmem>>[vector<16xi32>], vector<16xf32>,
      %parallel_loop3A_341 = arith.constant 7 : i32
      %parallel_loop3A_342 = vector.broadcast %parallel_loop3A_341 : i32 to vector<16xi32>
      %parallel_loop3A_343 = arith.shrui %parallel_loop3A_339, %parallel_loop3A_342 : vector<16xi32>
      %parallel_loop3A_344 = arith.constant 127 : i32
      %parallel_loop3A_345 = vector.broadcast %parallel_loop3A_344 : i32 to vector<16xi32>
      %parallel_loop3A_346 = arith.andi %parallel_loop3A_339, %parallel_loop3A_345 : vector<16xi32>
      tpu.vector_store_idx %arg7[%parallel_loop3A_343, %parallel_loop3A_346], %parallel_loop3A_340 {add = true} : memref<80x128xf32, #tpu.memory_space<vmem>>[vector<16xi32>, vector<16xi32>], vector<16xf32>,
    } {sc.loop_unroll_factor = 5 : i64, sc.parallel_access}
    %add3A_38 = arith.constant 6000 : i32
    %add3A_39 = arith.addi %mul3A_2, %add3A_38 : i32
    %dma_start3A_40 = tpu.memref_slice %arg3[%add3A_39] : memref<1600000xi32, #tpu.memory_space<hbm>> -> memref<2000xi32, #tpu.memory_space<hbm>>
    %dma_start3A_41 = tpu.memref_slice %arg3[%add3A_39] : memref<1600000xi32, #tpu.memory_space<hbm>> -> memref<2000xi32, #tpu.memory_space<hbm>>
    tpu.enqueue_dma source(%dma_start3A_41 : memref<2000xi32, #tpu.memory_space<hbm>>) target(%arg9 : memref<2000xi32, #tpu.memory_space<vmem>>) target_semaphore(%arg15 : memref<!tpu.dma_semaphore, #tpu.memory_space<semaphore_mem>>)
    %dma_start3A_42 = tpu.memref_slice %arg4[%add3A_39] : memref<1600000xi32, #tpu.memory_space<hbm>> -> memref<2000xi32, #tpu.memory_space<hbm>>
    %dma_start3A_43 = tpu.memref_slice %arg4[%add3A_39] : memref<1600000xi32, #tpu.memory_space<hbm>> -> memref<2000xi32, #tpu.memory_space<hbm>>
    tpu.enqueue_dma source(%dma_start3A_43 : memref<2000xi32, #tpu.memory_space<hbm>>) target(%arg11 : memref<2000xi32, #tpu.memory_space<vmem>>) target_semaphore(%arg17 : memref<!tpu.dma_semaphore, #tpu.memory_space<semaphore_mem>>)
    %dma_wait3A_44 = tpu.memref_slice %arg3[%add3A_26] : memref<1600000xi32, #tpu.memory_space<hbm>> -> memref<2000xi32, #tpu.memory_space<hbm>>
    %dma_wait3A_45 = tpu.memref_slice %arg3[%add3A_26] : memref<1600000xi32, #tpu.memory_space<hbm>> -> memref<2000xi32, #tpu.memory_space<hbm>>
    tpu.wait_dma2 semaphore(%arg14 : memref<!tpu.dma_semaphore, #tpu.memory_space<semaphore_mem>>) src(%dma_wait3A_45 : memref<2000xi32, #tpu.memory_space<hbm>>) dst(%arg8 : memref<2000xi32, #tpu.memory_space<vmem>>)
    %dma_wait3A_46 = tpu.memref_slice %arg4[%add3A_26] : memref<1600000xi32, #tpu.memory_space<hbm>> -> memref<2000xi32, #tpu.memory_space<hbm>>
    %dma_wait3A_47 = tpu.memref_slice %arg4[%add3A_26] : memref<1600000xi32, #tpu.memory_space<hbm>> -> memref<2000xi32, #tpu.memory_space<hbm>>
    tpu.wait_dma2 semaphore(%arg16 : memref<!tpu.dma_semaphore, #tpu.memory_space<semaphore_mem>>) src(%dma_wait3A_47 : memref<2000xi32, #tpu.memory_space<hbm>>) dst(%arg10 : memref<2000xi32, #tpu.memory_space<vmem>>)
    %parallel_loop3A_48 = arith.constant 0 : i32
    %parallel_loop3A_49 = arith.constant 125 : i32
    %parallel_loop3A_50 = arith.constant 1 : i32
    scf.for %parallel_loop3A_331 = %parallel_loop3A_48 to %parallel_loop3A_49 step %parallel_loop3A_50  : i32 {
      %parallel_loop3A_332 = arith.constant 16 : i32
      %parallel_loop3A_333 = arith.muli %parallel_loop3A_331, %parallel_loop3A_332 : i32
      %parallel_loop3A_334 = arith.index_cast %parallel_loop3A_333 : i32 to index
      %parallel_loop3A_335 = tpu.vector_load %arg8[%parallel_loop3A_334] {strides = array<i32>} : memref<2000xi32, #tpu.memory_space<vmem>>, vector<16xi32>,
      %parallel_loop3A_336 = arith.constant 16 : i32
      %parallel_loop3A_337 = arith.muli %parallel_loop3A_331, %parallel_loop3A_336 : i32
      %parallel_loop3A_338 = arith.index_cast %parallel_loop3A_337 : i32 to index
      %parallel_loop3A_339 = tpu.vector_load %arg10[%parallel_loop3A_338] {strides = array<i32>} : memref<2000xi32, #tpu.memory_space<vmem>>, vector<16xi32>,
      %parallel_loop3A_340 = tpu.vector_load_idx %arg6[%parallel_loop3A_335] : memref<102400xf32, #tpu.memory_space<vmem>>[vector<16xi32>], vector<16xf32>,
      %parallel_loop3A_341 = arith.constant 7 : i32
      %parallel_loop3A_342 = vector.broadcast %parallel_loop3A_341 : i32 to vector<16xi32>
      %parallel_loop3A_343 = arith.shrui %parallel_loop3A_339, %parallel_loop3A_342 : vector<16xi32>
      %parallel_loop3A_344 = arith.constant 127 : i32
      %parallel_loop3A_345 = vector.broadcast %parallel_loop3A_344 : i32 to vector<16xi32>
      %parallel_loop3A_346 = arith.andi %parallel_loop3A_339, %parallel_loop3A_345 : vector<16xi32>
      tpu.vector_store_idx %arg7[%parallel_loop3A_343, %parallel_loop3A_346], %parallel_loop3A_340 {add = true} : memref<80x128xf32, #tpu.memory_space<vmem>>[vector<16xi32>, vector<16xi32>], vector<16xf32>,
    } {sc.loop_unroll_factor = 5 : i64, sc.parallel_access}
    %add3A_51 = arith.constant 8000 : i32
    %add3A_52 = arith.addi %mul3A_2, %add3A_51 : i32
    %dma_start3A_53 = tpu.memref_slice %arg3[%add3A_52] : memref<1600000xi32, #tpu.memory_space<hbm>> -> memref<2000xi32, #tpu.memory_space<hbm>>
    %dma_start3A_54 = tpu.memref_slice %arg3[%add3A_52] : memref<1600000xi32, #tpu.memory_space<hbm>> -> memref<2000xi32, #tpu.memory_space<hbm>>
    tpu.enqueue_dma source(%dma_start3A_54 : memref<2000xi32, #tpu.memory_space<hbm>>) target(%arg8 : memref<2000xi32, #tpu.memory_space<vmem>>) target_semaphore(%arg14 : memref<!tpu.dma_semaphore, #tpu.memory_space<semaphore_mem>>)
    %dma_start3A_55 = tpu.memref_slice %arg4[%add3A_52] : memref<1600000xi32, #tpu.memory_space<hbm>> -> memref<2000xi32, #tpu.memory_space<hbm>>
    %dma_start3A_56 = tpu.memref_slice %arg4[%add3A_52] : memref<1600000xi32, #tpu.memory_space<hbm>> -> memref<2000xi32, #tpu.memory_space<hbm>>
    tpu.enqueue_dma source(%dma_start3A_56 : memref<2000xi32, #tpu.memory_space<hbm>>) target(%arg10 : memref<2000xi32, #tpu.memory_space<vmem>>) target_semaphore(%arg16 : memref<!tpu.dma_semaphore, #tpu.memory_space<semaphore_mem>>)
    %dma_wait3A_57 = tpu.memref_slice %arg3[%add3A_39] : memref<1600000xi32, #tpu.memory_space<hbm>> -> memref<2000xi32, #tpu.memory_space<hbm>>
    %dma_wait3A_58 = tpu.memref_slice %arg3[%add3A_39] : memref<1600000xi32, #tpu.memory_space<hbm>> -> memref<2000xi32, #tpu.memory_space<hbm>>
    tpu.wait_dma2 semaphore(%arg15 : memref<!tpu.dma_semaphore, #tpu.memory_space<semaphore_mem>>) src(%dma_wait3A_58 : memref<2000xi32, #tpu.memory_space<hbm>>) dst(%arg9 : memref<2000xi32, #tpu.memory_space<vmem>>)
    %dma_wait3A_59 = tpu.memref_slice %arg4[%add3A_39] : memref<1600000xi32, #tpu.memory_space<hbm>> -> memref<2000xi32, #tpu.memory_space<hbm>>
    %dma_wait3A_60 = tpu.memref_slice %arg4[%add3A_39] : memref<1600000xi32, #tpu.memory_space<hbm>> -> memref<2000xi32, #tpu.memory_space<hbm>>
    tpu.wait_dma2 semaphore(%arg17 : memref<!tpu.dma_semaphore, #tpu.memory_space<semaphore_mem>>) src(%dma_wait3A_60 : memref<2000xi32, #tpu.memory_space<hbm>>) dst(%arg11 : memref<2000xi32, #tpu.memory_space<vmem>>)
    %parallel_loop3A_61 = arith.constant 0 : i32
    %parallel_loop3A_62 = arith.constant 125 : i32
    %parallel_loop3A_63 = arith.constant 1 : i32
    scf.for %parallel_loop3A_331 = %parallel_loop3A_61 to %parallel_loop3A_62 step %parallel_loop3A_63  : i32 {
      %parallel_loop3A_332 = arith.constant 16 : i32
      %parallel_loop3A_333 = arith.muli %parallel_loop3A_331, %parallel_loop3A_332 : i32
      %parallel_loop3A_334 = arith.index_cast %parallel_loop3A_333 : i32 to index
      %parallel_loop3A_335 = tpu.vector_load %arg9[%parallel_loop3A_334] {strides = array<i32>} : memref<2000xi32, #tpu.memory_space<vmem>>, vector<16xi32>,
      %parallel_loop3A_336 = arith.constant 16 : i32
      %parallel_loop3A_337 = arith.muli %parallel_loop3A_331, %parallel_loop3A_336 : i32
      %parallel_loop3A_338 = arith.index_cast %parallel_loop3A_337 : i32 to index
      %parallel_loop3A_339 = tpu.vector_load %arg11[%parallel_loop3A_338] {strides = array<i32>} : memref<2000xi32, #tpu.memory_space<vmem>>, vector<16xi32>,
      %parallel_loop3A_340 = tpu.vector_load_idx %arg6[%parallel_loop3A_335] : memref<102400xf32, #tpu.memory_space<vmem>>[vector<16xi32>], vector<16xf32>,
      %parallel_loop3A_341 = arith.constant 7 : i32
      %parallel_loop3A_342 = vector.broadcast %parallel_loop3A_341 : i32 to vector<16xi32>
      %parallel_loop3A_343 = arith.shrui %parallel_loop3A_339, %parallel_loop3A_342 : vector<16xi32>
      %parallel_loop3A_344 = arith.constant 127 : i32
      %parallel_loop3A_345 = vector.broadcast %parallel_loop3A_344 : i32 to vector<16xi32>
      %parallel_loop3A_346 = arith.andi %parallel_loop3A_339, %parallel_loop3A_345 : vector<16xi32>
      tpu.vector_store_idx %arg7[%parallel_loop3A_343, %parallel_loop3A_346], %parallel_loop3A_340 {add = true} : memref<80x128xf32, #tpu.memory_space<vmem>>[vector<16xi32>, vector<16xi32>], vector<16xf32>,
    } {sc.loop_unroll_factor = 5 : i64, sc.parallel_access}
    %add3A_64 = arith.constant 10000 : i32
    %add3A_65 = arith.addi %mul3A_2, %add3A_64 : i32
    %dma_start3A_66 = tpu.memref_slice %arg3[%add3A_65] : memref<1600000xi32, #tpu.memory_space<hbm>> -> memref<2000xi32, #tpu.memory_space<hbm>>
    %dma_start3A_67 = tpu.memref_slice %arg3[%add3A_65] : memref<1600000xi32, #tpu.memory_space<hbm>> -> memref<2000xi32, #tpu.memory_space<hbm>>
    tpu.enqueue_dma source(%dma_start3A_67 : memref<2000xi32, #tpu.memory_space<hbm>>) target(%arg9 : memref<2000xi32, #tpu.memory_space<vmem>>) target_semaphore(%arg15 : memref<!tpu.dma_semaphore, #tpu.memory_space<semaphore_mem>>)
    %dma_start3A_68 = tpu.memref_slice %arg4[%add3A_65] : memref<1600000xi32, #tpu.memory_space<hbm>> -> memref<2000xi32, #tpu.memory_space<hbm>>
    %dma_start3A_69 = tpu.memref_slice %arg4[%add3A_65] : memref<1600000xi32, #tpu.memory_space<hbm>> -> memref<2000xi32, #tpu.memory_space<hbm>>
    tpu.enqueue_dma source(%dma_start3A_69 : memref<2000xi32, #tpu.memory_space<hbm>>) target(%arg11 : memref<2000xi32, #tpu.memory_space<vmem>>) target_semaphore(%arg17 : memref<!tpu.dma_semaphore, #tpu.memory_space<semaphore_mem>>)
    %dma_wait3A_70 = tpu.memref_slice %arg3[%add3A_52] : memref<1600000xi32, #tpu.memory_space<hbm>> -> memref<2000xi32, #tpu.memory_space<hbm>>
    %dma_wait3A_71 = tpu.memref_slice %arg3[%add3A_52] : memref<1600000xi32, #tpu.memory_space<hbm>> -> memref<2000xi32, #tpu.memory_space<hbm>>
    tpu.wait_dma2 semaphore(%arg14 : memref<!tpu.dma_semaphore, #tpu.memory_space<semaphore_mem>>) src(%dma_wait3A_71 : memref<2000xi32, #tpu.memory_space<hbm>>) dst(%arg8 : memref<2000xi32, #tpu.memory_space<vmem>>)
    %dma_wait3A_72 = tpu.memref_slice %arg4[%add3A_52] : memref<1600000xi32, #tpu.memory_space<hbm>> -> memref<2000xi32, #tpu.memory_space<hbm>>
    %dma_wait3A_73 = tpu.memref_slice %arg4[%add3A_52] : memref<1600000xi32, #tpu.memory_space<hbm>> -> memref<2000xi32, #tpu.memory_space<hbm>>
    tpu.wait_dma2 semaphore(%arg16 : memref<!tpu.dma_semaphore, #tpu.memory_space<semaphore_mem>>) src(%dma_wait3A_73 : memref<2000xi32, #tpu.memory_space<hbm>>) dst(%arg10 : memref<2000xi32, #tpu.memory_space<vmem>>)
    %parallel_loop3A_74 = arith.constant 0 : i32
    %parallel_loop3A_75 = arith.constant 125 : i32
    %parallel_loop3A_76 = arith.constant 1 : i32
    scf.for %parallel_loop3A_331 = %parallel_loop3A_74 to %parallel_loop3A_75 step %parallel_loop3A_76  : i32 {
      %parallel_loop3A_332 = arith.constant 16 : i32
      %parallel_loop3A_333 = arith.muli %parallel_loop3A_331, %parallel_loop3A_332 : i32
      %parallel_loop3A_334 = arith.index_cast %parallel_loop3A_333 : i32 to index
      %parallel_loop3A_335 = tpu.vector_load %arg8[%parallel_loop3A_334] {strides = array<i32>} : memref<2000xi32, #tpu.memory_space<vmem>>, vector<16xi32>,
      %parallel_loop3A_336 = arith.constant 16 : i32
      %parallel_loop3A_337 = arith.muli %parallel_loop3A_331, %parallel_loop3A_336 : i32
      %parallel_loop3A_338 = arith.index_cast %parallel_loop3A_337 : i32 to index
      %parallel_loop3A_339 = tpu.vector_load %arg10[%parallel_loop3A_338] {strides = array<i32>} : memref<2000xi32, #tpu.memory_space<vmem>>, vector<16xi32>,
      %parallel_loop3A_340 = tpu.vector_load_idx %arg6[%parallel_loop3A_335] : memref<102400xf32, #tpu.memory_space<vmem>>[vector<16xi32>], vector<16xf32>,
      %parallel_loop3A_341 = arith.constant 7 : i32
      %parallel_loop3A_342 = vector.broadcast %parallel_loop3A_341 : i32 to vector<16xi32>
      %parallel_loop3A_343 = arith.shrui %parallel_loop3A_339, %parallel_loop3A_342 : vector<16xi32>
      %parallel_loop3A_344 = arith.constant 127 : i32
      %parallel_loop3A_345 = vector.broadcast %parallel_loop3A_344 : i32 to vector<16xi32>
      %parallel_loop3A_346 = arith.andi %parallel_loop3A_339, %parallel_loop3A_345 : vector<16xi32>
      tpu.vector_store_idx %arg7[%parallel_loop3A_343, %parallel_loop3A_346], %parallel_loop3A_340 {add = true} : memref<80x128xf32, #tpu.memory_space<vmem>>[vector<16xi32>, vector<16xi32>], vector<16xf32>,
    } {sc.loop_unroll_factor = 5 : i64, sc.parallel_access}
    %add3A_77 = arith.constant 12000 : i32
    %add3A_78 = arith.addi %mul3A_2, %add3A_77 : i32
    %dma_start3A_79 = tpu.memref_slice %arg3[%add3A_78] : memref<1600000xi32, #tpu.memory_space<hbm>> -> memref<2000xi32, #tpu.memory_space<hbm>>
    %dma_start3A_80 = tpu.memref_slice %arg3[%add3A_78] : memref<1600000xi32, #tpu.memory_space<hbm>> -> memref<2000xi32, #tpu.memory_space<hbm>>
    tpu.enqueue_dma source(%dma_start3A_80 : memref<2000xi32, #tpu.memory_space<hbm>>) target(%arg8 : memref<2000xi32, #tpu.memory_space<vmem>>) target_semaphore(%arg14 : memref<!tpu.dma_semaphore, #tpu.memory_space<semaphore_mem>>)
    %dma_start3A_81 = tpu.memref_slice %arg4[%add3A_78] : memref<1600000xi32, #tpu.memory_space<hbm>> -> memref<2000xi32, #tpu.memory_space<hbm>>
    %dma_start3A_82 = tpu.memref_slice %arg4[%add3A_78] : memref<1600000xi32, #tpu.memory_space<hbm>> -> memref<2000xi32, #tpu.memory_space<hbm>>
    tpu.enqueue_dma source(%dma_start3A_82 : memref<2000xi32, #tpu.memory_space<hbm>>) target(%arg10 : memref<2000xi32, #tpu.memory_space<vmem>>) target_semaphore(%arg16 : memref<!tpu.dma_semaphore, #tpu.memory_space<semaphore_mem>>)
    %dma_wait3A_83 = tpu.memref_slice %arg3[%add3A_65] : memref<1600000xi32, #tpu.memory_space<hbm>> -> memref<2000xi32, #tpu.memory_space<hbm>>
    %dma_wait3A_84 = tpu.memref_slice %arg3[%add3A_65] : memref<1600000xi32, #tpu.memory_space<hbm>> -> memref<2000xi32, #tpu.memory_space<hbm>>
    tpu.wait_dma2 semaphore(%arg15 : memref<!tpu.dma_semaphore, #tpu.memory_space<semaphore_mem>>) src(%dma_wait3A_84 : memref<2000xi32, #tpu.memory_space<hbm>>) dst(%arg9 : memref<2000xi32, #tpu.memory_space<vmem>>)
    %dma_wait3A_85 = tpu.memref_slice %arg4[%add3A_65] : memref<1600000xi32, #tpu.memory_space<hbm>> -> memref<2000xi32, #tpu.memory_space<hbm>>
    %dma_wait3A_86 = tpu.memref_slice %arg4[%add3A_65] : memref<1600000xi32, #tpu.memory_space<hbm>> -> memref<2000xi32, #tpu.memory_space<hbm>>
    tpu.wait_dma2 semaphore(%arg17 : memref<!tpu.dma_semaphore, #tpu.memory_space<semaphore_mem>>) src(%dma_wait3A_86 : memref<2000xi32, #tpu.memory_space<hbm>>) dst(%arg11 : memref<2000xi32, #tpu.memory_space<vmem>>)
    %parallel_loop3A_87 = arith.constant 0 : i32
    %parallel_loop3A_88 = arith.constant 125 : i32
    %parallel_loop3A_89 = arith.constant 1 : i32
    scf.for %parallel_loop3A_331 = %parallel_loop3A_87 to %parallel_loop3A_88 step %parallel_loop3A_89  : i32 {
      %parallel_loop3A_332 = arith.constant 16 : i32
      %parallel_loop3A_333 = arith.muli %parallel_loop3A_331, %parallel_loop3A_332 : i32
      %parallel_loop3A_334 = arith.index_cast %parallel_loop3A_333 : i32 to index
      %parallel_loop3A_335 = tpu.vector_load %arg9[%parallel_loop3A_334] {strides = array<i32>} : memref<2000xi32, #tpu.memory_space<vmem>>, vector<16xi32>,
      %parallel_loop3A_336 = arith.constant 16 : i32
      %parallel_loop3A_337 = arith.muli %parallel_loop3A_331, %parallel_loop3A_336 : i32
      %parallel_loop3A_338 = arith.index_cast %parallel_loop3A_337 : i32 to index
      %parallel_loop3A_339 = tpu.vector_load %arg11[%parallel_loop3A_338] {strides = array<i32>} : memref<2000xi32, #tpu.memory_space<vmem>>, vector<16xi32>,
      %parallel_loop3A_340 = tpu.vector_load_idx %arg6[%parallel_loop3A_335] : memref<102400xf32, #tpu.memory_space<vmem>>[vector<16xi32>], vector<16xf32>,
      %parallel_loop3A_341 = arith.constant 7 : i32
      %parallel_loop3A_342 = vector.broadcast %parallel_loop3A_341 : i32 to vector<16xi32>
      %parallel_loop3A_343 = arith.shrui %parallel_loop3A_339, %parallel_loop3A_342 : vector<16xi32>
      %parallel_loop3A_344 = arith.constant 127 : i32
      %parallel_loop3A_345 = vector.broadcast %parallel_loop3A_344 : i32 to vector<16xi32>
      %parallel_loop3A_346 = arith.andi %parallel_loop3A_339, %parallel_loop3A_345 : vector<16xi32>
      tpu.vector_store_idx %arg7[%parallel_loop3A_343, %parallel_loop3A_346], %parallel_loop3A_340 {add = true} : memref<80x128xf32, #tpu.memory_space<vmem>>[vector<16xi32>, vector<16xi32>], vector<16xf32>,
    } {sc.loop_unroll_factor = 5 : i64, sc.parallel_access}
    %add3A_90 = arith.constant 14000 : i32
    %add3A_91 = arith.addi %mul3A_2, %add3A_90 : i32
    %dma_start3A_92 = tpu.memref_slice %arg3[%add3A_91] : memref<1600000xi32, #tpu.memory_space<hbm>> -> memref<2000xi32, #tpu.memory_space<hbm>>
    %dma_start3A_93 = tpu.memref_slice %arg3[%add3A_91] : memref<1600000xi32, #tpu.memory_space<hbm>> -> memref<2000xi32, #tpu.memory_space<hbm>>
    tpu.enqueue_dma source(%dma_start3A_93 : memref<2000xi32, #tpu.memory_space<hbm>>) target(%arg9 : memref<2000xi32, #tpu.memory_space<vmem>>) target_semaphore(%arg15 : memref<!tpu.dma_semaphore, #tpu.memory_space<semaphore_mem>>)
    %dma_start3A_94 = tpu.memref_slice %arg4[%add3A_91] : memref<1600000xi32, #tpu.memory_space<hbm>> -> memref<2000xi32, #tpu.memory_space<hbm>>
    %dma_start3A_95 = tpu.memref_slice %arg4[%add3A_91] : memref<1600000xi32, #tpu.memory_space<hbm>> -> memref<2000xi32, #tpu.memory_space<hbm>>
    tpu.enqueue_dma source(%dma_start3A_95 : memref<2000xi32, #tpu.memory_space<hbm>>) target(%arg11 : memref<2000xi32, #tpu.memory_space<vmem>>) target_semaphore(%arg17 : memref<!tpu.dma_semaphore, #tpu.memory_space<semaphore_mem>>)
    %dma_wait3A_96 = tpu.memref_slice %arg3[%add3A_78] : memref<1600000xi32, #tpu.memory_space<hbm>> -> memref<2000xi32, #tpu.memory_space<hbm>>
    %dma_wait3A_97 = tpu.memref_slice %arg3[%add3A_78] : memref<1600000xi32, #tpu.memory_space<hbm>> -> memref<2000xi32, #tpu.memory_space<hbm>>
    tpu.wait_dma2 semaphore(%arg14 : memref<!tpu.dma_semaphore, #tpu.memory_space<semaphore_mem>>) src(%dma_wait3A_97 : memref<2000xi32, #tpu.memory_space<hbm>>) dst(%arg8 : memref<2000xi32, #tpu.memory_space<vmem>>)
    %dma_wait3A_98 = tpu.memref_slice %arg4[%add3A_78] : memref<1600000xi32, #tpu.memory_space<hbm>> -> memref<2000xi32, #tpu.memory_space<hbm>>
    %dma_wait3A_99 = tpu.memref_slice %arg4[%add3A_78] : memref<1600000xi32, #tpu.memory_space<hbm>> -> memref<2000xi32, #tpu.memory_space<hbm>>
    tpu.wait_dma2 semaphore(%arg16 : memref<!tpu.dma_semaphore, #tpu.memory_space<semaphore_mem>>) src(%dma_wait3A_99 : memref<2000xi32, #tpu.memory_space<hbm>>) dst(%arg10 : memref<2000xi32, #tpu.memory_space<vmem>>)
    %parallel_loop3A_100 = arith.constant 0 : i32
    %parallel_loop3A_101 = arith.constant 125 : i32
    %parallel_loop3A_102 = arith.constant 1 : i32
    scf.for %parallel_loop3A_331 = %parallel_loop3A_100 to %parallel_loop3A_101 step %parallel_loop3A_102  : i32 {
      %parallel_loop3A_332 = arith.constant 16 : i32
      %parallel_loop3A_333 = arith.muli %parallel_loop3A_331, %parallel_loop3A_332 : i32
      %parallel_loop3A_334 = arith.index_cast %parallel_loop3A_333 : i32 to index
      %parallel_loop3A_335 = tpu.vector_load %arg8[%parallel_loop3A_334] {strides = array<i32>} : memref<2000xi32, #tpu.memory_space<vmem>>, vector<16xi32>,
      %parallel_loop3A_336 = arith.constant 16 : i32
      %parallel_loop3A_337 = arith.muli %parallel_loop3A_331, %parallel_loop3A_336 : i32
      %parallel_loop3A_338 = arith.index_cast %parallel_loop3A_337 : i32 to index
      %parallel_loop3A_339 = tpu.vector_load %arg10[%parallel_loop3A_338] {strides = array<i32>} : memref<2000xi32, #tpu.memory_space<vmem>>, vector<16xi32>,
      %parallel_loop3A_340 = tpu.vector_load_idx %arg6[%parallel_loop3A_335] : memref<102400xf32, #tpu.memory_space<vmem>>[vector<16xi32>], vector<16xf32>,
      %parallel_loop3A_341 = arith.constant 7 : i32
      %parallel_loop3A_342 = vector.broadcast %parallel_loop3A_341 : i32 to vector<16xi32>
      %parallel_loop3A_343 = arith.shrui %parallel_loop3A_339, %parallel_loop3A_342 : vector<16xi32>
      %parallel_loop3A_344 = arith.constant 127 : i32
      %parallel_loop3A_345 = vector.broadcast %parallel_loop3A_344 : i32 to vector<16xi32>
      %parallel_loop3A_346 = arith.andi %parallel_loop3A_339, %parallel_loop3A_345 : vector<16xi32>
      tpu.vector_store_idx %arg7[%parallel_loop3A_343, %parallel_loop3A_346], %parallel_loop3A_340 {add = true} : memref<80x128xf32, #tpu.memory_space<vmem>>[vector<16xi32>, vector<16xi32>], vector<16xf32>,
    } {sc.loop_unroll_factor = 5 : i64, sc.parallel_access}
    %add3A_103 = arith.constant 16000 : i32
    %add3A_104 = arith.addi %mul3A_2, %add3A_103 : i32
    %dma_start3A_105 = tpu.memref_slice %arg3[%add3A_104] : memref<1600000xi32, #tpu.memory_space<hbm>> -> memref<2000xi32, #tpu.memory_space<hbm>>
    %dma_start3A_106 = tpu.memref_slice %arg3[%add3A_104] : memref<1600000xi32, #tpu.memory_space<hbm>> -> memref<2000xi32, #tpu.memory_space<hbm>>
    tpu.enqueue_dma source(%dma_start3A_106 : memref<2000xi32, #tpu.memory_space<hbm>>) target(%arg8 : memref<2000xi32, #tpu.memory_space<vmem>>) target_semaphore(%arg14 : memref<!tpu.dma_semaphore, #tpu.memory_space<semaphore_mem>>)
    %dma_start3A_107 = tpu.memref_slice %arg4[%add3A_104] : memref<1600000xi32, #tpu.memory_space<hbm>> -> memref<2000xi32, #tpu.memory_space<hbm>>
    %dma_start3A_108 = tpu.memref_slice %arg4[%add3A_104] : memref<1600000xi32, #tpu.memory_space<hbm>> -> memref<2000xi32, #tpu.memory_space<hbm>>
    tpu.enqueue_dma source(%dma_start3A_108 : memref<2000xi32, #tpu.memory_space<hbm>>) target(%arg10 : memref<2000xi32, #tpu.memory_space<vmem>>) target_semaphore(%arg16 : memref<!tpu.dma_semaphore, #tpu.memory_space<semaphore_mem>>)
    %dma_wait3A_109 = tpu.memref_slice %arg3[%add3A_91] : memref<1600000xi32, #tpu.memory_space<hbm>> -> memref<2000xi32, #tpu.memory_space<hbm>>
    %dma_wait3A_110 = tpu.memref_slice %arg3[%add3A_91] : memref<1600000xi32, #tpu.memory_space<hbm>> -> memref<2000xi32, #tpu.memory_space<hbm>>
    tpu.wait_dma2 semaphore(%arg15 : memref<!tpu.dma_semaphore, #tpu.memory_space<semaphore_mem>>) src(%dma_wait3A_110 : memref<2000xi32, #tpu.memory_space<hbm>>) dst(%arg9 : memref<2000xi32, #tpu.memory_space<vmem>>)
    %dma_wait3A_111 = tpu.memref_slice %arg4[%add3A_91] : memref<1600000xi32, #tpu.memory_space<hbm>> -> memref<2000xi32, #tpu.memory_space<hbm>>
    %dma_wait3A_112 = tpu.memref_slice %arg4[%add3A_91] : memref<1600000xi32, #tpu.memory_space<hbm>> -> memref<2000xi32, #tpu.memory_space<hbm>>
    tpu.wait_dma2 semaphore(%arg17 : memref<!tpu.dma_semaphore, #tpu.memory_space<semaphore_mem>>) src(%dma_wait3A_112 : memref<2000xi32, #tpu.memory_space<hbm>>) dst(%arg11 : memref<2000xi32, #tpu.memory_space<vmem>>)
    %parallel_loop3A_113 = arith.constant 0 : i32
    %parallel_loop3A_114 = arith.constant 125 : i32
    %parallel_loop3A_115 = arith.constant 1 : i32
    scf.for %parallel_loop3A_331 = %parallel_loop3A_113 to %parallel_loop3A_114 step %parallel_loop3A_115  : i32 {
      %parallel_loop3A_332 = arith.constant 16 : i32
      %parallel_loop3A_333 = arith.muli %parallel_loop3A_331, %parallel_loop3A_332 : i32
      %parallel_loop3A_334 = arith.index_cast %parallel_loop3A_333 : i32 to index
      %parallel_loop3A_335 = tpu.vector_load %arg9[%parallel_loop3A_334] {strides = array<i32>} : memref<2000xi32, #tpu.memory_space<vmem>>, vector<16xi32>,
      %parallel_loop3A_336 = arith.constant 16 : i32
      %parallel_loop3A_337 = arith.muli %parallel_loop3A_331, %parallel_loop3A_336 : i32
      %parallel_loop3A_338 = arith.index_cast %parallel_loop3A_337 : i32 to index
      %parallel_loop3A_339 = tpu.vector_load %arg11[%parallel_loop3A_338] {strides = array<i32>} : memref<2000xi32, #tpu.memory_space<vmem>>, vector<16xi32>,
      %parallel_loop3A_340 = tpu.vector_load_idx %arg6[%parallel_loop3A_335] : memref<102400xf32, #tpu.memory_space<vmem>>[vector<16xi32>], vector<16xf32>,
      %parallel_loop3A_341 = arith.constant 7 : i32
      %parallel_loop3A_342 = vector.broadcast %parallel_loop3A_341 : i32 to vector<16xi32>
      %parallel_loop3A_343 = arith.shrui %parallel_loop3A_339, %parallel_loop3A_342 : vector<16xi32>
      %parallel_loop3A_344 = arith.constant 127 : i32
      %parallel_loop3A_345 = vector.broadcast %parallel_loop3A_344 : i32 to vector<16xi32>
      %parallel_loop3A_346 = arith.andi %parallel_loop3A_339, %parallel_loop3A_345 : vector<16xi32>
      tpu.vector_store_idx %arg7[%parallel_loop3A_343, %parallel_loop3A_346], %parallel_loop3A_340 {add = true} : memref<80x128xf32, #tpu.memory_space<vmem>>[vector<16xi32>, vector<16xi32>], vector<16xf32>,
    } {sc.loop_unroll_factor = 5 : i64, sc.parallel_access}
    %add3A_116 = arith.constant 18000 : i32
    %add3A_117 = arith.addi %mul3A_2, %add3A_116 : i32
    %dma_start3A_118 = tpu.memref_slice %arg3[%add3A_117] : memref<1600000xi32, #tpu.memory_space<hbm>> -> memref<2000xi32, #tpu.memory_space<hbm>>
    %dma_start3A_119 = tpu.memref_slice %arg3[%add3A_117] : memref<1600000xi32, #tpu.memory_space<hbm>> -> memref<2000xi32, #tpu.memory_space<hbm>>
    tpu.enqueue_dma source(%dma_start3A_119 : memref<2000xi32, #tpu.memory_space<hbm>>) target(%arg9 : memref<2000xi32, #tpu.memory_space<vmem>>) target_semaphore(%arg15 : memref<!tpu.dma_semaphore, #tpu.memory_space<semaphore_mem>>)
    %dma_start3A_120 = tpu.memref_slice %arg4[%add3A_117] : memref<1600000xi32, #tpu.memory_space<hbm>> -> memref<2000xi32, #tpu.memory_space<hbm>>
    %dma_start3A_121 = tpu.memref_slice %arg4[%add3A_117] : memref<1600000xi32, #tpu.memory_space<hbm>> -> memref<2000xi32, #tpu.memory_space<hbm>>
    tpu.enqueue_dma source(%dma_start3A_121 : memref<2000xi32, #tpu.memory_space<hbm>>) target(%arg11 : memref<2000xi32, #tpu.memory_space<vmem>>) target_semaphore(%arg17 : memref<!tpu.dma_semaphore, #tpu.memory_space<semaphore_mem>>)
    %dma_wait3A_122 = tpu.memref_slice %arg3[%add3A_104] : memref<1600000xi32, #tpu.memory_space<hbm>> -> memref<2000xi32, #tpu.memory_space<hbm>>
    %dma_wait3A_123 = tpu.memref_slice %arg3[%add3A_104] : memref<1600000xi32, #tpu.memory_space<hbm>> -> memref<2000xi32, #tpu.memory_space<hbm>>
    tpu.wait_dma2 semaphore(%arg14 : memref<!tpu.dma_semaphore, #tpu.memory_space<semaphore_mem>>) src(%dma_wait3A_123 : memref<2000xi32, #tpu.memory_space<hbm>>) dst(%arg8 : memref<2000xi32, #tpu.memory_space<vmem>>)
    %dma_wait3A_124 = tpu.memref_slice %arg4[%add3A_104] : memref<1600000xi32, #tpu.memory_space<hbm>> -> memref<2000xi32, #tpu.memory_space<hbm>>
    %dma_wait3A_125 = tpu.memref_slice %arg4[%add3A_104] : memref<1600000xi32, #tpu.memory_space<hbm>> -> memref<2000xi32, #tpu.memory_space<hbm>>
    tpu.wait_dma2 semaphore(%arg16 : memref<!tpu.dma_semaphore, #tpu.memory_space<semaphore_mem>>) src(%dma_wait3A_125 : memref<2000xi32, #tpu.memory_space<hbm>>) dst(%arg10 : memref<2000xi32, #tpu.memory_space<vmem>>)
    %parallel_loop3A_126 = arith.constant 0 : i32
    %parallel_loop3A_127 = arith.constant 125 : i32
    %parallel_loop3A_128 = arith.constant 1 : i32
    scf.for %parallel_loop3A_331 = %parallel_loop3A_126 to %parallel_loop3A_127 step %parallel_loop3A_128  : i32 {
      %parallel_loop3A_332 = arith.constant 16 : i32
      %parallel_loop3A_333 = arith.muli %parallel_loop3A_331, %parallel_loop3A_332 : i32
      %parallel_loop3A_334 = arith.index_cast %parallel_loop3A_333 : i32 to index
      %parallel_loop3A_335 = tpu.vector_load %arg8[%parallel_loop3A_334] {strides = array<i32>} : memref<2000xi32, #tpu.memory_space<vmem>>, vector<16xi32>,
      %parallel_loop3A_336 = arith.constant 16 : i32
      %parallel_loop3A_337 = arith.muli %parallel_loop3A_331, %parallel_loop3A_336 : i32
      %parallel_loop3A_338 = arith.index_cast %parallel_loop3A_337 : i32 to index
      %parallel_loop3A_339 = tpu.vector_load %arg10[%parallel_loop3A_338] {strides = array<i32>} : memref<2000xi32, #tpu.memory_space<vmem>>, vector<16xi32>,
      %parallel_loop3A_340 = tpu.vector_load_idx %arg6[%parallel_loop3A_335] : memref<102400xf32, #tpu.memory_space<vmem>>[vector<16xi32>], vector<16xf32>,
      %parallel_loop3A_341 = arith.constant 7 : i32
      %parallel_loop3A_342 = vector.broadcast %parallel_loop3A_341 : i32 to vector<16xi32>
      %parallel_loop3A_343 = arith.shrui %parallel_loop3A_339, %parallel_loop3A_342 : vector<16xi32>
      %parallel_loop3A_344 = arith.constant 127 : i32
      %parallel_loop3A_345 = vector.broadcast %parallel_loop3A_344 : i32 to vector<16xi32>
      %parallel_loop3A_346 = arith.andi %parallel_loop3A_339, %parallel_loop3A_345 : vector<16xi32>
      tpu.vector_store_idx %arg7[%parallel_loop3A_343, %parallel_loop3A_346], %parallel_loop3A_340 {add = true} : memref<80x128xf32, #tpu.memory_space<vmem>>[vector<16xi32>, vector<16xi32>], vector<16xf32>,
    } {sc.loop_unroll_factor = 5 : i64, sc.parallel_access}
    %add3A_129 = arith.constant 20000 : i32
    %add3A_130 = arith.addi %mul3A_2, %add3A_129 : i32
    %dma_start3A_131 = tpu.memref_slice %arg3[%add3A_130] : memref<1600000xi32, #tpu.memory_space<hbm>> -> memref<2000xi32, #tpu.memory_space<hbm>>
    %dma_start3A_132 = tpu.memref_slice %arg3[%add3A_130] : memref<1600000xi32, #tpu.memory_space<hbm>> -> memref<2000xi32, #tpu.memory_space<hbm>>
    tpu.enqueue_dma source(%dma_start3A_132 : memref<2000xi32, #tpu.memory_space<hbm>>) target(%arg8 : memref<2000xi32, #tpu.memory_space<vmem>>) target_semaphore(%arg14 : memref<!tpu.dma_semaphore, #tpu.memory_space<semaphore_mem>>)
    %dma_start3A_133 = tpu.memref_slice %arg4[%add3A_130] : memref<1600000xi32, #tpu.memory_space<hbm>> -> memref<2000xi32, #tpu.memory_space<hbm>>
    %dma_start3A_134 = tpu.memref_slice %arg4[%add3A_130] : memref<1600000xi32, #tpu.memory_space<hbm>> -> memref<2000xi32, #tpu.memory_space<hbm>>
    tpu.enqueue_dma source(%dma_start3A_134 : memref<2000xi32, #tpu.memory_space<hbm>>) target(%arg10 : memref<2000xi32, #tpu.memory_space<vmem>>) target_semaphore(%arg16 : memref<!tpu.dma_semaphore, #tpu.memory_space<semaphore_mem>>)
    %dma_wait3A_135 = tpu.memref_slice %arg3[%add3A_117] : memref<1600000xi32, #tpu.memory_space<hbm>> -> memref<2000xi32, #tpu.memory_space<hbm>>
    %dma_wait3A_136 = tpu.memref_slice %arg3[%add3A_117] : memref<1600000xi32, #tpu.memory_space<hbm>> -> memref<2000xi32, #tpu.memory_space<hbm>>
    tpu.wait_dma2 semaphore(%arg15 : memref<!tpu.dma_semaphore, #tpu.memory_space<semaphore_mem>>) src(%dma_wait3A_136 : memref<2000xi32, #tpu.memory_space<hbm>>) dst(%arg9 : memref<2000xi32, #tpu.memory_space<vmem>>)
    %dma_wait3A_137 = tpu.memref_slice %arg4[%add3A_117] : memref<1600000xi32, #tpu.memory_space<hbm>> -> memref<2000xi32, #tpu.memory_space<hbm>>
    %dma_wait3A_138 = tpu.memref_slice %arg4[%add3A_117] : memref<1600000xi32, #tpu.memory_space<hbm>> -> memref<2000xi32, #tpu.memory_space<hbm>>
    tpu.wait_dma2 semaphore(%arg17 : memref<!tpu.dma_semaphore, #tpu.memory_space<semaphore_mem>>) src(%dma_wait3A_138 : memref<2000xi32, #tpu.memory_space<hbm>>) dst(%arg11 : memref<2000xi32, #tpu.memory_space<vmem>>)
    %parallel_loop3A_139 = arith.constant 0 : i32
    %parallel_loop3A_140 = arith.constant 125 : i32
    %parallel_loop3A_141 = arith.constant 1 : i32
    scf.for %parallel_loop3A_331 = %parallel_loop3A_139 to %parallel_loop3A_140 step %parallel_loop3A_141  : i32 {
      %parallel_loop3A_332 = arith.constant 16 : i32
      %parallel_loop3A_333 = arith.muli %parallel_loop3A_331, %parallel_loop3A_332 : i32
      %parallel_loop3A_334 = arith.index_cast %parallel_loop3A_333 : i32 to index
      %parallel_loop3A_335 = tpu.vector_load %arg9[%parallel_loop3A_334] {strides = array<i32>} : memref<2000xi32, #tpu.memory_space<vmem>>, vector<16xi32>,
      %parallel_loop3A_336 = arith.constant 16 : i32
      %parallel_loop3A_337 = arith.muli %parallel_loop3A_331, %parallel_loop3A_336 : i32
      %parallel_loop3A_338 = arith.index_cast %parallel_loop3A_337 : i32 to index
      %parallel_loop3A_339 = tpu.vector_load %arg11[%parallel_loop3A_338] {strides = array<i32>} : memref<2000xi32, #tpu.memory_space<vmem>>, vector<16xi32>,
      %parallel_loop3A_340 = tpu.vector_load_idx %arg6[%parallel_loop3A_335] : memref<102400xf32, #tpu.memory_space<vmem>>[vector<16xi32>], vector<16xf32>,
      %parallel_loop3A_341 = arith.constant 7 : i32
      %parallel_loop3A_342 = vector.broadcast %parallel_loop3A_341 : i32 to vector<16xi32>
      %parallel_loop3A_343 = arith.shrui %parallel_loop3A_339, %parallel_loop3A_342 : vector<16xi32>
      %parallel_loop3A_344 = arith.constant 127 : i32
      %parallel_loop3A_345 = vector.broadcast %parallel_loop3A_344 : i32 to vector<16xi32>
      %parallel_loop3A_346 = arith.andi %parallel_loop3A_339, %parallel_loop3A_345 : vector<16xi32>
      tpu.vector_store_idx %arg7[%parallel_loop3A_343, %parallel_loop3A_346], %parallel_loop3A_340 {add = true} : memref<80x128xf32, #tpu.memory_space<vmem>>[vector<16xi32>, vector<16xi32>], vector<16xf32>,
    } {sc.loop_unroll_factor = 5 : i64, sc.parallel_access}
    %add3A_142 = arith.constant 22000 : i32
    %add3A_143 = arith.addi %mul3A_2, %add3A_142 : i32
    %dma_start3A_144 = tpu.memref_slice %arg3[%add3A_143] : memref<1600000xi32, #tpu.memory_space<hbm>> -> memref<2000xi32, #tpu.memory_space<hbm>>
    %dma_start3A_145 = tpu.memref_slice %arg3[%add3A_143] : memref<1600000xi32, #tpu.memory_space<hbm>> -> memref<2000xi32, #tpu.memory_space<hbm>>
    tpu.enqueue_dma source(%dma_start3A_145 : memref<2000xi32, #tpu.memory_space<hbm>>) target(%arg9 : memref<2000xi32, #tpu.memory_space<vmem>>) target_semaphore(%arg15 : memref<!tpu.dma_semaphore, #tpu.memory_space<semaphore_mem>>)
    %dma_start3A_146 = tpu.memref_slice %arg4[%add3A_143] : memref<1600000xi32, #tpu.memory_space<hbm>> -> memref<2000xi32, #tpu.memory_space<hbm>>
    %dma_start3A_147 = tpu.memref_slice %arg4[%add3A_143] : memref<1600000xi32, #tpu.memory_space<hbm>> -> memref<2000xi32, #tpu.memory_space<hbm>>
    tpu.enqueue_dma source(%dma_start3A_147 : memref<2000xi32, #tpu.memory_space<hbm>>) target(%arg11 : memref<2000xi32, #tpu.memory_space<vmem>>) target_semaphore(%arg17 : memref<!tpu.dma_semaphore, #tpu.memory_space<semaphore_mem>>)
    %dma_wait3A_148 = tpu.memref_slice %arg3[%add3A_130] : memref<1600000xi32, #tpu.memory_space<hbm>> -> memref<2000xi32, #tpu.memory_space<hbm>>
    %dma_wait3A_149 = tpu.memref_slice %arg3[%add3A_130] : memref<1600000xi32, #tpu.memory_space<hbm>> -> memref<2000xi32, #tpu.memory_space<hbm>>
    tpu.wait_dma2 semaphore(%arg14 : memref<!tpu.dma_semaphore, #tpu.memory_space<semaphore_mem>>) src(%dma_wait3A_149 : memref<2000xi32, #tpu.memory_space<hbm>>) dst(%arg8 : memref<2000xi32, #tpu.memory_space<vmem>>)
    %dma_wait3A_150 = tpu.memref_slice %arg4[%add3A_130] : memref<1600000xi32, #tpu.memory_space<hbm>> -> memref<2000xi32, #tpu.memory_space<hbm>>
    %dma_wait3A_151 = tpu.memref_slice %arg4[%add3A_130] : memref<1600000xi32, #tpu.memory_space<hbm>> -> memref<2000xi32, #tpu.memory_space<hbm>>
    tpu.wait_dma2 semaphore(%arg16 : memref<!tpu.dma_semaphore, #tpu.memory_space<semaphore_mem>>) src(%dma_wait3A_151 : memref<2000xi32, #tpu.memory_space<hbm>>) dst(%arg10 : memref<2000xi32, #tpu.memory_space<vmem>>)
    %parallel_loop3A_152 = arith.constant 0 : i32
    %parallel_loop3A_153 = arith.constant 125 : i32
    %parallel_loop3A_154 = arith.constant 1 : i32
    scf.for %parallel_loop3A_331 = %parallel_loop3A_152 to %parallel_loop3A_153 step %parallel_loop3A_154  : i32 {
      %parallel_loop3A_332 = arith.constant 16 : i32
      %parallel_loop3A_333 = arith.muli %parallel_loop3A_331, %parallel_loop3A_332 : i32
      %parallel_loop3A_334 = arith.index_cast %parallel_loop3A_333 : i32 to index
      %parallel_loop3A_335 = tpu.vector_load %arg8[%parallel_loop3A_334] {strides = array<i32>} : memref<2000xi32, #tpu.memory_space<vmem>>, vector<16xi32>,
      %parallel_loop3A_336 = arith.constant 16 : i32
      %parallel_loop3A_337 = arith.muli %parallel_loop3A_331, %parallel_loop3A_336 : i32
      %parallel_loop3A_338 = arith.index_cast %parallel_loop3A_337 : i32 to index
      %parallel_loop3A_339 = tpu.vector_load %arg10[%parallel_loop3A_338] {strides = array<i32>} : memref<2000xi32, #tpu.memory_space<vmem>>, vector<16xi32>,
      %parallel_loop3A_340 = tpu.vector_load_idx %arg6[%parallel_loop3A_335] : memref<102400xf32, #tpu.memory_space<vmem>>[vector<16xi32>], vector<16xf32>,
      %parallel_loop3A_341 = arith.constant 7 : i32
      %parallel_loop3A_342 = vector.broadcast %parallel_loop3A_341 : i32 to vector<16xi32>
      %parallel_loop3A_343 = arith.shrui %parallel_loop3A_339, %parallel_loop3A_342 : vector<16xi32>
      %parallel_loop3A_344 = arith.constant 127 : i32
      %parallel_loop3A_345 = vector.broadcast %parallel_loop3A_344 : i32 to vector<16xi32>
      %parallel_loop3A_346 = arith.andi %parallel_loop3A_339, %parallel_loop3A_345 : vector<16xi32>
      tpu.vector_store_idx %arg7[%parallel_loop3A_343, %parallel_loop3A_346], %parallel_loop3A_340 {add = true} : memref<80x128xf32, #tpu.memory_space<vmem>>[vector<16xi32>, vector<16xi32>], vector<16xf32>,
    } {sc.loop_unroll_factor = 5 : i64, sc.parallel_access}
    %add3A_155 = arith.constant 24000 : i32
    %add3A_156 = arith.addi %mul3A_2, %add3A_155 : i32
    %dma_start3A_157 = tpu.memref_slice %arg3[%add3A_156] : memref<1600000xi32, #tpu.memory_space<hbm>> -> memref<2000xi32, #tpu.memory_space<hbm>>
    %dma_start3A_158 = tpu.memref_slice %arg3[%add3A_156] : memref<1600000xi32, #tpu.memory_space<hbm>> -> memref<2000xi32, #tpu.memory_space<hbm>>
    tpu.enqueue_dma source(%dma_start3A_158 : memref<2000xi32, #tpu.memory_space<hbm>>) target(%arg8 : memref<2000xi32, #tpu.memory_space<vmem>>) target_semaphore(%arg14 : memref<!tpu.dma_semaphore, #tpu.memory_space<semaphore_mem>>)
    %dma_start3A_159 = tpu.memref_slice %arg4[%add3A_156] : memref<1600000xi32, #tpu.memory_space<hbm>> -> memref<2000xi32, #tpu.memory_space<hbm>>
    %dma_start3A_160 = tpu.memref_slice %arg4[%add3A_156] : memref<1600000xi32, #tpu.memory_space<hbm>> -> memref<2000xi32, #tpu.memory_space<hbm>>
    tpu.enqueue_dma source(%dma_start3A_160 : memref<2000xi32, #tpu.memory_space<hbm>>) target(%arg10 : memref<2000xi32, #tpu.memory_space<vmem>>) target_semaphore(%arg16 : memref<!tpu.dma_semaphore, #tpu.memory_space<semaphore_mem>>)
    %dma_wait3A_161 = tpu.memref_slice %arg3[%add3A_143] : memref<1600000xi32, #tpu.memory_space<hbm>> -> memref<2000xi32, #tpu.memory_space<hbm>>
    %dma_wait3A_162 = tpu.memref_slice %arg3[%add3A_143] : memref<1600000xi32, #tpu.memory_space<hbm>> -> memref<2000xi32, #tpu.memory_space<hbm>>
    tpu.wait_dma2 semaphore(%arg15 : memref<!tpu.dma_semaphore, #tpu.memory_space<semaphore_mem>>) src(%dma_wait3A_162 : memref<2000xi32, #tpu.memory_space<hbm>>) dst(%arg9 : memref<2000xi32, #tpu.memory_space<vmem>>)
    %dma_wait3A_163 = tpu.memref_slice %arg4[%add3A_143] : memref<1600000xi32, #tpu.memory_space<hbm>> -> memref<2000xi32, #tpu.memory_space<hbm>>
    %dma_wait3A_164 = tpu.memref_slice %arg4[%add3A_143] : memref<1600000xi32, #tpu.memory_space<hbm>> -> memref<2000xi32, #tpu.memory_space<hbm>>
    tpu.wait_dma2 semaphore(%arg17 : memref<!tpu.dma_semaphore, #tpu.memory_space<semaphore_mem>>) src(%dma_wait3A_164 : memref<2000xi32, #tpu.memory_space<hbm>>) dst(%arg11 : memref<2000xi32, #tpu.memory_space<vmem>>)
    %parallel_loop3A_165 = arith.constant 0 : i32
    %parallel_loop3A_166 = arith.constant 125 : i32
    %parallel_loop3A_167 = arith.constant 1 : i32
    scf.for %parallel_loop3A_331 = %parallel_loop3A_165 to %parallel_loop3A_166 step %parallel_loop3A_167  : i32 {
      %parallel_loop3A_332 = arith.constant 16 : i32
      %parallel_loop3A_333 = arith.muli %parallel_loop3A_331, %parallel_loop3A_332 : i32
      %parallel_loop3A_334 = arith.index_cast %parallel_loop3A_333 : i32 to index
      %parallel_loop3A_335 = tpu.vector_load %arg9[%parallel_loop3A_334] {strides = array<i32>} : memref<2000xi32, #tpu.memory_space<vmem>>, vector<16xi32>,
      %parallel_loop3A_336 = arith.constant 16 : i32
      %parallel_loop3A_337 = arith.muli %parallel_loop3A_331, %parallel_loop3A_336 : i32
      %parallel_loop3A_338 = arith.index_cast %parallel_loop3A_337 : i32 to index
      %parallel_loop3A_339 = tpu.vector_load %arg11[%parallel_loop3A_338] {strides = array<i32>} : memref<2000xi32, #tpu.memory_space<vmem>>, vector<16xi32>,
      %parallel_loop3A_340 = tpu.vector_load_idx %arg6[%parallel_loop3A_335] : memref<102400xf32, #tpu.memory_space<vmem>>[vector<16xi32>], vector<16xf32>,
      %parallel_loop3A_341 = arith.constant 7 : i32
      %parallel_loop3A_342 = vector.broadcast %parallel_loop3A_341 : i32 to vector<16xi32>
      %parallel_loop3A_343 = arith.shrui %parallel_loop3A_339, %parallel_loop3A_342 : vector<16xi32>
      %parallel_loop3A_344 = arith.constant 127 : i32
      %parallel_loop3A_345 = vector.broadcast %parallel_loop3A_344 : i32 to vector<16xi32>
      %parallel_loop3A_346 = arith.andi %parallel_loop3A_339, %parallel_loop3A_345 : vector<16xi32>
      tpu.vector_store_idx %arg7[%parallel_loop3A_343, %parallel_loop3A_346], %parallel_loop3A_340 {add = true} : memref<80x128xf32, #tpu.memory_space<vmem>>[vector<16xi32>, vector<16xi32>], vector<16xf32>,
    } {sc.loop_unroll_factor = 5 : i64, sc.parallel_access}
    %add3A_168 = arith.constant 26000 : i32
    %add3A_169 = arith.addi %mul3A_2, %add3A_168 : i32
    %dma_start3A_170 = tpu.memref_slice %arg3[%add3A_169] : memref<1600000xi32, #tpu.memory_space<hbm>> -> memref<2000xi32, #tpu.memory_space<hbm>>
    %dma_start3A_171 = tpu.memref_slice %arg3[%add3A_169] : memref<1600000xi32, #tpu.memory_space<hbm>> -> memref<2000xi32, #tpu.memory_space<hbm>>
    tpu.enqueue_dma source(%dma_start3A_171 : memref<2000xi32, #tpu.memory_space<hbm>>) target(%arg9 : memref<2000xi32, #tpu.memory_space<vmem>>) target_semaphore(%arg15 : memref<!tpu.dma_semaphore, #tpu.memory_space<semaphore_mem>>)
    %dma_start3A_172 = tpu.memref_slice %arg4[%add3A_169] : memref<1600000xi32, #tpu.memory_space<hbm>> -> memref<2000xi32, #tpu.memory_space<hbm>>
    %dma_start3A_173 = tpu.memref_slice %arg4[%add3A_169] : memref<1600000xi32, #tpu.memory_space<hbm>> -> memref<2000xi32, #tpu.memory_space<hbm>>
    tpu.enqueue_dma source(%dma_start3A_173 : memref<2000xi32, #tpu.memory_space<hbm>>) target(%arg11 : memref<2000xi32, #tpu.memory_space<vmem>>) target_semaphore(%arg17 : memref<!tpu.dma_semaphore, #tpu.memory_space<semaphore_mem>>)
    %dma_wait3A_174 = tpu.memref_slice %arg3[%add3A_156] : memref<1600000xi32, #tpu.memory_space<hbm>> -> memref<2000xi32, #tpu.memory_space<hbm>>
    %dma_wait3A_175 = tpu.memref_slice %arg3[%add3A_156] : memref<1600000xi32, #tpu.memory_space<hbm>> -> memref<2000xi32, #tpu.memory_space<hbm>>
    tpu.wait_dma2 semaphore(%arg14 : memref<!tpu.dma_semaphore, #tpu.memory_space<semaphore_mem>>) src(%dma_wait3A_175 : memref<2000xi32, #tpu.memory_space<hbm>>) dst(%arg8 : memref<2000xi32, #tpu.memory_space<vmem>>)
    %dma_wait3A_176 = tpu.memref_slice %arg4[%add3A_156] : memref<1600000xi32, #tpu.memory_space<hbm>> -> memref<2000xi32, #tpu.memory_space<hbm>>
    %dma_wait3A_177 = tpu.memref_slice %arg4[%add3A_156] : memref<1600000xi32, #tpu.memory_space<hbm>> -> memref<2000xi32, #tpu.memory_space<hbm>>
    tpu.wait_dma2 semaphore(%arg16 : memref<!tpu.dma_semaphore, #tpu.memory_space<semaphore_mem>>) src(%dma_wait3A_177 : memref<2000xi32, #tpu.memory_space<hbm>>) dst(%arg10 : memref<2000xi32, #tpu.memory_space<vmem>>)
    %parallel_loop3A_178 = arith.constant 0 : i32
    %parallel_loop3A_179 = arith.constant 125 : i32
    %parallel_loop3A_180 = arith.constant 1 : i32
    scf.for %parallel_loop3A_331 = %parallel_loop3A_178 to %parallel_loop3A_179 step %parallel_loop3A_180  : i32 {
      %parallel_loop3A_332 = arith.constant 16 : i32
      %parallel_loop3A_333 = arith.muli %parallel_loop3A_331, %parallel_loop3A_332 : i32
      %parallel_loop3A_334 = arith.index_cast %parallel_loop3A_333 : i32 to index
      %parallel_loop3A_335 = tpu.vector_load %arg8[%parallel_loop3A_334] {strides = array<i32>} : memref<2000xi32, #tpu.memory_space<vmem>>, vector<16xi32>,
      %parallel_loop3A_336 = arith.constant 16 : i32
      %parallel_loop3A_337 = arith.muli %parallel_loop3A_331, %parallel_loop3A_336 : i32
      %parallel_loop3A_338 = arith.index_cast %parallel_loop3A_337 : i32 to index
      %parallel_loop3A_339 = tpu.vector_load %arg10[%parallel_loop3A_338] {strides = array<i32>} : memref<2000xi32, #tpu.memory_space<vmem>>, vector<16xi32>,
      %parallel_loop3A_340 = tpu.vector_load_idx %arg6[%parallel_loop3A_335] : memref<102400xf32, #tpu.memory_space<vmem>>[vector<16xi32>], vector<16xf32>,
      %parallel_loop3A_341 = arith.constant 7 : i32
      %parallel_loop3A_342 = vector.broadcast %parallel_loop3A_341 : i32 to vector<16xi32>
      %parallel_loop3A_343 = arith.shrui %parallel_loop3A_339, %parallel_loop3A_342 : vector<16xi32>
      %parallel_loop3A_344 = arith.constant 127 : i32
      %parallel_loop3A_345 = vector.broadcast %parallel_loop3A_344 : i32 to vector<16xi32>
      %parallel_loop3A_346 = arith.andi %parallel_loop3A_339, %parallel_loop3A_345 : vector<16xi32>
      tpu.vector_store_idx %arg7[%parallel_loop3A_343, %parallel_loop3A_346], %parallel_loop3A_340 {add = true} : memref<80x128xf32, #tpu.memory_space<vmem>>[vector<16xi32>, vector<16xi32>], vector<16xf32>,
    } {sc.loop_unroll_factor = 5 : i64, sc.parallel_access}
    %add3A_181 = arith.constant 28000 : i32
    %add3A_182 = arith.addi %mul3A_2, %add3A_181 : i32
    %dma_start3A_183 = tpu.memref_slice %arg3[%add3A_182] : memref<1600000xi32, #tpu.memory_space<hbm>> -> memref<2000xi32, #tpu.memory_space<hbm>>
    %dma_start3A_184 = tpu.memref_slice %arg3[%add3A_182] : memref<1600000xi32, #tpu.memory_space<hbm>> -> memref<2000xi32, #tpu.memory_space<hbm>>
    tpu.enqueue_dma source(%dma_start3A_184 : memref<2000xi32, #tpu.memory_space<hbm>>) target(%arg8 : memref<2000xi32, #tpu.memory_space<vmem>>) target_semaphore(%arg14 : memref<!tpu.dma_semaphore, #tpu.memory_space<semaphore_mem>>)
    %dma_start3A_185 = tpu.memref_slice %arg4[%add3A_182] : memref<1600000xi32, #tpu.memory_space<hbm>> -> memref<2000xi32, #tpu.memory_space<hbm>>
    %dma_start3A_186 = tpu.memref_slice %arg4[%add3A_182] : memref<1600000xi32, #tpu.memory_space<hbm>> -> memref<2000xi32, #tpu.memory_space<hbm>>
    tpu.enqueue_dma source(%dma_start3A_186 : memref<2000xi32, #tpu.memory_space<hbm>>) target(%arg10 : memref<2000xi32, #tpu.memory_space<vmem>>) target_semaphore(%arg16 : memref<!tpu.dma_semaphore, #tpu.memory_space<semaphore_mem>>)
    %dma_wait3A_187 = tpu.memref_slice %arg3[%add3A_169] : memref<1600000xi32, #tpu.memory_space<hbm>> -> memref<2000xi32, #tpu.memory_space<hbm>>
    %dma_wait3A_188 = tpu.memref_slice %arg3[%add3A_169] : memref<1600000xi32, #tpu.memory_space<hbm>> -> memref<2000xi32, #tpu.memory_space<hbm>>
    tpu.wait_dma2 semaphore(%arg15 : memref<!tpu.dma_semaphore, #tpu.memory_space<semaphore_mem>>) src(%dma_wait3A_188 : memref<2000xi32, #tpu.memory_space<hbm>>) dst(%arg9 : memref<2000xi32, #tpu.memory_space<vmem>>)
    %dma_wait3A_189 = tpu.memref_slice %arg4[%add3A_169] : memref<1600000xi32, #tpu.memory_space<hbm>> -> memref<2000xi32, #tpu.memory_space<hbm>>
    %dma_wait3A_190 = tpu.memref_slice %arg4[%add3A_169] : memref<1600000xi32, #tpu.memory_space<hbm>> -> memref<2000xi32, #tpu.memory_space<hbm>>
    tpu.wait_dma2 semaphore(%arg17 : memref<!tpu.dma_semaphore, #tpu.memory_space<semaphore_mem>>) src(%dma_wait3A_190 : memref<2000xi32, #tpu.memory_space<hbm>>) dst(%arg11 : memref<2000xi32, #tpu.memory_space<vmem>>)
    %parallel_loop3A_191 = arith.constant 0 : i32
    %parallel_loop3A_192 = arith.constant 125 : i32
    %parallel_loop3A_193 = arith.constant 1 : i32
    scf.for %parallel_loop3A_331 = %parallel_loop3A_191 to %parallel_loop3A_192 step %parallel_loop3A_193  : i32 {
      %parallel_loop3A_332 = arith.constant 16 : i32
      %parallel_loop3A_333 = arith.muli %parallel_loop3A_331, %parallel_loop3A_332 : i32
      %parallel_loop3A_334 = arith.index_cast %parallel_loop3A_333 : i32 to index
      %parallel_loop3A_335 = tpu.vector_load %arg9[%parallel_loop3A_334] {strides = array<i32>} : memref<2000xi32, #tpu.memory_space<vmem>>, vector<16xi32>,
      %parallel_loop3A_336 = arith.constant 16 : i32
      %parallel_loop3A_337 = arith.muli %parallel_loop3A_331, %parallel_loop3A_336 : i32
      %parallel_loop3A_338 = arith.index_cast %parallel_loop3A_337 : i32 to index
      %parallel_loop3A_339 = tpu.vector_load %arg11[%parallel_loop3A_338] {strides = array<i32>} : memref<2000xi32, #tpu.memory_space<vmem>>, vector<16xi32>,
      %parallel_loop3A_340 = tpu.vector_load_idx %arg6[%parallel_loop3A_335] : memref<102400xf32, #tpu.memory_space<vmem>>[vector<16xi32>], vector<16xf32>,
      %parallel_loop3A_341 = arith.constant 7 : i32
      %parallel_loop3A_342 = vector.broadcast %parallel_loop3A_341 : i32 to vector<16xi32>
      %parallel_loop3A_343 = arith.shrui %parallel_loop3A_339, %parallel_loop3A_342 : vector<16xi32>
      %parallel_loop3A_344 = arith.constant 127 : i32
      %parallel_loop3A_345 = vector.broadcast %parallel_loop3A_344 : i32 to vector<16xi32>
      %parallel_loop3A_346 = arith.andi %parallel_loop3A_339, %parallel_loop3A_345 : vector<16xi32>
      tpu.vector_store_idx %arg7[%parallel_loop3A_343, %parallel_loop3A_346], %parallel_loop3A_340 {add = true} : memref<80x128xf32, #tpu.memory_space<vmem>>[vector<16xi32>, vector<16xi32>], vector<16xf32>,
    } {sc.loop_unroll_factor = 5 : i64, sc.parallel_access}
    %add3A_194 = arith.constant 30000 : i32
    %add3A_195 = arith.addi %mul3A_2, %add3A_194 : i32
    %dma_start3A_196 = tpu.memref_slice %arg3[%add3A_195] : memref<1600000xi32, #tpu.memory_space<hbm>> -> memref<2000xi32, #tpu.memory_space<hbm>>
    %dma_start3A_197 = tpu.memref_slice %arg3[%add3A_195] : memref<1600000xi32, #tpu.memory_space<hbm>> -> memref<2000xi32, #tpu.memory_space<hbm>>
    tpu.enqueue_dma source(%dma_start3A_197 : memref<2000xi32, #tpu.memory_space<hbm>>) target(%arg9 : memref<2000xi32, #tpu.memory_space<vmem>>) target_semaphore(%arg15 : memref<!tpu.dma_semaphore, #tpu.memory_space<semaphore_mem>>)
    %dma_start3A_198 = tpu.memref_slice %arg4[%add3A_195] : memref<1600000xi32, #tpu.memory_space<hbm>> -> memref<2000xi32, #tpu.memory_space<hbm>>
    %dma_start3A_199 = tpu.memref_slice %arg4[%add3A_195] : memref<1600000xi32, #tpu.memory_space<hbm>> -> memref<2000xi32, #tpu.memory_space<hbm>>
    tpu.enqueue_dma source(%dma_start3A_199 : memref<2000xi32, #tpu.memory_space<hbm>>) target(%arg11 : memref<2000xi32, #tpu.memory_space<vmem>>) target_semaphore(%arg17 : memref<!tpu.dma_semaphore, #tpu.memory_space<semaphore_mem>>)
    %dma_wait3A_200 = tpu.memref_slice %arg3[%add3A_182] : memref<1600000xi32, #tpu.memory_space<hbm>> -> memref<2000xi32, #tpu.memory_space<hbm>>
    %dma_wait3A_201 = tpu.memref_slice %arg3[%add3A_182] : memref<1600000xi32, #tpu.memory_space<hbm>> -> memref<2000xi32, #tpu.memory_space<hbm>>
    tpu.wait_dma2 semaphore(%arg14 : memref<!tpu.dma_semaphore, #tpu.memory_space<semaphore_mem>>) src(%dma_wait3A_201 : memref<2000xi32, #tpu.memory_space<hbm>>) dst(%arg8 : memref<2000xi32, #tpu.memory_space<vmem>>)
    %dma_wait3A_202 = tpu.memref_slice %arg4[%add3A_182] : memref<1600000xi32, #tpu.memory_space<hbm>> -> memref<2000xi32, #tpu.memory_space<hbm>>
    %dma_wait3A_203 = tpu.memref_slice %arg4[%add3A_182] : memref<1600000xi32, #tpu.memory_space<hbm>> -> memref<2000xi32, #tpu.memory_space<hbm>>
    tpu.wait_dma2 semaphore(%arg16 : memref<!tpu.dma_semaphore, #tpu.memory_space<semaphore_mem>>) src(%dma_wait3A_203 : memref<2000xi32, #tpu.memory_space<hbm>>) dst(%arg10 : memref<2000xi32, #tpu.memory_space<vmem>>)
    %parallel_loop3A_204 = arith.constant 0 : i32
    %parallel_loop3A_205 = arith.constant 125 : i32
    %parallel_loop3A_206 = arith.constant 1 : i32
    scf.for %parallel_loop3A_331 = %parallel_loop3A_204 to %parallel_loop3A_205 step %parallel_loop3A_206  : i32 {
      %parallel_loop3A_332 = arith.constant 16 : i32
      %parallel_loop3A_333 = arith.muli %parallel_loop3A_331, %parallel_loop3A_332 : i32
      %parallel_loop3A_334 = arith.index_cast %parallel_loop3A_333 : i32 to index
      %parallel_loop3A_335 = tpu.vector_load %arg8[%parallel_loop3A_334] {strides = array<i32>} : memref<2000xi32, #tpu.memory_space<vmem>>, vector<16xi32>,
      %parallel_loop3A_336 = arith.constant 16 : i32
      %parallel_loop3A_337 = arith.muli %parallel_loop3A_331, %parallel_loop3A_336 : i32
      %parallel_loop3A_338 = arith.index_cast %parallel_loop3A_337 : i32 to index
      %parallel_loop3A_339 = tpu.vector_load %arg10[%parallel_loop3A_338] {strides = array<i32>} : memref<2000xi32, #tpu.memory_space<vmem>>, vector<16xi32>,
      %parallel_loop3A_340 = tpu.vector_load_idx %arg6[%parallel_loop3A_335] : memref<102400xf32, #tpu.memory_space<vmem>>[vector<16xi32>], vector<16xf32>,
      %parallel_loop3A_341 = arith.constant 7 : i32
      %parallel_loop3A_342 = vector.broadcast %parallel_loop3A_341 : i32 to vector<16xi32>
      %parallel_loop3A_343 = arith.shrui %parallel_loop3A_339, %parallel_loop3A_342 : vector<16xi32>
      %parallel_loop3A_344 = arith.constant 127 : i32
      %parallel_loop3A_345 = vector.broadcast %parallel_loop3A_344 : i32 to vector<16xi32>
      %parallel_loop3A_346 = arith.andi %parallel_loop3A_339, %parallel_loop3A_345 : vector<16xi32>
      tpu.vector_store_idx %arg7[%parallel_loop3A_343, %parallel_loop3A_346], %parallel_loop3A_340 {add = true} : memref<80x128xf32, #tpu.memory_space<vmem>>[vector<16xi32>, vector<16xi32>], vector<16xf32>,
    } {sc.loop_unroll_factor = 5 : i64, sc.parallel_access}
    %add3A_207 = arith.constant 32000 : i32
    %add3A_208 = arith.addi %mul3A_2, %add3A_207 : i32
    %dma_start3A_209 = tpu.memref_slice %arg3[%add3A_208] : memref<1600000xi32, #tpu.memory_space<hbm>> -> memref<2000xi32, #tpu.memory_space<hbm>>
    %dma_start3A_210 = tpu.memref_slice %arg3[%add3A_208] : memref<1600000xi32, #tpu.memory_space<hbm>> -> memref<2000xi32, #tpu.memory_space<hbm>>
    tpu.enqueue_dma source(%dma_start3A_210 : memref<2000xi32, #tpu.memory_space<hbm>>) target(%arg8 : memref<2000xi32, #tpu.memory_space<vmem>>) target_semaphore(%arg14 : memref<!tpu.dma_semaphore, #tpu.memory_space<semaphore_mem>>)
    %dma_start3A_211 = tpu.memref_slice %arg4[%add3A_208] : memref<1600000xi32, #tpu.memory_space<hbm>> -> memref<2000xi32, #tpu.memory_space<hbm>>
    %dma_start3A_212 = tpu.memref_slice %arg4[%add3A_208] : memref<1600000xi32, #tpu.memory_space<hbm>> -> memref<2000xi32, #tpu.memory_space<hbm>>
    tpu.enqueue_dma source(%dma_start3A_212 : memref<2000xi32, #tpu.memory_space<hbm>>) target(%arg10 : memref<2000xi32, #tpu.memory_space<vmem>>) target_semaphore(%arg16 : memref<!tpu.dma_semaphore, #tpu.memory_space<semaphore_mem>>)
    %dma_wait3A_213 = tpu.memref_slice %arg3[%add3A_195] : memref<1600000xi32, #tpu.memory_space<hbm>> -> memref<2000xi32, #tpu.memory_space<hbm>>
    %dma_wait3A_214 = tpu.memref_slice %arg3[%add3A_195] : memref<1600000xi32, #tpu.memory_space<hbm>> -> memref<2000xi32, #tpu.memory_space<hbm>>
    tpu.wait_dma2 semaphore(%arg15 : memref<!tpu.dma_semaphore, #tpu.memory_space<semaphore_mem>>) src(%dma_wait3A_214 : memref<2000xi32, #tpu.memory_space<hbm>>) dst(%arg9 : memref<2000xi32, #tpu.memory_space<vmem>>)
    %dma_wait3A_215 = tpu.memref_slice %arg4[%add3A_195] : memref<1600000xi32, #tpu.memory_space<hbm>> -> memref<2000xi32, #tpu.memory_space<hbm>>
    %dma_wait3A_216 = tpu.memref_slice %arg4[%add3A_195] : memref<1600000xi32, #tpu.memory_space<hbm>> -> memref<2000xi32, #tpu.memory_space<hbm>>
    tpu.wait_dma2 semaphore(%arg17 : memref<!tpu.dma_semaphore, #tpu.memory_space<semaphore_mem>>) src(%dma_wait3A_216 : memref<2000xi32, #tpu.memory_space<hbm>>) dst(%arg11 : memref<2000xi32, #tpu.memory_space<vmem>>)
    %parallel_loop3A_217 = arith.constant 0 : i32
    %parallel_loop3A_218 = arith.constant 125 : i32
    %parallel_loop3A_219 = arith.constant 1 : i32
    scf.for %parallel_loop3A_331 = %parallel_loop3A_217 to %parallel_loop3A_218 step %parallel_loop3A_219  : i32 {
      %parallel_loop3A_332 = arith.constant 16 : i32
      %parallel_loop3A_333 = arith.muli %parallel_loop3A_331, %parallel_loop3A_332 : i32
      %parallel_loop3A_334 = arith.index_cast %parallel_loop3A_333 : i32 to index
      %parallel_loop3A_335 = tpu.vector_load %arg9[%parallel_loop3A_334] {strides = array<i32>} : memref<2000xi32, #tpu.memory_space<vmem>>, vector<16xi32>,
      %parallel_loop3A_336 = arith.constant 16 : i32
      %parallel_loop3A_337 = arith.muli %parallel_loop3A_331, %parallel_loop3A_336 : i32
      %parallel_loop3A_338 = arith.index_cast %parallel_loop3A_337 : i32 to index
      %parallel_loop3A_339 = tpu.vector_load %arg11[%parallel_loop3A_338] {strides = array<i32>} : memref<2000xi32, #tpu.memory_space<vmem>>, vector<16xi32>,
      %parallel_loop3A_340 = tpu.vector_load_idx %arg6[%parallel_loop3A_335] : memref<102400xf32, #tpu.memory_space<vmem>>[vector<16xi32>], vector<16xf32>,
      %parallel_loop3A_341 = arith.constant 7 : i32
      %parallel_loop3A_342 = vector.broadcast %parallel_loop3A_341 : i32 to vector<16xi32>
      %parallel_loop3A_343 = arith.shrui %parallel_loop3A_339, %parallel_loop3A_342 : vector<16xi32>
      %parallel_loop3A_344 = arith.constant 127 : i32
      %parallel_loop3A_345 = vector.broadcast %parallel_loop3A_344 : i32 to vector<16xi32>
      %parallel_loop3A_346 = arith.andi %parallel_loop3A_339, %parallel_loop3A_345 : vector<16xi32>
      tpu.vector_store_idx %arg7[%parallel_loop3A_343, %parallel_loop3A_346], %parallel_loop3A_340 {add = true} : memref<80x128xf32, #tpu.memory_space<vmem>>[vector<16xi32>, vector<16xi32>], vector<16xf32>,
    } {sc.loop_unroll_factor = 5 : i64, sc.parallel_access}
    %add3A_220 = arith.constant 34000 : i32
    %add3A_221 = arith.addi %mul3A_2, %add3A_220 : i32
    %dma_start3A_222 = tpu.memref_slice %arg3[%add3A_221] : memref<1600000xi32, #tpu.memory_space<hbm>> -> memref<2000xi32, #tpu.memory_space<hbm>>
    %dma_start3A_223 = tpu.memref_slice %arg3[%add3A_221] : memref<1600000xi32, #tpu.memory_space<hbm>> -> memref<2000xi32, #tpu.memory_space<hbm>>
    tpu.enqueue_dma source(%dma_start3A_223 : memref<2000xi32, #tpu.memory_space<hbm>>) target(%arg9 : memref<2000xi32, #tpu.memory_space<vmem>>) target_semaphore(%arg15 : memref<!tpu.dma_semaphore, #tpu.memory_space<semaphore_mem>>)
    %dma_start3A_224 = tpu.memref_slice %arg4[%add3A_221] : memref<1600000xi32, #tpu.memory_space<hbm>> -> memref<2000xi32, #tpu.memory_space<hbm>>
    %dma_start3A_225 = tpu.memref_slice %arg4[%add3A_221] : memref<1600000xi32, #tpu.memory_space<hbm>> -> memref<2000xi32, #tpu.memory_space<hbm>>
    tpu.enqueue_dma source(%dma_start3A_225 : memref<2000xi32, #tpu.memory_space<hbm>>) target(%arg11 : memref<2000xi32, #tpu.memory_space<vmem>>) target_semaphore(%arg17 : memref<!tpu.dma_semaphore, #tpu.memory_space<semaphore_mem>>)
    %dma_wait3A_226 = tpu.memref_slice %arg3[%add3A_208] : memref<1600000xi32, #tpu.memory_space<hbm>> -> memref<2000xi32, #tpu.memory_space<hbm>>
    %dma_wait3A_227 = tpu.memref_slice %arg3[%add3A_208] : memref<1600000xi32, #tpu.memory_space<hbm>> -> memref<2000xi32, #tpu.memory_space<hbm>>
    tpu.wait_dma2 semaphore(%arg14 : memref<!tpu.dma_semaphore, #tpu.memory_space<semaphore_mem>>) src(%dma_wait3A_227 : memref<2000xi32, #tpu.memory_space<hbm>>) dst(%arg8 : memref<2000xi32, #tpu.memory_space<vmem>>)
    %dma_wait3A_228 = tpu.memref_slice %arg4[%add3A_208] : memref<1600000xi32, #tpu.memory_space<hbm>> -> memref<2000xi32, #tpu.memory_space<hbm>>
    %dma_wait3A_229 = tpu.memref_slice %arg4[%add3A_208] : memref<1600000xi32, #tpu.memory_space<hbm>> -> memref<2000xi32, #tpu.memory_space<hbm>>
    tpu.wait_dma2 semaphore(%arg16 : memref<!tpu.dma_semaphore, #tpu.memory_space<semaphore_mem>>) src(%dma_wait3A_229 : memref<2000xi32, #tpu.memory_space<hbm>>) dst(%arg10 : memref<2000xi32, #tpu.memory_space<vmem>>)
    %parallel_loop3A_230 = arith.constant 0 : i32
    %parallel_loop3A_231 = arith.constant 125 : i32
    %parallel_loop3A_232 = arith.constant 1 : i32
    scf.for %parallel_loop3A_331 = %parallel_loop3A_230 to %parallel_loop3A_231 step %parallel_loop3A_232  : i32 {
      %parallel_loop3A_332 = arith.constant 16 : i32
      %parallel_loop3A_333 = arith.muli %parallel_loop3A_331, %parallel_loop3A_332 : i32
      %parallel_loop3A_334 = arith.index_cast %parallel_loop3A_333 : i32 to index
      %parallel_loop3A_335 = tpu.vector_load %arg8[%parallel_loop3A_334] {strides = array<i32>} : memref<2000xi32, #tpu.memory_space<vmem>>, vector<16xi32>,
      %parallel_loop3A_336 = arith.constant 16 : i32
      %parallel_loop3A_337 = arith.muli %parallel_loop3A_331, %parallel_loop3A_336 : i32
      %parallel_loop3A_338 = arith.index_cast %parallel_loop3A_337 : i32 to index
      %parallel_loop3A_339 = tpu.vector_load %arg10[%parallel_loop3A_338] {strides = array<i32>} : memref<2000xi32, #tpu.memory_space<vmem>>, vector<16xi32>,
      %parallel_loop3A_340 = tpu.vector_load_idx %arg6[%parallel_loop3A_335] : memref<102400xf32, #tpu.memory_space<vmem>>[vector<16xi32>], vector<16xf32>,
      %parallel_loop3A_341 = arith.constant 7 : i32
      %parallel_loop3A_342 = vector.broadcast %parallel_loop3A_341 : i32 to vector<16xi32>
      %parallel_loop3A_343 = arith.shrui %parallel_loop3A_339, %parallel_loop3A_342 : vector<16xi32>
      %parallel_loop3A_344 = arith.constant 127 : i32
      %parallel_loop3A_345 = vector.broadcast %parallel_loop3A_344 : i32 to vector<16xi32>
      %parallel_loop3A_346 = arith.andi %parallel_loop3A_339, %parallel_loop3A_345 : vector<16xi32>
      tpu.vector_store_idx %arg7[%parallel_loop3A_343, %parallel_loop3A_346], %parallel_loop3A_340 {add = true} : memref<80x128xf32, #tpu.memory_space<vmem>>[vector<16xi32>, vector<16xi32>], vector<16xf32>,
    } {sc.loop_unroll_factor = 5 : i64, sc.parallel_access}
    %add3A_233 = arith.constant 36000 : i32
    %add3A_234 = arith.addi %mul3A_2, %add3A_233 : i32
    %dma_start3A_235 = tpu.memref_slice %arg3[%add3A_234] : memref<1600000xi32, #tpu.memory_space<hbm>> -> memref<2000xi32, #tpu.memory_space<hbm>>
    %dma_start3A_236 = tpu.memref_slice %arg3[%add3A_234] : memref<1600000xi32, #tpu.memory_space<hbm>> -> memref<2000xi32, #tpu.memory_space<hbm>>
    tpu.enqueue_dma source(%dma_start3A_236 : memref<2000xi32, #tpu.memory_space<hbm>>) target(%arg8 : memref<2000xi32, #tpu.memory_space<vmem>>) target_semaphore(%arg14 : memref<!tpu.dma_semaphore, #tpu.memory_space<semaphore_mem>>)
    %dma_start3A_237 = tpu.memref_slice %arg4[%add3A_234] : memref<1600000xi32, #tpu.memory_space<hbm>> -> memref<2000xi32, #tpu.memory_space<hbm>>
    %dma_start3A_238 = tpu.memref_slice %arg4[%add3A_234] : memref<1600000xi32, #tpu.memory_space<hbm>> -> memref<2000xi32, #tpu.memory_space<hbm>>
    tpu.enqueue_dma source(%dma_start3A_238 : memref<2000xi32, #tpu.memory_space<hbm>>) target(%arg10 : memref<2000xi32, #tpu.memory_space<vmem>>) target_semaphore(%arg16 : memref<!tpu.dma_semaphore, #tpu.memory_space<semaphore_mem>>)
    %dma_wait3A_239 = tpu.memref_slice %arg3[%add3A_221] : memref<1600000xi32, #tpu.memory_space<hbm>> -> memref<2000xi32, #tpu.memory_space<hbm>>
    %dma_wait3A_240 = tpu.memref_slice %arg3[%add3A_221] : memref<1600000xi32, #tpu.memory_space<hbm>> -> memref<2000xi32, #tpu.memory_space<hbm>>
    tpu.wait_dma2 semaphore(%arg15 : memref<!tpu.dma_semaphore, #tpu.memory_space<semaphore_mem>>) src(%dma_wait3A_240 : memref<2000xi32, #tpu.memory_space<hbm>>) dst(%arg9 : memref<2000xi32, #tpu.memory_space<vmem>>)
    %dma_wait3A_241 = tpu.memref_slice %arg4[%add3A_221] : memref<1600000xi32, #tpu.memory_space<hbm>> -> memref<2000xi32, #tpu.memory_space<hbm>>
    %dma_wait3A_242 = tpu.memref_slice %arg4[%add3A_221] : memref<1600000xi32, #tpu.memory_space<hbm>> -> memref<2000xi32, #tpu.memory_space<hbm>>
    tpu.wait_dma2 semaphore(%arg17 : memref<!tpu.dma_semaphore, #tpu.memory_space<semaphore_mem>>) src(%dma_wait3A_242 : memref<2000xi32, #tpu.memory_space<hbm>>) dst(%arg11 : memref<2000xi32, #tpu.memory_space<vmem>>)
    %parallel_loop3A_243 = arith.constant 0 : i32
    %parallel_loop3A_244 = arith.constant 125 : i32
    %parallel_loop3A_245 = arith.constant 1 : i32
    scf.for %parallel_loop3A_331 = %parallel_loop3A_243 to %parallel_loop3A_244 step %parallel_loop3A_245  : i32 {
      %parallel_loop3A_332 = arith.constant 16 : i32
      %parallel_loop3A_333 = arith.muli %parallel_loop3A_331, %parallel_loop3A_332 : i32
      %parallel_loop3A_334 = arith.index_cast %parallel_loop3A_333 : i32 to index
      %parallel_loop3A_335 = tpu.vector_load %arg9[%parallel_loop3A_334] {strides = array<i32>} : memref<2000xi32, #tpu.memory_space<vmem>>, vector<16xi32>,
      %parallel_loop3A_336 = arith.constant 16 : i32
      %parallel_loop3A_337 = arith.muli %parallel_loop3A_331, %parallel_loop3A_336 : i32
      %parallel_loop3A_338 = arith.index_cast %parallel_loop3A_337 : i32 to index
      %parallel_loop3A_339 = tpu.vector_load %arg11[%parallel_loop3A_338] {strides = array<i32>} : memref<2000xi32, #tpu.memory_space<vmem>>, vector<16xi32>,
      %parallel_loop3A_340 = tpu.vector_load_idx %arg6[%parallel_loop3A_335] : memref<102400xf32, #tpu.memory_space<vmem>>[vector<16xi32>], vector<16xf32>,
      %parallel_loop3A_341 = arith.constant 7 : i32
      %parallel_loop3A_342 = vector.broadcast %parallel_loop3A_341 : i32 to vector<16xi32>
      %parallel_loop3A_343 = arith.shrui %parallel_loop3A_339, %parallel_loop3A_342 : vector<16xi32>
      %parallel_loop3A_344 = arith.constant 127 : i32
      %parallel_loop3A_345 = vector.broadcast %parallel_loop3A_344 : i32 to vector<16xi32>
      %parallel_loop3A_346 = arith.andi %parallel_loop3A_339, %parallel_loop3A_345 : vector<16xi32>
      tpu.vector_store_idx %arg7[%parallel_loop3A_343, %parallel_loop3A_346], %parallel_loop3A_340 {add = true} : memref<80x128xf32, #tpu.memory_space<vmem>>[vector<16xi32>, vector<16xi32>], vector<16xf32>,
    } {sc.loop_unroll_factor = 5 : i64, sc.parallel_access}
    %add3A_246 = arith.constant 38000 : i32
    %add3A_247 = arith.addi %mul3A_2, %add3A_246 : i32
    %dma_start3A_248 = tpu.memref_slice %arg3[%add3A_247] : memref<1600000xi32, #tpu.memory_space<hbm>> -> memref<2000xi32, #tpu.memory_space<hbm>>
    %dma_start3A_249 = tpu.memref_slice %arg3[%add3A_247] : memref<1600000xi32, #tpu.memory_space<hbm>> -> memref<2000xi32, #tpu.memory_space<hbm>>
    tpu.enqueue_dma source(%dma_start3A_249 : memref<2000xi32, #tpu.memory_space<hbm>>) target(%arg9 : memref<2000xi32, #tpu.memory_space<vmem>>) target_semaphore(%arg15 : memref<!tpu.dma_semaphore, #tpu.memory_space<semaphore_mem>>)
    %dma_start3A_250 = tpu.memref_slice %arg4[%add3A_247] : memref<1600000xi32, #tpu.memory_space<hbm>> -> memref<2000xi32, #tpu.memory_space<hbm>>
    %dma_start3A_251 = tpu.memref_slice %arg4[%add3A_247] : memref<1600000xi32, #tpu.memory_space<hbm>> -> memref<2000xi32, #tpu.memory_space<hbm>>
    tpu.enqueue_dma source(%dma_start3A_251 : memref<2000xi32, #tpu.memory_space<hbm>>) target(%arg11 : memref<2000xi32, #tpu.memory_space<vmem>>) target_semaphore(%arg17 : memref<!tpu.dma_semaphore, #tpu.memory_space<semaphore_mem>>)
    %dma_wait3A_252 = tpu.memref_slice %arg3[%add3A_234] : memref<1600000xi32, #tpu.memory_space<hbm>> -> memref<2000xi32, #tpu.memory_space<hbm>>
    %dma_wait3A_253 = tpu.memref_slice %arg3[%add3A_234] : memref<1600000xi32, #tpu.memory_space<hbm>> -> memref<2000xi32, #tpu.memory_space<hbm>>
    tpu.wait_dma2 semaphore(%arg14 : memref<!tpu.dma_semaphore, #tpu.memory_space<semaphore_mem>>) src(%dma_wait3A_253 : memref<2000xi32, #tpu.memory_space<hbm>>) dst(%arg8 : memref<2000xi32, #tpu.memory_space<vmem>>)
    %dma_wait3A_254 = tpu.memref_slice %arg4[%add3A_234] : memref<1600000xi32, #tpu.memory_space<hbm>> -> memref<2000xi32, #tpu.memory_space<hbm>>
    %dma_wait3A_255 = tpu.memref_slice %arg4[%add3A_234] : memref<1600000xi32, #tpu.memory_space<hbm>> -> memref<2000xi32, #tpu.memory_space<hbm>>
    tpu.wait_dma2 semaphore(%arg16 : memref<!tpu.dma_semaphore, #tpu.memory_space<semaphore_mem>>) src(%dma_wait3A_255 : memref<2000xi32, #tpu.memory_space<hbm>>) dst(%arg10 : memref<2000xi32, #tpu.memory_space<vmem>>)
    %parallel_loop3A_256 = arith.constant 0 : i32
    %parallel_loop3A_257 = arith.constant 125 : i32
    %parallel_loop3A_258 = arith.constant 1 : i32
    scf.for %parallel_loop3A_331 = %parallel_loop3A_256 to %parallel_loop3A_257 step %parallel_loop3A_258  : i32 {
      %parallel_loop3A_332 = arith.constant 16 : i32
      %parallel_loop3A_333 = arith.muli %parallel_loop3A_331, %parallel_loop3A_332 : i32
      %parallel_loop3A_334 = arith.index_cast %parallel_loop3A_333 : i32 to index
      %parallel_loop3A_335 = tpu.vector_load %arg8[%parallel_loop3A_334] {strides = array<i32>} : memref<2000xi32, #tpu.memory_space<vmem>>, vector<16xi32>,
      %parallel_loop3A_336 = arith.constant 16 : i32
      %parallel_loop3A_337 = arith.muli %parallel_loop3A_331, %parallel_loop3A_336 : i32
      %parallel_loop3A_338 = arith.index_cast %parallel_loop3A_337 : i32 to index
      %parallel_loop3A_339 = tpu.vector_load %arg10[%parallel_loop3A_338] {strides = array<i32>} : memref<2000xi32, #tpu.memory_space<vmem>>, vector<16xi32>,
      %parallel_loop3A_340 = tpu.vector_load_idx %arg6[%parallel_loop3A_335] : memref<102400xf32, #tpu.memory_space<vmem>>[vector<16xi32>], vector<16xf32>,
      %parallel_loop3A_341 = arith.constant 7 : i32
      %parallel_loop3A_342 = vector.broadcast %parallel_loop3A_341 : i32 to vector<16xi32>
      %parallel_loop3A_343 = arith.shrui %parallel_loop3A_339, %parallel_loop3A_342 : vector<16xi32>
      %parallel_loop3A_344 = arith.constant 127 : i32
      %parallel_loop3A_345 = vector.broadcast %parallel_loop3A_344 : i32 to vector<16xi32>
      %parallel_loop3A_346 = arith.andi %parallel_loop3A_339, %parallel_loop3A_345 : vector<16xi32>
      tpu.vector_store_idx %arg7[%parallel_loop3A_343, %parallel_loop3A_346], %parallel_loop3A_340 {add = true} : memref<80x128xf32, #tpu.memory_space<vmem>>[vector<16xi32>, vector<16xi32>], vector<16xf32>,
    } {sc.loop_unroll_factor = 5 : i64, sc.parallel_access}
    %add3A_259 = arith.constant 40000 : i32
    %add3A_260 = arith.addi %mul3A_2, %add3A_259 : i32
    %dma_start3A_261 = tpu.memref_slice %arg3[%add3A_260] : memref<1600000xi32, #tpu.memory_space<hbm>> -> memref<2000xi32, #tpu.memory_space<hbm>>
    %dma_start3A_262 = tpu.memref_slice %arg3[%add3A_260] : memref<1600000xi32, #tpu.memory_space<hbm>> -> memref<2000xi32, #tpu.memory_space<hbm>>
    tpu.enqueue_dma source(%dma_start3A_262 : memref<2000xi32, #tpu.memory_space<hbm>>) target(%arg8 : memref<2000xi32, #tpu.memory_space<vmem>>) target_semaphore(%arg14 : memref<!tpu.dma_semaphore, #tpu.memory_space<semaphore_mem>>)
    %dma_start3A_263 = tpu.memref_slice %arg4[%add3A_260] : memref<1600000xi32, #tpu.memory_space<hbm>> -> memref<2000xi32, #tpu.memory_space<hbm>>
    %dma_start3A_264 = tpu.memref_slice %arg4[%add3A_260] : memref<1600000xi32, #tpu.memory_space<hbm>> -> memref<2000xi32, #tpu.memory_space<hbm>>
    tpu.enqueue_dma source(%dma_start3A_264 : memref<2000xi32, #tpu.memory_space<hbm>>) target(%arg10 : memref<2000xi32, #tpu.memory_space<vmem>>) target_semaphore(%arg16 : memref<!tpu.dma_semaphore, #tpu.memory_space<semaphore_mem>>)
    %dma_wait3A_265 = tpu.memref_slice %arg3[%add3A_247] : memref<1600000xi32, #tpu.memory_space<hbm>> -> memref<2000xi32, #tpu.memory_space<hbm>>
    %dma_wait3A_266 = tpu.memref_slice %arg3[%add3A_247] : memref<1600000xi32, #tpu.memory_space<hbm>> -> memref<2000xi32, #tpu.memory_space<hbm>>
    tpu.wait_dma2 semaphore(%arg15 : memref<!tpu.dma_semaphore, #tpu.memory_space<semaphore_mem>>) src(%dma_wait3A_266 : memref<2000xi32, #tpu.memory_space<hbm>>) dst(%arg9 : memref<2000xi32, #tpu.memory_space<vmem>>)
    %dma_wait3A_267 = tpu.memref_slice %arg4[%add3A_247] : memref<1600000xi32, #tpu.memory_space<hbm>> -> memref<2000xi32, #tpu.memory_space<hbm>>
    %dma_wait3A_268 = tpu.memref_slice %arg4[%add3A_247] : memref<1600000xi32, #tpu.memory_space<hbm>> -> memref<2000xi32, #tpu.memory_space<hbm>>
    tpu.wait_dma2 semaphore(%arg17 : memref<!tpu.dma_semaphore, #tpu.memory_space<semaphore_mem>>) src(%dma_wait3A_268 : memref<2000xi32, #tpu.memory_space<hbm>>) dst(%arg11 : memref<2000xi32, #tpu.memory_space<vmem>>)
    %parallel_loop3A_269 = arith.constant 0 : i32
    %parallel_loop3A_270 = arith.constant 125 : i32
    %parallel_loop3A_271 = arith.constant 1 : i32
    scf.for %parallel_loop3A_331 = %parallel_loop3A_269 to %parallel_loop3A_270 step %parallel_loop3A_271  : i32 {
      %parallel_loop3A_332 = arith.constant 16 : i32
      %parallel_loop3A_333 = arith.muli %parallel_loop3A_331, %parallel_loop3A_332 : i32
      %parallel_loop3A_334 = arith.index_cast %parallel_loop3A_333 : i32 to index
      %parallel_loop3A_335 = tpu.vector_load %arg9[%parallel_loop3A_334] {strides = array<i32>} : memref<2000xi32, #tpu.memory_space<vmem>>, vector<16xi32>,
      %parallel_loop3A_336 = arith.constant 16 : i32
      %parallel_loop3A_337 = arith.muli %parallel_loop3A_331, %parallel_loop3A_336 : i32
      %parallel_loop3A_338 = arith.index_cast %parallel_loop3A_337 : i32 to index
      %parallel_loop3A_339 = tpu.vector_load %arg11[%parallel_loop3A_338] {strides = array<i32>} : memref<2000xi32, #tpu.memory_space<vmem>>, vector<16xi32>,
      %parallel_loop3A_340 = tpu.vector_load_idx %arg6[%parallel_loop3A_335] : memref<102400xf32, #tpu.memory_space<vmem>>[vector<16xi32>], vector<16xf32>,
      %parallel_loop3A_341 = arith.constant 7 : i32
      %parallel_loop3A_342 = vector.broadcast %parallel_loop3A_341 : i32 to vector<16xi32>
      %parallel_loop3A_343 = arith.shrui %parallel_loop3A_339, %parallel_loop3A_342 : vector<16xi32>
      %parallel_loop3A_344 = arith.constant 127 : i32
      %parallel_loop3A_345 = vector.broadcast %parallel_loop3A_344 : i32 to vector<16xi32>
      %parallel_loop3A_346 = arith.andi %parallel_loop3A_339, %parallel_loop3A_345 : vector<16xi32>
      tpu.vector_store_idx %arg7[%parallel_loop3A_343, %parallel_loop3A_346], %parallel_loop3A_340 {add = true} : memref<80x128xf32, #tpu.memory_space<vmem>>[vector<16xi32>, vector<16xi32>], vector<16xf32>,
    } {sc.loop_unroll_factor = 5 : i64, sc.parallel_access}
    %add3A_272 = arith.constant 42000 : i32
    %add3A_273 = arith.addi %mul3A_2, %add3A_272 : i32
    %dma_start3A_274 = tpu.memref_slice %arg3[%add3A_273] : memref<1600000xi32, #tpu.memory_space<hbm>> -> memref<2000xi32, #tpu.memory_space<hbm>>
    %dma_start3A_275 = tpu.memref_slice %arg3[%add3A_273] : memref<1600000xi32, #tpu.memory_space<hbm>> -> memref<2000xi32, #tpu.memory_space<hbm>>
    tpu.enqueue_dma source(%dma_start3A_275 : memref<2000xi32, #tpu.memory_space<hbm>>) target(%arg9 : memref<2000xi32, #tpu.memory_space<vmem>>) target_semaphore(%arg15 : memref<!tpu.dma_semaphore, #tpu.memory_space<semaphore_mem>>)
    %dma_start3A_276 = tpu.memref_slice %arg4[%add3A_273] : memref<1600000xi32, #tpu.memory_space<hbm>> -> memref<2000xi32, #tpu.memory_space<hbm>>
    %dma_start3A_277 = tpu.memref_slice %arg4[%add3A_273] : memref<1600000xi32, #tpu.memory_space<hbm>> -> memref<2000xi32, #tpu.memory_space<hbm>>
    tpu.enqueue_dma source(%dma_start3A_277 : memref<2000xi32, #tpu.memory_space<hbm>>) target(%arg11 : memref<2000xi32, #tpu.memory_space<vmem>>) target_semaphore(%arg17 : memref<!tpu.dma_semaphore, #tpu.memory_space<semaphore_mem>>)
    %dma_wait3A_278 = tpu.memref_slice %arg3[%add3A_260] : memref<1600000xi32, #tpu.memory_space<hbm>> -> memref<2000xi32, #tpu.memory_space<hbm>>
    %dma_wait3A_279 = tpu.memref_slice %arg3[%add3A_260] : memref<1600000xi32, #tpu.memory_space<hbm>> -> memref<2000xi32, #tpu.memory_space<hbm>>
    tpu.wait_dma2 semaphore(%arg14 : memref<!tpu.dma_semaphore, #tpu.memory_space<semaphore_mem>>) src(%dma_wait3A_279 : memref<2000xi32, #tpu.memory_space<hbm>>) dst(%arg8 : memref<2000xi32, #tpu.memory_space<vmem>>)
    %dma_wait3A_280 = tpu.memref_slice %arg4[%add3A_260] : memref<1600000xi32, #tpu.memory_space<hbm>> -> memref<2000xi32, #tpu.memory_space<hbm>>
    %dma_wait3A_281 = tpu.memref_slice %arg4[%add3A_260] : memref<1600000xi32, #tpu.memory_space<hbm>> -> memref<2000xi32, #tpu.memory_space<hbm>>
    tpu.wait_dma2 semaphore(%arg16 : memref<!tpu.dma_semaphore, #tpu.memory_space<semaphore_mem>>) src(%dma_wait3A_281 : memref<2000xi32, #tpu.memory_space<hbm>>) dst(%arg10 : memref<2000xi32, #tpu.memory_space<vmem>>)
    %parallel_loop3A_282 = arith.constant 0 : i32
    %parallel_loop3A_283 = arith.constant 125 : i32
    %parallel_loop3A_284 = arith.constant 1 : i32
    scf.for %parallel_loop3A_331 = %parallel_loop3A_282 to %parallel_loop3A_283 step %parallel_loop3A_284  : i32 {
      %parallel_loop3A_332 = arith.constant 16 : i32
      %parallel_loop3A_333 = arith.muli %parallel_loop3A_331, %parallel_loop3A_332 : i32
      %parallel_loop3A_334 = arith.index_cast %parallel_loop3A_333 : i32 to index
      %parallel_loop3A_335 = tpu.vector_load %arg8[%parallel_loop3A_334] {strides = array<i32>} : memref<2000xi32, #tpu.memory_space<vmem>>, vector<16xi32>,
      %parallel_loop3A_336 = arith.constant 16 : i32
      %parallel_loop3A_337 = arith.muli %parallel_loop3A_331, %parallel_loop3A_336 : i32
      %parallel_loop3A_338 = arith.index_cast %parallel_loop3A_337 : i32 to index
      %parallel_loop3A_339 = tpu.vector_load %arg10[%parallel_loop3A_338] {strides = array<i32>} : memref<2000xi32, #tpu.memory_space<vmem>>, vector<16xi32>,
      %parallel_loop3A_340 = tpu.vector_load_idx %arg6[%parallel_loop3A_335] : memref<102400xf32, #tpu.memory_space<vmem>>[vector<16xi32>], vector<16xf32>,
      %parallel_loop3A_341 = arith.constant 7 : i32
      %parallel_loop3A_342 = vector.broadcast %parallel_loop3A_341 : i32 to vector<16xi32>
      %parallel_loop3A_343 = arith.shrui %parallel_loop3A_339, %parallel_loop3A_342 : vector<16xi32>
      %parallel_loop3A_344 = arith.constant 127 : i32
      %parallel_loop3A_345 = vector.broadcast %parallel_loop3A_344 : i32 to vector<16xi32>
      %parallel_loop3A_346 = arith.andi %parallel_loop3A_339, %parallel_loop3A_345 : vector<16xi32>
      tpu.vector_store_idx %arg7[%parallel_loop3A_343, %parallel_loop3A_346], %parallel_loop3A_340 {add = true} : memref<80x128xf32, #tpu.memory_space<vmem>>[vector<16xi32>, vector<16xi32>], vector<16xf32>,
    } {sc.loop_unroll_factor = 5 : i64, sc.parallel_access}
    %add3A_285 = arith.constant 44000 : i32
    %add3A_286 = arith.addi %mul3A_2, %add3A_285 : i32
    %dma_start3A_287 = tpu.memref_slice %arg3[%add3A_286] : memref<1600000xi32, #tpu.memory_space<hbm>> -> memref<2000xi32, #tpu.memory_space<hbm>>
    %dma_start3A_288 = tpu.memref_slice %arg3[%add3A_286] : memref<1600000xi32, #tpu.memory_space<hbm>> -> memref<2000xi32, #tpu.memory_space<hbm>>
    tpu.enqueue_dma source(%dma_start3A_288 : memref<2000xi32, #tpu.memory_space<hbm>>) target(%arg8 : memref<2000xi32, #tpu.memory_space<vmem>>) target_semaphore(%arg14 : memref<!tpu.dma_semaphore, #tpu.memory_space<semaphore_mem>>)
    %dma_start3A_289 = tpu.memref_slice %arg4[%add3A_286] : memref<1600000xi32, #tpu.memory_space<hbm>> -> memref<2000xi32, #tpu.memory_space<hbm>>
    %dma_start3A_290 = tpu.memref_slice %arg4[%add3A_286] : memref<1600000xi32, #tpu.memory_space<hbm>> -> memref<2000xi32, #tpu.memory_space<hbm>>
    tpu.enqueue_dma source(%dma_start3A_290 : memref<2000xi32, #tpu.memory_space<hbm>>) target(%arg10 : memref<2000xi32, #tpu.memory_space<vmem>>) target_semaphore(%arg16 : memref<!tpu.dma_semaphore, #tpu.memory_space<semaphore_mem>>)
    %dma_wait3A_291 = tpu.memref_slice %arg3[%add3A_273] : memref<1600000xi32, #tpu.memory_space<hbm>> -> memref<2000xi32, #tpu.memory_space<hbm>>
    %dma_wait3A_292 = tpu.memref_slice %arg3[%add3A_273] : memref<1600000xi32, #tpu.memory_space<hbm>> -> memref<2000xi32, #tpu.memory_space<hbm>>
    tpu.wait_dma2 semaphore(%arg15 : memref<!tpu.dma_semaphore, #tpu.memory_space<semaphore_mem>>) src(%dma_wait3A_292 : memref<2000xi32, #tpu.memory_space<hbm>>) dst(%arg9 : memref<2000xi32, #tpu.memory_space<vmem>>)
    %dma_wait3A_293 = tpu.memref_slice %arg4[%add3A_273] : memref<1600000xi32, #tpu.memory_space<hbm>> -> memref<2000xi32, #tpu.memory_space<hbm>>
    %dma_wait3A_294 = tpu.memref_slice %arg4[%add3A_273] : memref<1600000xi32, #tpu.memory_space<hbm>> -> memref<2000xi32, #tpu.memory_space<hbm>>
    tpu.wait_dma2 semaphore(%arg17 : memref<!tpu.dma_semaphore, #tpu.memory_space<semaphore_mem>>) src(%dma_wait3A_294 : memref<2000xi32, #tpu.memory_space<hbm>>) dst(%arg11 : memref<2000xi32, #tpu.memory_space<vmem>>)
    %parallel_loop3A_295 = arith.constant 0 : i32
    %parallel_loop3A_296 = arith.constant 125 : i32
    %parallel_loop3A_297 = arith.constant 1 : i32
    scf.for %parallel_loop3A_331 = %parallel_loop3A_295 to %parallel_loop3A_296 step %parallel_loop3A_297  : i32 {
      %parallel_loop3A_332 = arith.constant 16 : i32
      %parallel_loop3A_333 = arith.muli %parallel_loop3A_331, %parallel_loop3A_332 : i32
      %parallel_loop3A_334 = arith.index_cast %parallel_loop3A_333 : i32 to index
      %parallel_loop3A_335 = tpu.vector_load %arg9[%parallel_loop3A_334] {strides = array<i32>} : memref<2000xi32, #tpu.memory_space<vmem>>, vector<16xi32>,
      %parallel_loop3A_336 = arith.constant 16 : i32
      %parallel_loop3A_337 = arith.muli %parallel_loop3A_331, %parallel_loop3A_336 : i32
      %parallel_loop3A_338 = arith.index_cast %parallel_loop3A_337 : i32 to index
      %parallel_loop3A_339 = tpu.vector_load %arg11[%parallel_loop3A_338] {strides = array<i32>} : memref<2000xi32, #tpu.memory_space<vmem>>, vector<16xi32>,
      %parallel_loop3A_340 = tpu.vector_load_idx %arg6[%parallel_loop3A_335] : memref<102400xf32, #tpu.memory_space<vmem>>[vector<16xi32>], vector<16xf32>,
      %parallel_loop3A_341 = arith.constant 7 : i32
      %parallel_loop3A_342 = vector.broadcast %parallel_loop3A_341 : i32 to vector<16xi32>
      %parallel_loop3A_343 = arith.shrui %parallel_loop3A_339, %parallel_loop3A_342 : vector<16xi32>
      %parallel_loop3A_344 = arith.constant 127 : i32
      %parallel_loop3A_345 = vector.broadcast %parallel_loop3A_344 : i32 to vector<16xi32>
      %parallel_loop3A_346 = arith.andi %parallel_loop3A_339, %parallel_loop3A_345 : vector<16xi32>
      tpu.vector_store_idx %arg7[%parallel_loop3A_343, %parallel_loop3A_346], %parallel_loop3A_340 {add = true} : memref<80x128xf32, #tpu.memory_space<vmem>>[vector<16xi32>, vector<16xi32>], vector<16xf32>,
    } {sc.loop_unroll_factor = 5 : i64, sc.parallel_access}
    %add3A_298 = arith.constant 46000 : i32
    %add3A_299 = arith.addi %mul3A_2, %add3A_298 : i32
    %dma_start3A_300 = tpu.memref_slice %arg3[%add3A_299] : memref<1600000xi32, #tpu.memory_space<hbm>> -> memref<2000xi32, #tpu.memory_space<hbm>>
    %dma_start3A_301 = tpu.memref_slice %arg3[%add3A_299] : memref<1600000xi32, #tpu.memory_space<hbm>> -> memref<2000xi32, #tpu.memory_space<hbm>>
    tpu.enqueue_dma source(%dma_start3A_301 : memref<2000xi32, #tpu.memory_space<hbm>>) target(%arg9 : memref<2000xi32, #tpu.memory_space<vmem>>) target_semaphore(%arg15 : memref<!tpu.dma_semaphore, #tpu.memory_space<semaphore_mem>>)
    %dma_start3A_302 = tpu.memref_slice %arg4[%add3A_299] : memref<1600000xi32, #tpu.memory_space<hbm>> -> memref<2000xi32, #tpu.memory_space<hbm>>
    %dma_start3A_303 = tpu.memref_slice %arg4[%add3A_299] : memref<1600000xi32, #tpu.memory_space<hbm>> -> memref<2000xi32, #tpu.memory_space<hbm>>
    tpu.enqueue_dma source(%dma_start3A_303 : memref<2000xi32, #tpu.memory_space<hbm>>) target(%arg11 : memref<2000xi32, #tpu.memory_space<vmem>>) target_semaphore(%arg17 : memref<!tpu.dma_semaphore, #tpu.memory_space<semaphore_mem>>)
    %dma_wait3A_304 = tpu.memref_slice %arg3[%add3A_286] : memref<1600000xi32, #tpu.memory_space<hbm>> -> memref<2000xi32, #tpu.memory_space<hbm>>
    %dma_wait3A_305 = tpu.memref_slice %arg3[%add3A_286] : memref<1600000xi32, #tpu.memory_space<hbm>> -> memref<2000xi32, #tpu.memory_space<hbm>>
    tpu.wait_dma2 semaphore(%arg14 : memref<!tpu.dma_semaphore, #tpu.memory_space<semaphore_mem>>) src(%dma_wait3A_305 : memref<2000xi32, #tpu.memory_space<hbm>>) dst(%arg8 : memref<2000xi32, #tpu.memory_space<vmem>>)
    %dma_wait3A_306 = tpu.memref_slice %arg4[%add3A_286] : memref<1600000xi32, #tpu.memory_space<hbm>> -> memref<2000xi32, #tpu.memory_space<hbm>>
    %dma_wait3A_307 = tpu.memref_slice %arg4[%add3A_286] : memref<1600000xi32, #tpu.memory_space<hbm>> -> memref<2000xi32, #tpu.memory_space<hbm>>
    tpu.wait_dma2 semaphore(%arg16 : memref<!tpu.dma_semaphore, #tpu.memory_space<semaphore_mem>>) src(%dma_wait3A_307 : memref<2000xi32, #tpu.memory_space<hbm>>) dst(%arg10 : memref<2000xi32, #tpu.memory_space<vmem>>)
    %parallel_loop3A_308 = arith.constant 0 : i32
    %parallel_loop3A_309 = arith.constant 125 : i32
    %parallel_loop3A_310 = arith.constant 1 : i32
    scf.for %parallel_loop3A_331 = %parallel_loop3A_308 to %parallel_loop3A_309 step %parallel_loop3A_310  : i32 {
      %parallel_loop3A_332 = arith.constant 16 : i32
      %parallel_loop3A_333 = arith.muli %parallel_loop3A_331, %parallel_loop3A_332 : i32
      %parallel_loop3A_334 = arith.index_cast %parallel_loop3A_333 : i32 to index
      %parallel_loop3A_335 = tpu.vector_load %arg8[%parallel_loop3A_334] {strides = array<i32>} : memref<2000xi32, #tpu.memory_space<vmem>>, vector<16xi32>,
      %parallel_loop3A_336 = arith.constant 16 : i32
      %parallel_loop3A_337 = arith.muli %parallel_loop3A_331, %parallel_loop3A_336 : i32
      %parallel_loop3A_338 = arith.index_cast %parallel_loop3A_337 : i32 to index
      %parallel_loop3A_339 = tpu.vector_load %arg10[%parallel_loop3A_338] {strides = array<i32>} : memref<2000xi32, #tpu.memory_space<vmem>>, vector<16xi32>,
      %parallel_loop3A_340 = tpu.vector_load_idx %arg6[%parallel_loop3A_335] : memref<102400xf32, #tpu.memory_space<vmem>>[vector<16xi32>], vector<16xf32>,
      %parallel_loop3A_341 = arith.constant 7 : i32
      %parallel_loop3A_342 = vector.broadcast %parallel_loop3A_341 : i32 to vector<16xi32>
      %parallel_loop3A_343 = arith.shrui %parallel_loop3A_339, %parallel_loop3A_342 : vector<16xi32>
      %parallel_loop3A_344 = arith.constant 127 : i32
      %parallel_loop3A_345 = vector.broadcast %parallel_loop3A_344 : i32 to vector<16xi32>
      %parallel_loop3A_346 = arith.andi %parallel_loop3A_339, %parallel_loop3A_345 : vector<16xi32>
      tpu.vector_store_idx %arg7[%parallel_loop3A_343, %parallel_loop3A_346], %parallel_loop3A_340 {add = true} : memref<80x128xf32, #tpu.memory_space<vmem>>[vector<16xi32>, vector<16xi32>], vector<16xf32>,
    } {sc.loop_unroll_factor = 5 : i64, sc.parallel_access}
    %add3A_311 = arith.constant 48000 : i32
    %add3A_312 = arith.addi %mul3A_2, %add3A_311 : i32
    %dma_start3A_313 = tpu.memref_slice %arg3[%add3A_312] : memref<1600000xi32, #tpu.memory_space<hbm>> -> memref<2000xi32, #tpu.memory_space<hbm>>
    %dma_start3A_314 = tpu.memref_slice %arg3[%add3A_312] : memref<1600000xi32, #tpu.memory_space<hbm>> -> memref<2000xi32, #tpu.memory_space<hbm>>
    tpu.enqueue_dma source(%dma_start3A_314 : memref<2000xi32, #tpu.memory_space<hbm>>) target(%arg8 : memref<2000xi32, #tpu.memory_space<vmem>>) target_semaphore(%arg14 : memref<!tpu.dma_semaphore, #tpu.memory_space<semaphore_mem>>)
    %dma_start3A_315 = tpu.memref_slice %arg4[%add3A_312] : memref<1600000xi32, #tpu.memory_space<hbm>> -> memref<2000xi32, #tpu.memory_space<hbm>>
    %dma_start3A_316 = tpu.memref_slice %arg4[%add3A_312] : memref<1600000xi32, #tpu.memory_space<hbm>> -> memref<2000xi32, #tpu.memory_space<hbm>>
    tpu.enqueue_dma source(%dma_start3A_316 : memref<2000xi32, #tpu.memory_space<hbm>>) target(%arg10 : memref<2000xi32, #tpu.memory_space<vmem>>) target_semaphore(%arg16 : memref<!tpu.dma_semaphore, #tpu.memory_space<semaphore_mem>>)
    %dma_wait3A_317 = tpu.memref_slice %arg3[%add3A_299] : memref<1600000xi32, #tpu.memory_space<hbm>> -> memref<2000xi32, #tpu.memory_space<hbm>>
    %dma_wait3A_318 = tpu.memref_slice %arg3[%add3A_299] : memref<1600000xi32, #tpu.memory_space<hbm>> -> memref<2000xi32, #tpu.memory_space<hbm>>
    tpu.wait_dma2 semaphore(%arg15 : memref<!tpu.dma_semaphore, #tpu.memory_space<semaphore_mem>>) src(%dma_wait3A_318 : memref<2000xi32, #tpu.memory_space<hbm>>) dst(%arg9 : memref<2000xi32, #tpu.memory_space<vmem>>)
    %dma_wait3A_319 = tpu.memref_slice %arg4[%add3A_299] : memref<1600000xi32, #tpu.memory_space<hbm>> -> memref<2000xi32, #tpu.memory_space<hbm>>
    %dma_wait3A_320 = tpu.memref_slice %arg4[%add3A_299] : memref<1600000xi32, #tpu.memory_space<hbm>> -> memref<2000xi32, #tpu.memory_space<hbm>>
    tpu.wait_dma2 semaphore(%arg17 : memref<!tpu.dma_semaphore, #tpu.memory_space<semaphore_mem>>) src(%dma_wait3A_320 : memref<2000xi32, #tpu.memory_space<hbm>>) dst(%arg11 : memref<2000xi32, #tpu.memory_space<vmem>>)
    %parallel_loop3A_321 = arith.constant 0 : i32
    %parallel_loop3A_322 = arith.constant 125 : i32
    %parallel_loop3A_323 = arith.constant 1 : i32
    scf.for %parallel_loop3A_331 = %parallel_loop3A_321 to %parallel_loop3A_322 step %parallel_loop3A_323  : i32 {
      %parallel_loop3A_332 = arith.constant 16 : i32
      %parallel_loop3A_333 = arith.muli %parallel_loop3A_331, %parallel_loop3A_332 : i32
      %parallel_loop3A_334 = arith.index_cast %parallel_loop3A_333 : i32 to index
      %parallel_loop3A_335 = tpu.vector_load %arg9[%parallel_loop3A_334] {strides = array<i32>} : memref<2000xi32, #tpu.memory_space<vmem>>, vector<16xi32>,
      %parallel_loop3A_336 = arith.constant 16 : i32
      %parallel_loop3A_337 = arith.muli %parallel_loop3A_331, %parallel_loop3A_336 : i32
      %parallel_loop3A_338 = arith.index_cast %parallel_loop3A_337 : i32 to index
      %parallel_loop3A_339 = tpu.vector_load %arg11[%parallel_loop3A_338] {strides = array<i32>} : memref<2000xi32, #tpu.memory_space<vmem>>, vector<16xi32>,
      %parallel_loop3A_340 = tpu.vector_load_idx %arg6[%parallel_loop3A_335] : memref<102400xf32, #tpu.memory_space<vmem>>[vector<16xi32>], vector<16xf32>,
      %parallel_loop3A_341 = arith.constant 7 : i32
      %parallel_loop3A_342 = vector.broadcast %parallel_loop3A_341 : i32 to vector<16xi32>
      %parallel_loop3A_343 = arith.shrui %parallel_loop3A_339, %parallel_loop3A_342 : vector<16xi32>
      %parallel_loop3A_344 = arith.constant 127 : i32
      %parallel_loop3A_345 = vector.broadcast %parallel_loop3A_344 : i32 to vector<16xi32>
      %parallel_loop3A_346 = arith.andi %parallel_loop3A_339, %parallel_loop3A_345 : vector<16xi32>
      tpu.vector_store_idx %arg7[%parallel_loop3A_343, %parallel_loop3A_346], %parallel_loop3A_340 {add = true} : memref<80x128xf32, #tpu.memory_space<vmem>>[vector<16xi32>, vector<16xi32>], vector<16xf32>,
    } {sc.loop_unroll_factor = 5 : i64, sc.parallel_access}
    %dma_wait3A_324 = tpu.memref_slice %arg3[%add3A_312] : memref<1600000xi32, #tpu.memory_space<hbm>> -> memref<2000xi32, #tpu.memory_space<hbm>>
    %dma_wait3A_325 = tpu.memref_slice %arg3[%add3A_312] : memref<1600000xi32, #tpu.memory_space<hbm>> -> memref<2000xi32, #tpu.memory_space<hbm>>
    tpu.wait_dma2 semaphore(%arg14 : memref<!tpu.dma_semaphore, #tpu.memory_space<semaphore_mem>>) src(%dma_wait3A_325 : memref<2000xi32, #tpu.memory_space<hbm>>) dst(%arg8 : memref<2000xi32, #tpu.memory_space<vmem>>)
    %dma_wait3A_326 = tpu.memref_slice %arg4[%add3A_312] : memref<1600000xi32, #tpu.memory_space<hbm>> -> memref<2000xi32, #tpu.memory_space<hbm>>
    %dma_wait3A_327 = tpu.memref_slice %arg4[%add3A_312] : memref<1600000xi32, #tpu.memory_space<hbm>> -> memref<2000xi32, #tpu.memory_space<hbm>>
    tpu.wait_dma2 semaphore(%arg16 : memref<!tpu.dma_semaphore, #tpu.memory_space<semaphore_mem>>) src(%dma_wait3A_327 : memref<2000xi32, #tpu.memory_space<hbm>>) dst(%arg10 : memref<2000xi32, #tpu.memory_space<vmem>>)
    %parallel_loop3A_328 = arith.constant 0 : i32
    %parallel_loop3A_329 = arith.constant 125 : i32
    %parallel_loop3A_330 = arith.constant 1 : i32
    scf.for %parallel_loop3A_331 = %parallel_loop3A_328 to %parallel_loop3A_329 step %parallel_loop3A_330  : i32 {
      %parallel_loop3A_332 = arith.constant 16 : i32
      %parallel_loop3A_333 = arith.muli %parallel_loop3A_331, %parallel_loop3A_332 : i32
      %parallel_loop3A_334 = arith.index_cast %parallel_loop3A_333 : i32 to index
      %parallel_loop3A_335 = tpu.vector_load %arg8[%parallel_loop3A_334] {strides = array<i32>} : memref<2000xi32, #tpu.memory_space<vmem>>, vector<16xi32>,
      %parallel_loop3A_336 = arith.constant 16 : i32
      %parallel_loop3A_337 = arith.muli %parallel_loop3A_331, %parallel_loop3A_336 : i32
      %parallel_loop3A_338 = arith.index_cast %parallel_loop3A_337 : i32 to index
      %parallel_loop3A_339 = tpu.vector_load %arg10[%parallel_loop3A_338] {strides = array<i32>} : memref<2000xi32, #tpu.memory_space<vmem>>, vector<16xi32>,
      %parallel_loop3A_340 = tpu.vector_load_idx %arg6[%parallel_loop3A_335] : memref<102400xf32, #tpu.memory_space<vmem>>[vector<16xi32>], vector<16xf32>,
      %parallel_loop3A_341 = arith.constant 7 : i32
      %parallel_loop3A_342 = vector.broadcast %parallel_loop3A_341 : i32 to vector<16xi32>
      %parallel_loop3A_343 = arith.shrui %parallel_loop3A_339, %parallel_loop3A_342 : vector<16xi32>
      %parallel_loop3A_344 = arith.constant 127 : i32
      %parallel_loop3A_345 = vector.broadcast %parallel_loop3A_344 : i32 to vector<16xi32>
      %parallel_loop3A_346 = arith.andi %parallel_loop3A_339, %parallel_loop3A_345 : vector<16xi32>
      tpu.vector_store_idx %arg7[%parallel_loop3A_343, %parallel_loop3A_346], %parallel_loop3A_340 {add = true} : memref<80x128xf32, #tpu.memory_space<vmem>>[vector<16xi32>, vector<16xi32>], vector<16xf32>,
    } {sc.loop_unroll_factor = 5 : i64, sc.parallel_access}
    "tpu.region"() ({
      %run_scoped3A = tpu.sem_alloc : memref<!tpu.dma_semaphore, #tpu.memory_space<semaphore_mem>>
      %dma_start3A_331 = arith.constant 0 : i32
      %dma_start3A_332 = arith.constant 0 : i32
      %dma_start3A_333 = tpu.memref_slice %arg5[%add3A, %dma_start3A_331, %dma_start3A_332] : memref<32x80x128xf32, #tpu.memory_space<hbm>> -> memref<1x80x128xf32, #tpu.memory_space<hbm>>
      %dma_start3A_334 = tpu.memref_squeeze %dma_start3A_333 : memref<1x80x128xf32, #tpu.memory_space<hbm>> -> memref<80x128xf32, #tpu.memory_space<hbm>>
      %dma_start3A_335 = arith.constant 0 : i32
      %dma_start3A_336 = arith.constant 0 : i32
      %dma_start3A_337 = tpu.memref_slice %arg5[%add3A, %dma_start3A_335, %dma_start3A_336] : memref<32x80x128xf32, #tpu.memory_space<hbm>> -> memref<1x80x128xf32, #tpu.memory_space<hbm>>
      %dma_start3A_338 = tpu.memref_squeeze %dma_start3A_337 : memref<1x80x128xf32, #tpu.memory_space<hbm>> -> memref<80x128xf32, #tpu.memory_space<hbm>>
      tpu.enqueue_dma source(%arg7 : memref<80x128xf32, #tpu.memory_space<vmem>>) target(%dma_start3A_338 : memref<80x128xf32, #tpu.memory_space<hbm>>) target_semaphore(%run_scoped3A : memref<!tpu.dma_semaphore, #tpu.memory_space<semaphore_mem>>)
      %dma_wait3A_339 = arith.constant 0 : i32
      %dma_wait3A_340 = arith.constant 0 : i32
      %dma_wait3A_341 = tpu.memref_slice %arg5[%add3A, %dma_wait3A_339, %dma_wait3A_340] : memref<32x80x128xf32, #tpu.memory_space<hbm>> -> memref<1x80x128xf32, #tpu.memory_space<hbm>>
      %dma_wait3A_342 = tpu.memref_squeeze %dma_wait3A_341 : memref<1x80x128xf32, #tpu.memory_space<hbm>> -> memref<80x128xf32, #tpu.memory_space<hbm>>
      %dma_wait3A_343 = arith.constant 0 : i32
      %dma_wait3A_344 = arith.constant 0 : i32
      %dma_wait3A_345 = tpu.memref_slice %arg5[%add3A, %dma_wait3A_343, %dma_wait3A_344] : memref<32x80x128xf32, #tpu.memory_space<hbm>> -> memref<1x80x128xf32, #tpu.memory_space<hbm>>
      %dma_wait3A_346 = tpu.memref_squeeze %dma_wait3A_345 : memref<1x80x128xf32, #tpu.memory_space<hbm>> -> memref<80x128xf32, #tpu.memory_space<hbm>>
      tpu.wait_dma2 semaphore(%run_scoped3A : memref<!tpu.dma_semaphore, #tpu.memory_space<semaphore_mem>>) src(%arg7 : memref<80x128xf32, #tpu.memory_space<vmem>>) dst(%dma_wait3A_346 : memref<80x128xf32, #tpu.memory_space<hbm>>)
      tpu.yield
    }) : () -> ()
    return
  }
}

#map = affine_map<(d0, d1) -> (0)>
#map1 = affine_map<(d0, d1) -> (0, 0, 0)>
module attributes {stable_mosaic.version = 14 : i64} {
  func.func @_lambda_(%arg0: i32, %arg1: i32, %arg2: memref<10240xf32, #tpu.memory_space<hbm>>, %arg3: memref<1600000xi32, #tpu.memory_space<hbm>>, %arg4: memref<1600000xi32, #tpu.memory_space<hbm>>, %arg5: memref<32x800x128xf32, #tpu.memory_space<hbm>>, %arg6: memref<10240xf32, #tpu.memory_space<vmem>>, %arg7: memref<800x128xf32, #tpu.memory_space<vmem>>, %arg8: memref<2000xi32, #tpu.memory_space<vmem>>, %arg9: memref<2000xi32, #tpu.memory_space<vmem>>, %arg10: memref<2000xi32, #tpu.memory_space<vmem>>, %arg11: memref<2000xi32, #tpu.memory_space<vmem>>, %arg12: memref<!tpu.dma_semaphore, #tpu.memory_space<semaphore_mem>>, %arg13: memref<!tpu.dma_semaphore, #tpu.memory_space<semaphore_mem>>, %arg14: memref<!tpu.dma_semaphore, #tpu.memory_space<semaphore_mem>>, %arg15: memref<!tpu.dma_semaphore, #tpu.memory_space<semaphore_mem>>, %arg16: memref<!tpu.dma_semaphore, #tpu.memory_space<semaphore_mem>>) attributes {dimension_semantics = [#tpu.dimension_semantics<core_parallel>, #tpu.dimension_semantics<subcore_parallel>], iteration_bounds = array<i64: 2, 16>, scalar_prefetch = 0 : i64, scratch_operands = 11 : i64, tpu.core_type = #tpu.core_type<sc_vector_subcore>, window_params = [{transform_indices = #map}, {transform_indices = #map}, {transform_indices = #map}, {transform_indices = #map1}]} {
    %mul3A = arith.constant 2 : i32
    %mul3A_0 = arith.muli %arg1, %mul3A : i32
    %add3A = arith.addi %mul3A_0, %arg0 : i32
    %mul3A_1 = arith.constant 50000 : i32
    %mul3A_2 = arith.muli %add3A, %mul3A_1 : i32
    %add3A_3 = arith.constant 0 : i32
    %add3A_4 = arith.addi %mul3A_2, %add3A_3 : i32
    %dma_start3A = tpu.memref_slice %arg3[%add3A_4] : memref<1600000xi32, #tpu.memory_space<hbm>> -> memref<2000xi32, #tpu.memory_space<hbm>>
    %dma_start3A_5 = tpu.memref_slice %arg3[%add3A_4] : memref<1600000xi32, #tpu.memory_space<hbm>> -> memref<2000xi32, #tpu.memory_space<hbm>>
    tpu.enqueue_dma source(%dma_start3A_5 : memref<2000xi32, #tpu.memory_space<hbm>>) target(%arg8 : memref<2000xi32, #tpu.memory_space<vmem>>) target_semaphore(%arg13 : memref<!tpu.dma_semaphore, #tpu.memory_space<semaphore_mem>>)
    %dma_start3A_6 = tpu.memref_slice %arg4[%add3A_4] : memref<1600000xi32, #tpu.memory_space<hbm>> -> memref<2000xi32, #tpu.memory_space<hbm>>
    %dma_start3A_7 = tpu.memref_slice %arg4[%add3A_4] : memref<1600000xi32, #tpu.memory_space<hbm>> -> memref<2000xi32, #tpu.memory_space<hbm>>
    tpu.enqueue_dma source(%dma_start3A_7 : memref<2000xi32, #tpu.memory_space<hbm>>) target(%arg10 : memref<2000xi32, #tpu.memory_space<vmem>>) target_semaphore(%arg15 : memref<!tpu.dma_semaphore, #tpu.memory_space<semaphore_mem>>)
    %add3A_8 = arith.constant 2000 : i32
    %add3A_9 = arith.addi %mul3A_2, %add3A_8 : i32
    %dma_start3A_10 = tpu.memref_slice %arg3[%add3A_9] : memref<1600000xi32, #tpu.memory_space<hbm>> -> memref<2000xi32, #tpu.memory_space<hbm>>
    %dma_start3A_11 = tpu.memref_slice %arg3[%add3A_9] : memref<1600000xi32, #tpu.memory_space<hbm>> -> memref<2000xi32, #tpu.memory_space<hbm>>
    tpu.enqueue_dma source(%dma_start3A_11 : memref<2000xi32, #tpu.memory_space<hbm>>) target(%arg9 : memref<2000xi32, #tpu.memory_space<vmem>>) target_semaphore(%arg14 : memref<!tpu.dma_semaphore, #tpu.memory_space<semaphore_mem>>)
    %dma_start3A_12 = tpu.memref_slice %arg4[%add3A_9] : memref<1600000xi32, #tpu.memory_space<hbm>> -> memref<2000xi32, #tpu.memory_space<hbm>>
    %dma_start3A_13 = tpu.memref_slice %arg4[%add3A_9] : memref<1600000xi32, #tpu.memory_space<hbm>> -> memref<2000xi32, #tpu.memory_space<hbm>>
    tpu.enqueue_dma source(%dma_start3A_13 : memref<2000xi32, #tpu.memory_space<hbm>>) target(%arg11 : memref<2000xi32, #tpu.memory_space<vmem>>) target_semaphore(%arg16 : memref<!tpu.dma_semaphore, #tpu.memory_space<semaphore_mem>>)
    %broadcast_in_dim3A = arith.constant 0.000000e+00 : f32
    %broadcast_in_dim3A_14 = vector.broadcast %broadcast_in_dim3A : f32 to vector<16xf32>
    tpu.enqueue_dma source(%arg2 : memref<10240xf32, #tpu.memory_space<hbm>>) target(%arg6 : memref<10240xf32, #tpu.memory_space<vmem>>) target_semaphore(%arg12 : memref<!tpu.dma_semaphore, #tpu.memory_space<semaphore_mem>>)
    %parallel_loop3A = arith.constant 0 : i32
    %parallel_loop3A_15 = arith.constant 800 : i32
    %parallel_loop3A_16 = arith.constant 1 : i32
    scf.for %parallel_loop3A_329 = %parallel_loop3A to %parallel_loop3A_15 step %parallel_loop3A_16  : i32 {
      %parallel_loop3A_330 = arith.index_cast %parallel_loop3A_329 : i32 to index
      %parallel_loop3A_331 = arith.constant 0 : index
      %parallel_loop3A_332 = tpu.vector_load %arg7[%parallel_loop3A_330, %parallel_loop3A_331] {strides = array<i32>} : memref<800x128xf32, #tpu.memory_space<vmem>>, vector<16xf32>,
      tpu.vector_store %arg7[%parallel_loop3A_330, %parallel_loop3A_331], %broadcast_in_dim3A_14 {strides = array<i32>} : memref<800x128xf32, #tpu.memory_space<vmem>>, vector<16xf32>,
      %parallel_loop3A_333 = arith.index_cast %parallel_loop3A_329 : i32 to index
      %parallel_loop3A_334 = arith.constant 16 : index
      %parallel_loop3A_335 = tpu.vector_load %arg7[%parallel_loop3A_333, %parallel_loop3A_334] {strides = array<i32>} : memref<800x128xf32, #tpu.memory_space<vmem>>, vector<16xf32>,
      tpu.vector_store %arg7[%parallel_loop3A_333, %parallel_loop3A_334], %broadcast_in_dim3A_14 {strides = array<i32>} : memref<800x128xf32, #tpu.memory_space<vmem>>, vector<16xf32>,
      %parallel_loop3A_336 = arith.index_cast %parallel_loop3A_329 : i32 to index
      %parallel_loop3A_337 = arith.constant 32 : index
      %parallel_loop3A_338 = tpu.vector_load %arg7[%parallel_loop3A_336, %parallel_loop3A_337] {strides = array<i32>} : memref<800x128xf32, #tpu.memory_space<vmem>>, vector<16xf32>,
      tpu.vector_store %arg7[%parallel_loop3A_336, %parallel_loop3A_337], %broadcast_in_dim3A_14 {strides = array<i32>} : memref<800x128xf32, #tpu.memory_space<vmem>>, vector<16xf32>,
      %parallel_loop3A_339 = arith.index_cast %parallel_loop3A_329 : i32 to index
      %parallel_loop3A_340 = arith.constant 48 : index
      %parallel_loop3A_341 = tpu.vector_load %arg7[%parallel_loop3A_339, %parallel_loop3A_340] {strides = array<i32>} : memref<800x128xf32, #tpu.memory_space<vmem>>, vector<16xf32>,
      tpu.vector_store %arg7[%parallel_loop3A_339, %parallel_loop3A_340], %broadcast_in_dim3A_14 {strides = array<i32>} : memref<800x128xf32, #tpu.memory_space<vmem>>, vector<16xf32>,
      %parallel_loop3A_342 = arith.index_cast %parallel_loop3A_329 : i32 to index
      %parallel_loop3A_343 = arith.constant 64 : index
      %parallel_loop3A_344 = tpu.vector_load %arg7[%parallel_loop3A_342, %parallel_loop3A_343] {strides = array<i32>} : memref<800x128xf32, #tpu.memory_space<vmem>>, vector<16xf32>,
      tpu.vector_store %arg7[%parallel_loop3A_342, %parallel_loop3A_343], %broadcast_in_dim3A_14 {strides = array<i32>} : memref<800x128xf32, #tpu.memory_space<vmem>>, vector<16xf32>,
      %parallel_loop3A_345 = arith.index_cast %parallel_loop3A_329 : i32 to index
      %parallel_loop3A_346 = arith.constant 80 : index
      %parallel_loop3A_347 = tpu.vector_load %arg7[%parallel_loop3A_345, %parallel_loop3A_346] {strides = array<i32>} : memref<800x128xf32, #tpu.memory_space<vmem>>, vector<16xf32>,
      tpu.vector_store %arg7[%parallel_loop3A_345, %parallel_loop3A_346], %broadcast_in_dim3A_14 {strides = array<i32>} : memref<800x128xf32, #tpu.memory_space<vmem>>, vector<16xf32>,
      %parallel_loop3A_348 = arith.index_cast %parallel_loop3A_329 : i32 to index
      %parallel_loop3A_349 = arith.constant 96 : index
      %parallel_loop3A_350 = tpu.vector_load %arg7[%parallel_loop3A_348, %parallel_loop3A_349] {strides = array<i32>} : memref<800x128xf32, #tpu.memory_space<vmem>>, vector<16xf32>,
      tpu.vector_store %arg7[%parallel_loop3A_348, %parallel_loop3A_349], %broadcast_in_dim3A_14 {strides = array<i32>} : memref<800x128xf32, #tpu.memory_space<vmem>>, vector<16xf32>,
      %parallel_loop3A_351 = arith.index_cast %parallel_loop3A_329 : i32 to index
      %parallel_loop3A_352 = arith.constant 112 : index
      %parallel_loop3A_353 = tpu.vector_load %arg7[%parallel_loop3A_351, %parallel_loop3A_352] {strides = array<i32>} : memref<800x128xf32, #tpu.memory_space<vmem>>, vector<16xf32>,
      tpu.vector_store %arg7[%parallel_loop3A_351, %parallel_loop3A_352], %broadcast_in_dim3A_14 {strides = array<i32>} : memref<800x128xf32, #tpu.memory_space<vmem>>, vector<16xf32>,
    } {sc.loop_unroll_factor = 8 : i64, sc.parallel_access}
    tpu.wait_dma2 semaphore(%arg12 : memref<!tpu.dma_semaphore, #tpu.memory_space<semaphore_mem>>) src(%arg2 : memref<10240xf32, #tpu.memory_space<hbm>>) dst(%arg6 : memref<10240xf32, #tpu.memory_space<vmem>>)
    %dma_wait3A = tpu.memref_slice %arg3[%add3A_4] : memref<1600000xi32, #tpu.memory_space<hbm>> -> memref<2000xi32, #tpu.memory_space<hbm>>
    %dma_wait3A_17 = tpu.memref_slice %arg3[%add3A_4] : memref<1600000xi32, #tpu.memory_space<hbm>> -> memref<2000xi32, #tpu.memory_space<hbm>>
    tpu.wait_dma2 semaphore(%arg13 : memref<!tpu.dma_semaphore, #tpu.memory_space<semaphore_mem>>) src(%dma_wait3A_17 : memref<2000xi32, #tpu.memory_space<hbm>>) dst(%arg8 : memref<2000xi32, #tpu.memory_space<vmem>>)
    %dma_wait3A_18 = tpu.memref_slice %arg4[%add3A_4] : memref<1600000xi32, #tpu.memory_space<hbm>> -> memref<2000xi32, #tpu.memory_space<hbm>>
    %dma_wait3A_19 = tpu.memref_slice %arg4[%add3A_4] : memref<1600000xi32, #tpu.memory_space<hbm>> -> memref<2000xi32, #tpu.memory_space<hbm>>
    tpu.wait_dma2 semaphore(%arg15 : memref<!tpu.dma_semaphore, #tpu.memory_space<semaphore_mem>>) src(%dma_wait3A_19 : memref<2000xi32, #tpu.memory_space<hbm>>) dst(%arg10 : memref<2000xi32, #tpu.memory_space<vmem>>)
    %parallel_loop3A_20 = arith.constant 0 : i32
    %parallel_loop3A_21 = arith.constant 125 : i32
    %parallel_loop3A_22 = arith.constant 1 : i32
    scf.for %parallel_loop3A_329 = %parallel_loop3A_20 to %parallel_loop3A_21 step %parallel_loop3A_22  : i32 {
      %parallel_loop3A_330 = arith.constant 16 : i32
      %parallel_loop3A_331 = arith.muli %parallel_loop3A_329, %parallel_loop3A_330 : i32
      %parallel_loop3A_332 = arith.index_cast %parallel_loop3A_331 : i32 to index
      %parallel_loop3A_333 = tpu.vector_load %arg8[%parallel_loop3A_332] {strides = array<i32>} : memref<2000xi32, #tpu.memory_space<vmem>>, vector<16xi32>,
      %parallel_loop3A_334 = arith.constant 16 : i32
      %parallel_loop3A_335 = arith.muli %parallel_loop3A_329, %parallel_loop3A_334 : i32
      %parallel_loop3A_336 = arith.index_cast %parallel_loop3A_335 : i32 to index
      %parallel_loop3A_337 = tpu.vector_load %arg10[%parallel_loop3A_336] {strides = array<i32>} : memref<2000xi32, #tpu.memory_space<vmem>>, vector<16xi32>,
      %parallel_loop3A_338 = tpu.vector_load_idx %arg6[%parallel_loop3A_337] : memref<10240xf32, #tpu.memory_space<vmem>>[vector<16xi32>], vector<16xf32>,
      %parallel_loop3A_339 = arith.constant 7 : i32
      %parallel_loop3A_340 = vector.broadcast %parallel_loop3A_339 : i32 to vector<16xi32>
      %parallel_loop3A_341 = arith.shrui %parallel_loop3A_333, %parallel_loop3A_340 : vector<16xi32>
      %parallel_loop3A_342 = arith.constant 127 : i32
      %parallel_loop3A_343 = vector.broadcast %parallel_loop3A_342 : i32 to vector<16xi32>
      %parallel_loop3A_344 = arith.andi %parallel_loop3A_333, %parallel_loop3A_343 : vector<16xi32>
      tpu.vector_store_idx %arg7[%parallel_loop3A_341, %parallel_loop3A_344], %parallel_loop3A_338 {add = true} : memref<800x128xf32, #tpu.memory_space<vmem>>[vector<16xi32>, vector<16xi32>], vector<16xf32>,
    } {sc.loop_unroll_factor = 5 : i64, sc.parallel_access}
    %add3A_23 = arith.constant 4000 : i32
    %add3A_24 = arith.addi %mul3A_2, %add3A_23 : i32
    %dma_start3A_25 = tpu.memref_slice %arg3[%add3A_24] : memref<1600000xi32, #tpu.memory_space<hbm>> -> memref<2000xi32, #tpu.memory_space<hbm>>
    %dma_start3A_26 = tpu.memref_slice %arg3[%add3A_24] : memref<1600000xi32, #tpu.memory_space<hbm>> -> memref<2000xi32, #tpu.memory_space<hbm>>
    tpu.enqueue_dma source(%dma_start3A_26 : memref<2000xi32, #tpu.memory_space<hbm>>) target(%arg8 : memref<2000xi32, #tpu.memory_space<vmem>>) target_semaphore(%arg13 : memref<!tpu.dma_semaphore, #tpu.memory_space<semaphore_mem>>)
    %dma_start3A_27 = tpu.memref_slice %arg4[%add3A_24] : memref<1600000xi32, #tpu.memory_space<hbm>> -> memref<2000xi32, #tpu.memory_space<hbm>>
    %dma_start3A_28 = tpu.memref_slice %arg4[%add3A_24] : memref<1600000xi32, #tpu.memory_space<hbm>> -> memref<2000xi32, #tpu.memory_space<hbm>>
    tpu.enqueue_dma source(%dma_start3A_28 : memref<2000xi32, #tpu.memory_space<hbm>>) target(%arg10 : memref<2000xi32, #tpu.memory_space<vmem>>) target_semaphore(%arg15 : memref<!tpu.dma_semaphore, #tpu.memory_space<semaphore_mem>>)
    %dma_wait3A_29 = tpu.memref_slice %arg3[%add3A_9] : memref<1600000xi32, #tpu.memory_space<hbm>> -> memref<2000xi32, #tpu.memory_space<hbm>>
    %dma_wait3A_30 = tpu.memref_slice %arg3[%add3A_9] : memref<1600000xi32, #tpu.memory_space<hbm>> -> memref<2000xi32, #tpu.memory_space<hbm>>
    tpu.wait_dma2 semaphore(%arg14 : memref<!tpu.dma_semaphore, #tpu.memory_space<semaphore_mem>>) src(%dma_wait3A_30 : memref<2000xi32, #tpu.memory_space<hbm>>) dst(%arg9 : memref<2000xi32, #tpu.memory_space<vmem>>)
    %dma_wait3A_31 = tpu.memref_slice %arg4[%add3A_9] : memref<1600000xi32, #tpu.memory_space<hbm>> -> memref<2000xi32, #tpu.memory_space<hbm>>
    %dma_wait3A_32 = tpu.memref_slice %arg4[%add3A_9] : memref<1600000xi32, #tpu.memory_space<hbm>> -> memref<2000xi32, #tpu.memory_space<hbm>>
    tpu.wait_dma2 semaphore(%arg16 : memref<!tpu.dma_semaphore, #tpu.memory_space<semaphore_mem>>) src(%dma_wait3A_32 : memref<2000xi32, #tpu.memory_space<hbm>>) dst(%arg11 : memref<2000xi32, #tpu.memory_space<vmem>>)
    %parallel_loop3A_33 = arith.constant 0 : i32
    %parallel_loop3A_34 = arith.constant 125 : i32
    %parallel_loop3A_35 = arith.constant 1 : i32
    scf.for %parallel_loop3A_329 = %parallel_loop3A_33 to %parallel_loop3A_34 step %parallel_loop3A_35  : i32 {
      %parallel_loop3A_330 = arith.constant 16 : i32
      %parallel_loop3A_331 = arith.muli %parallel_loop3A_329, %parallel_loop3A_330 : i32
      %parallel_loop3A_332 = arith.index_cast %parallel_loop3A_331 : i32 to index
      %parallel_loop3A_333 = tpu.vector_load %arg9[%parallel_loop3A_332] {strides = array<i32>} : memref<2000xi32, #tpu.memory_space<vmem>>, vector<16xi32>,
      %parallel_loop3A_334 = arith.constant 16 : i32
      %parallel_loop3A_335 = arith.muli %parallel_loop3A_329, %parallel_loop3A_334 : i32
      %parallel_loop3A_336 = arith.index_cast %parallel_loop3A_335 : i32 to index
      %parallel_loop3A_337 = tpu.vector_load %arg11[%parallel_loop3A_336] {strides = array<i32>} : memref<2000xi32, #tpu.memory_space<vmem>>, vector<16xi32>,
      %parallel_loop3A_338 = tpu.vector_load_idx %arg6[%parallel_loop3A_337] : memref<10240xf32, #tpu.memory_space<vmem>>[vector<16xi32>], vector<16xf32>,
      %parallel_loop3A_339 = arith.constant 7 : i32
      %parallel_loop3A_340 = vector.broadcast %parallel_loop3A_339 : i32 to vector<16xi32>
      %parallel_loop3A_341 = arith.shrui %parallel_loop3A_333, %parallel_loop3A_340 : vector<16xi32>
      %parallel_loop3A_342 = arith.constant 127 : i32
      %parallel_loop3A_343 = vector.broadcast %parallel_loop3A_342 : i32 to vector<16xi32>
      %parallel_loop3A_344 = arith.andi %parallel_loop3A_333, %parallel_loop3A_343 : vector<16xi32>
      tpu.vector_store_idx %arg7[%parallel_loop3A_341, %parallel_loop3A_344], %parallel_loop3A_338 {add = true} : memref<800x128xf32, #tpu.memory_space<vmem>>[vector<16xi32>, vector<16xi32>], vector<16xf32>,
    } {sc.loop_unroll_factor = 5 : i64, sc.parallel_access}
    %add3A_36 = arith.constant 6000 : i32
    %add3A_37 = arith.addi %mul3A_2, %add3A_36 : i32
    %dma_start3A_38 = tpu.memref_slice %arg3[%add3A_37] : memref<1600000xi32, #tpu.memory_space<hbm>> -> memref<2000xi32, #tpu.memory_space<hbm>>
    %dma_start3A_39 = tpu.memref_slice %arg3[%add3A_37] : memref<1600000xi32, #tpu.memory_space<hbm>> -> memref<2000xi32, #tpu.memory_space<hbm>>
    tpu.enqueue_dma source(%dma_start3A_39 : memref<2000xi32, #tpu.memory_space<hbm>>) target(%arg9 : memref<2000xi32, #tpu.memory_space<vmem>>) target_semaphore(%arg14 : memref<!tpu.dma_semaphore, #tpu.memory_space<semaphore_mem>>)
    %dma_start3A_40 = tpu.memref_slice %arg4[%add3A_37] : memref<1600000xi32, #tpu.memory_space<hbm>> -> memref<2000xi32, #tpu.memory_space<hbm>>
    %dma_start3A_41 = tpu.memref_slice %arg4[%add3A_37] : memref<1600000xi32, #tpu.memory_space<hbm>> -> memref<2000xi32, #tpu.memory_space<hbm>>
    tpu.enqueue_dma source(%dma_start3A_41 : memref<2000xi32, #tpu.memory_space<hbm>>) target(%arg11 : memref<2000xi32, #tpu.memory_space<vmem>>) target_semaphore(%arg16 : memref<!tpu.dma_semaphore, #tpu.memory_space<semaphore_mem>>)
    %dma_wait3A_42 = tpu.memref_slice %arg3[%add3A_24] : memref<1600000xi32, #tpu.memory_space<hbm>> -> memref<2000xi32, #tpu.memory_space<hbm>>
    %dma_wait3A_43 = tpu.memref_slice %arg3[%add3A_24] : memref<1600000xi32, #tpu.memory_space<hbm>> -> memref<2000xi32, #tpu.memory_space<hbm>>
    tpu.wait_dma2 semaphore(%arg13 : memref<!tpu.dma_semaphore, #tpu.memory_space<semaphore_mem>>) src(%dma_wait3A_43 : memref<2000xi32, #tpu.memory_space<hbm>>) dst(%arg8 : memref<2000xi32, #tpu.memory_space<vmem>>)
    %dma_wait3A_44 = tpu.memref_slice %arg4[%add3A_24] : memref<1600000xi32, #tpu.memory_space<hbm>> -> memref<2000xi32, #tpu.memory_space<hbm>>
    %dma_wait3A_45 = tpu.memref_slice %arg4[%add3A_24] : memref<1600000xi32, #tpu.memory_space<hbm>> -> memref<2000xi32, #tpu.memory_space<hbm>>
    tpu.wait_dma2 semaphore(%arg15 : memref<!tpu.dma_semaphore, #tpu.memory_space<semaphore_mem>>) src(%dma_wait3A_45 : memref<2000xi32, #tpu.memory_space<hbm>>) dst(%arg10 : memref<2000xi32, #tpu.memory_space<vmem>>)
    %parallel_loop3A_46 = arith.constant 0 : i32
    %parallel_loop3A_47 = arith.constant 125 : i32
    %parallel_loop3A_48 = arith.constant 1 : i32
    scf.for %parallel_loop3A_329 = %parallel_loop3A_46 to %parallel_loop3A_47 step %parallel_loop3A_48  : i32 {
      %parallel_loop3A_330 = arith.constant 16 : i32
      %parallel_loop3A_331 = arith.muli %parallel_loop3A_329, %parallel_loop3A_330 : i32
      %parallel_loop3A_332 = arith.index_cast %parallel_loop3A_331 : i32 to index
      %parallel_loop3A_333 = tpu.vector_load %arg8[%parallel_loop3A_332] {strides = array<i32>} : memref<2000xi32, #tpu.memory_space<vmem>>, vector<16xi32>,
      %parallel_loop3A_334 = arith.constant 16 : i32
      %parallel_loop3A_335 = arith.muli %parallel_loop3A_329, %parallel_loop3A_334 : i32
      %parallel_loop3A_336 = arith.index_cast %parallel_loop3A_335 : i32 to index
      %parallel_loop3A_337 = tpu.vector_load %arg10[%parallel_loop3A_336] {strides = array<i32>} : memref<2000xi32, #tpu.memory_space<vmem>>, vector<16xi32>,
      %parallel_loop3A_338 = tpu.vector_load_idx %arg6[%parallel_loop3A_337] : memref<10240xf32, #tpu.memory_space<vmem>>[vector<16xi32>], vector<16xf32>,
      %parallel_loop3A_339 = arith.constant 7 : i32
      %parallel_loop3A_340 = vector.broadcast %parallel_loop3A_339 : i32 to vector<16xi32>
      %parallel_loop3A_341 = arith.shrui %parallel_loop3A_333, %parallel_loop3A_340 : vector<16xi32>
      %parallel_loop3A_342 = arith.constant 127 : i32
      %parallel_loop3A_343 = vector.broadcast %parallel_loop3A_342 : i32 to vector<16xi32>
      %parallel_loop3A_344 = arith.andi %parallel_loop3A_333, %parallel_loop3A_343 : vector<16xi32>
      tpu.vector_store_idx %arg7[%parallel_loop3A_341, %parallel_loop3A_344], %parallel_loop3A_338 {add = true} : memref<800x128xf32, #tpu.memory_space<vmem>>[vector<16xi32>, vector<16xi32>], vector<16xf32>,
    } {sc.loop_unroll_factor = 5 : i64, sc.parallel_access}
    %add3A_49 = arith.constant 8000 : i32
    %add3A_50 = arith.addi %mul3A_2, %add3A_49 : i32
    %dma_start3A_51 = tpu.memref_slice %arg3[%add3A_50] : memref<1600000xi32, #tpu.memory_space<hbm>> -> memref<2000xi32, #tpu.memory_space<hbm>>
    %dma_start3A_52 = tpu.memref_slice %arg3[%add3A_50] : memref<1600000xi32, #tpu.memory_space<hbm>> -> memref<2000xi32, #tpu.memory_space<hbm>>
    tpu.enqueue_dma source(%dma_start3A_52 : memref<2000xi32, #tpu.memory_space<hbm>>) target(%arg8 : memref<2000xi32, #tpu.memory_space<vmem>>) target_semaphore(%arg13 : memref<!tpu.dma_semaphore, #tpu.memory_space<semaphore_mem>>)
    %dma_start3A_53 = tpu.memref_slice %arg4[%add3A_50] : memref<1600000xi32, #tpu.memory_space<hbm>> -> memref<2000xi32, #tpu.memory_space<hbm>>
    %dma_start3A_54 = tpu.memref_slice %arg4[%add3A_50] : memref<1600000xi32, #tpu.memory_space<hbm>> -> memref<2000xi32, #tpu.memory_space<hbm>>
    tpu.enqueue_dma source(%dma_start3A_54 : memref<2000xi32, #tpu.memory_space<hbm>>) target(%arg10 : memref<2000xi32, #tpu.memory_space<vmem>>) target_semaphore(%arg15 : memref<!tpu.dma_semaphore, #tpu.memory_space<semaphore_mem>>)
    %dma_wait3A_55 = tpu.memref_slice %arg3[%add3A_37] : memref<1600000xi32, #tpu.memory_space<hbm>> -> memref<2000xi32, #tpu.memory_space<hbm>>
    %dma_wait3A_56 = tpu.memref_slice %arg3[%add3A_37] : memref<1600000xi32, #tpu.memory_space<hbm>> -> memref<2000xi32, #tpu.memory_space<hbm>>
    tpu.wait_dma2 semaphore(%arg14 : memref<!tpu.dma_semaphore, #tpu.memory_space<semaphore_mem>>) src(%dma_wait3A_56 : memref<2000xi32, #tpu.memory_space<hbm>>) dst(%arg9 : memref<2000xi32, #tpu.memory_space<vmem>>)
    %dma_wait3A_57 = tpu.memref_slice %arg4[%add3A_37] : memref<1600000xi32, #tpu.memory_space<hbm>> -> memref<2000xi32, #tpu.memory_space<hbm>>
    %dma_wait3A_58 = tpu.memref_slice %arg4[%add3A_37] : memref<1600000xi32, #tpu.memory_space<hbm>> -> memref<2000xi32, #tpu.memory_space<hbm>>
    tpu.wait_dma2 semaphore(%arg16 : memref<!tpu.dma_semaphore, #tpu.memory_space<semaphore_mem>>) src(%dma_wait3A_58 : memref<2000xi32, #tpu.memory_space<hbm>>) dst(%arg11 : memref<2000xi32, #tpu.memory_space<vmem>>)
    %parallel_loop3A_59 = arith.constant 0 : i32
    %parallel_loop3A_60 = arith.constant 125 : i32
    %parallel_loop3A_61 = arith.constant 1 : i32
    scf.for %parallel_loop3A_329 = %parallel_loop3A_59 to %parallel_loop3A_60 step %parallel_loop3A_61  : i32 {
      %parallel_loop3A_330 = arith.constant 16 : i32
      %parallel_loop3A_331 = arith.muli %parallel_loop3A_329, %parallel_loop3A_330 : i32
      %parallel_loop3A_332 = arith.index_cast %parallel_loop3A_331 : i32 to index
      %parallel_loop3A_333 = tpu.vector_load %arg9[%parallel_loop3A_332] {strides = array<i32>} : memref<2000xi32, #tpu.memory_space<vmem>>, vector<16xi32>,
      %parallel_loop3A_334 = arith.constant 16 : i32
      %parallel_loop3A_335 = arith.muli %parallel_loop3A_329, %parallel_loop3A_334 : i32
      %parallel_loop3A_336 = arith.index_cast %parallel_loop3A_335 : i32 to index
      %parallel_loop3A_337 = tpu.vector_load %arg11[%parallel_loop3A_336] {strides = array<i32>} : memref<2000xi32, #tpu.memory_space<vmem>>, vector<16xi32>,
      %parallel_loop3A_338 = tpu.vector_load_idx %arg6[%parallel_loop3A_337] : memref<10240xf32, #tpu.memory_space<vmem>>[vector<16xi32>], vector<16xf32>,
      %parallel_loop3A_339 = arith.constant 7 : i32
      %parallel_loop3A_340 = vector.broadcast %parallel_loop3A_339 : i32 to vector<16xi32>
      %parallel_loop3A_341 = arith.shrui %parallel_loop3A_333, %parallel_loop3A_340 : vector<16xi32>
      %parallel_loop3A_342 = arith.constant 127 : i32
      %parallel_loop3A_343 = vector.broadcast %parallel_loop3A_342 : i32 to vector<16xi32>
      %parallel_loop3A_344 = arith.andi %parallel_loop3A_333, %parallel_loop3A_343 : vector<16xi32>
      tpu.vector_store_idx %arg7[%parallel_loop3A_341, %parallel_loop3A_344], %parallel_loop3A_338 {add = true} : memref<800x128xf32, #tpu.memory_space<vmem>>[vector<16xi32>, vector<16xi32>], vector<16xf32>,
    } {sc.loop_unroll_factor = 5 : i64, sc.parallel_access}
    %add3A_62 = arith.constant 10000 : i32
    %add3A_63 = arith.addi %mul3A_2, %add3A_62 : i32
    %dma_start3A_64 = tpu.memref_slice %arg3[%add3A_63] : memref<1600000xi32, #tpu.memory_space<hbm>> -> memref<2000xi32, #tpu.memory_space<hbm>>
    %dma_start3A_65 = tpu.memref_slice %arg3[%add3A_63] : memref<1600000xi32, #tpu.memory_space<hbm>> -> memref<2000xi32, #tpu.memory_space<hbm>>
    tpu.enqueue_dma source(%dma_start3A_65 : memref<2000xi32, #tpu.memory_space<hbm>>) target(%arg9 : memref<2000xi32, #tpu.memory_space<vmem>>) target_semaphore(%arg14 : memref<!tpu.dma_semaphore, #tpu.memory_space<semaphore_mem>>)
    %dma_start3A_66 = tpu.memref_slice %arg4[%add3A_63] : memref<1600000xi32, #tpu.memory_space<hbm>> -> memref<2000xi32, #tpu.memory_space<hbm>>
    %dma_start3A_67 = tpu.memref_slice %arg4[%add3A_63] : memref<1600000xi32, #tpu.memory_space<hbm>> -> memref<2000xi32, #tpu.memory_space<hbm>>
    tpu.enqueue_dma source(%dma_start3A_67 : memref<2000xi32, #tpu.memory_space<hbm>>) target(%arg11 : memref<2000xi32, #tpu.memory_space<vmem>>) target_semaphore(%arg16 : memref<!tpu.dma_semaphore, #tpu.memory_space<semaphore_mem>>)
    %dma_wait3A_68 = tpu.memref_slice %arg3[%add3A_50] : memref<1600000xi32, #tpu.memory_space<hbm>> -> memref<2000xi32, #tpu.memory_space<hbm>>
    %dma_wait3A_69 = tpu.memref_slice %arg3[%add3A_50] : memref<1600000xi32, #tpu.memory_space<hbm>> -> memref<2000xi32, #tpu.memory_space<hbm>>
    tpu.wait_dma2 semaphore(%arg13 : memref<!tpu.dma_semaphore, #tpu.memory_space<semaphore_mem>>) src(%dma_wait3A_69 : memref<2000xi32, #tpu.memory_space<hbm>>) dst(%arg8 : memref<2000xi32, #tpu.memory_space<vmem>>)
    %dma_wait3A_70 = tpu.memref_slice %arg4[%add3A_50] : memref<1600000xi32, #tpu.memory_space<hbm>> -> memref<2000xi32, #tpu.memory_space<hbm>>
    %dma_wait3A_71 = tpu.memref_slice %arg4[%add3A_50] : memref<1600000xi32, #tpu.memory_space<hbm>> -> memref<2000xi32, #tpu.memory_space<hbm>>
    tpu.wait_dma2 semaphore(%arg15 : memref<!tpu.dma_semaphore, #tpu.memory_space<semaphore_mem>>) src(%dma_wait3A_71 : memref<2000xi32, #tpu.memory_space<hbm>>) dst(%arg10 : memref<2000xi32, #tpu.memory_space<vmem>>)
    %parallel_loop3A_72 = arith.constant 0 : i32
    %parallel_loop3A_73 = arith.constant 125 : i32
    %parallel_loop3A_74 = arith.constant 1 : i32
    scf.for %parallel_loop3A_329 = %parallel_loop3A_72 to %parallel_loop3A_73 step %parallel_loop3A_74  : i32 {
      %parallel_loop3A_330 = arith.constant 16 : i32
      %parallel_loop3A_331 = arith.muli %parallel_loop3A_329, %parallel_loop3A_330 : i32
      %parallel_loop3A_332 = arith.index_cast %parallel_loop3A_331 : i32 to index
      %parallel_loop3A_333 = tpu.vector_load %arg8[%parallel_loop3A_332] {strides = array<i32>} : memref<2000xi32, #tpu.memory_space<vmem>>, vector<16xi32>,
      %parallel_loop3A_334 = arith.constant 16 : i32
      %parallel_loop3A_335 = arith.muli %parallel_loop3A_329, %parallel_loop3A_334 : i32
      %parallel_loop3A_336 = arith.index_cast %parallel_loop3A_335 : i32 to index
      %parallel_loop3A_337 = tpu.vector_load %arg10[%parallel_loop3A_336] {strides = array<i32>} : memref<2000xi32, #tpu.memory_space<vmem>>, vector<16xi32>,
      %parallel_loop3A_338 = tpu.vector_load_idx %arg6[%parallel_loop3A_337] : memref<10240xf32, #tpu.memory_space<vmem>>[vector<16xi32>], vector<16xf32>,
      %parallel_loop3A_339 = arith.constant 7 : i32
      %parallel_loop3A_340 = vector.broadcast %parallel_loop3A_339 : i32 to vector<16xi32>
      %parallel_loop3A_341 = arith.shrui %parallel_loop3A_333, %parallel_loop3A_340 : vector<16xi32>
      %parallel_loop3A_342 = arith.constant 127 : i32
      %parallel_loop3A_343 = vector.broadcast %parallel_loop3A_342 : i32 to vector<16xi32>
      %parallel_loop3A_344 = arith.andi %parallel_loop3A_333, %parallel_loop3A_343 : vector<16xi32>
      tpu.vector_store_idx %arg7[%parallel_loop3A_341, %parallel_loop3A_344], %parallel_loop3A_338 {add = true} : memref<800x128xf32, #tpu.memory_space<vmem>>[vector<16xi32>, vector<16xi32>], vector<16xf32>,
    } {sc.loop_unroll_factor = 5 : i64, sc.parallel_access}
    %add3A_75 = arith.constant 12000 : i32
    %add3A_76 = arith.addi %mul3A_2, %add3A_75 : i32
    %dma_start3A_77 = tpu.memref_slice %arg3[%add3A_76] : memref<1600000xi32, #tpu.memory_space<hbm>> -> memref<2000xi32, #tpu.memory_space<hbm>>
    %dma_start3A_78 = tpu.memref_slice %arg3[%add3A_76] : memref<1600000xi32, #tpu.memory_space<hbm>> -> memref<2000xi32, #tpu.memory_space<hbm>>
    tpu.enqueue_dma source(%dma_start3A_78 : memref<2000xi32, #tpu.memory_space<hbm>>) target(%arg8 : memref<2000xi32, #tpu.memory_space<vmem>>) target_semaphore(%arg13 : memref<!tpu.dma_semaphore, #tpu.memory_space<semaphore_mem>>)
    %dma_start3A_79 = tpu.memref_slice %arg4[%add3A_76] : memref<1600000xi32, #tpu.memory_space<hbm>> -> memref<2000xi32, #tpu.memory_space<hbm>>
    %dma_start3A_80 = tpu.memref_slice %arg4[%add3A_76] : memref<1600000xi32, #tpu.memory_space<hbm>> -> memref<2000xi32, #tpu.memory_space<hbm>>
    tpu.enqueue_dma source(%dma_start3A_80 : memref<2000xi32, #tpu.memory_space<hbm>>) target(%arg10 : memref<2000xi32, #tpu.memory_space<vmem>>) target_semaphore(%arg15 : memref<!tpu.dma_semaphore, #tpu.memory_space<semaphore_mem>>)
    %dma_wait3A_81 = tpu.memref_slice %arg3[%add3A_63] : memref<1600000xi32, #tpu.memory_space<hbm>> -> memref<2000xi32, #tpu.memory_space<hbm>>
    %dma_wait3A_82 = tpu.memref_slice %arg3[%add3A_63] : memref<1600000xi32, #tpu.memory_space<hbm>> -> memref<2000xi32, #tpu.memory_space<hbm>>
    tpu.wait_dma2 semaphore(%arg14 : memref<!tpu.dma_semaphore, #tpu.memory_space<semaphore_mem>>) src(%dma_wait3A_82 : memref<2000xi32, #tpu.memory_space<hbm>>) dst(%arg9 : memref<2000xi32, #tpu.memory_space<vmem>>)
    %dma_wait3A_83 = tpu.memref_slice %arg4[%add3A_63] : memref<1600000xi32, #tpu.memory_space<hbm>> -> memref<2000xi32, #tpu.memory_space<hbm>>
    %dma_wait3A_84 = tpu.memref_slice %arg4[%add3A_63] : memref<1600000xi32, #tpu.memory_space<hbm>> -> memref<2000xi32, #tpu.memory_space<hbm>>
    tpu.wait_dma2 semaphore(%arg16 : memref<!tpu.dma_semaphore, #tpu.memory_space<semaphore_mem>>) src(%dma_wait3A_84 : memref<2000xi32, #tpu.memory_space<hbm>>) dst(%arg11 : memref<2000xi32, #tpu.memory_space<vmem>>)
    %parallel_loop3A_85 = arith.constant 0 : i32
    %parallel_loop3A_86 = arith.constant 125 : i32
    %parallel_loop3A_87 = arith.constant 1 : i32
    scf.for %parallel_loop3A_329 = %parallel_loop3A_85 to %parallel_loop3A_86 step %parallel_loop3A_87  : i32 {
      %parallel_loop3A_330 = arith.constant 16 : i32
      %parallel_loop3A_331 = arith.muli %parallel_loop3A_329, %parallel_loop3A_330 : i32
      %parallel_loop3A_332 = arith.index_cast %parallel_loop3A_331 : i32 to index
      %parallel_loop3A_333 = tpu.vector_load %arg9[%parallel_loop3A_332] {strides = array<i32>} : memref<2000xi32, #tpu.memory_space<vmem>>, vector<16xi32>,
      %parallel_loop3A_334 = arith.constant 16 : i32
      %parallel_loop3A_335 = arith.muli %parallel_loop3A_329, %parallel_loop3A_334 : i32
      %parallel_loop3A_336 = arith.index_cast %parallel_loop3A_335 : i32 to index
      %parallel_loop3A_337 = tpu.vector_load %arg11[%parallel_loop3A_336] {strides = array<i32>} : memref<2000xi32, #tpu.memory_space<vmem>>, vector<16xi32>,
      %parallel_loop3A_338 = tpu.vector_load_idx %arg6[%parallel_loop3A_337] : memref<10240xf32, #tpu.memory_space<vmem>>[vector<16xi32>], vector<16xf32>,
      %parallel_loop3A_339 = arith.constant 7 : i32
      %parallel_loop3A_340 = vector.broadcast %parallel_loop3A_339 : i32 to vector<16xi32>
      %parallel_loop3A_341 = arith.shrui %parallel_loop3A_333, %parallel_loop3A_340 : vector<16xi32>
      %parallel_loop3A_342 = arith.constant 127 : i32
      %parallel_loop3A_343 = vector.broadcast %parallel_loop3A_342 : i32 to vector<16xi32>
      %parallel_loop3A_344 = arith.andi %parallel_loop3A_333, %parallel_loop3A_343 : vector<16xi32>
      tpu.vector_store_idx %arg7[%parallel_loop3A_341, %parallel_loop3A_344], %parallel_loop3A_338 {add = true} : memref<800x128xf32, #tpu.memory_space<vmem>>[vector<16xi32>, vector<16xi32>], vector<16xf32>,
    } {sc.loop_unroll_factor = 5 : i64, sc.parallel_access}
    %add3A_88 = arith.constant 14000 : i32
    %add3A_89 = arith.addi %mul3A_2, %add3A_88 : i32
    %dma_start3A_90 = tpu.memref_slice %arg3[%add3A_89] : memref<1600000xi32, #tpu.memory_space<hbm>> -> memref<2000xi32, #tpu.memory_space<hbm>>
    %dma_start3A_91 = tpu.memref_slice %arg3[%add3A_89] : memref<1600000xi32, #tpu.memory_space<hbm>> -> memref<2000xi32, #tpu.memory_space<hbm>>
    tpu.enqueue_dma source(%dma_start3A_91 : memref<2000xi32, #tpu.memory_space<hbm>>) target(%arg9 : memref<2000xi32, #tpu.memory_space<vmem>>) target_semaphore(%arg14 : memref<!tpu.dma_semaphore, #tpu.memory_space<semaphore_mem>>)
    %dma_start3A_92 = tpu.memref_slice %arg4[%add3A_89] : memref<1600000xi32, #tpu.memory_space<hbm>> -> memref<2000xi32, #tpu.memory_space<hbm>>
    %dma_start3A_93 = tpu.memref_slice %arg4[%add3A_89] : memref<1600000xi32, #tpu.memory_space<hbm>> -> memref<2000xi32, #tpu.memory_space<hbm>>
    tpu.enqueue_dma source(%dma_start3A_93 : memref<2000xi32, #tpu.memory_space<hbm>>) target(%arg11 : memref<2000xi32, #tpu.memory_space<vmem>>) target_semaphore(%arg16 : memref<!tpu.dma_semaphore, #tpu.memory_space<semaphore_mem>>)
    %dma_wait3A_94 = tpu.memref_slice %arg3[%add3A_76] : memref<1600000xi32, #tpu.memory_space<hbm>> -> memref<2000xi32, #tpu.memory_space<hbm>>
    %dma_wait3A_95 = tpu.memref_slice %arg3[%add3A_76] : memref<1600000xi32, #tpu.memory_space<hbm>> -> memref<2000xi32, #tpu.memory_space<hbm>>
    tpu.wait_dma2 semaphore(%arg13 : memref<!tpu.dma_semaphore, #tpu.memory_space<semaphore_mem>>) src(%dma_wait3A_95 : memref<2000xi32, #tpu.memory_space<hbm>>) dst(%arg8 : memref<2000xi32, #tpu.memory_space<vmem>>)
    %dma_wait3A_96 = tpu.memref_slice %arg4[%add3A_76] : memref<1600000xi32, #tpu.memory_space<hbm>> -> memref<2000xi32, #tpu.memory_space<hbm>>
    %dma_wait3A_97 = tpu.memref_slice %arg4[%add3A_76] : memref<1600000xi32, #tpu.memory_space<hbm>> -> memref<2000xi32, #tpu.memory_space<hbm>>
    tpu.wait_dma2 semaphore(%arg15 : memref<!tpu.dma_semaphore, #tpu.memory_space<semaphore_mem>>) src(%dma_wait3A_97 : memref<2000xi32, #tpu.memory_space<hbm>>) dst(%arg10 : memref<2000xi32, #tpu.memory_space<vmem>>)
    %parallel_loop3A_98 = arith.constant 0 : i32
    %parallel_loop3A_99 = arith.constant 125 : i32
    %parallel_loop3A_100 = arith.constant 1 : i32
    scf.for %parallel_loop3A_329 = %parallel_loop3A_98 to %parallel_loop3A_99 step %parallel_loop3A_100  : i32 {
      %parallel_loop3A_330 = arith.constant 16 : i32
      %parallel_loop3A_331 = arith.muli %parallel_loop3A_329, %parallel_loop3A_330 : i32
      %parallel_loop3A_332 = arith.index_cast %parallel_loop3A_331 : i32 to index
      %parallel_loop3A_333 = tpu.vector_load %arg8[%parallel_loop3A_332] {strides = array<i32>} : memref<2000xi32, #tpu.memory_space<vmem>>, vector<16xi32>,
      %parallel_loop3A_334 = arith.constant 16 : i32
      %parallel_loop3A_335 = arith.muli %parallel_loop3A_329, %parallel_loop3A_334 : i32
      %parallel_loop3A_336 = arith.index_cast %parallel_loop3A_335 : i32 to index
      %parallel_loop3A_337 = tpu.vector_load %arg10[%parallel_loop3A_336] {strides = array<i32>} : memref<2000xi32, #tpu.memory_space<vmem>>, vector<16xi32>,
      %parallel_loop3A_338 = tpu.vector_load_idx %arg6[%parallel_loop3A_337] : memref<10240xf32, #tpu.memory_space<vmem>>[vector<16xi32>], vector<16xf32>,
      %parallel_loop3A_339 = arith.constant 7 : i32
      %parallel_loop3A_340 = vector.broadcast %parallel_loop3A_339 : i32 to vector<16xi32>
      %parallel_loop3A_341 = arith.shrui %parallel_loop3A_333, %parallel_loop3A_340 : vector<16xi32>
      %parallel_loop3A_342 = arith.constant 127 : i32
      %parallel_loop3A_343 = vector.broadcast %parallel_loop3A_342 : i32 to vector<16xi32>
      %parallel_loop3A_344 = arith.andi %parallel_loop3A_333, %parallel_loop3A_343 : vector<16xi32>
      tpu.vector_store_idx %arg7[%parallel_loop3A_341, %parallel_loop3A_344], %parallel_loop3A_338 {add = true} : memref<800x128xf32, #tpu.memory_space<vmem>>[vector<16xi32>, vector<16xi32>], vector<16xf32>,
    } {sc.loop_unroll_factor = 5 : i64, sc.parallel_access}
    %add3A_101 = arith.constant 16000 : i32
    %add3A_102 = arith.addi %mul3A_2, %add3A_101 : i32
    %dma_start3A_103 = tpu.memref_slice %arg3[%add3A_102] : memref<1600000xi32, #tpu.memory_space<hbm>> -> memref<2000xi32, #tpu.memory_space<hbm>>
    %dma_start3A_104 = tpu.memref_slice %arg3[%add3A_102] : memref<1600000xi32, #tpu.memory_space<hbm>> -> memref<2000xi32, #tpu.memory_space<hbm>>
    tpu.enqueue_dma source(%dma_start3A_104 : memref<2000xi32, #tpu.memory_space<hbm>>) target(%arg8 : memref<2000xi32, #tpu.memory_space<vmem>>) target_semaphore(%arg13 : memref<!tpu.dma_semaphore, #tpu.memory_space<semaphore_mem>>)
    %dma_start3A_105 = tpu.memref_slice %arg4[%add3A_102] : memref<1600000xi32, #tpu.memory_space<hbm>> -> memref<2000xi32, #tpu.memory_space<hbm>>
    %dma_start3A_106 = tpu.memref_slice %arg4[%add3A_102] : memref<1600000xi32, #tpu.memory_space<hbm>> -> memref<2000xi32, #tpu.memory_space<hbm>>
    tpu.enqueue_dma source(%dma_start3A_106 : memref<2000xi32, #tpu.memory_space<hbm>>) target(%arg10 : memref<2000xi32, #tpu.memory_space<vmem>>) target_semaphore(%arg15 : memref<!tpu.dma_semaphore, #tpu.memory_space<semaphore_mem>>)
    %dma_wait3A_107 = tpu.memref_slice %arg3[%add3A_89] : memref<1600000xi32, #tpu.memory_space<hbm>> -> memref<2000xi32, #tpu.memory_space<hbm>>
    %dma_wait3A_108 = tpu.memref_slice %arg3[%add3A_89] : memref<1600000xi32, #tpu.memory_space<hbm>> -> memref<2000xi32, #tpu.memory_space<hbm>>
    tpu.wait_dma2 semaphore(%arg14 : memref<!tpu.dma_semaphore, #tpu.memory_space<semaphore_mem>>) src(%dma_wait3A_108 : memref<2000xi32, #tpu.memory_space<hbm>>) dst(%arg9 : memref<2000xi32, #tpu.memory_space<vmem>>)
    %dma_wait3A_109 = tpu.memref_slice %arg4[%add3A_89] : memref<1600000xi32, #tpu.memory_space<hbm>> -> memref<2000xi32, #tpu.memory_space<hbm>>
    %dma_wait3A_110 = tpu.memref_slice %arg4[%add3A_89] : memref<1600000xi32, #tpu.memory_space<hbm>> -> memref<2000xi32, #tpu.memory_space<hbm>>
    tpu.wait_dma2 semaphore(%arg16 : memref<!tpu.dma_semaphore, #tpu.memory_space<semaphore_mem>>) src(%dma_wait3A_110 : memref<2000xi32, #tpu.memory_space<hbm>>) dst(%arg11 : memref<2000xi32, #tpu.memory_space<vmem>>)
    %parallel_loop3A_111 = arith.constant 0 : i32
    %parallel_loop3A_112 = arith.constant 125 : i32
    %parallel_loop3A_113 = arith.constant 1 : i32
    scf.for %parallel_loop3A_329 = %parallel_loop3A_111 to %parallel_loop3A_112 step %parallel_loop3A_113  : i32 {
      %parallel_loop3A_330 = arith.constant 16 : i32
      %parallel_loop3A_331 = arith.muli %parallel_loop3A_329, %parallel_loop3A_330 : i32
      %parallel_loop3A_332 = arith.index_cast %parallel_loop3A_331 : i32 to index
      %parallel_loop3A_333 = tpu.vector_load %arg9[%parallel_loop3A_332] {strides = array<i32>} : memref<2000xi32, #tpu.memory_space<vmem>>, vector<16xi32>,
      %parallel_loop3A_334 = arith.constant 16 : i32
      %parallel_loop3A_335 = arith.muli %parallel_loop3A_329, %parallel_loop3A_334 : i32
      %parallel_loop3A_336 = arith.index_cast %parallel_loop3A_335 : i32 to index
      %parallel_loop3A_337 = tpu.vector_load %arg11[%parallel_loop3A_336] {strides = array<i32>} : memref<2000xi32, #tpu.memory_space<vmem>>, vector<16xi32>,
      %parallel_loop3A_338 = tpu.vector_load_idx %arg6[%parallel_loop3A_337] : memref<10240xf32, #tpu.memory_space<vmem>>[vector<16xi32>], vector<16xf32>,
      %parallel_loop3A_339 = arith.constant 7 : i32
      %parallel_loop3A_340 = vector.broadcast %parallel_loop3A_339 : i32 to vector<16xi32>
      %parallel_loop3A_341 = arith.shrui %parallel_loop3A_333, %parallel_loop3A_340 : vector<16xi32>
      %parallel_loop3A_342 = arith.constant 127 : i32
      %parallel_loop3A_343 = vector.broadcast %parallel_loop3A_342 : i32 to vector<16xi32>
      %parallel_loop3A_344 = arith.andi %parallel_loop3A_333, %parallel_loop3A_343 : vector<16xi32>
      tpu.vector_store_idx %arg7[%parallel_loop3A_341, %parallel_loop3A_344], %parallel_loop3A_338 {add = true} : memref<800x128xf32, #tpu.memory_space<vmem>>[vector<16xi32>, vector<16xi32>], vector<16xf32>,
    } {sc.loop_unroll_factor = 5 : i64, sc.parallel_access}
    %add3A_114 = arith.constant 18000 : i32
    %add3A_115 = arith.addi %mul3A_2, %add3A_114 : i32
    %dma_start3A_116 = tpu.memref_slice %arg3[%add3A_115] : memref<1600000xi32, #tpu.memory_space<hbm>> -> memref<2000xi32, #tpu.memory_space<hbm>>
    %dma_start3A_117 = tpu.memref_slice %arg3[%add3A_115] : memref<1600000xi32, #tpu.memory_space<hbm>> -> memref<2000xi32, #tpu.memory_space<hbm>>
    tpu.enqueue_dma source(%dma_start3A_117 : memref<2000xi32, #tpu.memory_space<hbm>>) target(%arg9 : memref<2000xi32, #tpu.memory_space<vmem>>) target_semaphore(%arg14 : memref<!tpu.dma_semaphore, #tpu.memory_space<semaphore_mem>>)
    %dma_start3A_118 = tpu.memref_slice %arg4[%add3A_115] : memref<1600000xi32, #tpu.memory_space<hbm>> -> memref<2000xi32, #tpu.memory_space<hbm>>
    %dma_start3A_119 = tpu.memref_slice %arg4[%add3A_115] : memref<1600000xi32, #tpu.memory_space<hbm>> -> memref<2000xi32, #tpu.memory_space<hbm>>
    tpu.enqueue_dma source(%dma_start3A_119 : memref<2000xi32, #tpu.memory_space<hbm>>) target(%arg11 : memref<2000xi32, #tpu.memory_space<vmem>>) target_semaphore(%arg16 : memref<!tpu.dma_semaphore, #tpu.memory_space<semaphore_mem>>)
    %dma_wait3A_120 = tpu.memref_slice %arg3[%add3A_102] : memref<1600000xi32, #tpu.memory_space<hbm>> -> memref<2000xi32, #tpu.memory_space<hbm>>
    %dma_wait3A_121 = tpu.memref_slice %arg3[%add3A_102] : memref<1600000xi32, #tpu.memory_space<hbm>> -> memref<2000xi32, #tpu.memory_space<hbm>>
    tpu.wait_dma2 semaphore(%arg13 : memref<!tpu.dma_semaphore, #tpu.memory_space<semaphore_mem>>) src(%dma_wait3A_121 : memref<2000xi32, #tpu.memory_space<hbm>>) dst(%arg8 : memref<2000xi32, #tpu.memory_space<vmem>>)
    %dma_wait3A_122 = tpu.memref_slice %arg4[%add3A_102] : memref<1600000xi32, #tpu.memory_space<hbm>> -> memref<2000xi32, #tpu.memory_space<hbm>>
    %dma_wait3A_123 = tpu.memref_slice %arg4[%add3A_102] : memref<1600000xi32, #tpu.memory_space<hbm>> -> memref<2000xi32, #tpu.memory_space<hbm>>
    tpu.wait_dma2 semaphore(%arg15 : memref<!tpu.dma_semaphore, #tpu.memory_space<semaphore_mem>>) src(%dma_wait3A_123 : memref<2000xi32, #tpu.memory_space<hbm>>) dst(%arg10 : memref<2000xi32, #tpu.memory_space<vmem>>)
    %parallel_loop3A_124 = arith.constant 0 : i32
    %parallel_loop3A_125 = arith.constant 125 : i32
    %parallel_loop3A_126 = arith.constant 1 : i32
    scf.for %parallel_loop3A_329 = %parallel_loop3A_124 to %parallel_loop3A_125 step %parallel_loop3A_126  : i32 {
      %parallel_loop3A_330 = arith.constant 16 : i32
      %parallel_loop3A_331 = arith.muli %parallel_loop3A_329, %parallel_loop3A_330 : i32
      %parallel_loop3A_332 = arith.index_cast %parallel_loop3A_331 : i32 to index
      %parallel_loop3A_333 = tpu.vector_load %arg8[%parallel_loop3A_332] {strides = array<i32>} : memref<2000xi32, #tpu.memory_space<vmem>>, vector<16xi32>,
      %parallel_loop3A_334 = arith.constant 16 : i32
      %parallel_loop3A_335 = arith.muli %parallel_loop3A_329, %parallel_loop3A_334 : i32
      %parallel_loop3A_336 = arith.index_cast %parallel_loop3A_335 : i32 to index
      %parallel_loop3A_337 = tpu.vector_load %arg10[%parallel_loop3A_336] {strides = array<i32>} : memref<2000xi32, #tpu.memory_space<vmem>>, vector<16xi32>,
      %parallel_loop3A_338 = tpu.vector_load_idx %arg6[%parallel_loop3A_337] : memref<10240xf32, #tpu.memory_space<vmem>>[vector<16xi32>], vector<16xf32>,
      %parallel_loop3A_339 = arith.constant 7 : i32
      %parallel_loop3A_340 = vector.broadcast %parallel_loop3A_339 : i32 to vector<16xi32>
      %parallel_loop3A_341 = arith.shrui %parallel_loop3A_333, %parallel_loop3A_340 : vector<16xi32>
      %parallel_loop3A_342 = arith.constant 127 : i32
      %parallel_loop3A_343 = vector.broadcast %parallel_loop3A_342 : i32 to vector<16xi32>
      %parallel_loop3A_344 = arith.andi %parallel_loop3A_333, %parallel_loop3A_343 : vector<16xi32>
      tpu.vector_store_idx %arg7[%parallel_loop3A_341, %parallel_loop3A_344], %parallel_loop3A_338 {add = true} : memref<800x128xf32, #tpu.memory_space<vmem>>[vector<16xi32>, vector<16xi32>], vector<16xf32>,
    } {sc.loop_unroll_factor = 5 : i64, sc.parallel_access}
    %add3A_127 = arith.constant 20000 : i32
    %add3A_128 = arith.addi %mul3A_2, %add3A_127 : i32
    %dma_start3A_129 = tpu.memref_slice %arg3[%add3A_128] : memref<1600000xi32, #tpu.memory_space<hbm>> -> memref<2000xi32, #tpu.memory_space<hbm>>
    %dma_start3A_130 = tpu.memref_slice %arg3[%add3A_128] : memref<1600000xi32, #tpu.memory_space<hbm>> -> memref<2000xi32, #tpu.memory_space<hbm>>
    tpu.enqueue_dma source(%dma_start3A_130 : memref<2000xi32, #tpu.memory_space<hbm>>) target(%arg8 : memref<2000xi32, #tpu.memory_space<vmem>>) target_semaphore(%arg13 : memref<!tpu.dma_semaphore, #tpu.memory_space<semaphore_mem>>)
    %dma_start3A_131 = tpu.memref_slice %arg4[%add3A_128] : memref<1600000xi32, #tpu.memory_space<hbm>> -> memref<2000xi32, #tpu.memory_space<hbm>>
    %dma_start3A_132 = tpu.memref_slice %arg4[%add3A_128] : memref<1600000xi32, #tpu.memory_space<hbm>> -> memref<2000xi32, #tpu.memory_space<hbm>>
    tpu.enqueue_dma source(%dma_start3A_132 : memref<2000xi32, #tpu.memory_space<hbm>>) target(%arg10 : memref<2000xi32, #tpu.memory_space<vmem>>) target_semaphore(%arg15 : memref<!tpu.dma_semaphore, #tpu.memory_space<semaphore_mem>>)
    %dma_wait3A_133 = tpu.memref_slice %arg3[%add3A_115] : memref<1600000xi32, #tpu.memory_space<hbm>> -> memref<2000xi32, #tpu.memory_space<hbm>>
    %dma_wait3A_134 = tpu.memref_slice %arg3[%add3A_115] : memref<1600000xi32, #tpu.memory_space<hbm>> -> memref<2000xi32, #tpu.memory_space<hbm>>
    tpu.wait_dma2 semaphore(%arg14 : memref<!tpu.dma_semaphore, #tpu.memory_space<semaphore_mem>>) src(%dma_wait3A_134 : memref<2000xi32, #tpu.memory_space<hbm>>) dst(%arg9 : memref<2000xi32, #tpu.memory_space<vmem>>)
    %dma_wait3A_135 = tpu.memref_slice %arg4[%add3A_115] : memref<1600000xi32, #tpu.memory_space<hbm>> -> memref<2000xi32, #tpu.memory_space<hbm>>
    %dma_wait3A_136 = tpu.memref_slice %arg4[%add3A_115] : memref<1600000xi32, #tpu.memory_space<hbm>> -> memref<2000xi32, #tpu.memory_space<hbm>>
    tpu.wait_dma2 semaphore(%arg16 : memref<!tpu.dma_semaphore, #tpu.memory_space<semaphore_mem>>) src(%dma_wait3A_136 : memref<2000xi32, #tpu.memory_space<hbm>>) dst(%arg11 : memref<2000xi32, #tpu.memory_space<vmem>>)
    %parallel_loop3A_137 = arith.constant 0 : i32
    %parallel_loop3A_138 = arith.constant 125 : i32
    %parallel_loop3A_139 = arith.constant 1 : i32
    scf.for %parallel_loop3A_329 = %parallel_loop3A_137 to %parallel_loop3A_138 step %parallel_loop3A_139  : i32 {
      %parallel_loop3A_330 = arith.constant 16 : i32
      %parallel_loop3A_331 = arith.muli %parallel_loop3A_329, %parallel_loop3A_330 : i32
      %parallel_loop3A_332 = arith.index_cast %parallel_loop3A_331 : i32 to index
      %parallel_loop3A_333 = tpu.vector_load %arg9[%parallel_loop3A_332] {strides = array<i32>} : memref<2000xi32, #tpu.memory_space<vmem>>, vector<16xi32>,
      %parallel_loop3A_334 = arith.constant 16 : i32
      %parallel_loop3A_335 = arith.muli %parallel_loop3A_329, %parallel_loop3A_334 : i32
      %parallel_loop3A_336 = arith.index_cast %parallel_loop3A_335 : i32 to index
      %parallel_loop3A_337 = tpu.vector_load %arg11[%parallel_loop3A_336] {strides = array<i32>} : memref<2000xi32, #tpu.memory_space<vmem>>, vector<16xi32>,
      %parallel_loop3A_338 = tpu.vector_load_idx %arg6[%parallel_loop3A_337] : memref<10240xf32, #tpu.memory_space<vmem>>[vector<16xi32>], vector<16xf32>,
      %parallel_loop3A_339 = arith.constant 7 : i32
      %parallel_loop3A_340 = vector.broadcast %parallel_loop3A_339 : i32 to vector<16xi32>
      %parallel_loop3A_341 = arith.shrui %parallel_loop3A_333, %parallel_loop3A_340 : vector<16xi32>
      %parallel_loop3A_342 = arith.constant 127 : i32
      %parallel_loop3A_343 = vector.broadcast %parallel_loop3A_342 : i32 to vector<16xi32>
      %parallel_loop3A_344 = arith.andi %parallel_loop3A_333, %parallel_loop3A_343 : vector<16xi32>
      tpu.vector_store_idx %arg7[%parallel_loop3A_341, %parallel_loop3A_344], %parallel_loop3A_338 {add = true} : memref<800x128xf32, #tpu.memory_space<vmem>>[vector<16xi32>, vector<16xi32>], vector<16xf32>,
    } {sc.loop_unroll_factor = 5 : i64, sc.parallel_access}
    %add3A_140 = arith.constant 22000 : i32
    %add3A_141 = arith.addi %mul3A_2, %add3A_140 : i32
    %dma_start3A_142 = tpu.memref_slice %arg3[%add3A_141] : memref<1600000xi32, #tpu.memory_space<hbm>> -> memref<2000xi32, #tpu.memory_space<hbm>>
    %dma_start3A_143 = tpu.memref_slice %arg3[%add3A_141] : memref<1600000xi32, #tpu.memory_space<hbm>> -> memref<2000xi32, #tpu.memory_space<hbm>>
    tpu.enqueue_dma source(%dma_start3A_143 : memref<2000xi32, #tpu.memory_space<hbm>>) target(%arg9 : memref<2000xi32, #tpu.memory_space<vmem>>) target_semaphore(%arg14 : memref<!tpu.dma_semaphore, #tpu.memory_space<semaphore_mem>>)
    %dma_start3A_144 = tpu.memref_slice %arg4[%add3A_141] : memref<1600000xi32, #tpu.memory_space<hbm>> -> memref<2000xi32, #tpu.memory_space<hbm>>
    %dma_start3A_145 = tpu.memref_slice %arg4[%add3A_141] : memref<1600000xi32, #tpu.memory_space<hbm>> -> memref<2000xi32, #tpu.memory_space<hbm>>
    tpu.enqueue_dma source(%dma_start3A_145 : memref<2000xi32, #tpu.memory_space<hbm>>) target(%arg11 : memref<2000xi32, #tpu.memory_space<vmem>>) target_semaphore(%arg16 : memref<!tpu.dma_semaphore, #tpu.memory_space<semaphore_mem>>)
    %dma_wait3A_146 = tpu.memref_slice %arg3[%add3A_128] : memref<1600000xi32, #tpu.memory_space<hbm>> -> memref<2000xi32, #tpu.memory_space<hbm>>
    %dma_wait3A_147 = tpu.memref_slice %arg3[%add3A_128] : memref<1600000xi32, #tpu.memory_space<hbm>> -> memref<2000xi32, #tpu.memory_space<hbm>>
    tpu.wait_dma2 semaphore(%arg13 : memref<!tpu.dma_semaphore, #tpu.memory_space<semaphore_mem>>) src(%dma_wait3A_147 : memref<2000xi32, #tpu.memory_space<hbm>>) dst(%arg8 : memref<2000xi32, #tpu.memory_space<vmem>>)
    %dma_wait3A_148 = tpu.memref_slice %arg4[%add3A_128] : memref<1600000xi32, #tpu.memory_space<hbm>> -> memref<2000xi32, #tpu.memory_space<hbm>>
    %dma_wait3A_149 = tpu.memref_slice %arg4[%add3A_128] : memref<1600000xi32, #tpu.memory_space<hbm>> -> memref<2000xi32, #tpu.memory_space<hbm>>
    tpu.wait_dma2 semaphore(%arg15 : memref<!tpu.dma_semaphore, #tpu.memory_space<semaphore_mem>>) src(%dma_wait3A_149 : memref<2000xi32, #tpu.memory_space<hbm>>) dst(%arg10 : memref<2000xi32, #tpu.memory_space<vmem>>)
    %parallel_loop3A_150 = arith.constant 0 : i32
    %parallel_loop3A_151 = arith.constant 125 : i32
    %parallel_loop3A_152 = arith.constant 1 : i32
    scf.for %parallel_loop3A_329 = %parallel_loop3A_150 to %parallel_loop3A_151 step %parallel_loop3A_152  : i32 {
      %parallel_loop3A_330 = arith.constant 16 : i32
      %parallel_loop3A_331 = arith.muli %parallel_loop3A_329, %parallel_loop3A_330 : i32
      %parallel_loop3A_332 = arith.index_cast %parallel_loop3A_331 : i32 to index
      %parallel_loop3A_333 = tpu.vector_load %arg8[%parallel_loop3A_332] {strides = array<i32>} : memref<2000xi32, #tpu.memory_space<vmem>>, vector<16xi32>,
      %parallel_loop3A_334 = arith.constant 16 : i32
      %parallel_loop3A_335 = arith.muli %parallel_loop3A_329, %parallel_loop3A_334 : i32
      %parallel_loop3A_336 = arith.index_cast %parallel_loop3A_335 : i32 to index
      %parallel_loop3A_337 = tpu.vector_load %arg10[%parallel_loop3A_336] {strides = array<i32>} : memref<2000xi32, #tpu.memory_space<vmem>>, vector<16xi32>,
      %parallel_loop3A_338 = tpu.vector_load_idx %arg6[%parallel_loop3A_337] : memref<10240xf32, #tpu.memory_space<vmem>>[vector<16xi32>], vector<16xf32>,
      %parallel_loop3A_339 = arith.constant 7 : i32
      %parallel_loop3A_340 = vector.broadcast %parallel_loop3A_339 : i32 to vector<16xi32>
      %parallel_loop3A_341 = arith.shrui %parallel_loop3A_333, %parallel_loop3A_340 : vector<16xi32>
      %parallel_loop3A_342 = arith.constant 127 : i32
      %parallel_loop3A_343 = vector.broadcast %parallel_loop3A_342 : i32 to vector<16xi32>
      %parallel_loop3A_344 = arith.andi %parallel_loop3A_333, %parallel_loop3A_343 : vector<16xi32>
      tpu.vector_store_idx %arg7[%parallel_loop3A_341, %parallel_loop3A_344], %parallel_loop3A_338 {add = true} : memref<800x128xf32, #tpu.memory_space<vmem>>[vector<16xi32>, vector<16xi32>], vector<16xf32>,
    } {sc.loop_unroll_factor = 5 : i64, sc.parallel_access}
    %add3A_153 = arith.constant 24000 : i32
    %add3A_154 = arith.addi %mul3A_2, %add3A_153 : i32
    %dma_start3A_155 = tpu.memref_slice %arg3[%add3A_154] : memref<1600000xi32, #tpu.memory_space<hbm>> -> memref<2000xi32, #tpu.memory_space<hbm>>
    %dma_start3A_156 = tpu.memref_slice %arg3[%add3A_154] : memref<1600000xi32, #tpu.memory_space<hbm>> -> memref<2000xi32, #tpu.memory_space<hbm>>
    tpu.enqueue_dma source(%dma_start3A_156 : memref<2000xi32, #tpu.memory_space<hbm>>) target(%arg8 : memref<2000xi32, #tpu.memory_space<vmem>>) target_semaphore(%arg13 : memref<!tpu.dma_semaphore, #tpu.memory_space<semaphore_mem>>)
    %dma_start3A_157 = tpu.memref_slice %arg4[%add3A_154] : memref<1600000xi32, #tpu.memory_space<hbm>> -> memref<2000xi32, #tpu.memory_space<hbm>>
    %dma_start3A_158 = tpu.memref_slice %arg4[%add3A_154] : memref<1600000xi32, #tpu.memory_space<hbm>> -> memref<2000xi32, #tpu.memory_space<hbm>>
    tpu.enqueue_dma source(%dma_start3A_158 : memref<2000xi32, #tpu.memory_space<hbm>>) target(%arg10 : memref<2000xi32, #tpu.memory_space<vmem>>) target_semaphore(%arg15 : memref<!tpu.dma_semaphore, #tpu.memory_space<semaphore_mem>>)
    %dma_wait3A_159 = tpu.memref_slice %arg3[%add3A_141] : memref<1600000xi32, #tpu.memory_space<hbm>> -> memref<2000xi32, #tpu.memory_space<hbm>>
    %dma_wait3A_160 = tpu.memref_slice %arg3[%add3A_141] : memref<1600000xi32, #tpu.memory_space<hbm>> -> memref<2000xi32, #tpu.memory_space<hbm>>
    tpu.wait_dma2 semaphore(%arg14 : memref<!tpu.dma_semaphore, #tpu.memory_space<semaphore_mem>>) src(%dma_wait3A_160 : memref<2000xi32, #tpu.memory_space<hbm>>) dst(%arg9 : memref<2000xi32, #tpu.memory_space<vmem>>)
    %dma_wait3A_161 = tpu.memref_slice %arg4[%add3A_141] : memref<1600000xi32, #tpu.memory_space<hbm>> -> memref<2000xi32, #tpu.memory_space<hbm>>
    %dma_wait3A_162 = tpu.memref_slice %arg4[%add3A_141] : memref<1600000xi32, #tpu.memory_space<hbm>> -> memref<2000xi32, #tpu.memory_space<hbm>>
    tpu.wait_dma2 semaphore(%arg16 : memref<!tpu.dma_semaphore, #tpu.memory_space<semaphore_mem>>) src(%dma_wait3A_162 : memref<2000xi32, #tpu.memory_space<hbm>>) dst(%arg11 : memref<2000xi32, #tpu.memory_space<vmem>>)
    %parallel_loop3A_163 = arith.constant 0 : i32
    %parallel_loop3A_164 = arith.constant 125 : i32
    %parallel_loop3A_165 = arith.constant 1 : i32
    scf.for %parallel_loop3A_329 = %parallel_loop3A_163 to %parallel_loop3A_164 step %parallel_loop3A_165  : i32 {
      %parallel_loop3A_330 = arith.constant 16 : i32
      %parallel_loop3A_331 = arith.muli %parallel_loop3A_329, %parallel_loop3A_330 : i32
      %parallel_loop3A_332 = arith.index_cast %parallel_loop3A_331 : i32 to index
      %parallel_loop3A_333 = tpu.vector_load %arg9[%parallel_loop3A_332] {strides = array<i32>} : memref<2000xi32, #tpu.memory_space<vmem>>, vector<16xi32>,
      %parallel_loop3A_334 = arith.constant 16 : i32
      %parallel_loop3A_335 = arith.muli %parallel_loop3A_329, %parallel_loop3A_334 : i32
      %parallel_loop3A_336 = arith.index_cast %parallel_loop3A_335 : i32 to index
      %parallel_loop3A_337 = tpu.vector_load %arg11[%parallel_loop3A_336] {strides = array<i32>} : memref<2000xi32, #tpu.memory_space<vmem>>, vector<16xi32>,
      %parallel_loop3A_338 = tpu.vector_load_idx %arg6[%parallel_loop3A_337] : memref<10240xf32, #tpu.memory_space<vmem>>[vector<16xi32>], vector<16xf32>,
      %parallel_loop3A_339 = arith.constant 7 : i32
      %parallel_loop3A_340 = vector.broadcast %parallel_loop3A_339 : i32 to vector<16xi32>
      %parallel_loop3A_341 = arith.shrui %parallel_loop3A_333, %parallel_loop3A_340 : vector<16xi32>
      %parallel_loop3A_342 = arith.constant 127 : i32
      %parallel_loop3A_343 = vector.broadcast %parallel_loop3A_342 : i32 to vector<16xi32>
      %parallel_loop3A_344 = arith.andi %parallel_loop3A_333, %parallel_loop3A_343 : vector<16xi32>
      tpu.vector_store_idx %arg7[%parallel_loop3A_341, %parallel_loop3A_344], %parallel_loop3A_338 {add = true} : memref<800x128xf32, #tpu.memory_space<vmem>>[vector<16xi32>, vector<16xi32>], vector<16xf32>,
    } {sc.loop_unroll_factor = 5 : i64, sc.parallel_access}
    %add3A_166 = arith.constant 26000 : i32
    %add3A_167 = arith.addi %mul3A_2, %add3A_166 : i32
    %dma_start3A_168 = tpu.memref_slice %arg3[%add3A_167] : memref<1600000xi32, #tpu.memory_space<hbm>> -> memref<2000xi32, #tpu.memory_space<hbm>>
    %dma_start3A_169 = tpu.memref_slice %arg3[%add3A_167] : memref<1600000xi32, #tpu.memory_space<hbm>> -> memref<2000xi32, #tpu.memory_space<hbm>>
    tpu.enqueue_dma source(%dma_start3A_169 : memref<2000xi32, #tpu.memory_space<hbm>>) target(%arg9 : memref<2000xi32, #tpu.memory_space<vmem>>) target_semaphore(%arg14 : memref<!tpu.dma_semaphore, #tpu.memory_space<semaphore_mem>>)
    %dma_start3A_170 = tpu.memref_slice %arg4[%add3A_167] : memref<1600000xi32, #tpu.memory_space<hbm>> -> memref<2000xi32, #tpu.memory_space<hbm>>
    %dma_start3A_171 = tpu.memref_slice %arg4[%add3A_167] : memref<1600000xi32, #tpu.memory_space<hbm>> -> memref<2000xi32, #tpu.memory_space<hbm>>
    tpu.enqueue_dma source(%dma_start3A_171 : memref<2000xi32, #tpu.memory_space<hbm>>) target(%arg11 : memref<2000xi32, #tpu.memory_space<vmem>>) target_semaphore(%arg16 : memref<!tpu.dma_semaphore, #tpu.memory_space<semaphore_mem>>)
    %dma_wait3A_172 = tpu.memref_slice %arg3[%add3A_154] : memref<1600000xi32, #tpu.memory_space<hbm>> -> memref<2000xi32, #tpu.memory_space<hbm>>
    %dma_wait3A_173 = tpu.memref_slice %arg3[%add3A_154] : memref<1600000xi32, #tpu.memory_space<hbm>> -> memref<2000xi32, #tpu.memory_space<hbm>>
    tpu.wait_dma2 semaphore(%arg13 : memref<!tpu.dma_semaphore, #tpu.memory_space<semaphore_mem>>) src(%dma_wait3A_173 : memref<2000xi32, #tpu.memory_space<hbm>>) dst(%arg8 : memref<2000xi32, #tpu.memory_space<vmem>>)
    %dma_wait3A_174 = tpu.memref_slice %arg4[%add3A_154] : memref<1600000xi32, #tpu.memory_space<hbm>> -> memref<2000xi32, #tpu.memory_space<hbm>>
    %dma_wait3A_175 = tpu.memref_slice %arg4[%add3A_154] : memref<1600000xi32, #tpu.memory_space<hbm>> -> memref<2000xi32, #tpu.memory_space<hbm>>
    tpu.wait_dma2 semaphore(%arg15 : memref<!tpu.dma_semaphore, #tpu.memory_space<semaphore_mem>>) src(%dma_wait3A_175 : memref<2000xi32, #tpu.memory_space<hbm>>) dst(%arg10 : memref<2000xi32, #tpu.memory_space<vmem>>)
    %parallel_loop3A_176 = arith.constant 0 : i32
    %parallel_loop3A_177 = arith.constant 125 : i32
    %parallel_loop3A_178 = arith.constant 1 : i32
    scf.for %parallel_loop3A_329 = %parallel_loop3A_176 to %parallel_loop3A_177 step %parallel_loop3A_178  : i32 {
      %parallel_loop3A_330 = arith.constant 16 : i32
      %parallel_loop3A_331 = arith.muli %parallel_loop3A_329, %parallel_loop3A_330 : i32
      %parallel_loop3A_332 = arith.index_cast %parallel_loop3A_331 : i32 to index
      %parallel_loop3A_333 = tpu.vector_load %arg8[%parallel_loop3A_332] {strides = array<i32>} : memref<2000xi32, #tpu.memory_space<vmem>>, vector<16xi32>,
      %parallel_loop3A_334 = arith.constant 16 : i32
      %parallel_loop3A_335 = arith.muli %parallel_loop3A_329, %parallel_loop3A_334 : i32
      %parallel_loop3A_336 = arith.index_cast %parallel_loop3A_335 : i32 to index
      %parallel_loop3A_337 = tpu.vector_load %arg10[%parallel_loop3A_336] {strides = array<i32>} : memref<2000xi32, #tpu.memory_space<vmem>>, vector<16xi32>,
      %parallel_loop3A_338 = tpu.vector_load_idx %arg6[%parallel_loop3A_337] : memref<10240xf32, #tpu.memory_space<vmem>>[vector<16xi32>], vector<16xf32>,
      %parallel_loop3A_339 = arith.constant 7 : i32
      %parallel_loop3A_340 = vector.broadcast %parallel_loop3A_339 : i32 to vector<16xi32>
      %parallel_loop3A_341 = arith.shrui %parallel_loop3A_333, %parallel_loop3A_340 : vector<16xi32>
      %parallel_loop3A_342 = arith.constant 127 : i32
      %parallel_loop3A_343 = vector.broadcast %parallel_loop3A_342 : i32 to vector<16xi32>
      %parallel_loop3A_344 = arith.andi %parallel_loop3A_333, %parallel_loop3A_343 : vector<16xi32>
      tpu.vector_store_idx %arg7[%parallel_loop3A_341, %parallel_loop3A_344], %parallel_loop3A_338 {add = true} : memref<800x128xf32, #tpu.memory_space<vmem>>[vector<16xi32>, vector<16xi32>], vector<16xf32>,
    } {sc.loop_unroll_factor = 5 : i64, sc.parallel_access}
    %add3A_179 = arith.constant 28000 : i32
    %add3A_180 = arith.addi %mul3A_2, %add3A_179 : i32
    %dma_start3A_181 = tpu.memref_slice %arg3[%add3A_180] : memref<1600000xi32, #tpu.memory_space<hbm>> -> memref<2000xi32, #tpu.memory_space<hbm>>
    %dma_start3A_182 = tpu.memref_slice %arg3[%add3A_180] : memref<1600000xi32, #tpu.memory_space<hbm>> -> memref<2000xi32, #tpu.memory_space<hbm>>
    tpu.enqueue_dma source(%dma_start3A_182 : memref<2000xi32, #tpu.memory_space<hbm>>) target(%arg8 : memref<2000xi32, #tpu.memory_space<vmem>>) target_semaphore(%arg13 : memref<!tpu.dma_semaphore, #tpu.memory_space<semaphore_mem>>)
    %dma_start3A_183 = tpu.memref_slice %arg4[%add3A_180] : memref<1600000xi32, #tpu.memory_space<hbm>> -> memref<2000xi32, #tpu.memory_space<hbm>>
    %dma_start3A_184 = tpu.memref_slice %arg4[%add3A_180] : memref<1600000xi32, #tpu.memory_space<hbm>> -> memref<2000xi32, #tpu.memory_space<hbm>>
    tpu.enqueue_dma source(%dma_start3A_184 : memref<2000xi32, #tpu.memory_space<hbm>>) target(%arg10 : memref<2000xi32, #tpu.memory_space<vmem>>) target_semaphore(%arg15 : memref<!tpu.dma_semaphore, #tpu.memory_space<semaphore_mem>>)
    %dma_wait3A_185 = tpu.memref_slice %arg3[%add3A_167] : memref<1600000xi32, #tpu.memory_space<hbm>> -> memref<2000xi32, #tpu.memory_space<hbm>>
    %dma_wait3A_186 = tpu.memref_slice %arg3[%add3A_167] : memref<1600000xi32, #tpu.memory_space<hbm>> -> memref<2000xi32, #tpu.memory_space<hbm>>
    tpu.wait_dma2 semaphore(%arg14 : memref<!tpu.dma_semaphore, #tpu.memory_space<semaphore_mem>>) src(%dma_wait3A_186 : memref<2000xi32, #tpu.memory_space<hbm>>) dst(%arg9 : memref<2000xi32, #tpu.memory_space<vmem>>)
    %dma_wait3A_187 = tpu.memref_slice %arg4[%add3A_167] : memref<1600000xi32, #tpu.memory_space<hbm>> -> memref<2000xi32, #tpu.memory_space<hbm>>
    %dma_wait3A_188 = tpu.memref_slice %arg4[%add3A_167] : memref<1600000xi32, #tpu.memory_space<hbm>> -> memref<2000xi32, #tpu.memory_space<hbm>>
    tpu.wait_dma2 semaphore(%arg16 : memref<!tpu.dma_semaphore, #tpu.memory_space<semaphore_mem>>) src(%dma_wait3A_188 : memref<2000xi32, #tpu.memory_space<hbm>>) dst(%arg11 : memref<2000xi32, #tpu.memory_space<vmem>>)
    %parallel_loop3A_189 = arith.constant 0 : i32
    %parallel_loop3A_190 = arith.constant 125 : i32
    %parallel_loop3A_191 = arith.constant 1 : i32
    scf.for %parallel_loop3A_329 = %parallel_loop3A_189 to %parallel_loop3A_190 step %parallel_loop3A_191  : i32 {
      %parallel_loop3A_330 = arith.constant 16 : i32
      %parallel_loop3A_331 = arith.muli %parallel_loop3A_329, %parallel_loop3A_330 : i32
      %parallel_loop3A_332 = arith.index_cast %parallel_loop3A_331 : i32 to index
      %parallel_loop3A_333 = tpu.vector_load %arg9[%parallel_loop3A_332] {strides = array<i32>} : memref<2000xi32, #tpu.memory_space<vmem>>, vector<16xi32>,
      %parallel_loop3A_334 = arith.constant 16 : i32
      %parallel_loop3A_335 = arith.muli %parallel_loop3A_329, %parallel_loop3A_334 : i32
      %parallel_loop3A_336 = arith.index_cast %parallel_loop3A_335 : i32 to index
      %parallel_loop3A_337 = tpu.vector_load %arg11[%parallel_loop3A_336] {strides = array<i32>} : memref<2000xi32, #tpu.memory_space<vmem>>, vector<16xi32>,
      %parallel_loop3A_338 = tpu.vector_load_idx %arg6[%parallel_loop3A_337] : memref<10240xf32, #tpu.memory_space<vmem>>[vector<16xi32>], vector<16xf32>,
      %parallel_loop3A_339 = arith.constant 7 : i32
      %parallel_loop3A_340 = vector.broadcast %parallel_loop3A_339 : i32 to vector<16xi32>
      %parallel_loop3A_341 = arith.shrui %parallel_loop3A_333, %parallel_loop3A_340 : vector<16xi32>
      %parallel_loop3A_342 = arith.constant 127 : i32
      %parallel_loop3A_343 = vector.broadcast %parallel_loop3A_342 : i32 to vector<16xi32>
      %parallel_loop3A_344 = arith.andi %parallel_loop3A_333, %parallel_loop3A_343 : vector<16xi32>
      tpu.vector_store_idx %arg7[%parallel_loop3A_341, %parallel_loop3A_344], %parallel_loop3A_338 {add = true} : memref<800x128xf32, #tpu.memory_space<vmem>>[vector<16xi32>, vector<16xi32>], vector<16xf32>,
    } {sc.loop_unroll_factor = 5 : i64, sc.parallel_access}
    %add3A_192 = arith.constant 30000 : i32
    %add3A_193 = arith.addi %mul3A_2, %add3A_192 : i32
    %dma_start3A_194 = tpu.memref_slice %arg3[%add3A_193] : memref<1600000xi32, #tpu.memory_space<hbm>> -> memref<2000xi32, #tpu.memory_space<hbm>>
    %dma_start3A_195 = tpu.memref_slice %arg3[%add3A_193] : memref<1600000xi32, #tpu.memory_space<hbm>> -> memref<2000xi32, #tpu.memory_space<hbm>>
    tpu.enqueue_dma source(%dma_start3A_195 : memref<2000xi32, #tpu.memory_space<hbm>>) target(%arg9 : memref<2000xi32, #tpu.memory_space<vmem>>) target_semaphore(%arg14 : memref<!tpu.dma_semaphore, #tpu.memory_space<semaphore_mem>>)
    %dma_start3A_196 = tpu.memref_slice %arg4[%add3A_193] : memref<1600000xi32, #tpu.memory_space<hbm>> -> memref<2000xi32, #tpu.memory_space<hbm>>
    %dma_start3A_197 = tpu.memref_slice %arg4[%add3A_193] : memref<1600000xi32, #tpu.memory_space<hbm>> -> memref<2000xi32, #tpu.memory_space<hbm>>
    tpu.enqueue_dma source(%dma_start3A_197 : memref<2000xi32, #tpu.memory_space<hbm>>) target(%arg11 : memref<2000xi32, #tpu.memory_space<vmem>>) target_semaphore(%arg16 : memref<!tpu.dma_semaphore, #tpu.memory_space<semaphore_mem>>)
    %dma_wait3A_198 = tpu.memref_slice %arg3[%add3A_180] : memref<1600000xi32, #tpu.memory_space<hbm>> -> memref<2000xi32, #tpu.memory_space<hbm>>
    %dma_wait3A_199 = tpu.memref_slice %arg3[%add3A_180] : memref<1600000xi32, #tpu.memory_space<hbm>> -> memref<2000xi32, #tpu.memory_space<hbm>>
    tpu.wait_dma2 semaphore(%arg13 : memref<!tpu.dma_semaphore, #tpu.memory_space<semaphore_mem>>) src(%dma_wait3A_199 : memref<2000xi32, #tpu.memory_space<hbm>>) dst(%arg8 : memref<2000xi32, #tpu.memory_space<vmem>>)
    %dma_wait3A_200 = tpu.memref_slice %arg4[%add3A_180] : memref<1600000xi32, #tpu.memory_space<hbm>> -> memref<2000xi32, #tpu.memory_space<hbm>>
    %dma_wait3A_201 = tpu.memref_slice %arg4[%add3A_180] : memref<1600000xi32, #tpu.memory_space<hbm>> -> memref<2000xi32, #tpu.memory_space<hbm>>
    tpu.wait_dma2 semaphore(%arg15 : memref<!tpu.dma_semaphore, #tpu.memory_space<semaphore_mem>>) src(%dma_wait3A_201 : memref<2000xi32, #tpu.memory_space<hbm>>) dst(%arg10 : memref<2000xi32, #tpu.memory_space<vmem>>)
    %parallel_loop3A_202 = arith.constant 0 : i32
    %parallel_loop3A_203 = arith.constant 125 : i32
    %parallel_loop3A_204 = arith.constant 1 : i32
    scf.for %parallel_loop3A_329 = %parallel_loop3A_202 to %parallel_loop3A_203 step %parallel_loop3A_204  : i32 {
      %parallel_loop3A_330 = arith.constant 16 : i32
      %parallel_loop3A_331 = arith.muli %parallel_loop3A_329, %parallel_loop3A_330 : i32
      %parallel_loop3A_332 = arith.index_cast %parallel_loop3A_331 : i32 to index
      %parallel_loop3A_333 = tpu.vector_load %arg8[%parallel_loop3A_332] {strides = array<i32>} : memref<2000xi32, #tpu.memory_space<vmem>>, vector<16xi32>,
      %parallel_loop3A_334 = arith.constant 16 : i32
      %parallel_loop3A_335 = arith.muli %parallel_loop3A_329, %parallel_loop3A_334 : i32
      %parallel_loop3A_336 = arith.index_cast %parallel_loop3A_335 : i32 to index
      %parallel_loop3A_337 = tpu.vector_load %arg10[%parallel_loop3A_336] {strides = array<i32>} : memref<2000xi32, #tpu.memory_space<vmem>>, vector<16xi32>,
      %parallel_loop3A_338 = tpu.vector_load_idx %arg6[%parallel_loop3A_337] : memref<10240xf32, #tpu.memory_space<vmem>>[vector<16xi32>], vector<16xf32>,
      %parallel_loop3A_339 = arith.constant 7 : i32
      %parallel_loop3A_340 = vector.broadcast %parallel_loop3A_339 : i32 to vector<16xi32>
      %parallel_loop3A_341 = arith.shrui %parallel_loop3A_333, %parallel_loop3A_340 : vector<16xi32>
      %parallel_loop3A_342 = arith.constant 127 : i32
      %parallel_loop3A_343 = vector.broadcast %parallel_loop3A_342 : i32 to vector<16xi32>
      %parallel_loop3A_344 = arith.andi %parallel_loop3A_333, %parallel_loop3A_343 : vector<16xi32>
      tpu.vector_store_idx %arg7[%parallel_loop3A_341, %parallel_loop3A_344], %parallel_loop3A_338 {add = true} : memref<800x128xf32, #tpu.memory_space<vmem>>[vector<16xi32>, vector<16xi32>], vector<16xf32>,
    } {sc.loop_unroll_factor = 5 : i64, sc.parallel_access}
    %add3A_205 = arith.constant 32000 : i32
    %add3A_206 = arith.addi %mul3A_2, %add3A_205 : i32
    %dma_start3A_207 = tpu.memref_slice %arg3[%add3A_206] : memref<1600000xi32, #tpu.memory_space<hbm>> -> memref<2000xi32, #tpu.memory_space<hbm>>
    %dma_start3A_208 = tpu.memref_slice %arg3[%add3A_206] : memref<1600000xi32, #tpu.memory_space<hbm>> -> memref<2000xi32, #tpu.memory_space<hbm>>
    tpu.enqueue_dma source(%dma_start3A_208 : memref<2000xi32, #tpu.memory_space<hbm>>) target(%arg8 : memref<2000xi32, #tpu.memory_space<vmem>>) target_semaphore(%arg13 : memref<!tpu.dma_semaphore, #tpu.memory_space<semaphore_mem>>)
    %dma_start3A_209 = tpu.memref_slice %arg4[%add3A_206] : memref<1600000xi32, #tpu.memory_space<hbm>> -> memref<2000xi32, #tpu.memory_space<hbm>>
    %dma_start3A_210 = tpu.memref_slice %arg4[%add3A_206] : memref<1600000xi32, #tpu.memory_space<hbm>> -> memref<2000xi32, #tpu.memory_space<hbm>>
    tpu.enqueue_dma source(%dma_start3A_210 : memref<2000xi32, #tpu.memory_space<hbm>>) target(%arg10 : memref<2000xi32, #tpu.memory_space<vmem>>) target_semaphore(%arg15 : memref<!tpu.dma_semaphore, #tpu.memory_space<semaphore_mem>>)
    %dma_wait3A_211 = tpu.memref_slice %arg3[%add3A_193] : memref<1600000xi32, #tpu.memory_space<hbm>> -> memref<2000xi32, #tpu.memory_space<hbm>>
    %dma_wait3A_212 = tpu.memref_slice %arg3[%add3A_193] : memref<1600000xi32, #tpu.memory_space<hbm>> -> memref<2000xi32, #tpu.memory_space<hbm>>
    tpu.wait_dma2 semaphore(%arg14 : memref<!tpu.dma_semaphore, #tpu.memory_space<semaphore_mem>>) src(%dma_wait3A_212 : memref<2000xi32, #tpu.memory_space<hbm>>) dst(%arg9 : memref<2000xi32, #tpu.memory_space<vmem>>)
    %dma_wait3A_213 = tpu.memref_slice %arg4[%add3A_193] : memref<1600000xi32, #tpu.memory_space<hbm>> -> memref<2000xi32, #tpu.memory_space<hbm>>
    %dma_wait3A_214 = tpu.memref_slice %arg4[%add3A_193] : memref<1600000xi32, #tpu.memory_space<hbm>> -> memref<2000xi32, #tpu.memory_space<hbm>>
    tpu.wait_dma2 semaphore(%arg16 : memref<!tpu.dma_semaphore, #tpu.memory_space<semaphore_mem>>) src(%dma_wait3A_214 : memref<2000xi32, #tpu.memory_space<hbm>>) dst(%arg11 : memref<2000xi32, #tpu.memory_space<vmem>>)
    %parallel_loop3A_215 = arith.constant 0 : i32
    %parallel_loop3A_216 = arith.constant 125 : i32
    %parallel_loop3A_217 = arith.constant 1 : i32
    scf.for %parallel_loop3A_329 = %parallel_loop3A_215 to %parallel_loop3A_216 step %parallel_loop3A_217  : i32 {
      %parallel_loop3A_330 = arith.constant 16 : i32
      %parallel_loop3A_331 = arith.muli %parallel_loop3A_329, %parallel_loop3A_330 : i32
      %parallel_loop3A_332 = arith.index_cast %parallel_loop3A_331 : i32 to index
      %parallel_loop3A_333 = tpu.vector_load %arg9[%parallel_loop3A_332] {strides = array<i32>} : memref<2000xi32, #tpu.memory_space<vmem>>, vector<16xi32>,
      %parallel_loop3A_334 = arith.constant 16 : i32
      %parallel_loop3A_335 = arith.muli %parallel_loop3A_329, %parallel_loop3A_334 : i32
      %parallel_loop3A_336 = arith.index_cast %parallel_loop3A_335 : i32 to index
      %parallel_loop3A_337 = tpu.vector_load %arg11[%parallel_loop3A_336] {strides = array<i32>} : memref<2000xi32, #tpu.memory_space<vmem>>, vector<16xi32>,
      %parallel_loop3A_338 = tpu.vector_load_idx %arg6[%parallel_loop3A_337] : memref<10240xf32, #tpu.memory_space<vmem>>[vector<16xi32>], vector<16xf32>,
      %parallel_loop3A_339 = arith.constant 7 : i32
      %parallel_loop3A_340 = vector.broadcast %parallel_loop3A_339 : i32 to vector<16xi32>
      %parallel_loop3A_341 = arith.shrui %parallel_loop3A_333, %parallel_loop3A_340 : vector<16xi32>
      %parallel_loop3A_342 = arith.constant 127 : i32
      %parallel_loop3A_343 = vector.broadcast %parallel_loop3A_342 : i32 to vector<16xi32>
      %parallel_loop3A_344 = arith.andi %parallel_loop3A_333, %parallel_loop3A_343 : vector<16xi32>
      tpu.vector_store_idx %arg7[%parallel_loop3A_341, %parallel_loop3A_344], %parallel_loop3A_338 {add = true} : memref<800x128xf32, #tpu.memory_space<vmem>>[vector<16xi32>, vector<16xi32>], vector<16xf32>,
    } {sc.loop_unroll_factor = 5 : i64, sc.parallel_access}
    %add3A_218 = arith.constant 34000 : i32
    %add3A_219 = arith.addi %mul3A_2, %add3A_218 : i32
    %dma_start3A_220 = tpu.memref_slice %arg3[%add3A_219] : memref<1600000xi32, #tpu.memory_space<hbm>> -> memref<2000xi32, #tpu.memory_space<hbm>>
    %dma_start3A_221 = tpu.memref_slice %arg3[%add3A_219] : memref<1600000xi32, #tpu.memory_space<hbm>> -> memref<2000xi32, #tpu.memory_space<hbm>>
    tpu.enqueue_dma source(%dma_start3A_221 : memref<2000xi32, #tpu.memory_space<hbm>>) target(%arg9 : memref<2000xi32, #tpu.memory_space<vmem>>) target_semaphore(%arg14 : memref<!tpu.dma_semaphore, #tpu.memory_space<semaphore_mem>>)
    %dma_start3A_222 = tpu.memref_slice %arg4[%add3A_219] : memref<1600000xi32, #tpu.memory_space<hbm>> -> memref<2000xi32, #tpu.memory_space<hbm>>
    %dma_start3A_223 = tpu.memref_slice %arg4[%add3A_219] : memref<1600000xi32, #tpu.memory_space<hbm>> -> memref<2000xi32, #tpu.memory_space<hbm>>
    tpu.enqueue_dma source(%dma_start3A_223 : memref<2000xi32, #tpu.memory_space<hbm>>) target(%arg11 : memref<2000xi32, #tpu.memory_space<vmem>>) target_semaphore(%arg16 : memref<!tpu.dma_semaphore, #tpu.memory_space<semaphore_mem>>)
    %dma_wait3A_224 = tpu.memref_slice %arg3[%add3A_206] : memref<1600000xi32, #tpu.memory_space<hbm>> -> memref<2000xi32, #tpu.memory_space<hbm>>
    %dma_wait3A_225 = tpu.memref_slice %arg3[%add3A_206] : memref<1600000xi32, #tpu.memory_space<hbm>> -> memref<2000xi32, #tpu.memory_space<hbm>>
    tpu.wait_dma2 semaphore(%arg13 : memref<!tpu.dma_semaphore, #tpu.memory_space<semaphore_mem>>) src(%dma_wait3A_225 : memref<2000xi32, #tpu.memory_space<hbm>>) dst(%arg8 : memref<2000xi32, #tpu.memory_space<vmem>>)
    %dma_wait3A_226 = tpu.memref_slice %arg4[%add3A_206] : memref<1600000xi32, #tpu.memory_space<hbm>> -> memref<2000xi32, #tpu.memory_space<hbm>>
    %dma_wait3A_227 = tpu.memref_slice %arg4[%add3A_206] : memref<1600000xi32, #tpu.memory_space<hbm>> -> memref<2000xi32, #tpu.memory_space<hbm>>
    tpu.wait_dma2 semaphore(%arg15 : memref<!tpu.dma_semaphore, #tpu.memory_space<semaphore_mem>>) src(%dma_wait3A_227 : memref<2000xi32, #tpu.memory_space<hbm>>) dst(%arg10 : memref<2000xi32, #tpu.memory_space<vmem>>)
    %parallel_loop3A_228 = arith.constant 0 : i32
    %parallel_loop3A_229 = arith.constant 125 : i32
    %parallel_loop3A_230 = arith.constant 1 : i32
    scf.for %parallel_loop3A_329 = %parallel_loop3A_228 to %parallel_loop3A_229 step %parallel_loop3A_230  : i32 {
      %parallel_loop3A_330 = arith.constant 16 : i32
      %parallel_loop3A_331 = arith.muli %parallel_loop3A_329, %parallel_loop3A_330 : i32
      %parallel_loop3A_332 = arith.index_cast %parallel_loop3A_331 : i32 to index
      %parallel_loop3A_333 = tpu.vector_load %arg8[%parallel_loop3A_332] {strides = array<i32>} : memref<2000xi32, #tpu.memory_space<vmem>>, vector<16xi32>,
      %parallel_loop3A_334 = arith.constant 16 : i32
      %parallel_loop3A_335 = arith.muli %parallel_loop3A_329, %parallel_loop3A_334 : i32
      %parallel_loop3A_336 = arith.index_cast %parallel_loop3A_335 : i32 to index
      %parallel_loop3A_337 = tpu.vector_load %arg10[%parallel_loop3A_336] {strides = array<i32>} : memref<2000xi32, #tpu.memory_space<vmem>>, vector<16xi32>,
      %parallel_loop3A_338 = tpu.vector_load_idx %arg6[%parallel_loop3A_337] : memref<10240xf32, #tpu.memory_space<vmem>>[vector<16xi32>], vector<16xf32>,
      %parallel_loop3A_339 = arith.constant 7 : i32
      %parallel_loop3A_340 = vector.broadcast %parallel_loop3A_339 : i32 to vector<16xi32>
      %parallel_loop3A_341 = arith.shrui %parallel_loop3A_333, %parallel_loop3A_340 : vector<16xi32>
      %parallel_loop3A_342 = arith.constant 127 : i32
      %parallel_loop3A_343 = vector.broadcast %parallel_loop3A_342 : i32 to vector<16xi32>
      %parallel_loop3A_344 = arith.andi %parallel_loop3A_333, %parallel_loop3A_343 : vector<16xi32>
      tpu.vector_store_idx %arg7[%parallel_loop3A_341, %parallel_loop3A_344], %parallel_loop3A_338 {add = true} : memref<800x128xf32, #tpu.memory_space<vmem>>[vector<16xi32>, vector<16xi32>], vector<16xf32>,
    } {sc.loop_unroll_factor = 5 : i64, sc.parallel_access}
    %add3A_231 = arith.constant 36000 : i32
    %add3A_232 = arith.addi %mul3A_2, %add3A_231 : i32
    %dma_start3A_233 = tpu.memref_slice %arg3[%add3A_232] : memref<1600000xi32, #tpu.memory_space<hbm>> -> memref<2000xi32, #tpu.memory_space<hbm>>
    %dma_start3A_234 = tpu.memref_slice %arg3[%add3A_232] : memref<1600000xi32, #tpu.memory_space<hbm>> -> memref<2000xi32, #tpu.memory_space<hbm>>
    tpu.enqueue_dma source(%dma_start3A_234 : memref<2000xi32, #tpu.memory_space<hbm>>) target(%arg8 : memref<2000xi32, #tpu.memory_space<vmem>>) target_semaphore(%arg13 : memref<!tpu.dma_semaphore, #tpu.memory_space<semaphore_mem>>)
    %dma_start3A_235 = tpu.memref_slice %arg4[%add3A_232] : memref<1600000xi32, #tpu.memory_space<hbm>> -> memref<2000xi32, #tpu.memory_space<hbm>>
    %dma_start3A_236 = tpu.memref_slice %arg4[%add3A_232] : memref<1600000xi32, #tpu.memory_space<hbm>> -> memref<2000xi32, #tpu.memory_space<hbm>>
    tpu.enqueue_dma source(%dma_start3A_236 : memref<2000xi32, #tpu.memory_space<hbm>>) target(%arg10 : memref<2000xi32, #tpu.memory_space<vmem>>) target_semaphore(%arg15 : memref<!tpu.dma_semaphore, #tpu.memory_space<semaphore_mem>>)
    %dma_wait3A_237 = tpu.memref_slice %arg3[%add3A_219] : memref<1600000xi32, #tpu.memory_space<hbm>> -> memref<2000xi32, #tpu.memory_space<hbm>>
    %dma_wait3A_238 = tpu.memref_slice %arg3[%add3A_219] : memref<1600000xi32, #tpu.memory_space<hbm>> -> memref<2000xi32, #tpu.memory_space<hbm>>
    tpu.wait_dma2 semaphore(%arg14 : memref<!tpu.dma_semaphore, #tpu.memory_space<semaphore_mem>>) src(%dma_wait3A_238 : memref<2000xi32, #tpu.memory_space<hbm>>) dst(%arg9 : memref<2000xi32, #tpu.memory_space<vmem>>)
    %dma_wait3A_239 = tpu.memref_slice %arg4[%add3A_219] : memref<1600000xi32, #tpu.memory_space<hbm>> -> memref<2000xi32, #tpu.memory_space<hbm>>
    %dma_wait3A_240 = tpu.memref_slice %arg4[%add3A_219] : memref<1600000xi32, #tpu.memory_space<hbm>> -> memref<2000xi32, #tpu.memory_space<hbm>>
    tpu.wait_dma2 semaphore(%arg16 : memref<!tpu.dma_semaphore, #tpu.memory_space<semaphore_mem>>) src(%dma_wait3A_240 : memref<2000xi32, #tpu.memory_space<hbm>>) dst(%arg11 : memref<2000xi32, #tpu.memory_space<vmem>>)
    %parallel_loop3A_241 = arith.constant 0 : i32
    %parallel_loop3A_242 = arith.constant 125 : i32
    %parallel_loop3A_243 = arith.constant 1 : i32
    scf.for %parallel_loop3A_329 = %parallel_loop3A_241 to %parallel_loop3A_242 step %parallel_loop3A_243  : i32 {
      %parallel_loop3A_330 = arith.constant 16 : i32
      %parallel_loop3A_331 = arith.muli %parallel_loop3A_329, %parallel_loop3A_330 : i32
      %parallel_loop3A_332 = arith.index_cast %parallel_loop3A_331 : i32 to index
      %parallel_loop3A_333 = tpu.vector_load %arg9[%parallel_loop3A_332] {strides = array<i32>} : memref<2000xi32, #tpu.memory_space<vmem>>, vector<16xi32>,
      %parallel_loop3A_334 = arith.constant 16 : i32
      %parallel_loop3A_335 = arith.muli %parallel_loop3A_329, %parallel_loop3A_334 : i32
      %parallel_loop3A_336 = arith.index_cast %parallel_loop3A_335 : i32 to index
      %parallel_loop3A_337 = tpu.vector_load %arg11[%parallel_loop3A_336] {strides = array<i32>} : memref<2000xi32, #tpu.memory_space<vmem>>, vector<16xi32>,
      %parallel_loop3A_338 = tpu.vector_load_idx %arg6[%parallel_loop3A_337] : memref<10240xf32, #tpu.memory_space<vmem>>[vector<16xi32>], vector<16xf32>,
      %parallel_loop3A_339 = arith.constant 7 : i32
      %parallel_loop3A_340 = vector.broadcast %parallel_loop3A_339 : i32 to vector<16xi32>
      %parallel_loop3A_341 = arith.shrui %parallel_loop3A_333, %parallel_loop3A_340 : vector<16xi32>
      %parallel_loop3A_342 = arith.constant 127 : i32
      %parallel_loop3A_343 = vector.broadcast %parallel_loop3A_342 : i32 to vector<16xi32>
      %parallel_loop3A_344 = arith.andi %parallel_loop3A_333, %parallel_loop3A_343 : vector<16xi32>
      tpu.vector_store_idx %arg7[%parallel_loop3A_341, %parallel_loop3A_344], %parallel_loop3A_338 {add = true} : memref<800x128xf32, #tpu.memory_space<vmem>>[vector<16xi32>, vector<16xi32>], vector<16xf32>,
    } {sc.loop_unroll_factor = 5 : i64, sc.parallel_access}
    %add3A_244 = arith.constant 38000 : i32
    %add3A_245 = arith.addi %mul3A_2, %add3A_244 : i32
    %dma_start3A_246 = tpu.memref_slice %arg3[%add3A_245] : memref<1600000xi32, #tpu.memory_space<hbm>> -> memref<2000xi32, #tpu.memory_space<hbm>>
    %dma_start3A_247 = tpu.memref_slice %arg3[%add3A_245] : memref<1600000xi32, #tpu.memory_space<hbm>> -> memref<2000xi32, #tpu.memory_space<hbm>>
    tpu.enqueue_dma source(%dma_start3A_247 : memref<2000xi32, #tpu.memory_space<hbm>>) target(%arg9 : memref<2000xi32, #tpu.memory_space<vmem>>) target_semaphore(%arg14 : memref<!tpu.dma_semaphore, #tpu.memory_space<semaphore_mem>>)
    %dma_start3A_248 = tpu.memref_slice %arg4[%add3A_245] : memref<1600000xi32, #tpu.memory_space<hbm>> -> memref<2000xi32, #tpu.memory_space<hbm>>
    %dma_start3A_249 = tpu.memref_slice %arg4[%add3A_245] : memref<1600000xi32, #tpu.memory_space<hbm>> -> memref<2000xi32, #tpu.memory_space<hbm>>
    tpu.enqueue_dma source(%dma_start3A_249 : memref<2000xi32, #tpu.memory_space<hbm>>) target(%arg11 : memref<2000xi32, #tpu.memory_space<vmem>>) target_semaphore(%arg16 : memref<!tpu.dma_semaphore, #tpu.memory_space<semaphore_mem>>)
    %dma_wait3A_250 = tpu.memref_slice %arg3[%add3A_232] : memref<1600000xi32, #tpu.memory_space<hbm>> -> memref<2000xi32, #tpu.memory_space<hbm>>
    %dma_wait3A_251 = tpu.memref_slice %arg3[%add3A_232] : memref<1600000xi32, #tpu.memory_space<hbm>> -> memref<2000xi32, #tpu.memory_space<hbm>>
    tpu.wait_dma2 semaphore(%arg13 : memref<!tpu.dma_semaphore, #tpu.memory_space<semaphore_mem>>) src(%dma_wait3A_251 : memref<2000xi32, #tpu.memory_space<hbm>>) dst(%arg8 : memref<2000xi32, #tpu.memory_space<vmem>>)
    %dma_wait3A_252 = tpu.memref_slice %arg4[%add3A_232] : memref<1600000xi32, #tpu.memory_space<hbm>> -> memref<2000xi32, #tpu.memory_space<hbm>>
    %dma_wait3A_253 = tpu.memref_slice %arg4[%add3A_232] : memref<1600000xi32, #tpu.memory_space<hbm>> -> memref<2000xi32, #tpu.memory_space<hbm>>
    tpu.wait_dma2 semaphore(%arg15 : memref<!tpu.dma_semaphore, #tpu.memory_space<semaphore_mem>>) src(%dma_wait3A_253 : memref<2000xi32, #tpu.memory_space<hbm>>) dst(%arg10 : memref<2000xi32, #tpu.memory_space<vmem>>)
    %parallel_loop3A_254 = arith.constant 0 : i32
    %parallel_loop3A_255 = arith.constant 125 : i32
    %parallel_loop3A_256 = arith.constant 1 : i32
    scf.for %parallel_loop3A_329 = %parallel_loop3A_254 to %parallel_loop3A_255 step %parallel_loop3A_256  : i32 {
      %parallel_loop3A_330 = arith.constant 16 : i32
      %parallel_loop3A_331 = arith.muli %parallel_loop3A_329, %parallel_loop3A_330 : i32
      %parallel_loop3A_332 = arith.index_cast %parallel_loop3A_331 : i32 to index
      %parallel_loop3A_333 = tpu.vector_load %arg8[%parallel_loop3A_332] {strides = array<i32>} : memref<2000xi32, #tpu.memory_space<vmem>>, vector<16xi32>,
      %parallel_loop3A_334 = arith.constant 16 : i32
      %parallel_loop3A_335 = arith.muli %parallel_loop3A_329, %parallel_loop3A_334 : i32
      %parallel_loop3A_336 = arith.index_cast %parallel_loop3A_335 : i32 to index
      %parallel_loop3A_337 = tpu.vector_load %arg10[%parallel_loop3A_336] {strides = array<i32>} : memref<2000xi32, #tpu.memory_space<vmem>>, vector<16xi32>,
      %parallel_loop3A_338 = tpu.vector_load_idx %arg6[%parallel_loop3A_337] : memref<10240xf32, #tpu.memory_space<vmem>>[vector<16xi32>], vector<16xf32>,
      %parallel_loop3A_339 = arith.constant 7 : i32
      %parallel_loop3A_340 = vector.broadcast %parallel_loop3A_339 : i32 to vector<16xi32>
      %parallel_loop3A_341 = arith.shrui %parallel_loop3A_333, %parallel_loop3A_340 : vector<16xi32>
      %parallel_loop3A_342 = arith.constant 127 : i32
      %parallel_loop3A_343 = vector.broadcast %parallel_loop3A_342 : i32 to vector<16xi32>
      %parallel_loop3A_344 = arith.andi %parallel_loop3A_333, %parallel_loop3A_343 : vector<16xi32>
      tpu.vector_store_idx %arg7[%parallel_loop3A_341, %parallel_loop3A_344], %parallel_loop3A_338 {add = true} : memref<800x128xf32, #tpu.memory_space<vmem>>[vector<16xi32>, vector<16xi32>], vector<16xf32>,
    } {sc.loop_unroll_factor = 5 : i64, sc.parallel_access}
    %add3A_257 = arith.constant 40000 : i32
    %add3A_258 = arith.addi %mul3A_2, %add3A_257 : i32
    %dma_start3A_259 = tpu.memref_slice %arg3[%add3A_258] : memref<1600000xi32, #tpu.memory_space<hbm>> -> memref<2000xi32, #tpu.memory_space<hbm>>
    %dma_start3A_260 = tpu.memref_slice %arg3[%add3A_258] : memref<1600000xi32, #tpu.memory_space<hbm>> -> memref<2000xi32, #tpu.memory_space<hbm>>
    tpu.enqueue_dma source(%dma_start3A_260 : memref<2000xi32, #tpu.memory_space<hbm>>) target(%arg8 : memref<2000xi32, #tpu.memory_space<vmem>>) target_semaphore(%arg13 : memref<!tpu.dma_semaphore, #tpu.memory_space<semaphore_mem>>)
    %dma_start3A_261 = tpu.memref_slice %arg4[%add3A_258] : memref<1600000xi32, #tpu.memory_space<hbm>> -> memref<2000xi32, #tpu.memory_space<hbm>>
    %dma_start3A_262 = tpu.memref_slice %arg4[%add3A_258] : memref<1600000xi32, #tpu.memory_space<hbm>> -> memref<2000xi32, #tpu.memory_space<hbm>>
    tpu.enqueue_dma source(%dma_start3A_262 : memref<2000xi32, #tpu.memory_space<hbm>>) target(%arg10 : memref<2000xi32, #tpu.memory_space<vmem>>) target_semaphore(%arg15 : memref<!tpu.dma_semaphore, #tpu.memory_space<semaphore_mem>>)
    %dma_wait3A_263 = tpu.memref_slice %arg3[%add3A_245] : memref<1600000xi32, #tpu.memory_space<hbm>> -> memref<2000xi32, #tpu.memory_space<hbm>>
    %dma_wait3A_264 = tpu.memref_slice %arg3[%add3A_245] : memref<1600000xi32, #tpu.memory_space<hbm>> -> memref<2000xi32, #tpu.memory_space<hbm>>
    tpu.wait_dma2 semaphore(%arg14 : memref<!tpu.dma_semaphore, #tpu.memory_space<semaphore_mem>>) src(%dma_wait3A_264 : memref<2000xi32, #tpu.memory_space<hbm>>) dst(%arg9 : memref<2000xi32, #tpu.memory_space<vmem>>)
    %dma_wait3A_265 = tpu.memref_slice %arg4[%add3A_245] : memref<1600000xi32, #tpu.memory_space<hbm>> -> memref<2000xi32, #tpu.memory_space<hbm>>
    %dma_wait3A_266 = tpu.memref_slice %arg4[%add3A_245] : memref<1600000xi32, #tpu.memory_space<hbm>> -> memref<2000xi32, #tpu.memory_space<hbm>>
    tpu.wait_dma2 semaphore(%arg16 : memref<!tpu.dma_semaphore, #tpu.memory_space<semaphore_mem>>) src(%dma_wait3A_266 : memref<2000xi32, #tpu.memory_space<hbm>>) dst(%arg11 : memref<2000xi32, #tpu.memory_space<vmem>>)
    %parallel_loop3A_267 = arith.constant 0 : i32
    %parallel_loop3A_268 = arith.constant 125 : i32
    %parallel_loop3A_269 = arith.constant 1 : i32
    scf.for %parallel_loop3A_329 = %parallel_loop3A_267 to %parallel_loop3A_268 step %parallel_loop3A_269  : i32 {
      %parallel_loop3A_330 = arith.constant 16 : i32
      %parallel_loop3A_331 = arith.muli %parallel_loop3A_329, %parallel_loop3A_330 : i32
      %parallel_loop3A_332 = arith.index_cast %parallel_loop3A_331 : i32 to index
      %parallel_loop3A_333 = tpu.vector_load %arg9[%parallel_loop3A_332] {strides = array<i32>} : memref<2000xi32, #tpu.memory_space<vmem>>, vector<16xi32>,
      %parallel_loop3A_334 = arith.constant 16 : i32
      %parallel_loop3A_335 = arith.muli %parallel_loop3A_329, %parallel_loop3A_334 : i32
      %parallel_loop3A_336 = arith.index_cast %parallel_loop3A_335 : i32 to index
      %parallel_loop3A_337 = tpu.vector_load %arg11[%parallel_loop3A_336] {strides = array<i32>} : memref<2000xi32, #tpu.memory_space<vmem>>, vector<16xi32>,
      %parallel_loop3A_338 = tpu.vector_load_idx %arg6[%parallel_loop3A_337] : memref<10240xf32, #tpu.memory_space<vmem>>[vector<16xi32>], vector<16xf32>,
      %parallel_loop3A_339 = arith.constant 7 : i32
      %parallel_loop3A_340 = vector.broadcast %parallel_loop3A_339 : i32 to vector<16xi32>
      %parallel_loop3A_341 = arith.shrui %parallel_loop3A_333, %parallel_loop3A_340 : vector<16xi32>
      %parallel_loop3A_342 = arith.constant 127 : i32
      %parallel_loop3A_343 = vector.broadcast %parallel_loop3A_342 : i32 to vector<16xi32>
      %parallel_loop3A_344 = arith.andi %parallel_loop3A_333, %parallel_loop3A_343 : vector<16xi32>
      tpu.vector_store_idx %arg7[%parallel_loop3A_341, %parallel_loop3A_344], %parallel_loop3A_338 {add = true} : memref<800x128xf32, #tpu.memory_space<vmem>>[vector<16xi32>, vector<16xi32>], vector<16xf32>,
    } {sc.loop_unroll_factor = 5 : i64, sc.parallel_access}
    %add3A_270 = arith.constant 42000 : i32
    %add3A_271 = arith.addi %mul3A_2, %add3A_270 : i32
    %dma_start3A_272 = tpu.memref_slice %arg3[%add3A_271] : memref<1600000xi32, #tpu.memory_space<hbm>> -> memref<2000xi32, #tpu.memory_space<hbm>>
    %dma_start3A_273 = tpu.memref_slice %arg3[%add3A_271] : memref<1600000xi32, #tpu.memory_space<hbm>> -> memref<2000xi32, #tpu.memory_space<hbm>>
    tpu.enqueue_dma source(%dma_start3A_273 : memref<2000xi32, #tpu.memory_space<hbm>>) target(%arg9 : memref<2000xi32, #tpu.memory_space<vmem>>) target_semaphore(%arg14 : memref<!tpu.dma_semaphore, #tpu.memory_space<semaphore_mem>>)
    %dma_start3A_274 = tpu.memref_slice %arg4[%add3A_271] : memref<1600000xi32, #tpu.memory_space<hbm>> -> memref<2000xi32, #tpu.memory_space<hbm>>
    %dma_start3A_275 = tpu.memref_slice %arg4[%add3A_271] : memref<1600000xi32, #tpu.memory_space<hbm>> -> memref<2000xi32, #tpu.memory_space<hbm>>
    tpu.enqueue_dma source(%dma_start3A_275 : memref<2000xi32, #tpu.memory_space<hbm>>) target(%arg11 : memref<2000xi32, #tpu.memory_space<vmem>>) target_semaphore(%arg16 : memref<!tpu.dma_semaphore, #tpu.memory_space<semaphore_mem>>)
    %dma_wait3A_276 = tpu.memref_slice %arg3[%add3A_258] : memref<1600000xi32, #tpu.memory_space<hbm>> -> memref<2000xi32, #tpu.memory_space<hbm>>
    %dma_wait3A_277 = tpu.memref_slice %arg3[%add3A_258] : memref<1600000xi32, #tpu.memory_space<hbm>> -> memref<2000xi32, #tpu.memory_space<hbm>>
    tpu.wait_dma2 semaphore(%arg13 : memref<!tpu.dma_semaphore, #tpu.memory_space<semaphore_mem>>) src(%dma_wait3A_277 : memref<2000xi32, #tpu.memory_space<hbm>>) dst(%arg8 : memref<2000xi32, #tpu.memory_space<vmem>>)
    %dma_wait3A_278 = tpu.memref_slice %arg4[%add3A_258] : memref<1600000xi32, #tpu.memory_space<hbm>> -> memref<2000xi32, #tpu.memory_space<hbm>>
    %dma_wait3A_279 = tpu.memref_slice %arg4[%add3A_258] : memref<1600000xi32, #tpu.memory_space<hbm>> -> memref<2000xi32, #tpu.memory_space<hbm>>
    tpu.wait_dma2 semaphore(%arg15 : memref<!tpu.dma_semaphore, #tpu.memory_space<semaphore_mem>>) src(%dma_wait3A_279 : memref<2000xi32, #tpu.memory_space<hbm>>) dst(%arg10 : memref<2000xi32, #tpu.memory_space<vmem>>)
    %parallel_loop3A_280 = arith.constant 0 : i32
    %parallel_loop3A_281 = arith.constant 125 : i32
    %parallel_loop3A_282 = arith.constant 1 : i32
    scf.for %parallel_loop3A_329 = %parallel_loop3A_280 to %parallel_loop3A_281 step %parallel_loop3A_282  : i32 {
      %parallel_loop3A_330 = arith.constant 16 : i32
      %parallel_loop3A_331 = arith.muli %parallel_loop3A_329, %parallel_loop3A_330 : i32
      %parallel_loop3A_332 = arith.index_cast %parallel_loop3A_331 : i32 to index
      %parallel_loop3A_333 = tpu.vector_load %arg8[%parallel_loop3A_332] {strides = array<i32>} : memref<2000xi32, #tpu.memory_space<vmem>>, vector<16xi32>,
      %parallel_loop3A_334 = arith.constant 16 : i32
      %parallel_loop3A_335 = arith.muli %parallel_loop3A_329, %parallel_loop3A_334 : i32
      %parallel_loop3A_336 = arith.index_cast %parallel_loop3A_335 : i32 to index
      %parallel_loop3A_337 = tpu.vector_load %arg10[%parallel_loop3A_336] {strides = array<i32>} : memref<2000xi32, #tpu.memory_space<vmem>>, vector<16xi32>,
      %parallel_loop3A_338 = tpu.vector_load_idx %arg6[%parallel_loop3A_337] : memref<10240xf32, #tpu.memory_space<vmem>>[vector<16xi32>], vector<16xf32>,
      %parallel_loop3A_339 = arith.constant 7 : i32
      %parallel_loop3A_340 = vector.broadcast %parallel_loop3A_339 : i32 to vector<16xi32>
      %parallel_loop3A_341 = arith.shrui %parallel_loop3A_333, %parallel_loop3A_340 : vector<16xi32>
      %parallel_loop3A_342 = arith.constant 127 : i32
      %parallel_loop3A_343 = vector.broadcast %parallel_loop3A_342 : i32 to vector<16xi32>
      %parallel_loop3A_344 = arith.andi %parallel_loop3A_333, %parallel_loop3A_343 : vector<16xi32>
      tpu.vector_store_idx %arg7[%parallel_loop3A_341, %parallel_loop3A_344], %parallel_loop3A_338 {add = true} : memref<800x128xf32, #tpu.memory_space<vmem>>[vector<16xi32>, vector<16xi32>], vector<16xf32>,
    } {sc.loop_unroll_factor = 5 : i64, sc.parallel_access}
    %add3A_283 = arith.constant 44000 : i32
    %add3A_284 = arith.addi %mul3A_2, %add3A_283 : i32
    %dma_start3A_285 = tpu.memref_slice %arg3[%add3A_284] : memref<1600000xi32, #tpu.memory_space<hbm>> -> memref<2000xi32, #tpu.memory_space<hbm>>
    %dma_start3A_286 = tpu.memref_slice %arg3[%add3A_284] : memref<1600000xi32, #tpu.memory_space<hbm>> -> memref<2000xi32, #tpu.memory_space<hbm>>
    tpu.enqueue_dma source(%dma_start3A_286 : memref<2000xi32, #tpu.memory_space<hbm>>) target(%arg8 : memref<2000xi32, #tpu.memory_space<vmem>>) target_semaphore(%arg13 : memref<!tpu.dma_semaphore, #tpu.memory_space<semaphore_mem>>)
    %dma_start3A_287 = tpu.memref_slice %arg4[%add3A_284] : memref<1600000xi32, #tpu.memory_space<hbm>> -> memref<2000xi32, #tpu.memory_space<hbm>>
    %dma_start3A_288 = tpu.memref_slice %arg4[%add3A_284] : memref<1600000xi32, #tpu.memory_space<hbm>> -> memref<2000xi32, #tpu.memory_space<hbm>>
    tpu.enqueue_dma source(%dma_start3A_288 : memref<2000xi32, #tpu.memory_space<hbm>>) target(%arg10 : memref<2000xi32, #tpu.memory_space<vmem>>) target_semaphore(%arg15 : memref<!tpu.dma_semaphore, #tpu.memory_space<semaphore_mem>>)
    %dma_wait3A_289 = tpu.memref_slice %arg3[%add3A_271] : memref<1600000xi32, #tpu.memory_space<hbm>> -> memref<2000xi32, #tpu.memory_space<hbm>>
    %dma_wait3A_290 = tpu.memref_slice %arg3[%add3A_271] : memref<1600000xi32, #tpu.memory_space<hbm>> -> memref<2000xi32, #tpu.memory_space<hbm>>
    tpu.wait_dma2 semaphore(%arg14 : memref<!tpu.dma_semaphore, #tpu.memory_space<semaphore_mem>>) src(%dma_wait3A_290 : memref<2000xi32, #tpu.memory_space<hbm>>) dst(%arg9 : memref<2000xi32, #tpu.memory_space<vmem>>)
    %dma_wait3A_291 = tpu.memref_slice %arg4[%add3A_271] : memref<1600000xi32, #tpu.memory_space<hbm>> -> memref<2000xi32, #tpu.memory_space<hbm>>
    %dma_wait3A_292 = tpu.memref_slice %arg4[%add3A_271] : memref<1600000xi32, #tpu.memory_space<hbm>> -> memref<2000xi32, #tpu.memory_space<hbm>>
    tpu.wait_dma2 semaphore(%arg16 : memref<!tpu.dma_semaphore, #tpu.memory_space<semaphore_mem>>) src(%dma_wait3A_292 : memref<2000xi32, #tpu.memory_space<hbm>>) dst(%arg11 : memref<2000xi32, #tpu.memory_space<vmem>>)
    %parallel_loop3A_293 = arith.constant 0 : i32
    %parallel_loop3A_294 = arith.constant 125 : i32
    %parallel_loop3A_295 = arith.constant 1 : i32
    scf.for %parallel_loop3A_329 = %parallel_loop3A_293 to %parallel_loop3A_294 step %parallel_loop3A_295  : i32 {
      %parallel_loop3A_330 = arith.constant 16 : i32
      %parallel_loop3A_331 = arith.muli %parallel_loop3A_329, %parallel_loop3A_330 : i32
      %parallel_loop3A_332 = arith.index_cast %parallel_loop3A_331 : i32 to index
      %parallel_loop3A_333 = tpu.vector_load %arg9[%parallel_loop3A_332] {strides = array<i32>} : memref<2000xi32, #tpu.memory_space<vmem>>, vector<16xi32>,
      %parallel_loop3A_334 = arith.constant 16 : i32
      %parallel_loop3A_335 = arith.muli %parallel_loop3A_329, %parallel_loop3A_334 : i32
      %parallel_loop3A_336 = arith.index_cast %parallel_loop3A_335 : i32 to index
      %parallel_loop3A_337 = tpu.vector_load %arg11[%parallel_loop3A_336] {strides = array<i32>} : memref<2000xi32, #tpu.memory_space<vmem>>, vector<16xi32>,
      %parallel_loop3A_338 = tpu.vector_load_idx %arg6[%parallel_loop3A_337] : memref<10240xf32, #tpu.memory_space<vmem>>[vector<16xi32>], vector<16xf32>,
      %parallel_loop3A_339 = arith.constant 7 : i32
      %parallel_loop3A_340 = vector.broadcast %parallel_loop3A_339 : i32 to vector<16xi32>
      %parallel_loop3A_341 = arith.shrui %parallel_loop3A_333, %parallel_loop3A_340 : vector<16xi32>
      %parallel_loop3A_342 = arith.constant 127 : i32
      %parallel_loop3A_343 = vector.broadcast %parallel_loop3A_342 : i32 to vector<16xi32>
      %parallel_loop3A_344 = arith.andi %parallel_loop3A_333, %parallel_loop3A_343 : vector<16xi32>
      tpu.vector_store_idx %arg7[%parallel_loop3A_341, %parallel_loop3A_344], %parallel_loop3A_338 {add = true} : memref<800x128xf32, #tpu.memory_space<vmem>>[vector<16xi32>, vector<16xi32>], vector<16xf32>,
    } {sc.loop_unroll_factor = 5 : i64, sc.parallel_access}
    %add3A_296 = arith.constant 46000 : i32
    %add3A_297 = arith.addi %mul3A_2, %add3A_296 : i32
    %dma_start3A_298 = tpu.memref_slice %arg3[%add3A_297] : memref<1600000xi32, #tpu.memory_space<hbm>> -> memref<2000xi32, #tpu.memory_space<hbm>>
    %dma_start3A_299 = tpu.memref_slice %arg3[%add3A_297] : memref<1600000xi32, #tpu.memory_space<hbm>> -> memref<2000xi32, #tpu.memory_space<hbm>>
    tpu.enqueue_dma source(%dma_start3A_299 : memref<2000xi32, #tpu.memory_space<hbm>>) target(%arg9 : memref<2000xi32, #tpu.memory_space<vmem>>) target_semaphore(%arg14 : memref<!tpu.dma_semaphore, #tpu.memory_space<semaphore_mem>>)
    %dma_start3A_300 = tpu.memref_slice %arg4[%add3A_297] : memref<1600000xi32, #tpu.memory_space<hbm>> -> memref<2000xi32, #tpu.memory_space<hbm>>
    %dma_start3A_301 = tpu.memref_slice %arg4[%add3A_297] : memref<1600000xi32, #tpu.memory_space<hbm>> -> memref<2000xi32, #tpu.memory_space<hbm>>
    tpu.enqueue_dma source(%dma_start3A_301 : memref<2000xi32, #tpu.memory_space<hbm>>) target(%arg11 : memref<2000xi32, #tpu.memory_space<vmem>>) target_semaphore(%arg16 : memref<!tpu.dma_semaphore, #tpu.memory_space<semaphore_mem>>)
    %dma_wait3A_302 = tpu.memref_slice %arg3[%add3A_284] : memref<1600000xi32, #tpu.memory_space<hbm>> -> memref<2000xi32, #tpu.memory_space<hbm>>
    %dma_wait3A_303 = tpu.memref_slice %arg3[%add3A_284] : memref<1600000xi32, #tpu.memory_space<hbm>> -> memref<2000xi32, #tpu.memory_space<hbm>>
    tpu.wait_dma2 semaphore(%arg13 : memref<!tpu.dma_semaphore, #tpu.memory_space<semaphore_mem>>) src(%dma_wait3A_303 : memref<2000xi32, #tpu.memory_space<hbm>>) dst(%arg8 : memref<2000xi32, #tpu.memory_space<vmem>>)
    %dma_wait3A_304 = tpu.memref_slice %arg4[%add3A_284] : memref<1600000xi32, #tpu.memory_space<hbm>> -> memref<2000xi32, #tpu.memory_space<hbm>>
    %dma_wait3A_305 = tpu.memref_slice %arg4[%add3A_284] : memref<1600000xi32, #tpu.memory_space<hbm>> -> memref<2000xi32, #tpu.memory_space<hbm>>
    tpu.wait_dma2 semaphore(%arg15 : memref<!tpu.dma_semaphore, #tpu.memory_space<semaphore_mem>>) src(%dma_wait3A_305 : memref<2000xi32, #tpu.memory_space<hbm>>) dst(%arg10 : memref<2000xi32, #tpu.memory_space<vmem>>)
    %parallel_loop3A_306 = arith.constant 0 : i32
    %parallel_loop3A_307 = arith.constant 125 : i32
    %parallel_loop3A_308 = arith.constant 1 : i32
    scf.for %parallel_loop3A_329 = %parallel_loop3A_306 to %parallel_loop3A_307 step %parallel_loop3A_308  : i32 {
      %parallel_loop3A_330 = arith.constant 16 : i32
      %parallel_loop3A_331 = arith.muli %parallel_loop3A_329, %parallel_loop3A_330 : i32
      %parallel_loop3A_332 = arith.index_cast %parallel_loop3A_331 : i32 to index
      %parallel_loop3A_333 = tpu.vector_load %arg8[%parallel_loop3A_332] {strides = array<i32>} : memref<2000xi32, #tpu.memory_space<vmem>>, vector<16xi32>,
      %parallel_loop3A_334 = arith.constant 16 : i32
      %parallel_loop3A_335 = arith.muli %parallel_loop3A_329, %parallel_loop3A_334 : i32
      %parallel_loop3A_336 = arith.index_cast %parallel_loop3A_335 : i32 to index
      %parallel_loop3A_337 = tpu.vector_load %arg10[%parallel_loop3A_336] {strides = array<i32>} : memref<2000xi32, #tpu.memory_space<vmem>>, vector<16xi32>,
      %parallel_loop3A_338 = tpu.vector_load_idx %arg6[%parallel_loop3A_337] : memref<10240xf32, #tpu.memory_space<vmem>>[vector<16xi32>], vector<16xf32>,
      %parallel_loop3A_339 = arith.constant 7 : i32
      %parallel_loop3A_340 = vector.broadcast %parallel_loop3A_339 : i32 to vector<16xi32>
      %parallel_loop3A_341 = arith.shrui %parallel_loop3A_333, %parallel_loop3A_340 : vector<16xi32>
      %parallel_loop3A_342 = arith.constant 127 : i32
      %parallel_loop3A_343 = vector.broadcast %parallel_loop3A_342 : i32 to vector<16xi32>
      %parallel_loop3A_344 = arith.andi %parallel_loop3A_333, %parallel_loop3A_343 : vector<16xi32>
      tpu.vector_store_idx %arg7[%parallel_loop3A_341, %parallel_loop3A_344], %parallel_loop3A_338 {add = true} : memref<800x128xf32, #tpu.memory_space<vmem>>[vector<16xi32>, vector<16xi32>], vector<16xf32>,
    } {sc.loop_unroll_factor = 5 : i64, sc.parallel_access}
    %add3A_309 = arith.constant 48000 : i32
    %add3A_310 = arith.addi %mul3A_2, %add3A_309 : i32
    %dma_start3A_311 = tpu.memref_slice %arg3[%add3A_310] : memref<1600000xi32, #tpu.memory_space<hbm>> -> memref<2000xi32, #tpu.memory_space<hbm>>
    %dma_start3A_312 = tpu.memref_slice %arg3[%add3A_310] : memref<1600000xi32, #tpu.memory_space<hbm>> -> memref<2000xi32, #tpu.memory_space<hbm>>
    tpu.enqueue_dma source(%dma_start3A_312 : memref<2000xi32, #tpu.memory_space<hbm>>) target(%arg8 : memref<2000xi32, #tpu.memory_space<vmem>>) target_semaphore(%arg13 : memref<!tpu.dma_semaphore, #tpu.memory_space<semaphore_mem>>)
    %dma_start3A_313 = tpu.memref_slice %arg4[%add3A_310] : memref<1600000xi32, #tpu.memory_space<hbm>> -> memref<2000xi32, #tpu.memory_space<hbm>>
    %dma_start3A_314 = tpu.memref_slice %arg4[%add3A_310] : memref<1600000xi32, #tpu.memory_space<hbm>> -> memref<2000xi32, #tpu.memory_space<hbm>>
    tpu.enqueue_dma source(%dma_start3A_314 : memref<2000xi32, #tpu.memory_space<hbm>>) target(%arg10 : memref<2000xi32, #tpu.memory_space<vmem>>) target_semaphore(%arg15 : memref<!tpu.dma_semaphore, #tpu.memory_space<semaphore_mem>>)
    %dma_wait3A_315 = tpu.memref_slice %arg3[%add3A_297] : memref<1600000xi32, #tpu.memory_space<hbm>> -> memref<2000xi32, #tpu.memory_space<hbm>>
    %dma_wait3A_316 = tpu.memref_slice %arg3[%add3A_297] : memref<1600000xi32, #tpu.memory_space<hbm>> -> memref<2000xi32, #tpu.memory_space<hbm>>
    tpu.wait_dma2 semaphore(%arg14 : memref<!tpu.dma_semaphore, #tpu.memory_space<semaphore_mem>>) src(%dma_wait3A_316 : memref<2000xi32, #tpu.memory_space<hbm>>) dst(%arg9 : memref<2000xi32, #tpu.memory_space<vmem>>)
    %dma_wait3A_317 = tpu.memref_slice %arg4[%add3A_297] : memref<1600000xi32, #tpu.memory_space<hbm>> -> memref<2000xi32, #tpu.memory_space<hbm>>
    %dma_wait3A_318 = tpu.memref_slice %arg4[%add3A_297] : memref<1600000xi32, #tpu.memory_space<hbm>> -> memref<2000xi32, #tpu.memory_space<hbm>>
    tpu.wait_dma2 semaphore(%arg16 : memref<!tpu.dma_semaphore, #tpu.memory_space<semaphore_mem>>) src(%dma_wait3A_318 : memref<2000xi32, #tpu.memory_space<hbm>>) dst(%arg11 : memref<2000xi32, #tpu.memory_space<vmem>>)
    %parallel_loop3A_319 = arith.constant 0 : i32
    %parallel_loop3A_320 = arith.constant 125 : i32
    %parallel_loop3A_321 = arith.constant 1 : i32
    scf.for %parallel_loop3A_329 = %parallel_loop3A_319 to %parallel_loop3A_320 step %parallel_loop3A_321  : i32 {
      %parallel_loop3A_330 = arith.constant 16 : i32
      %parallel_loop3A_331 = arith.muli %parallel_loop3A_329, %parallel_loop3A_330 : i32
      %parallel_loop3A_332 = arith.index_cast %parallel_loop3A_331 : i32 to index
      %parallel_loop3A_333 = tpu.vector_load %arg9[%parallel_loop3A_332] {strides = array<i32>} : memref<2000xi32, #tpu.memory_space<vmem>>, vector<16xi32>,
      %parallel_loop3A_334 = arith.constant 16 : i32
      %parallel_loop3A_335 = arith.muli %parallel_loop3A_329, %parallel_loop3A_334 : i32
      %parallel_loop3A_336 = arith.index_cast %parallel_loop3A_335 : i32 to index
      %parallel_loop3A_337 = tpu.vector_load %arg11[%parallel_loop3A_336] {strides = array<i32>} : memref<2000xi32, #tpu.memory_space<vmem>>, vector<16xi32>,
      %parallel_loop3A_338 = tpu.vector_load_idx %arg6[%parallel_loop3A_337] : memref<10240xf32, #tpu.memory_space<vmem>>[vector<16xi32>], vector<16xf32>,
      %parallel_loop3A_339 = arith.constant 7 : i32
      %parallel_loop3A_340 = vector.broadcast %parallel_loop3A_339 : i32 to vector<16xi32>
      %parallel_loop3A_341 = arith.shrui %parallel_loop3A_333, %parallel_loop3A_340 : vector<16xi32>
      %parallel_loop3A_342 = arith.constant 127 : i32
      %parallel_loop3A_343 = vector.broadcast %parallel_loop3A_342 : i32 to vector<16xi32>
      %parallel_loop3A_344 = arith.andi %parallel_loop3A_333, %parallel_loop3A_343 : vector<16xi32>
      tpu.vector_store_idx %arg7[%parallel_loop3A_341, %parallel_loop3A_344], %parallel_loop3A_338 {add = true} : memref<800x128xf32, #tpu.memory_space<vmem>>[vector<16xi32>, vector<16xi32>], vector<16xf32>,
    } {sc.loop_unroll_factor = 5 : i64, sc.parallel_access}
    %dma_wait3A_322 = tpu.memref_slice %arg3[%add3A_310] : memref<1600000xi32, #tpu.memory_space<hbm>> -> memref<2000xi32, #tpu.memory_space<hbm>>
    %dma_wait3A_323 = tpu.memref_slice %arg3[%add3A_310] : memref<1600000xi32, #tpu.memory_space<hbm>> -> memref<2000xi32, #tpu.memory_space<hbm>>
    tpu.wait_dma2 semaphore(%arg13 : memref<!tpu.dma_semaphore, #tpu.memory_space<semaphore_mem>>) src(%dma_wait3A_323 : memref<2000xi32, #tpu.memory_space<hbm>>) dst(%arg8 : memref<2000xi32, #tpu.memory_space<vmem>>)
    %dma_wait3A_324 = tpu.memref_slice %arg4[%add3A_310] : memref<1600000xi32, #tpu.memory_space<hbm>> -> memref<2000xi32, #tpu.memory_space<hbm>>
    %dma_wait3A_325 = tpu.memref_slice %arg4[%add3A_310] : memref<1600000xi32, #tpu.memory_space<hbm>> -> memref<2000xi32, #tpu.memory_space<hbm>>
    tpu.wait_dma2 semaphore(%arg15 : memref<!tpu.dma_semaphore, #tpu.memory_space<semaphore_mem>>) src(%dma_wait3A_325 : memref<2000xi32, #tpu.memory_space<hbm>>) dst(%arg10 : memref<2000xi32, #tpu.memory_space<vmem>>)
    %parallel_loop3A_326 = arith.constant 0 : i32
    %parallel_loop3A_327 = arith.constant 125 : i32
    %parallel_loop3A_328 = arith.constant 1 : i32
    scf.for %parallel_loop3A_329 = %parallel_loop3A_326 to %parallel_loop3A_327 step %parallel_loop3A_328  : i32 {
      %parallel_loop3A_330 = arith.constant 16 : i32
      %parallel_loop3A_331 = arith.muli %parallel_loop3A_329, %parallel_loop3A_330 : i32
      %parallel_loop3A_332 = arith.index_cast %parallel_loop3A_331 : i32 to index
      %parallel_loop3A_333 = tpu.vector_load %arg8[%parallel_loop3A_332] {strides = array<i32>} : memref<2000xi32, #tpu.memory_space<vmem>>, vector<16xi32>,
      %parallel_loop3A_334 = arith.constant 16 : i32
      %parallel_loop3A_335 = arith.muli %parallel_loop3A_329, %parallel_loop3A_334 : i32
      %parallel_loop3A_336 = arith.index_cast %parallel_loop3A_335 : i32 to index
      %parallel_loop3A_337 = tpu.vector_load %arg10[%parallel_loop3A_336] {strides = array<i32>} : memref<2000xi32, #tpu.memory_space<vmem>>, vector<16xi32>,
      %parallel_loop3A_338 = tpu.vector_load_idx %arg6[%parallel_loop3A_337] : memref<10240xf32, #tpu.memory_space<vmem>>[vector<16xi32>], vector<16xf32>,
      %parallel_loop3A_339 = arith.constant 7 : i32
      %parallel_loop3A_340 = vector.broadcast %parallel_loop3A_339 : i32 to vector<16xi32>
      %parallel_loop3A_341 = arith.shrui %parallel_loop3A_333, %parallel_loop3A_340 : vector<16xi32>
      %parallel_loop3A_342 = arith.constant 127 : i32
      %parallel_loop3A_343 = vector.broadcast %parallel_loop3A_342 : i32 to vector<16xi32>
      %parallel_loop3A_344 = arith.andi %parallel_loop3A_333, %parallel_loop3A_343 : vector<16xi32>
      tpu.vector_store_idx %arg7[%parallel_loop3A_341, %parallel_loop3A_344], %parallel_loop3A_338 {add = true} : memref<800x128xf32, #tpu.memory_space<vmem>>[vector<16xi32>, vector<16xi32>], vector<16xf32>,
    } {sc.loop_unroll_factor = 5 : i64, sc.parallel_access}
    "tpu.region"() ({
      %run_scoped3A = tpu.sem_alloc : memref<!tpu.dma_semaphore, #tpu.memory_space<semaphore_mem>>
      %dma_start3A_329 = arith.constant 0 : i32
      %dma_start3A_330 = arith.constant 0 : i32
      %dma_start3A_331 = tpu.memref_slice %arg5[%add3A, %dma_start3A_329, %dma_start3A_330] : memref<32x800x128xf32, #tpu.memory_space<hbm>> -> memref<1x800x128xf32, #tpu.memory_space<hbm>>
      %dma_start3A_332 = tpu.memref_squeeze %dma_start3A_331 : memref<1x800x128xf32, #tpu.memory_space<hbm>> -> memref<800x128xf32, #tpu.memory_space<hbm>>
      %dma_start3A_333 = arith.constant 0 : i32
      %dma_start3A_334 = arith.constant 0 : i32
      %dma_start3A_335 = tpu.memref_slice %arg5[%add3A, %dma_start3A_333, %dma_start3A_334] : memref<32x800x128xf32, #tpu.memory_space<hbm>> -> memref<1x800x128xf32, #tpu.memory_space<hbm>>
      %dma_start3A_336 = tpu.memref_squeeze %dma_start3A_335 : memref<1x800x128xf32, #tpu.memory_space<hbm>> -> memref<800x128xf32, #tpu.memory_space<hbm>>
      tpu.enqueue_dma source(%arg7 : memref<800x128xf32, #tpu.memory_space<vmem>>) target(%dma_start3A_336 : memref<800x128xf32, #tpu.memory_space<hbm>>) target_semaphore(%run_scoped3A : memref<!tpu.dma_semaphore, #tpu.memory_space<semaphore_mem>>)
      %dma_wait3A_337 = arith.constant 0 : i32
      %dma_wait3A_338 = arith.constant 0 : i32
      %dma_wait3A_339 = tpu.memref_slice %arg5[%add3A, %dma_wait3A_337, %dma_wait3A_338] : memref<32x800x128xf32, #tpu.memory_space<hbm>> -> memref<1x800x128xf32, #tpu.memory_space<hbm>>
      %dma_wait3A_340 = tpu.memref_squeeze %dma_wait3A_339 : memref<1x800x128xf32, #tpu.memory_space<hbm>> -> memref<800x128xf32, #tpu.memory_space<hbm>>
      %dma_wait3A_341 = arith.constant 0 : i32
      %dma_wait3A_342 = arith.constant 0 : i32
      %dma_wait3A_343 = tpu.memref_slice %arg5[%add3A, %dma_wait3A_341, %dma_wait3A_342] : memref<32x800x128xf32, #tpu.memory_space<hbm>> -> memref<1x800x128xf32, #tpu.memory_space<hbm>>
      %dma_wait3A_344 = tpu.memref_squeeze %dma_wait3A_343 : memref<1x800x128xf32, #tpu.memory_space<hbm>> -> memref<800x128xf32, #tpu.memory_space<hbm>>
      tpu.wait_dma2 semaphore(%run_scoped3A : memref<!tpu.dma_semaphore, #tpu.memory_space<semaphore_mem>>) src(%arg7 : memref<800x128xf32, #tpu.memory_space<vmem>>) dst(%dma_wait3A_344 : memref<800x128xf32, #tpu.memory_space<hbm>>)
      tpu.yield
    }) : () -> ()
    return
  }
}

module attributes {stable_mosaic.version = 14 : i64} {
  func.func @_stage_b_body(%arg0: memref<32x80x128xf32, #tpu.memory_space<vmem>>, %arg1: memref<80x128xf32, #tpu.memory_space<vmem>>) attributes {dimension_semantics = [], scalar_prefetch = 0 : i64, scratch_operands = 0 : i64, tpu.core_type = #tpu.core_type<tc>} {
    %get3A = arith.constant 0 : index
    %get3A_0 = arith.constant 0 : index
    %get3A_1 = arith.constant 0 : index
    %get3A_2 = vector.load %arg0[%get3A, %get3A_0, %get3A_1] : memref<32x80x128xf32, #tpu.memory_space<vmem>>, vector<32x80x128xf32>
    %reduce_sum3A = arith.constant dense<0.000000e+00> : vector<80x128xf32>
    %reduce_sum3A_3 = vector.multi_reduction <add>, %get3A_2, %reduce_sum3A [0] : vector<32x80x128xf32> to vector<80x128xf32>
    %swap3A = arith.constant 0 : index
    %swap3A_4 = arith.constant 0 : index
    %swap3A_5 = vector.load %arg1[%swap3A, %swap3A_4] : memref<80x128xf32, #tpu.memory_space<vmem>>, vector<80x128xf32>
    tpu.vector_store %arg1[%swap3A, %swap3A_4], %reduce_sum3A_3 {strides = array<i32>} : memref<80x128xf32, #tpu.memory_space<vmem>>, vector<80x128xf32>,
    return
  }
}

module attributes {stable_mosaic.version = 14 : i64} {
  func.func @_stage_a_body(%arg0: memref<1xf32, #tpu.memory_space<smem>>, %arg1: memref<800x128xf32, #tpu.memory_space<vmem>>, %arg2: memref<800x128xf32, #tpu.memory_space<vmem>>, %arg3: memref<800x128xf32, #tpu.memory_space<vmem>>, %arg4: memref<800x128xf32, #tpu.memory_space<vmem>>) attributes {dimension_semantics = [], scalar_prefetch = 0 : i64, scratch_operands = 0 : i64, tpu.core_type = #tpu.core_type<tc>} {
    %get3A = arith.constant 0 : index
    %get3A_0 = memref.load %arg0[%get3A] : memref<1xf32, #tpu.memory_space<smem>>
    %get3A_1 = arith.constant 0 : index
    %get3A_2 = arith.constant 0 : index
    %get3A_3 = vector.load %arg3[%get3A_1, %get3A_2] : memref<800x128xf32, #tpu.memory_space<vmem>>, vector<800x128xf32>
    %sub3A = vector.broadcast %get3A_0 : f32 to vector<800x128xf32>
    %sub3A_4 = arith.subf %sub3A, %get3A_3 : vector<800x128xf32>
    %max3A = arith.constant 0.000000e+00 : f32
    %max3A_5 = vector.broadcast %max3A : f32 to vector<800x128xf32>
    %max3A_6 = arith.maximumf %sub3A_4, %max3A_5 : vector<800x128xf32>
    %mul3A = arith.mulf %max3A_6, %max3A_6 : vector<800x128xf32>
    %neg3A = arith.constant 0.000000e+00 : f32
    %neg3A_7 = vector.broadcast %neg3A : f32 to vector<800x128xf32>
    %neg3A_8 = arith.subf %neg3A_7, %max3A_6 : vector<800x128xf32>
    %div3A = arith.constant 2.000000e+00 : f32
    %div3A_9 = vector.broadcast %div3A : f32 to vector<800x128xf32>
    %div3A_10 = arith.divf %neg3A_8, %div3A_9 : vector<800x128xf32>
    %exp3A = math.exp %div3A_10 : vector<800x128xf32>
    %mul3A_11 = arith.mulf %mul3A, %exp3A : vector<800x128xf32>
    %get3A_12 = arith.constant 0 : index
    %get3A_13 = arith.constant 0 : index
    %get3A_14 = vector.load %arg1[%get3A_12, %get3A_13] : memref<800x128xf32, #tpu.memory_space<vmem>>, vector<800x128xf32>
    %get3A_15 = arith.constant 0 : index
    %get3A_16 = arith.constant 0 : index
    %get3A_17 = vector.load %arg2[%get3A_15, %get3A_16] : memref<800x128xf32, #tpu.memory_space<vmem>>, vector<800x128xf32>
    %mul3A_18 = arith.mulf %get3A_14, %get3A_17 : vector<800x128xf32>
    %gt3A = arith.constant 0.000000e+00 : f32
    %gt3A_19 = vector.broadcast %gt3A : f32 to vector<800x128xf32>
    %gt3A_20 = arith.cmpf ogt, %sub3A_4, %gt3A_19 : vector<800x128xf32>
    %jit3A = arith.constant 0.000000e+00 : f32
    %broadcast_in_dim3A = vector.broadcast %jit3A : f32 to vector<800x128xf32>
    %select_n3A = arith.select %gt3A_20, %mul3A_11, %broadcast_in_dim3A : vector<800x128xi1>, vector<800x128xf32>
    %mul3A_21 = arith.mulf %mul3A_18, %select_n3A : vector<800x128xf32>
    %swap3A = arith.constant 0 : index
    %swap3A_22 = arith.constant 0 : index
    %swap3A_23 = vector.load %arg4[%swap3A, %swap3A_22] : memref<800x128xf32, #tpu.memory_space<vmem>>, vector<800x128xf32>
    tpu.vector_store %arg4[%swap3A, %swap3A_22], %mul3A_21 {strides = array<i32>} : memref<800x128xf32, #tpu.memory_space<vmem>>, vector<800x128xf32>,
    return
  }
}

module attributes {stable_mosaic.version = 14 : i64} {
  func.func @_stage_c_body(%arg0: i32, %arg1: memref<1xf32, #tpu.memory_space<smem>>, %arg2: memref<1xf32, #tpu.memory_space<smem>>, %arg3: memref<32x200x128xf32, #tpu.memory_space<vmem>>, %arg4: memref<200x128xf32, #tpu.memory_space<vmem>>, %arg5: memref<200x128xf32, #tpu.memory_space<vmem>>, %arg6: memref<200x128xf32, #tpu.memory_space<vmem>>, %arg7: memref<200x128xf32, #tpu.memory_space<vmem>>, %arg8: memref<200x128xf32, #tpu.memory_space<vmem>>, %arg9: memref<200x4x128xf32, #tpu.memory_space<vmem>>) attributes {dimension_semantics = [#tpu.dimension_semantics<arbitrary>], iteration_bounds = array<i64: 4>, scalar_prefetch = 0 : i64, scratch_operands = 0 : i64, tpu.core_type = #tpu.core_type<tc>, window_params = [{transform_indices = @transform_0, window_bounds = array<i64: 1>}, {transform_indices = @transform_1, window_bounds = array<i64: 1>}, {transform_indices = @transform_2, window_bounds = array<i64: 32, 200, 128>}, {transform_indices = @transform_3, window_bounds = array<i64: 200, 128>}, {transform_indices = @transform_4, window_bounds = array<i64: 200, 128>}, {transform_indices = @transform_5, window_bounds = array<i64: 200, 128>}, {transform_indices = @transform_6, window_bounds = array<i64: 200, 128>}, {transform_indices = @transform_7, window_bounds = array<i64: 200, 128>}, {transform_indices = @transform_8, window_bounds = array<i64: 200, 4, 128>}]} {
    %get3A = arith.constant 0 : index
    %get3A_0 = arith.constant 0 : index
    %get3A_1 = arith.constant 0 : index
    %get3A_2 = vector.load %arg3[%get3A, %get3A_0, %get3A_1] : memref<32x200x128xf32, #tpu.memory_space<vmem>>, vector<32x200x128xf32>
    %reduce_sum3A = arith.constant dense<0.000000e+00> : vector<200x128xf32>
    %reduce_sum3A_3 = vector.multi_reduction <add>, %get3A_2, %reduce_sum3A [0] : vector<32x200x128xf32> to vector<200x128xf32>
    %get3A_4 = arith.constant 0 : index
    %get3A_5 = memref.load %arg2[%get3A_4] : memref<1xf32, #tpu.memory_space<smem>>
    %exp3A = math.exp %get3A_5 : f32
    %mul3A = arith.constant 1.000000e+00 : f32
    %mul3A_6 = arith.mulf %exp3A, %mul3A : f32
    %get3A_7 = arith.constant 0 : index
    %get3A_8 = arith.constant 0 : index
    %get3A_9 = vector.load %arg4[%get3A_7, %get3A_8] : memref<200x128xf32, #tpu.memory_space<vmem>>, vector<200x128xf32>
    %mul3A_10 = vector.broadcast %mul3A_6 : f32 to vector<200x128xf32>
    %mul3A_11 = arith.mulf %mul3A_10, %get3A_9 : vector<200x128xf32>
    %mul3A_12 = arith.mulf %mul3A_11, %reduce_sum3A_3 : vector<200x128xf32>
    %neg3A = arith.constant 0.000000e+00 : f32
    %neg3A_13 = vector.broadcast %neg3A : f32 to vector<200x128xf32>
    %neg3A_14 = arith.subf %neg3A_13, %mul3A_12 : vector<200x128xf32>
    %exp3A_15 = math.exp %neg3A_14 : vector<200x128xf32>
    %sub3A = arith.constant 1.000000e+00 : f32
    %sub3A_16 = vector.broadcast %sub3A : f32 to vector<200x128xf32>
    %sub3A_17 = arith.subf %sub3A_16, %exp3A_15 : vector<200x128xf32>
    %add3A = arith.constant 1.000000e-10 : f32
    %add3A_18 = vector.broadcast %add3A : f32 to vector<200x128xf32>
    %add3A_19 = arith.addf %sub3A_17, %add3A_18 : vector<200x128xf32>
    %log3A = math.log %add3A_19 : vector<200x128xf32>
    %add3A_20 = arith.constant 1.000000e-10 : f32
    %add3A_21 = vector.broadcast %add3A_20 : f32 to vector<200x128xf32>
    %add3A_22 = arith.addf %exp3A_15, %add3A_21 : vector<200x128xf32>
    %log3A_23 = math.log %add3A_22 : vector<200x128xf32>
    %get3A_24 = arith.constant 0 : index
    %get3A_25 = arith.constant 0 : index
    %get3A_26 = vector.load %arg7[%get3A_24, %get3A_25] : memref<200x128xf32, #tpu.memory_space<vmem>>, vector<200x128xf32>
    %add3A_27 = arith.constant 1.000000e-10 : f32
    %add3A_28 = vector.broadcast %add3A_27 : f32 to vector<200x128xf32>
    %add3A_29 = arith.addf %get3A_26, %add3A_28 : vector<200x128xf32>
    %log3A_30 = math.log %add3A_29 : vector<200x128xf32>
    %neg3A_31 = arith.constant 0.000000e+00 : f32
    %neg3A_32 = vector.broadcast %neg3A_31 : f32 to vector<200x128xf32>
    %neg3A_33 = arith.subf %neg3A_32, %log3A_30 : vector<200x128xf32>
    %add3A_34 = arith.constant 1.000000e-10 : f32
    %add3A_35 = vector.broadcast %add3A_34 : f32 to vector<200x128xf32>
    %add3A_36 = arith.addf %neg3A_33, %add3A_35 : vector<200x128xf32>
    %log3A_37 = math.log %add3A_36 : vector<200x128xf32>
    %neg3A_38 = arith.constant 0.000000e+00 : f32
    %neg3A_39 = vector.broadcast %neg3A_38 : f32 to vector<200x128xf32>
    %neg3A_40 = arith.subf %neg3A_39, %log3A_37 : vector<200x128xf32>
    %get3A_41 = arith.constant 0 : index
    %get3A_42 = arith.constant 0 : index
    %get3A_43 = vector.load %arg8[%get3A_41, %get3A_42] : memref<200x128xf32, #tpu.memory_space<vmem>>, vector<200x128xf32>
    %add3A_44 = arith.constant 1.000000e-10 : f32
    %add3A_45 = vector.broadcast %add3A_44 : f32 to vector<200x128xf32>
    %add3A_46 = arith.addf %get3A_43, %add3A_45 : vector<200x128xf32>
    %log3A_47 = math.log %add3A_46 : vector<200x128xf32>
    %neg3A_48 = arith.constant 0.000000e+00 : f32
    %neg3A_49 = vector.broadcast %neg3A_48 : f32 to vector<200x128xf32>
    %neg3A_50 = arith.subf %neg3A_49, %log3A_47 : vector<200x128xf32>
    %add3A_51 = arith.constant 1.000000e-10 : f32
    %add3A_52 = vector.broadcast %add3A_51 : f32 to vector<200x128xf32>
    %add3A_53 = arith.addf %neg3A_50, %add3A_52 : vector<200x128xf32>
    %log3A_54 = math.log %add3A_53 : vector<200x128xf32>
    %neg3A_55 = arith.constant 0.000000e+00 : f32
    %neg3A_56 = vector.broadcast %neg3A_55 : f32 to vector<200x128xf32>
    %neg3A_57 = arith.subf %neg3A_56, %log3A_54 : vector<200x128xf32>
    %add3A_58 = arith.addf %log3A, %neg3A_40 : vector<200x128xf32>
    %div3A = arith.constant 1.000000e-01 : f32
    %div3A_59 = vector.broadcast %div3A : f32 to vector<200x128xf32>
    %div3A_60 = arith.divf %add3A_58, %div3A_59 : vector<200x128xf32>
    %add3A_61 = arith.addf %log3A_23, %neg3A_57 : vector<200x128xf32>
    %div3A_62 = arith.constant 1.000000e-01 : f32
    %div3A_63 = vector.broadcast %div3A_62 : f32 to vector<200x128xf32>
    %div3A_64 = arith.divf %add3A_61, %div3A_63 : vector<200x128xf32>
    %max3A = arith.maximumf %div3A_60, %div3A_64 : vector<200x128xf32>
    %sub3A_65 = arith.subf %div3A_60, %max3A : vector<200x128xf32>
    %exp3A_66 = math.exp %sub3A_65 : vector<200x128xf32>
    %sub3A_67 = arith.subf %div3A_64, %max3A : vector<200x128xf32>
    %exp3A_68 = math.exp %sub3A_67 : vector<200x128xf32>
    %add3A_69 = arith.addf %exp3A_66, %exp3A_68 : vector<200x128xf32>
    %div3A_70 = arith.divf %exp3A_66, %add3A_69 : vector<200x128xf32>
    %div3A_71 = arith.divf %exp3A_68, %add3A_69 : vector<200x128xf32>
    %ge3A = arith.cmpf oge, %div3A_70, %div3A_71 : vector<200x128xf32>
    %jit3A = arith.constant 1.000000e+00 : f32
    %jit3A_72 = arith.constant 0.000000e+00 : f32
    %broadcast_in_dim3A = vector.broadcast %jit3A : f32 to vector<200x128xf32>
    %broadcast_in_dim3A_73 = vector.broadcast %jit3A_72 : f32 to vector<200x128xf32>
    %select_n3A = arith.select %ge3A, %broadcast_in_dim3A, %broadcast_in_dim3A_73 : vector<200x128xi1>, vector<200x128xf32>
    %sub3A_74 = arith.subf %select_n3A, %div3A_70 : vector<200x128xf32>
    %add3A_75 = arith.addf %sub3A_74, %div3A_70 : vector<200x128xf32>
    %swap3A = arith.constant 0 : index
    %swap3A_76 = arith.constant 0 : index
    %swap3A_77 = arith.constant 0 : index
    %swap3A_78 = vector.load %arg9[%swap3A, %swap3A_76, %swap3A_77] : memref<200x4x128xf32, #tpu.memory_space<vmem>>, vector<200x1x128xf32>
    %swap3A_79 = vector.shape_cast %swap3A_78 : vector<200x1x128xf32> to vector<200x128xf32>
    %swap3A_80 = vector.shape_cast %add3A_75 : vector<200x128xf32> to vector<200x1x128xf32>
    tpu.vector_store %arg9[%swap3A, %swap3A_76, %swap3A_77], %swap3A_80 {strides = array<i32>} : memref<200x4x128xf32, #tpu.memory_space<vmem>>, vector<200x1x128xf32>,
    %get3A_81 = arith.constant 0 : index
    %get3A_82 = arith.constant 0 : index
    %get3A_83 = vector.load %arg4[%get3A_81, %get3A_82] : memref<200x128xf32, #tpu.memory_space<vmem>>, vector<200x128xf32>
    %sub3A_84 = arith.subf %get3A_83, %add3A_75 : vector<200x128xf32>
    %swap3A_85 = arith.constant 0 : index
    %swap3A_86 = arith.constant 1 : index
    %swap3A_87 = arith.constant 0 : index
    %swap3A_88 = vector.load %arg9[%swap3A_85, %swap3A_86, %swap3A_87] : memref<200x4x128xf32, #tpu.memory_space<vmem>>, vector<200x1x128xf32>
    %swap3A_89 = vector.shape_cast %swap3A_88 : vector<200x1x128xf32> to vector<200x128xf32>
    %swap3A_90 = vector.shape_cast %sub3A_84 : vector<200x128xf32> to vector<200x1x128xf32>
    tpu.vector_store %arg9[%swap3A_85, %swap3A_86, %swap3A_87], %swap3A_90 {strides = array<i32>} : memref<200x4x128xf32, #tpu.memory_space<vmem>>, vector<200x1x128xf32>,
    %get3A_91 = arith.constant 0 : index
    %get3A_92 = arith.constant 0 : index
    %get3A_93 = vector.load %arg5[%get3A_91, %get3A_92] : memref<200x128xf32, #tpu.memory_space<vmem>>, vector<200x128xf32>
    %add3A_94 = arith.addf %get3A_93, %add3A_75 : vector<200x128xf32>
    %swap3A_95 = arith.constant 0 : index
    %swap3A_96 = arith.constant 2 : index
    %swap3A_97 = arith.constant 0 : index
    %swap3A_98 = vector.load %arg9[%swap3A_95, %swap3A_96, %swap3A_97] : memref<200x4x128xf32, #tpu.memory_space<vmem>>, vector<200x1x128xf32>
    %swap3A_99 = vector.shape_cast %swap3A_98 : vector<200x1x128xf32> to vector<200x128xf32>
    %swap3A_100 = vector.shape_cast %add3A_94 : vector<200x128xf32> to vector<200x1x128xf32>
    tpu.vector_store %arg9[%swap3A_95, %swap3A_96, %swap3A_97], %swap3A_100 {strides = array<i32>} : memref<200x4x128xf32, #tpu.memory_space<vmem>>, vector<200x1x128xf32>,
    %gt3A = arith.constant 5.000000e-01 : f32
    %gt3A_101 = vector.broadcast %gt3A : f32 to vector<200x128xf32>
    %gt3A_102 = arith.cmpf ogt, %add3A_75, %gt3A_101 : vector<200x128xf32>
    %get3A_103 = arith.constant 0 : index
    %get3A_104 = memref.load %arg1[%get3A_103] : memref<1xf32, #tpu.memory_space<smem>>
    %get3A_105 = arith.constant 0 : index
    %get3A_106 = arith.constant 0 : index
    %get3A_107 = vector.load %arg6[%get3A_105, %get3A_106] : memref<200x128xf32, #tpu.memory_space<vmem>>, vector<200x128xf32>
    %broadcast_in_dim3A_108 = vector.broadcast %get3A_104 : f32 to vector<200x128xf32>
    %select_n3A_109 = arith.select %gt3A_102, %broadcast_in_dim3A_108, %get3A_107 : vector<200x128xi1>, vector<200x128xf32>
    %swap3A_110 = arith.constant 0 : index
    %swap3A_111 = arith.constant 3 : index
    %swap3A_112 = arith.constant 0 : index
    %swap3A_113 = vector.load %arg9[%swap3A_110, %swap3A_111, %swap3A_112] : memref<200x4x128xf32, #tpu.memory_space<vmem>>, vector<200x1x128xf32>
    %swap3A_114 = vector.shape_cast %swap3A_113 : vector<200x1x128xf32> to vector<200x128xf32>
    %swap3A_115 = vector.shape_cast %select_n3A_109 : vector<200x128xf32> to vector<200x1x128xf32>
    tpu.vector_store %arg9[%swap3A_110, %swap3A_111, %swap3A_112], %swap3A_115 {strides = array<i32>} : memref<200x4x128xf32, #tpu.memory_space<vmem>>, vector<200x1x128xf32>,
    return
  }
  func.func @transform_0(%arg0: i32) -> i32 {
    %c0_i32 = arith.constant 0 : i32
    %c0_i32_0 = arith.constant 0 : i32
    return %c0_i32 : i32
  }
  func.func @transform_1(%arg0: i32) -> i32 {
    %c0_i32 = arith.constant 0 : i32
    %c0_i32_0 = arith.constant 0 : i32
    return %c0_i32 : i32
  }
  func.func @transform_2(%arg0: i32) -> (i32, i32, i32) {
    %c0_i32 = arith.constant 0 : i32
    %c0_i32_0 = arith.constant 0 : i32
    %c0_i32_1 = arith.constant 0 : i32
    return %c0_i32, %arg0, %c0_i32_0 : i32, i32, i32
  }
  func.func @transform_3(%arg0: i32) -> (i32, i32) {
    %c0_i32 = arith.constant 0 : i32
    %c0_i32_0 = arith.constant 0 : i32
    return %arg0, %c0_i32 : i32, i32
  }
  func.func @transform_4(%arg0: i32) -> (i32, i32) {
    %c0_i32 = arith.constant 0 : i32
    %c0_i32_0 = arith.constant 0 : i32
    return %arg0, %c0_i32 : i32, i32
  }
  func.func @transform_5(%arg0: i32) -> (i32, i32) {
    %c0_i32 = arith.constant 0 : i32
    %c0_i32_0 = arith.constant 0 : i32
    return %arg0, %c0_i32 : i32, i32
  }
  func.func @transform_6(%arg0: i32) -> (i32, i32) {
    %c0_i32 = arith.constant 0 : i32
    %c0_i32_0 = arith.constant 0 : i32
    return %arg0, %c0_i32 : i32, i32
  }
  func.func @transform_7(%arg0: i32) -> (i32, i32) {
    %c0_i32 = arith.constant 0 : i32
    %c0_i32_0 = arith.constant 0 : i32
    return %arg0, %c0_i32 : i32, i32
  }
  func.func @transform_8(%arg0: i32) -> (i32, i32, i32) {
    %c0_i32 = arith.constant 0 : i32
    %c0_i32_0 = arith.constant 0 : i32
    %c0_i32_1 = arith.constant 0 : i32
    return %arg0, %c0_i32, %c0_i32_0 : i32, i32, i32
  }
}

</mosaic_0001>

<sc_bundles>
// kernel: kernel.10.cloned.1.call-start
scs
__scs_entry_jumppad:
0x0: {  	(pc) =	sbr.rel $0x88, $3  }
0x1: {  	(tag) =	ssettag $0x0;
	lr =	simm.s32 $0x1  }
0x2: {  	[smem:$0x3F98] =	sst lr;
	_ =	strace $0xD0000000  }
0x3: {  	_ = 	snop  }
0x4: {  	_ = 	snop  }
0x5: {  	_ = 	snop  }
0x6: {  	_ = 	snop  }
0x7: {  	_ = 	snop  }
__scs_overlays_trampoline_lowered:
0x8: {  	[smem:$0x3FA7] =	sst s0  }
0x9: {  	[smem:$0x3FA8] =	sst s1  }
0xa: {  	[smem:$0x3FA9] =	sst s2  }
0xb: {  	[smem:$0x3FAA] =	sst s3  }
0xc: {  	[smem:$0x3FAB] =	sst s4  }
0xd: {  	[smem:$0x3FAC] =	sst s5  }
0xe: {  	[smem:$0x3FAD] =	sst s6  }
0xf: {  	[smem:$0x3FAE] =	sst s7  }
0x10: {  	[smem:$0x3FAF] =	sst s8  }
0x11: {  	[smem:$0x3FB0] =	sst s9;
	s0 =	simm.s32 @!p0 $0x0  }
0x12: {  	s1 =	sld [smem:$0x3F96];
	s0 =	simm.s32 @p0 $0x1  }
0x13: {  	[smem:$0x3FB1] =	sst s0;
	s0 =	simm.s32 @!p1 $0x0  }
0x14: {  	s2 =	sld [smem:$0x3F95];
	s0 =	simm.s32 @p1 $0x1  }
0x15: {  	[smem:$0x3FB2] =	sst s0;
	s0 =	simm.s32 @!p2 $0x0  }
0x16: {  	s3 =	sld [smem:$0x3FDB];
	s0 =	simm.s32 @p2 $0x1  }
0x17: {  	s4 =	simm.s32 $0x1BF5;
	[smem:$0x3FB4] =	sst s0  }
0x18: {  	s0 =	sld [smem:$0x3F97];
	_ =	swait.ge [sflag:s4], $0x0  }
0x19: {  	s7 =	sld [smem:$0x3F98]  }
0x1a: {  	s8 =	sadd.s32 $0xFFFFE003, lr  }
0x1b: {  	s9 =	sadd.s32 $0xFFFFFEF7, lr;
	s5 =	simm.s32 $0xFFFFFFFF;
	p2 =	slt.u32 s8, $0xFFFFF086  }
0x1c: {  	p1 =	slt.u32 s9, $0xF7A;
	s5 =	simm.s32 @!p2 $0x0  }
0x1d: {  	s5 =	simm.s32 @p1 $0x1;
	p0 =	seq.s32 s7, s2  }
0x1e: {  	s7 =	smul.u32 @!p0 $0xF7A, s2;
	p2 =	seq.s32 @!p0 s5, $0x0  }
0x1f: {  	s9 =	smul.u32 $0xF7A, s1;
	s8 =	simm.s32 @!p0 $0x1BF5;
	p2 =	por !p2, p0  }
0x20: {  	[sflag:s8] =	ssyncset.s32 @!p0 $0xFFFFF086;
	s6 =	sadd.s32 @!p0 s3, s7;
	s7 =	simm.s32 @!p0 $0x108  }
0x21: {  	s3 =	sadd.s32 s3, s9;
	s6 =	sadd.s32 @!p0 $0x88, s6;
	s7 =	simm.s32 @p2 $0x1082  }
0x22: {  	[simem:s7], [sflag:s8] =	dma.local @!p0 [hbm:s6], $0xF7A  }
0x23: {  	s9 =	sor.u32 $0xD0000000, s2;
	s6 =	simm.s32 $0x108;
	_ =	swait.ge @!p0 [sflag:s8], $0x0  }
0x24: {  	s3 =	sadd.s32 $0x88, s3;
	s6 =	simm.s32 @!p1 $0x1082;
	[sflag:s4] =	ssyncset.s32 $0xFFFFF086  }
0x25: {  	[simem:s6], [sflag:s4] =	dma.local [hbm:s3], $0xF7A  }
0x26: {  	[smem:$0x3F98] =	sst s1;
	(tag) =	ssettag s2;
	_ =	strace s9  }
0x27: {  	s1 =	sld [smem:$0x3FA8]  }
0x28: {  	s2 =	sld [smem:$0x3FA9]  }
0x29: {  	s4 =	sld [smem:$0x3FAB]  }
0x2a: {  	p0 =	seq.s32 s5, $0x0;
	s5 =	sld [smem:$0x3FAC]  }
0x2b: {  	s6 =	sld [smem:$0x3FAD]  }
0x2c: {  	s7 =	sld [smem:$0x3FAE]  }
0x2d: {  	s3 =	simm.s32 $0x108;
	s8 =	sld [smem:$0x3FAF]  }
0x2e: {  	s3 =	simm.s32 @!p0 $0x1082;
	s9 =	sld [smem:$0x3FB0]  }
0x2f: {  	lr =	sadd.s32 s0, s3;
	s0 =	sld [smem:$0x3FA7]  }
0x30: {  	s3 =	sld [smem:$0x3FAA]  }
0x31: {  	[smem:$0x3FB3] =	sst s10  }
0x32: {  	s10 =	sld [smem:$0x3FB1];
	_ =	sdelay $0x3  }
0x33: {  	p0 =	seq.s32 s10, $0x1;
	s10 =	sld [smem:$0x3FB3];
	_ =	sdelay $0x3  }
0x34: {  	[smem:$0x3FB3] =	sst s10  }
0x35: {  	s10 =	sld [smem:$0x3FB2];
	_ =	sdelay $0x3  }
0x36: {  	p1 =	seq.s32 s10, $0x1;
	s10 =	sld [smem:$0x3FB3];
	_ =	sdelay $0x3  }
0x37: {  	[smem:$0x3FB3] =	sst s10  }
0x38: {  	s10 =	sld [smem:$0x3FB4]  }
0x39: {  	_ = 	snop;
	(pc) =	sbr.ind lr, $3  }
0x3a: {  	_ = 	snop  }
0x3b: {  	_ = 	snop  }
0x3c: {  	p2 =	seq.s32 s10, $0x1;
	s10 =	sld [smem:$0x3FB3]  }
0x3d: {  	_ =	shalt  }
0x3e: {  	_ =	shalt  }
0x3f: {  	_ =	shalt  }
0x40: {  	_ =	shalt  }
0x41: {  	_ =	shalt  }
0x42: {  	_ =	shalt  }
0x43: {  	_ =	shalt  }
0x44: {  	_ =	shalt  }
0x45: {  	_ =	shalt  }
0x46: {  	_ =	shalt  }
0x47: {  	_ =	shalt  }
0x48: {  	_ =	shalt  }
0x49: {  	_ =	shalt  }
0x4a: {  	_ =	shalt  }
0x4b: {  	_ =	shalt  }
0x4c: {  	_ =	shalt  }
0x4d: {  	_ =	shalt  }
0x4e: {  	_ =	shalt  }
0x4f: {  	_ =	shalt  }
0x50: {  	_ =	shalt  }
0x51: {  	_ =	shalt  }
0x52: {  	_ =	shalt  }
0x53: {  	_ =	shalt  }
0x54: {  	_ =	shalt  }
0x55: {  	_ =	shalt  }
0x56: {  	_ =	shalt  }
0x57: {  	_ =	shalt  }
0x58: {  	_ =	shalt  }
0x59: {  	_ =	shalt  }
0x5a: {  	_ =	shalt  }
0x5b: {  	_ =	shalt  }
0x5c: {  	_ =	shalt  }
0x5d: {  	_ =	shalt  }
0x5e: {  	_ =	shalt  }
0x5f: {  	_ =	shalt  }
0x60: {  	_ =	shalt  }
0x61: {  	_ =	shalt  }
0x62: {  	_ =	shalt  }
0x63: {  	_ =	shalt  }
0x64: {  	_ =	shalt  }
0x65: {  	_ =	shalt  }
0x66: {  	_ =	shalt  }
0x67: {  	_ =	shalt  }
0x68: {  	_ =	shalt  }
0x69: {  	_ =	shalt  }
0x6a: {  	_ =	shalt  }
0x6b: {  	_ =	shalt  }
0x6c: {  	_ =	shalt  }
0x6d: {  	_ =	shalt  }
0x6e: {  	_ =	shalt  }
0x6f: {  	_ =	shalt  }
0x70: {  	_ =	shalt  }
0x71: {  	_ =	shalt  }
0x72: {  	_ =	shalt  }
0x73: {  	_ =	shalt  }
0x74: {  	_ =	shalt  }
0x75: {  	_ =	shalt  }
0x76: {  	_ =	shalt  }
0x77: {  	_ =	shalt  }
0x78: {  	_ =	shalt  }
0x79: {  	_ =	shalt  }
0x7a: {  	_ =	shalt  }
0x7b: {  	_ =	shalt  }
0x7c: {  	_ =	shalt  }
0x7d: {  	_ =	shalt  }
0x7e: {  	_ =	shalt  }
0x7f: {  	_ =	shalt  }
0x80: {  	_ =	shalt  }
0x81: {  	_ =	shalt  }
0x82: {  	_ =	shalt  }
0x83: {  	_ =	shalt  }
0x84: {  	_ =	shalt  }
0x85: {  	_ =	shalt  }
0x86: {  	_ =	shalt  }
0x87: {  	_ =	shalt  }
.Lfunc_end0:
.L_simem_size_0:
called_computation.1_lowered:
.L_overlay_start_0:
0x88: {  	s2 =	sld [smem:$0x3FD9]  }
0x89: {  	s3 =	sld [smem:$0x3FFE];
	_ =	sdelay $0x1  }
0x8a: {  	s1 =	srdreg.scid  }
0x8b: {  	s0 =	sand.u32 $0x1, s1  }
0x8c: {  	s17 =	sshll.u32 s0, $0xA;
	s2 =	sadd.s32 s3, s2  }
0x8d: {  	s2 =	sadd.s32 s2, s17  }
0x8e: {  	[smem:$0x3FBF] =	sst s2  }
0x8f: {  	_ = 	snop  }
0x90: {  	s2 =	sld [smem:$0x3FC3]  }
0x91: {  	s18 =	sld [smem:$0x3FC2]  }
0x92: {  	s4 =	sld [smem:$0x3FD0];
	(tm) =	ssettm $0x1  }
0x93: {  	s5 =	sld [smem:$0x3FFB];
	_ =	sdelay $0x3  }
0x94: {  	_ =	strace s5  }
0x95: {  	s5 =	sld [smem:$0x3FFC];
	_ =	sdelay $0x3  }
0x96: {  	_ =	strace s5  }
0x97: {  	s5 =	sld [smem:$0x3FFD];
	_ =	sdelay $0x3  }
0x98: {  	_ =	strace s5  }
0x99: {  	_ =	strace $0x8FFFFFFF  }
0x9a: {  	s19 =	sld [smem:$0x3FDB];
	_ =	sdelay $0x1  }
0x9b: {  	s6 =	simm.s32 $_scs_section_size  }
0x9c: {  	s7 =	simm.s32 $_size__tile_overlayer_lowered;
	s8 =	simm.s32 $_tile_overlayer_lowered  }
0x9d: {  	s22 =	simm.s32 $0x1BFF;
	s21 =	sshll.u32 s8, $0x1;
	s5 =	sadd.s32 s6, s19  }
0x9e: {  	s9 =	simm.s32 $0x0;
	s20 =	sshll.u32 s7, $0x1;
	s7 =	sadd.s32 s21, s5  }
0x9f: {  	[timem:s9], [sflag:s22] =	dma.local [hbm:s7], s20  }
0xa0: {  	_ =	swait.ge [sflag:s22], s20  }
0xa1: {  	s6 =	ssub.s32 $0x0, s20;
	[sflag:s22] =	ssyncset.done $0x0  }
0xa2: {  	[sflag:s22] =	ssyncadd.s32 s6;
	_ =	sdelay $0x1  }
0xa3: {  	s23 =	simm.s32 $0x1B8B  }
0xa4: {  	_ =	swait.ge [sflag:s23], $0x1  }
0xa5: {  	[sflag:s23] =	ssyncset.done $0x0  }
0xa6: {  	s25 =	simm.s32 $0x1B8E;
	s24 =	sld [smem:$0x3FFE];
	[sflag:s23] =	ssyncadd.s32 $0xFFFFFFFF  }
0xa7: {  	s26 =	simm.s32 $execute0_lowered;
	[smem:$0x3FD2] =	sst s25  }
0xa8: {  	s7 =	sshll.u32 s26, $0x1;
	_ =	strace $0x80000049;
	[dreg:$0x1] =	wrdreg $0xFFFFFFFF  }
0xa9: {  	s28 =	simm.s32 $_size_execute0_lowered;
	s5 =	sadd.s32 s5, s7;
	[dreg:$0x0] =	wrdreg $0x0  }
0xaa: {  	s7 =	sshll.u32 s28, $0x1;
	[dreg:$0x2] =	wrdreg s5  }
0xab: {  	[dreg:$0x3] =	wrdreg s7  }
0xac: {  	[dreg:$0x4] =	wrdreg $0xC0  }
0xad: {  	_ =	task [dreg:s9], $0x5FFFF  }
0xae: {  	[dreg:$0x1] =	wrdreg $0xFFFFFFFF  }
0xaf: {  	[dreg:$0x0] =	wrdreg $0x60  }
0xb0: {  	[dreg:$0x2] =	wrdreg s4  }
0xb1: {  	[dreg:$0x3] =	wrdreg s2  }
0xb2: {  	[dreg:$0x4] =	wrdreg s18  }
0xb3: {  	[dreg:$0x5] =	wrdreg s24  }
0xb4: {  	[dreg:$0x6] =	wrdreg $0x9  }
0xb5: {  	_ =	task.clear_ibuf [dreg:s9], $0x7FFFF;
	_ =	strace $0x90000049  }
0xb6: {  	s29 =	simm.s32 $0x9;
	_ =	strace $0x8000004B  }
0xb7: {  	_ =	swait.ge [sflag:s29], $0x1  }
0xb8: {  	[sflag:s29] =	ssyncadd.s32 $0xFFFFFFFF  }
0xb9: {  	_ =	strace $0x9000004B  }
0xba: {  	_ =	sfence  }
0xbb: {  	s30 =	sld [smem:$0x0];
	_ =	sdelay $0x2  }
0xbc: {  	s31 =	sshll.u32 s1, $0xD;
	s1 =	sshrl.u32 s1, $0x2  }
0xbd: {  	s3 =	sand.u32 $0x4000, s31;
	s1 =	sadd.s32 s1, s30  }
0xbe: {  	s0 =	sor.u32 s3, s0;
	s1 =	sshll.u32 s1, $0x11  }
0xbf: {  	s0 =	sor.u32 s1, s0  }
0xc0: {  	s0 =	sadd.s32 $0x8F2B, s0  }
0xc1: {  	[sflag:s0] =	ssyncadd.remote.s32 $0x1  }
0xc2: {  	_ =	sfence.sel $0xFFFF  }
0xc3: {  	[dreg:$0x0] =	wrdreg $0xFFFFFFFF;
	(pc) =	sbr.abs _section_cstart, $3  }
0xc4: {  	[dreg:$0x1] =	wrdreg $0xFFFFFFFF  }
0xc5: {  	_ =	task.clear_ibuf [dreg:s9], $0x2FFFF;
	_ =	strace $0x9FFFFFFF  }
0xc6: {  	(tm) =	ssettm $0x7FFFFFFF  }
0xc7: {  	_ =	shalt  }
tec
execute0_lowered:
.L_overlay_start_1:
0x0: {  	(tag) =	ssettag $0x1  }
0x1: {  	s1 =	srdreg.scid;
	s2 =	stileid.u32  }
0x2: {  	s3 =	sand.u32 $0x1, s1;
	s22 =	sshll.u32 s2, $0x1  }
0x3: {  	s0 =	rddreg [dreg:$0x1];
	s4 =	sor.u32 s3, s22  }
0x4: {  	s6 =	rddreg [dreg:$0x3];
	s5 =	smul.u32 $0xC350, s4  }
0x5: {  	s2 =	rddreg [dreg:$0x2];
	s1 =	simm.s32 $0x0  }
0x6: {  	s7 =	ssub.s32 $0x2, s3;
	s4 =	smul.u32 $0x3200, s4;
	s5 =	sshrl.u32 s5, $0x3  }
0x7: {  	[smem:$0x7FF] =	sst s1;
	s8 =	sshrl.u32 s7, $0x1;
	s23 =	sadd.s32 $0xFA, s5  }
0x8: {  	s3 =	sadd.s32 s4, s6;
	s4 =	ssub.s32 s7, s8;
	s24 =	sadd.s32 s0, s23  }
0x9: {  	s25 =	sadd.s32 $0x1F4, s5;
	s6 =	sadd.s32 s2, s23;
	[dreg:$0x5] =	wrdreg s24  }
0xa: {  	s8 =	sadd.s32 $0x2EE, s5;
	s26 =	sadd.s32 s0, s25;
	[dreg:$0x6] =	wrdreg s6  }
0xb: {  	s10 =	sadd.s32 $0x3E8, s5;
	s9 =	sadd.s32 s0, s8;
	[dreg:$0x7] =	wrdreg s26  }
0xc: {  	s12 =	sadd.s32 $0x4E2, s5;
	s11 =	sadd.s32 s0, s10;
	[dreg:$0x9] =	wrdreg s9  }
0xd: {  	s14 =	sadd.s32 $0x5DC, s5;
	s13 =	sadd.s32 s0, s12;
	[dreg:$0xb] =	wrdreg s11  }
0xe: {  	s16 =	sadd.s32 $0x6D6, s5;
	s15 =	sadd.s32 s0, s14;
	[dreg:$0xd] =	wrdreg s13  }
0xf: {  	s18 =	sadd.s32 $0x7D0, s5;
	s17 =	sadd.s32 s0, s16;
	[dreg:$0xf] =	wrdreg s15  }
0x10: {  	s20 =	sadd.s32 $0x8CA, s5;
	s19 =	sadd.s32 s0, s18;
	[dreg:$0x11] =	wrdreg s17  }
0x11: {  	s22 =	sadd.s32 $0x9C4, s5;
	s21 =	sadd.s32 s0, s20;
	[dreg:$0x13] =	wrdreg s19  }
0x12: {  	s23 =	sadd.s32 s0, s22;
	[dreg:$0x15] =	wrdreg s21  }
0x13: {  	s6 =	sadd.s32 s2, s25;
	[dreg:$0x17] =	wrdreg s23  }
0x14: {  	s24 =	sadd.s32 $0xABE, s5;
	[dreg:$0x8] =	wrdreg s6;
	s6 =	sadd.s32 s2, s8  }
0x15: {  	s26 =	sadd.s32 $0xBB8, s5;
	s25 =	sadd.s32 s0, s24;
	[dreg:$0xa] =	wrdreg s6  }
0x16: {  	s28 =	simm.s32 $0x1D000;
	s8 =	sadd.s32 s0, s26;
	[dreg:$0x19] =	wrdreg s25  }
0x17: {  	s9 =	sadd.s32 $0xCB2, s5;
	s6 =	sadd.s32 s2, s10;
	[dreg:$0x1b] =	wrdreg s8  }
0x18: {  	s29 =	simm.s32 $0x1;
	s10 =	sadd.s32 s0, s9;
	[dreg:$0xc] =	wrdreg s6  }
0x19: {  	s11 =	sadd.s32 $0xDAC, s5;
	s6 =	sadd.s32 s2, s12;
	[dreg:$0x1d] =	wrdreg s10  }
0x1a: {  	s30 =	simm.s32 $0x2;
	s12 =	sadd.s32 s0, s11;
	[dreg:$0xe] =	wrdreg s6  }
0x1b: {  	s13 =	sadd.s32 $0xEA6, s5;
	s6 =	sadd.s32 s2, s14;
	[dreg:$0x1f] =	wrdreg s12  }
0x1c: {  	s31 =	simm.s32 $0x4;
	s14 =	sadd.s32 s0, s13;
	[dreg:$0x10] =	wrdreg s6  }
0x1d: {  	s15 =	sadd.s32 $0xFA0, s5;
	s6 =	sadd.s32 s2, s16;
	[smem:$0x7F5] =	sst s14  }
0x1e: {  	s17 =	sadd.s32 $0x109A, s5;
	s16 =	sadd.s32 s0, s15;
	[dreg:$0x12] =	wrdreg s6  }
0x1f: {  	s19 =	sadd.s32 $0x1194, s5;
	s6 =	sadd.s32 s2, s18;
	[smem:$0x7F7] =	sst s16  }
0x20: {  	s21 =	sadd.s32 $0x128E, s5;
	s18 =	sadd.s32 s0, s17;
	[dreg:$0x14] =	wrdreg s6  }
0x21: {  	s23 =	sadd.s32 $0x1388, s5;
	s6 =	sadd.s32 s2, s20;
	[smem:$0x7F9] =	sst s18  }
0x22: {  	s25 =	sadd.s32 $0x157C, s5;
	s20 =	sadd.s32 s0, s19;
	[dreg:$0x16] =	wrdreg s6  }
0x23: {  	s10 =	sadd.s32 s0, s23;
	s6 =	sadd.s32 s2, s22;
	[smem:$0x7FB] =	sst s20  }
0x24: {  	s14 =	sadd.s32 s0, s25;
	s22 =	sadd.s32 s0, s21;
	[dreg:$0x18] =	wrdreg s6  }
0x25: {  	s18 =	sadd.s32 s0, s5;
	s6 =	sadd.s32 s2, s24;
	[smem:$0x7FD] =	sst s22  }
0x26: {  	s24 =	sadd.s32 $0x1482, s5;
	s22 =	sadd.s32 $0x1200, s3;
	s3 =	simm.s32 $0x5  }
0x27: {  	[dreg:$0x1a] =	wrdreg s6;
	s6 =	sadd.s32 s2, s26;
	s12 =	sadd.s32 s0, s24  }
0x28: {  	s26 =	sadd.s32 $0x1676, s5;
	[dreg:$0x1c] =	wrdreg s6;
	s6 =	sadd.s32 s2, s9  }
0x29: {  	s9 =	sadd.s32 s2, s21;
	s16 =	sadd.s32 s0, s26;
	[dreg:$0x1e] =	wrdreg s6  }
0x2a: {  	s6 =	sadd.s32 s2, s11;
	s11 =	sadd.s32 s2, s23;
	s23 =	smax.u32 s4, $0x1  }
0x2b: {  	s4 =	simm.s32 $0x6;
	[smem:$0x7F4] =	sst s6;
	s6 =	sadd.s32 s2, s13  }
0x2c: {  	s13 =	sadd.s32 s2, s24;
	s24 =	simm.s32 $0x1B800;
	[smem:$0x7F6] =	sst s6  }
0x2d: {  	s6 =	sadd.s32 s2, s15;
	s15 =	sadd.s32 s2, s25;
	s25 =	simm.s32 $0x1C800  }
0x2e: {  	[smem:$0x7F8] =	sst s6;
	s6 =	sadd.s32 s2, s17;
	s17 =	sadd.s32 s2, s26  }
0x2f: {  	s26 =	simm.s32 $0x1C000;
	[smem:$0x7FA] =	sst s6;
	s6 =	sadd.s32 s2, s19  }
0x30: {  	s19 =	sadd.s32 s2, s5;
	s5 =	sadd.s32 $0x1770, s5;
	[smem:$0x7FC] =	sst s6  }
0x31: {  	s20 =	sadd.s32 s0, s5;
	s21 =	sadd.s32 s2, s5;
	s0 =	simm.s32 $0x2800  }
0x32: {  	v0 =	vimm.f32 $0.0e+00;
	s2 =	simm.s32 $0x3;
	s5 =	simm.s32 $0x0;
	_ =	strace $0x8000004A  }
.LBB2_1:
0x33: {  	[tilespmem:s24], [sflag:$0x2] =	stream.linear.gather [hbm4b:s18+s1], $0x7D0, $0x38;
	[tilespmem:$0x1D800] =	vst v63  }
0x34: {  	_ = 	snop  }
0x35: {  	[tilespmem:s25], [sflag:$0x4] =	stream.linear.gather [hbm4b:s19+s1], $0x7D0, $0x38;
	[tilespmem:$0x1D800] =	vst v63  }
0x36: {  	s6 =	rddreg [dreg:$0x5]  }
0x37: {  	[tilespmem:s26], [sflag:$0x3] =	stream.linear.gather [hbm4b:s6+s1], $0x7D0, $0x38;
	[tilespmem:$0x1D800] =	vst v63  }
0x38: {  	s7 =	rddreg [dreg:$0x6]  }
0x39: {  	[tilespmem:s28], [sflag:$0x5] =	stream.linear.gather [hbm4b:s7+s1], $0x7D0, $0x38;
	[tilespmem:$0x1D800] =	vst v63  }
0x3a: {  	s8 =	rddreg [dreg:$0x0];
	s6 =	simm.s32 $0x2A00  }
0x3b: {  	[tilespmem:s1], [sflag:$0x1] =	stream.linear.gather [hbm4b:s8+s1], $0x2800, $0x38;
	[tilespmem:$0x1D800] =	vst v63  }
0x3c: {  	[tilespmem:s6+$0xFFFFFE00] =	vst v0  }
0x3d: {  	[tilespmem:s6+$0x1F0] =	vst v0  }
0x3e: {  	[tilespmem:s6+$0x1E0] =	vst v0  }
0x3f: {  	[tilespmem:s6+$0x1D0] =	vst v0  }
0x40: {  	[tilespmem:s6+$0x1C0] =	vst v0  }
0x41: {  	[tilespmem:s6+$0x1B0] =	vst v0  }
0x42: {  	[tilespmem:s6+$0x1A0] =	vst v0  }
0x43: {  	[tilespmem:s6+$0x190] =	vst v0  }
0x44: {  	[tilespmem:s6+$0x180] =	vst v0  }
0x45: {  	[tilespmem:s6+$0x170] =	vst v0  }
0x46: {  	[tilespmem:s6+$0x160] =	vst v0  }
0x47: {  	[tilespmem:s6+$0x150] =	vst v0  }
0x48: {  	[tilespmem:s6+$0x140] =	vst v0  }
0x49: {  	[tilespmem:s6+$0x130] =	vst v0  }
0x4a: {  	[tilespmem:s6+$0x120] =	vst v0  }
0x4b: {  	[tilespmem:s6+$0x110] =	vst v0  }
0x4c: {  	[tilespmem:s6+$0x100] =	vst v0  }
0x4d: {  	[tilespmem:s6+$0xF0] =	vst v0  }
0x4e: {  	[tilespmem:s6+$0xE0] =	vst v0  }
0x4f: {  	[tilespmem:s6+$0xD0] =	vst v0  }
0x50: {  	[tilespmem:s6+$0xC0] =	vst v0  }
0x51: {  	[tilespmem:s6+$0xB0] =	vst v0  }
0x52: {  	[tilespmem:s6+$0xA0] =	vst v0  }
0x53: {  	[tilespmem:s6+$0x90] =	vst v0  }
0x54: {  	[tilespmem:s6+$0x80] =	vst v0  }
0x55: {  	[tilespmem:s6+$0x70] =	vst v0  }
0x56: {  	[tilespmem:s6+$0x60] =	vst v0  }
0x57: {  	[tilespmem:s6+$0x50] =	vst v0  }
0x58: {  	[tilespmem:s6+$0x40] =	vst v0  }
0x59: {  	[tilespmem:s6+$0x30] =	vst v0  }
0x5a: {  	[tilespmem:s6+$0x20] =	vst v0  }
0x5b: {  	[tilespmem:s6+$0x10] =	vst v0  }
0x5c: {  	[tilespmem:s6+$0x0] =	vst v0  }
0x5d: {  	[tilespmem:s6+$0xFFFFFFF0] =	vst v0  }
0x5e: {  	[tilespmem:s6+$0xFFFFFFE0] =	vst v0  }
0x5f: {  	[tilespmem:s6+$0xFFFFFFD0] =	vst v0  }
0x60: {  	[tilespmem:s6+$0xFFFFFFC0] =	vst v0  }
0x61: {  	[tilespmem:s6+$0xFFFFFFB0] =	vst v0  }
0x62: {  	[tilespmem:s6+$0xFFFFFFA0] =	vst v0  }
0x63: {  	[tilespmem:s6+$0xFFFFFF90] =	vst v0  }
0x64: {  	[tilespmem:s6+$0xFFFFFF80] =	vst v0  }
0x65: {  	[tilespmem:s6+$0xFFFFFF70] =	vst v0  }
0x66: {  	[tilespmem:s6+$0xFFFFFF60] =	vst v0  }
0x67: {  	[tilespmem:s6+$0xFFFFFF50] =	vst v0  }
0x68: {  	[tilespmem:s6+$0xFFFFFF40] =	vst v0  }
0x69: {  	[tilespmem:s6+$0xFFFFFF30] =	vst v0  }
0x6a: {  	[tilespmem:s6+$0xFFFFFF20] =	vst v0  }
0x6b: {  	[tilespmem:s6+$0xFFFFFF10] =	vst v0  }
0x6c: {  	[tilespmem:s6+$0xFFFFFF00] =	vst v0  }
0x6d: {  	[tilespmem:s6+$0xFFFFFEF0] =	vst v0  }
0x6e: {  	[tilespmem:s6+$0xFFFFFEE0] =	vst v0  }
0x6f: {  	[tilespmem:s6+$0xFFFFFED0] =	vst v0  }
0x70: {  	[tilespmem:s6+$0xFFFFFEC0] =	vst v0  }
0x71: {  	[tilespmem:s6+$0xFFFFFEB0] =	vst v0  }
0x72: {  	[tilespmem:s6+$0xFFFFFEA0] =	vst v0  }
0x73: {  	[tilespmem:s6+$0xFFFFFE90] =	vst v0  }
0x74: {  	[tilespmem:s6+$0xFFFFFE80] =	vst v0  }
0x75: {  	[tilespmem:s6+$0xFFFFFE70] =	vst v0  }
0x76: {  	[tilespmem:s6+$0xFFFFFE60] =	vst v0  }
0x77: {  	[tilespmem:s6+$0xFFFFFE50] =	vst v0  }
0x78: {  	[tilespmem:s6+$0xFFFFFE40] =	vst v0  }
0x79: {  	[tilespmem:s6+$0xFFFFFE30] =	vst v0  }
0x7a: {  	s7 =	simm.s32 $0x0;
	[tilespmem:s6+$0xFFFFFE20] =	vst v0  }
.LBB2_2:
0x7b: {  	s7 =	sadd.s32 $0x8, s7;
	[tilespmem:s6+$0xFFFFFE10] =	vst v0;
	s6 =	sadd.s32 $0x400, s6  }
0x7c: {  	[tilespmem:s6+$0xFFFFFE00] =	vst v0;
	p0 =	slt.u32 s7, $0x318  }
0x7d: {  	[tilespmem:s6+$0x1F0] =	vst v0  }
0x7e: {  	[tilespmem:s6+$0x1E0] =	vst v0  }
0x7f: {  	[tilespmem:s6+$0x1D0] =	vst v0  }
0x80: {  	[tilespmem:s6+$0x1C0] =	vst v0  }
0x81: {  	[tilespmem:s6+$0x1B0] =	vst v0  }
0x82: {  	[tilespmem:s6+$0x1A0] =	vst v0  }
0x83: {  	[tilespmem:s6+$0x190] =	vst v0  }
0x84: {  	[tilespmem:s6+$0x180] =	vst v0  }
0x85: {  	[tilespmem:s6+$0x170] =	vst v0  }
0x86: {  	[tilespmem:s6+$0x160] =	vst v0  }
0x87: {  	[tilespmem:s6+$0x150] =	vst v0  }
0x88: {  	[tilespmem:s6+$0x140] =	vst v0  }
0x89: {  	[tilespmem:s6+$0x130] =	vst v0  }
0x8a: {  	[tilespmem:s6+$0x120] =	vst v0  }
0x8b: {  	[tilespmem:s6+$0x110] =	vst v0  }
0x8c: {  	[tilespmem:s6+$0x100] =	vst v0  }
0x8d: {  	[tilespmem:s6+$0xF0] =	vst v0  }
0x8e: {  	[tilespmem:s6+$0xE0] =	vst v0  }
0x8f: {  	[tilespmem:s6+$0xD0] =	vst v0  }
0x90: {  	[tilespmem:s6+$0xC0] =	vst v0  }
0x91: {  	[tilespmem:s6+$0xB0] =	vst v0  }
0x92: {  	[tilespmem:s6+$0xA0] =	vst v0  }
0x93: {  	[tilespmem:s6+$0x90] =	vst v0  }
0x94: {  	[tilespmem:s6+$0x80] =	vst v0  }
0x95: {  	[tilespmem:s6+$0x70] =	vst v0  }
0x96: {  	[tilespmem:s6+$0x60] =	vst v0  }
0x97: {  	[tilespmem:s6+$0x50] =	vst v0  }
0x98: {  	[tilespmem:s6+$0x40] =	vst v0  }
0x99: {  	[tilespmem:s6+$0x30] =	vst v0  }
0x9a: {  	[tilespmem:s6+$0x20] =	vst v0  }
0x9b: {  	[tilespmem:s6+$0x10] =	vst v0  }
0x9c: {  	[tilespmem:s6+$0x0] =	vst v0  }
0x9d: {  	[tilespmem:s6+$0xFFFFFFF0] =	vst v0  }
0x9e: {  	[tilespmem:s6+$0xFFFFFFE0] =	vst v0  }
0x9f: {  	[tilespmem:s6+$0xFFFFFFD0] =	vst v0  }
0xa0: {  	[tilespmem:s6+$0xFFFFFFC0] =	vst v0  }
0xa1: {  	[tilespmem:s6+$0xFFFFFFB0] =	vst v0  }
0xa2: {  	[tilespmem:s6+$0xFFFFFFA0] =	vst v0  }
0xa3: {  	[tilespmem:s6+$0xFFFFFF90] =	vst v0  }
0xa4: {  	[tilespmem:s6+$0xFFFFFF80] =	vst v0  }
0xa5: {  	[tilespmem:s6+$0xFFFFFF70] =	vst v0  }
0xa6: {  	[tilespmem:s6+$0xFFFFFF60] =	vst v0  }
0xa7: {  	[tilespmem:s6+$0xFFFFFF50] =	vst v0  }
0xa8: {  	[tilespmem:s6+$0xFFFFFF40] =	vst v0  }
0xa9: {  	[tilespmem:s6+$0xFFFFFF30] =	vst v0  }
0xaa: {  	[tilespmem:s6+$0xFFFFFF20] =	vst v0  }
0xab: {  	[tilespmem:s6+$0xFFFFFF10] =	vst v0  }
0xac: {  	[tilespmem:s6+$0xFFFFFF00] =	vst v0  }
0xad: {  	[tilespmem:s6+$0xFFFFFEF0] =	vst v0  }
0xae: {  	[tilespmem:s6+$0xFFFFFEE0] =	vst v0  }
0xaf: {  	[tilespmem:s6+$0xFFFFFED0] =	vst v0  }
0xb0: {  	[tilespmem:s6+$0xFFFFFEC0] =	vst v0  }
0xb1: {  	[tilespmem:s6+$0xFFFFFEB0] =	vst v0  }
0xb2: {  	[tilespmem:s6+$0xFFFFFEA0] =	vst v0  }
0xb3: {  	[tilespmem:s6+$0xFFFFFE90] =	vst v0  }
0xb4: {  	[tilespmem:s6+$0xFFFFFE80] =	vst v0  }
0xb5: {  	[tilespmem:s6+$0xFFFFFE70] =	vst v0  }
.Ltmp0:
0xb6: {  	[tilespmem:s6+$0xFFFFFE60] =	vst v0;
	(pc) =	sbr.rel @p0 .LBB2_2-.Ltmp0, $4  }
0xb7: {  	[tilespmem:s6+$0xFFFFFE50] =	vst v0  }
0xb8: {  	[tilespmem:s6+$0xFFFFFE40] =	vst v0  }
0xb9: {  	[tilespmem:s6+$0xFFFFFE30] =	vst v0  }
0xba: {  	[tilespmem:s6+$0xFFFFFE20] =	vst v0  }
0xbb: {  	[tilespmem:s6+$0xFFFFFE10] =	vst v0  }
0xbc: {  	_ =	swait.ge [sflag:s29], $0x2800  }
0xbd: {  	[sflag:s29] =	ssyncset.done $0x0  }
0xbe: {  	[sflag:s29] =	ssyncadd.s32 $0xFFFFD800  }
0xbf: {  	_ =	swait.ge [sflag:s30], $0x7D0  }
0xc0: {  	[sflag:s30] =	ssyncset.done $0x0  }
0xc1: {  	[sflag:s30] =	ssyncadd.s32 $0xFFFFF830  }
0xc2: {  	_ =	swait.ge [sflag:s31], $0x7D0  }
0xc3: {  	[sflag:s31] =	ssyncset.done $0x0  }
0xc4: {  	s8 =	simm.s32 $0x1C820;
	[sflag:s31] =	ssyncadd.s32 $0xFFFFF830  }
0xc5: {  	v1 =	vld [tilespmem:s8+$0x20]  }
0xc6: {  	v2 =	vld [tilespmem:s8+$0xFFFFFFE0]  }
0xc7: {  	v3 =	vld [tilespmem:s8+$0xFFFFFFF0]  }
0xc8: {  	v5 =	vld [tilespmem:s8+$0x0]  }
0xc9: {  	v6 =	vld [tilespmem:s8+$0x10]  }
0xca: {  	s6 =	simm.s32 $0x1B820  }
0xcb: {  	v7 =	vld [tilespmem:s6+$0x20]  }
0xcc: {  	v8 =	vld [tilespmem:s6+$0xFFFFFFF0]  }
0xcd: {  	v9 =	vld.idx.msk [tilespmem:v1+s1+$0x0], $0xffff  }
0xce: {  	v4 =	vld.idx.msk [tilespmem:v2+s1+$0x0], $0xffff  }
0xcf: {  	v10 =	vld.idx.msk [tilespmem:v3+s1+$0x0], $0xffff  }
0xd0: {  	v1 =	vld.idx.msk [tilespmem:v5+s1+$0x0], $0xffff  }
0xd1: {  	v2 =	vld.idx.msk [tilespmem:v6+s1+$0x0], $0xffff  }
0xd2: {  	v6 =	vld [tilespmem:s6+$0x10]  }
0xd3: {  	v3 =	vld [tilespmem:s6+$0x0]  }
0xd4: {  	v5 =	vld [tilespmem:s6+$0xFFFFFFE0]  }
0xd5: {  	[tilespmem:v7+s0+$0x0] =	vst.idx.add.f32.msk $0xffff, v9  }
0xd6: {  	s7 =	simm.s32 $0x0;
	s8 =	simm.s32 $0x1C870;
	[tilespmem:v8+s0+$0x0] =	vst.idx.add.f32.msk $0xffff, v10  }
.LBB2_4:
0xd7: {  	v7 =	vld [tilespmem:s8+$0x20];
	s7 =	sadd.s32 $0x5, s7;
	v8 =	vmov v6  }
0xd8: {  	v6 =	vld [tilespmem:s8+$0xFFFFFFE0];
	p0 =	slt.u32 s7, $0x78  }
0xd9: {  	v9 =	vld [tilespmem:s8+$0xFFFFFFF0]  }
0xda: {  	v10 =	vld [tilespmem:s8+$0x0]  }
0xdb: {  	v11 =	vld [tilespmem:s8+$0x10]  }
0xdc: {  	s6 =	sadd.s32 $0x50, s6;
	[tilespmem:v5+s0+$0x0] =	vst.idx.add.f32.msk $0xffff, v4  }
0xdd: {  	v5 =	vld [tilespmem:s6+$0x20]  }
0xde: {  	v12 =	vld [tilespmem:s6+$0xFFFFFFF0]  }
0xdf: {  	v7 =	vld.idx.msk [tilespmem:v7+s1+$0x0], $0xffff  }
0xe0: {  	v4 =	vld.idx.msk [tilespmem:v6+s1+$0x0], $0xffff  }
0xe1: {  	v9 =	vld.idx.msk [tilespmem:v9+s1+$0x0], $0xffff  }
0xe2: {  	v10 =	vld.idx.msk [tilespmem:v10+s1+$0x0], $0xffff  }
0xe3: {  	v11 =	vld.idx.msk [tilespmem:v11+s1+$0x0], $0xffff  }
0xe4: {  	v13 =	vld [tilespmem:s6+$0x0]  }
0xe5: {  	[tilespmem:v5+s0+$0x0] =	vst.idx.add.f32.msk $0xffff, v7  }
.Ltmp1:
0xe6: {  	v6 =	vld [tilespmem:s6+$0x10];
	(pc) =	sbr.rel @p0 .LBB2_4-.Ltmp1, $4  }
0xe7: {  	v5 =	vld [tilespmem:s6+$0xFFFFFFE0]  }
0xe8: {  	[tilespmem:v12+s0+$0x0] =	vst.idx.add.f32.msk $0xffff, v9  }
0xe9: {  	[tilespmem:v3+s0+$0x0] =	vst.idx.add.f32.msk $0xffff, v1;
	v1 =	vmov v10;
	v3 =	vmov v13  }
0xea: {  	s8 =	sadd.s32 $0x50, s8;
	[tilespmem:v8+s0+$0x0] =	vst.idx.add.f32.msk $0xffff, v2;
	v2 =	vmov v11  }
0xeb: {  	_ =	sdelay $0x3  }
0xec: {  	[tilespmem:v3+s0+$0x0] =	vst.idx.add.f32.msk $0xffff, v1  }
0xed: {  	[tilespmem:v6+s0+$0x0] =	vst.idx.add.f32.msk $0xffff, v2  }
0xee: {  	[tilespmem:v5+s0+$0x0] =	vst.idx.add.f32.msk $0xffff, v4  }
0xef: {  	s6 =	rddreg [dreg:$0x7]  }
0xf0: {  	[tilespmem:s24], [sflag:$0x2] =	stream.linear.gather [hbm4b:s6+s1], $0x7D0, $0x38;
	[tilespmem:$0x1D800] =	vst v63  }
0xf1: {  	s7 =	rddreg [dreg:$0x8]  }
0xf2: {  	[tilespmem:s25], [sflag:$0x4] =	stream.linear.gather [hbm4b:s7+s1], $0x7D0, $0x38;
	[tilespmem:$0x1D800] =	vst v63  }
0xf3: {  	_ =	swait.ge [sflag:s2], $0x7D0  }
0xf4: {  	[sflag:s2] =	ssyncset.done $0x0  }
0xf5: {  	[sflag:s2] =	ssyncadd.s32 $0xFFFFF830  }
0xf6: {  	_ =	swait.ge [sflag:s3], $0x7D0  }
0xf7: {  	[sflag:s3] =	ssyncset.done $0x0  }
0xf8: {  	s8 =	simm.s32 $0x1D020;
	[sflag:s3] =	ssyncadd.s32 $0xFFFFF830  }
0xf9: {  	v1 =	vld [tilespmem:s8+$0x20]  }
0xfa: {  	v2 =	vld [tilespmem:s8+$0xFFFFFFE0]  }
0xfb: {  	v3 =	vld [tilespmem:s8+$0xFFFFFFF0]  }
0xfc: {  	v5 =	vld [tilespmem:s8+$0x0]  }
0xfd: {  	v6 =	vld [tilespmem:s8+$0x10]  }
0xfe: {  	s6 =	simm.s32 $0x1C020  }
0xff: {  	v7 =	vld [tilespmem:s6+$0x20]  }
0x100: {  	v8 =	vld [tilespmem:s6+$0xFFFFFFF0]  }
0x101: {  	v9 =	vld.idx.msk [tilespmem:v1+s1+$0x0], $0xffff  }
0x102: {  	v4 =	vld.idx.msk [tilespmem:v2+s1+$0x0], $0xffff  }
0x103: {  	v10 =	vld.idx.msk [tilespmem:v3+s1+$0x0], $0xffff  }
0x104: {  	v1 =	vld.idx.msk [tilespmem:v5+s1+$0x0], $0xffff  }
0x105: {  	v2 =	vld.idx.msk [tilespmem:v6+s1+$0x0], $0xffff  }
0x106: {  	v6 =	vld [tilespmem:s6+$0x10]  }
0x107: {  	v3 =	vld [tilespmem:s6+$0x0]  }
0x108: {  	v5 =	vld [tilespmem:s6+$0xFFFFFFE0]  }
0x109: {  	[tilespmem:v7+s0+$0x0] =	vst.idx.add.f32.msk $0xffff, v9  }
0x10a: {  	s7 =	simm.s32 $0x0;
	s8 =	simm.s32 $0x1D070;
	[tilespmem:v8+s0+$0x0] =	vst.idx.add.f32.msk $0xffff, v10  }
.LBB2_6:
0x10b: {  	v7 =	vld [tilespmem:s8+$0x20];
	s7 =	sadd.s32 $0x5, s7;
	v8 =	vmov v6  }
0x10c: {  	v6 =	vld [tilespmem:s8+$0xFFFFFFE0];
	p0 =	slt.u32 s7, $0x78  }
0x10d: {  	v9 =	vld [tilespmem:s8+$0xFFFFFFF0]  }
0x10e: {  	v10 =	vld [tilespmem:s8+$0x0]  }
0x10f: {  	v11 =	vld [tilespmem:s8+$0x10]  }
0x110: {  	s6 =	sadd.s32 $0x50, s6;
	[tilespmem:v5+s0+$0x0] =	vst.idx.add.f32.msk $0xffff, v4  }
0x111: {  	v5 =	vld [tilespmem:s6+$0x20]  }
0x112: {  	v12 =	vld [tilespmem:s6+$0xFFFFFFF0]  }
0x113: {  	v7 =	vld.idx.msk [tilespmem:v7+s1+$0x0], $0xffff  }
0x114: {  	v4 =	vld.idx.msk [tilespmem:v6+s1+$0x0], $0xffff  }
0x115: {  	v9 =	vld.idx.msk [tilespmem:v9+s1+$0x0], $0xffff  }
0x116: {  	v10 =	vld.idx.msk [tilespmem:v10+s1+$0x0], $0xffff  }
0x117: {  	v11 =	vld.idx.msk [tilespmem:v11+s1+$0x0], $0xffff  }
0x118: {  	v13 =	vld [tilespmem:s6+$0x0]  }
0x119: {  	[tilespmem:v5+s0+$0x0] =	vst.idx.add.f32.msk $0xffff, v7  }
.Ltmp2:
0x11a: {  	v6 =	vld [tilespmem:s6+$0x10];
	(pc) =	sbr.rel @p0 .LBB2_6-.Ltmp2, $4  }
0x11b: {  	v5 =	vld [tilespmem:s6+$0xFFFFFFE0]  }
0x11c: {  	[tilespmem:v12+s0+$0x0] =	vst.idx.add.f32.msk $0xffff, v9  }
0x11d: {  	[tilespmem:v3+s0+$0x0] =	vst.idx.add.f32.msk $0xffff, v1;
	v1 =	vmov v10;
	v3 =	vmov v13  }
0x11e: {  	s8 =	sadd.s32 $0x50, s8;
	[tilespmem:v8+s0+$0x0] =	vst.idx.add.f32.msk $0xffff, v2;
	v2 =	vmov v11  }
0x11f: {  	_ =	sdelay $0x3  }
0x120: {  	[tilespmem:v3+s0+$0x0] =	vst.idx.add.f32.msk $0xffff, v1  }
0x121: {  	[tilespmem:v6+s0+$0x0] =	vst.idx.add.f32.msk $0xffff, v2  }
0x122: {  	[tilespmem:v5+s0+$0x0] =	vst.idx.add.f32.msk $0xffff, v4  }
0x123: {  	s6 =	rddreg [dreg:$0x9]  }
0x124: {  	[tilespmem:s26], [sflag:$0x3] =	stream.linear.gather [hbm4b:s6+s1], $0x7D0, $0x38;
	[tilespmem:$0x1D800] =	vst v63  }
0x125: {  	s7 =	rddreg [dreg:$0xa]  }
0x126: {  	[tilespmem:s28], [sflag:$0x5] =	stream.linear.gather [hbm4b:s7+s1], $0x7D0, $0x38;
	[tilespmem:$0x1D800] =	vst v63  }
0x127: {  	_ =	swait.ge [sflag:s30], $0x7D0  }
0x128: {  	[sflag:s30] =	ssyncset.done $0x0  }
0x129: {  	[sflag:s30] =	ssyncadd.s32 $0xFFFFF830  }
0x12a: {  	_ =	swait.ge [sflag:s31], $0x7D0  }
0x12b: {  	[sflag:s31] =	ssyncset.done $0x0  }
0x12c: {  	s8 =	simm.s32 $0x1C820;
	[sflag:s31] =	ssyncadd.s32 $0xFFFFF830  }
0x12d: {  	v1 =	vld [tilespmem:s8+$0x20]  }
0x12e: {  	v2 =	vld [tilespmem:s8+$0xFFFFFFE0]  }
0x12f: {  	v3 =	vld [tilespmem:s8+$0xFFFFFFF0]  }
0x130: {  	v5 =	vld [tilespmem:s8+$0x0]  }
0x131: {  	v6 =	vld [tilespmem:s8+$0x10]  }
0x132: {  	s6 =	simm.s32 $0x1B820  }
0x133: {  	v7 =	vld [tilespmem:s6+$0x20]  }
0x134: {  	v8 =	vld [tilespmem:s6+$0xFFFFFFF0]  }
0x135: {  	v9 =	vld.idx.msk [tilespmem:v1+s1+$0x0], $0xffff  }
0x136: {  	v4 =	vld.idx.msk [tilespmem:v2+s1+$0x0], $0xffff  }
0x137: {  	v10 =	vld.idx.msk [tilespmem:v3+s1+$0x0], $0xffff  }
0x138: {  	v1 =	vld.idx.msk [tilespmem:v5+s1+$0x0], $0xffff  }
0x139: {  	v2 =	vld.idx.msk [tilespmem:v6+s1+$0x0], $0xffff  }
0x13a: {  	v6 =	vld [tilespmem:s6+$0x10]  }
0x13b: {  	v3 =	vld [tilespmem:s6+$0x0]  }
0x13c: {  	v5 =	vld [tilespmem:s6+$0xFFFFFFE0]  }
0x13d: {  	[tilespmem:v7+s0+$0x0] =	vst.idx.add.f32.msk $0xffff, v9  }
0x13e: {  	s7 =	simm.s32 $0x0;
	s8 =	simm.s32 $0x1C870;
	[tilespmem:v8+s0+$0x0] =	vst.idx.add.f32.msk $0xffff, v10  }
.LBB2_8:
0x13f: {  	v7 =	vld [tilespmem:s8+$0x20];
	s7 =	sadd.s32 $0x5, s7;
	v8 =	vmov v6  }
0x140: {  	v6 =	vld [tilespmem:s8+$0xFFFFFFE0];
	p0 =	slt.u32 s7, $0x78  }
0x141: {  	v9 =	vld [tilespmem:s8+$0xFFFFFFF0]  }
0x142: {  	v10 =	vld [tilespmem:s8+$0x0]  }
0x143: {  	v11 =	vld [tilespmem:s8+$0x10]  }
0x144: {  	s6 =	sadd.s32 $0x50, s6;
	[tilespmem:v5+s0+$0x0] =	vst.idx.add.f32.msk $0xffff, v4  }
0x145: {  	v5 =	vld [tilespmem:s6+$0x20]  }
0x146: {  	v12 =	vld [tilespmem:s6+$0xFFFFFFF0]  }
0x147: {  	v7 =	vld.idx.msk [tilespmem:v7+s1+$0x0], $0xffff  }
0x148: {  	v4 =	vld.idx.msk [tilespmem:v6+s1+$0x0], $0xffff  }
0x149: {  	v9 =	vld.idx.msk [tilespmem:v9+s1+$0x0], $0xffff  }
0x14a: {  	v10 =	vld.idx.msk [tilespmem:v10+s1+$0x0], $0xffff  }
0x14b: {  	v11 =	vld.idx.msk [tilespmem:v11+s1+$0x0], $0xffff  }
0x14c: {  	v13 =	vld [tilespmem:s6+$0x0]  }
0x14d: {  	[tilespmem:v5+s0+$0x0] =	vst.idx.add.f32.msk $0xffff, v7  }
.Ltmp3:
0x14e: {  	v6 =	vld [tilespmem:s6+$0x10];
	(pc) =	sbr.rel @p0 .LBB2_8-.Ltmp3, $4  }
0x14f: {  	v5 =	vld [tilespmem:s6+$0xFFFFFFE0]  }
0x150: {  	[tilespmem:v12+s0+$0x0] =	vst.idx.add.f32.msk $0xffff, v9  }
0x151: {  	[tilespmem:v3+s0+$0x0] =	vst.idx.add.f32.msk $0xffff, v1;
	v1 =	vmov v10;
	v3 =	vmov v13  }
0x152: {  	s8 =	sadd.s32 $0x50, s8;
	[tilespmem:v8+s0+$0x0] =	vst.idx.add.f32.msk $0xffff, v2;
	v2 =	vmov v11  }
0x153: {  	_ =	sdelay $0x3  }
0x154: {  	[tilespmem:v3+s0+$0x0] =	vst.idx.add.f32.msk $0xffff, v1  }
0x155: {  	[tilespmem:v6+s0+$0x0] =	vst.idx.add.f32.msk $0xffff, v2  }
0x156: {  	[tilespmem:v5+s0+$0x0] =	vst.idx.add.f32.msk $0xffff, v4  }
0x157: {  	s6 =	rddreg [dreg:$0xb]  }
0x158: {  	[tilespmem:s24], [sflag:$0x2] =	stream.linear.gather [hbm4b:s6+s1], $0x7D0, $0x38;
	[tilespmem:$0x1D800] =	vst v63  }
0x159: {  	s7 =	rddreg [dreg:$0xc]  }
0x15a: {  	[tilespmem:s25], [sflag:$0x4] =	stream.linear.gather [hbm4b:s7+s1], $0x7D0, $0x38;
	[tilespmem:$0x1D800] =	vst v63  }
0x15b: {  	_ =	swait.ge [sflag:s2], $0x7D0  }
0x15c: {  	[sflag:s2] =	ssyncset.done $0x0  }
0x15d: {  	[sflag:s2] =	ssyncadd.s32 $0xFFFFF830  }
0x15e: {  	_ =	swait.ge [sflag:s3], $0x7D0  }
0x15f: {  	[sflag:s3] =	ssyncset.done $0x0  }
0x160: {  	s8 =	simm.s32 $0x1D020;
	[sflag:s3] =	ssyncadd.s32 $0xFFFFF830  }
0x161: {  	v1 =	vld [tilespmem:s8+$0x20]  }
0x162: {  	v2 =	vld [tilespmem:s8+$0xFFFFFFE0]  }
0x163: {  	v3 =	vld [tilespmem:s8+$0xFFFFFFF0]  }
0x164: {  	v5 =	vld [tilespmem:s8+$0x0]  }
0x165: {  	v6 =	vld [tilespmem:s8+$0x10]  }
0x166: {  	s6 =	simm.s32 $0x1C020  }
0x167: {  	v7 =	vld [tilespmem:s6+$0x20]  }
0x168: {  	v8 =	vld [tilespmem:s6+$0xFFFFFFF0]  }
0x169: {  	v9 =	vld.idx.msk [tilespmem:v1+s1+$0x0], $0xffff  }
0x16a: {  	v4 =	vld.idx.msk [tilespmem:v2+s1+$0x0], $0xffff  }
0x16b: {  	v10 =	vld.idx.msk [tilespmem:v3+s1+$0x0], $0xffff  }
0x16c: {  	v1 =	vld.idx.msk [tilespmem:v5+s1+$0x0], $0xffff  }
0x16d: {  	v2 =	vld.idx.msk [tilespmem:v6+s1+$0x0], $0xffff  }
0x16e: {  	v6 =	vld [tilespmem:s6+$0x10]  }
0x16f: {  	v3 =	vld [tilespmem:s6+$0x0]  }
0x170: {  	v5 =	vld [tilespmem:s6+$0xFFFFFFE0]  }
0x171: {  	[tilespmem:v7+s0+$0x0] =	vst.idx.add.f32.msk $0xffff, v9  }
0x172: {  	s7 =	simm.s32 $0x0;
	s8 =	simm.s32 $0x1D070;
	[tilespmem:v8+s0+$0x0] =	vst.idx.add.f32.msk $0xffff, v10  }
.LBB2_10:
0x173: {  	v7 =	vld [tilespmem:s8+$0x20];
	s7 =	sadd.s32 $0x5, s7;
	v8 =	vmov v6  }
0x174: {  	v6 =	vld [tilespmem:s8+$0xFFFFFFE0];
	p0 =	slt.u32 s7, $0x78  }
0x175: {  	v9 =	vld [tilespmem:s8+$0xFFFFFFF0]  }
0x176: {  	v10 =	vld [tilespmem:s8+$0x0]  }
0x177: {  	v11 =	vld [tilespmem:s8+$0x10]  }
0x178: {  	s6 =	sadd.s32 $0x50, s6;
	[tilespmem:v5+s0+$0x0] =	vst.idx.add.f32.msk $0xffff, v4  }
0x179: {  	v5 =	vld [tilespmem:s6+$0x20]  }
0x17a: {  	v12 =	vld [tilespmem:s6+$0xFFFFFFF0]  }
0x17b: {  	v7 =	vld.idx.msk [tilespmem:v7+s1+$0x0], $0xffff  }
0x17c: {  	v4 =	vld.idx.msk [tilespmem:v6+s1+$0x0], $0xffff  }
0x17d: {  	v9 =	vld.idx.msk [tilespmem:v9+s1+$0x0], $0xffff  }
0x17e: {  	v10 =	vld.idx.msk [tilespmem:v10+s1+$0x0], $0xffff  }
0x17f: {  	v11 =	vld.idx.msk [tilespmem:v11+s1+$0x0], $0xffff  }
0x180: {  	v13 =	vld [tilespmem:s6+$0x0]  }
0x181: {  	[tilespmem:v5+s0+$0x0] =	vst.idx.add.f32.msk $0xffff, v7  }
.Ltmp4:
0x182: {  	v6 =	vld [tilespmem:s6+$0x10];
	(pc) =	sbr.rel @p0 .LBB2_10-.Ltmp4, $4  }
0x183: {  	v5 =	vld [tilespmem:s6+$0xFFFFFFE0]  }
0x184: {  	[tilespmem:v12+s0+$0x0] =	vst.idx.add.f32.msk $0xffff, v9  }
0x185: {  	[tilespmem:v3+s0+$0x0] =	vst.idx.add.f32.msk $0xffff, v1;
	v1 =	vmov v10;
	v3 =	vmov v13  }
0x186: {  	s8 =	sadd.s32 $0x50, s8;
	[tilespmem:v8+s0+$0x0] =	vst.idx.add.f32.msk $0xffff, v2;
	v2 =	vmov v11  }
0x187: {  	_ =	sdelay $0x3  }
0x188: {  	[tilespmem:v3+s0+$0x0] =	vst.idx.add.f32.msk $0xffff, v1  }
0x189: {  	[tilespmem:v6+s0+$0x0] =	vst.idx.add.f32.msk $0xffff, v2  }
0x18a: {  	[tilespmem:v5+s0+$0x0] =	vst.idx.add.f32.msk $0xffff, v4  }
0x18b: {  	s6 =	rddreg [dreg:$0xd]  }
0x18c: {  	[tilespmem:s26], [sflag:$0x3] =	stream.linear.gather [hbm4b:s6+s1], $0x7D0, $0x38;
	[tilespmem:$0x1D800] =	vst v63  }
0x18d: {  	s7 =	rddreg [dreg:$0xe]  }
0x18e: {  	[tilespmem:s28], [sflag:$0x5] =	stream.linear.gather [hbm4b:s7+s1], $0x7D0, $0x38;
	[tilespmem:$0x1D800] =	vst v63  }
0x18f: {  	_ =	swait.ge [sflag:s30], $0x7D0  }
0x190: {  	[sflag:s30] =	ssyncset.done $0x0  }
0x191: {  	[sflag:s30] =	ssyncadd.s32 $0xFFFFF830  }
0x192: {  	_ =	swait.ge [sflag:s31], $0x7D0  }
0x193: {  	[sflag:s31] =	ssyncset.done $0x0  }
0x194: {  	s8 =	simm.s32 $0x1C820;
	[sflag:s31] =	ssyncadd.s32 $0xFFFFF830  }
0x195: {  	v1 =	vld [tilespmem:s8+$0x20]  }
0x196: {  	v2 =	vld [tilespmem:s8+$0xFFFFFFE0]  }
0x197: {  	v3 =	vld [tilespmem:s8+$0xFFFFFFF0]  }
0x198: {  	v5 =	vld [tilespmem:s8+$0x0]  }
0x199: {  	v6 =	vld [tilespmem:s8+$0x10]  }
0x19a: {  	s6 =	simm.s32 $0x1B820  }
0x19b: {  	v7 =	vld [tilespmem:s6+$0x20]  }
0x19c: {  	v8 =	vld [tilespmem:s6+$0xFFFFFFF0]  }
0x19d: {  	v9 =	vld.idx.msk [tilespmem:v1+s1+$0x0], $0xffff  }
0x19e: {  	v4 =	vld.idx.msk [tilespmem:v2+s1+$0x0], $0xffff  }
0x19f: {  	v10 =	vld.idx.msk [tilespmem:v3+s1+$0x0], $0xffff  }
0x1a0: {  	v1 =	vld.idx.msk [tilespmem:v5+s1+$0x0], $0xffff  }
0x1a1: {  	v2 =	vld.idx.msk [tilespmem:v6+s1+$0x0], $0xffff  }
0x1a2: {  	v6 =	vld [tilespmem:s6+$0x10]  }
0x1a3: {  	v3 =	vld [tilespmem:s6+$0x0]  }
0x1a4: {  	v5 =	vld [tilespmem:s6+$0xFFFFFFE0]  }
0x1a5: {  	[tilespmem:v7+s0+$0x0] =	vst.idx.add.f32.msk $0xffff, v9  }
0x1a6: {  	s7 =	simm.s32 $0x0;
	s8 =	simm.s32 $0x1C870;
	[tilespmem:v8+s0+$0x0] =	vst.idx.add.f32.msk $0xffff, v10  }
.LBB2_12:
0x1a7: {  	v7 =	vld [tilespmem:s8+$0x20];
	s7 =	sadd.s32 $0x5, s7;
	v8 =	vmov v6  }
0x1a8: {  	v6 =	vld [tilespmem:s8+$0xFFFFFFE0];
	p0 =	slt.u32 s7, $0x78  }
0x1a9: {  	v9 =	vld [tilespmem:s8+$0xFFFFFFF0]  }
0x1aa: {  	v10 =	vld [tilespmem:s8+$0x0]  }
0x1ab: {  	v11 =	vld [tilespmem:s8+$0x10]  }
0x1ac: {  	s6 =	sadd.s32 $0x50, s6;
	[tilespmem:v5+s0+$0x0] =	vst.idx.add.f32.msk $0xffff, v4  }
0x1ad: {  	v5 =	vld [tilespmem:s6+$0x20]  }
0x1ae: {  	v12 =	vld [tilespmem:s6+$0xFFFFFFF0]  }
0x1af: {  	v7 =	vld.idx.msk [tilespmem:v7+s1+$0x0], $0xffff  }
0x1b0: {  	v4 =	vld.idx.msk [tilespmem:v6+s1+$0x0], $0xffff  }
0x1b1: {  	v9 =	vld.idx.msk [tilespmem:v9+s1+$0x0], $0xffff  }
0x1b2: {  	v10 =	vld.idx.msk [tilespmem:v10+s1+$0x0], $0xffff  }
0x1b3: {  	v11 =	vld.idx.msk [tilespmem:v11+s1+$0x0], $0xffff  }
0x1b4: {  	v13 =	vld [tilespmem:s6+$0x0]  }
0x1b5: {  	[tilespmem:v5+s0+$0x0] =	vst.idx.add.f32.msk $0xffff, v7  }
.Ltmp5:
0x1b6: {  	v6 =	vld [tilespmem:s6+$0x10];
	(pc) =	sbr.rel @p0 .LBB2_12-.Ltmp5, $4  }
0x1b7: {  	v5 =	vld [tilespmem:s6+$0xFFFFFFE0]  }
0x1b8: {  	[tilespmem:v12+s0+$0x0] =	vst.idx.add.f32.msk $0xffff, v9  }
0x1b9: {  	[tilespmem:v3+s0+$0x0] =	vst.idx.add.f32.msk $0xffff, v1;
	v1 =	vmov v10;
	v3 =	vmov v13  }
0x1ba: {  	s8 =	sadd.s32 $0x50, s8;
	[tilespmem:v8+s0+$0x0] =	vst.idx.add.f32.msk $0xffff, v2;
	v2 =	vmov v11  }
0x1bb: {  	_ =	sdelay $0x3  }
0x1bc: {  	[tilespmem:v3+s0+$0x0] =	vst.idx.add.f32.msk $0xffff, v1  }
0x1bd: {  	[tilespmem:v6+s0+$0x0] =	vst.idx.add.f32.msk $0xffff, v2  }
0x1be: {  	[tilespmem:v5+s0+$0x0] =	vst.idx.add.f32.msk $0xffff, v4  }
0x1bf: {  	s6 =	rddreg [dreg:$0xf]  }
0x1c0: {  	[tilespmem:s24], [sflag:$0x2] =	stream.linear.gather [hbm4b:s6+s1], $0x7D0, $0x38;
	[tilespmem:$0x1D800] =	vst v63  }
0x1c1: {  	s7 =	rddreg [dreg:$0x10]  }
0x1c2: {  	[tilespmem:s25], [sflag:$0x4] =	stream.linear.gather [hbm4b:s7+s1], $0x7D0, $0x38;
	[tilespmem:$0x1D800] =	vst v63  }
0x1c3: {  	_ =	swait.ge [sflag:s2], $0x7D0  }
0x1c4: {  	[sflag:s2] =	ssyncset.done $0x0  }
0x1c5: {  	[sflag:s2] =	ssyncadd.s32 $0xFFFFF830  }
0x1c6: {  	_ =	swait.ge [sflag:s3], $0x7D0  }
0x1c7: {  	[sflag:s3] =	ssyncset.done $0x0  }
0x1c8: {  	s8 =	simm.s32 $0x1D020;
	[sflag:s3] =	ssyncadd.s32 $0xFFFFF830  }
0x1c9: {  	v1 =	vld [tilespmem:s8+$0x20]  }
0x1ca: {  	v2 =	vld [tilespmem:s8+$0xFFFFFFE0]  }
0x1cb: {  	v3 =	vld [tilespmem:s8+$0xFFFFFFF0]  }
0x1cc: {  	v5 =	vld [tilespmem:s8+$0x0]  }
0x1cd: {  	v6 =	vld [tilespmem:s8+$0x10]  }
0x1ce: {  	s6 =	simm.s32 $0x1C020  }
0x1cf: {  	v7 =	vld [tilespmem:s6+$0x20]  }
0x1d0: {  	v8 =	vld [tilespmem:s6+$0xFFFFFFF0]  }
0x1d1: {  	v9 =	vld.idx.msk [tilespmem:v1+s1+$0x0], $0xffff  }
0x1d2: {  	v4 =	vld.idx.msk [tilespmem:v2+s1+$0x0], $0xffff  }
0x1d3: {  	v10 =	vld.idx.msk [tilespmem:v3+s1+$0x0], $0xffff  }
0x1d4: {  	v1 =	vld.idx.msk [tilespmem:v5+s1+$0x0], $0xffff  }
0x1d5: {  	v2 =	vld.idx.msk [tilespmem:v6+s1+$0x0], $0xffff  }
0x1d6: {  	v6 =	vld [tilespmem:s6+$0x10]  }
0x1d7: {  	v3 =	vld [tilespmem:s6+$0x0]  }
0x1d8: {  	v5 =	vld [tilespmem:s6+$0xFFFFFFE0]  }
0x1d9: {  	[tilespmem:v7+s0+$0x0] =	vst.idx.add.f32.msk $0xffff, v9  }
0x1da: {  	s7 =	simm.s32 $0x0;
	s8 =	simm.s32 $0x1D070;
	[tilespmem:v8+s0+$0x0] =	vst.idx.add.f32.msk $0xffff, v10  }
.LBB2_14:
0x1db: {  	v7 =	vld [tilespmem:s8+$0x20];
	s7 =	sadd.s32 $0x5, s7;
	v8 =	vmov v6  }
0x1dc: {  	v6 =	vld [tilespmem:s8+$0xFFFFFFE0];
	p0 =	slt.u32 s7, $0x78  }
0x1dd: {  	v9 =	vld [tilespmem:s8+$0xFFFFFFF0]  }
0x1de: {  	v10 =	vld [tilespmem:s8+$0x0]  }
0x1df: {  	v11 =	vld [tilespmem:s8+$0x10]  }
0x1e0: {  	s6 =	sadd.s32 $0x50, s6;
	[tilespmem:v5+s0+$0x0] =	vst.idx.add.f32.msk $0xffff, v4  }
0x1e1: {  	v5 =	vld [tilespmem:s6+$0x20]  }
0x1e2: {  	v12 =	vld [tilespmem:s6+$0xFFFFFFF0]  }
0x1e3: {  	v7 =	vld.idx.msk [tilespmem:v7+s1+$0x0], $0xffff  }
0x1e4: {  	v4 =	vld.idx.msk [tilespmem:v6+s1+$0x0], $0xffff  }
0x1e5: {  	v9 =	vld.idx.msk [tilespmem:v9+s1+$0x0], $0xffff  }
0x1e6: {  	v10 =	vld.idx.msk [tilespmem:v10+s1+$0x0], $0xffff  }
0x1e7: {  	v11 =	vld.idx.msk [tilespmem:v11+s1+$0x0], $0xffff  }
0x1e8: {  	v13 =	vld [tilespmem:s6+$0x0]  }
0x1e9: {  	[tilespmem:v5+s0+$0x0] =	vst.idx.add.f32.msk $0xffff, v7  }
.Ltmp6:
0x1ea: {  	v6 =	vld [tilespmem:s6+$0x10];
	(pc) =	sbr.rel @p0 .LBB2_14-.Ltmp6, $4  }
0x1eb: {  	v5 =	vld [tilespmem:s6+$0xFFFFFFE0]  }
0x1ec: {  	[tilespmem:v12+s0+$0x0] =	vst.idx.add.f32.msk $0xffff, v9  }
0x1ed: {  	[tilespmem:v3+s0+$0x0] =	vst.idx.add.f32.msk $0xffff, v1;
	v1 =	vmov v10;
	v3 =	vmov v13  }
0x1ee: {  	s8 =	sadd.s32 $0x50, s8;
	[tilespmem:v8+s0+$0x0] =	vst.idx.add.f32.msk $0xffff, v2;
	v2 =	vmov v11  }
0x1ef: {  	_ =	sdelay $0x3  }
0x1f0: {  	[tilespmem:v3+s0+$0x0] =	vst.idx.add.f32.msk $0xffff, v1  }
0x1f1: {  	[tilespmem:v6+s0+$0x0] =	vst.idx.add.f32.msk $0xffff, v2  }
0x1f2: {  	[tilespmem:v5+s0+$0x0] =	vst.idx.add.f32.msk $0xffff, v4  }
0x1f3: {  	s6 =	rddreg [dreg:$0x11]  }
0x1f4: {  	[tilespmem:s26], [sflag:$0x3] =	stream.linear.gather [hbm4b:s6+s1], $0x7D0, $0x38;
	[tilespmem:$0x1D800] =	vst v63  }
0x1f5: {  	s7 =	rddreg [dreg:$0x12]  }
0x1f6: {  	[tilespmem:s28], [sflag:$0x5] =	stream.linear.gather [hbm4b:s7+s1], $0x7D0, $0x38;
	[tilespmem:$0x1D800] =	vst v63  }
0x1f7: {  	_ =	swait.ge [sflag:s30], $0x7D0  }
0x1f8: {  	[sflag:s30] =	ssyncset.done $0x0  }
0x1f9: {  	[sflag:s30] =	ssyncadd.s32 $0xFFFFF830  }
0x1fa: {  	_ =	swait.ge [sflag:s31], $0x7D0  }
0x1fb: {  	[sflag:s31] =	ssyncset.done $0x0  }
0x1fc: {  	s8 =	simm.s32 $0x1C820;
	[sflag:s31] =	ssyncadd.s32 $0xFFFFF830  }
0x1fd: {  	v1 =	vld [tilespmem:s8+$0x20]  }
0x1fe: {  	v2 =	vld [tilespmem:s8+$0xFFFFFFE0]  }
0x1ff: {  	v3 =	vld [tilespmem:s8+$0xFFFFFFF0]  }
0x200: {  	v5 =	vld [tilespmem:s8+$0x0]  }
0x201: {  	v6 =	vld [tilespmem:s8+$0x10]  }
0x202: {  	s6 =	simm.s32 $0x1B820  }
0x203: {  	v7 =	vld [tilespmem:s6+$0x20]  }
0x204: {  	v8 =	vld [tilespmem:s6+$0xFFFFFFF0]  }
0x205: {  	v9 =	vld.idx.msk [tilespmem:v1+s1+$0x0], $0xffff  }
0x206: {  	v4 =	vld.idx.msk [tilespmem:v2+s1+$0x0], $0xffff  }
0x207: {  	v10 =	vld.idx.msk [tilespmem:v3+s1+$0x0], $0xffff  }
0x208: {  	v1 =	vld.idx.msk [tilespmem:v5+s1+$0x0], $0xffff  }
0x209: {  	v2 =	vld.idx.msk [tilespmem:v6+s1+$0x0], $0xffff  }
0x20a: {  	v6 =	vld [tilespmem:s6+$0x10]  }
0x20b: {  	v3 =	vld [tilespmem:s6+$0x0]  }
0x20c: {  	v5 =	vld [tilespmem:s6+$0xFFFFFFE0]  }
0x20d: {  	[tilespmem:v7+s0+$0x0] =	vst.idx.add.f32.msk $0xffff, v9  }
0x20e: {  	s7 =	simm.s32 $0x0;
	s8 =	simm.s32 $0x1C870;
	[tilespmem:v8+s0+$0x0] =	vst.idx.add.f32.msk $0xffff, v10  }
.LBB2_16:
0x20f: {  	v7 =	vld [tilespmem:s8+$0x20];
	s7 =	sadd.s32 $0x5, s7;
	v8 =	vmov v6  }
0x210: {  	v6 =	vld [tilespmem:s8+$0xFFFFFFE0];
	p0 =	slt.u32 s7, $0x78  }
0x211: {  	v9 =	vld [tilespmem:s8+$0xFFFFFFF0]  }
0x212: {  	v10 =	vld [tilespmem:s8+$0x0]  }
0x213: {  	v11 =	vld [tilespmem:s8+$0x10]  }
0x214: {  	s6 =	sadd.s32 $0x50, s6;
	[tilespmem:v5+s0+$0x0] =	vst.idx.add.f32.msk $0xffff, v4  }
0x215: {  	v5 =	vld [tilespmem:s6+$0x20]  }
0x216: {  	v12 =	vld [tilespmem:s6+$0xFFFFFFF0]  }
0x217: {  	v7 =	vld.idx.msk [tilespmem:v7+s1+$0x0], $0xffff  }
0x218: {  	v4 =	vld.idx.msk [tilespmem:v6+s1+$0x0], $0xffff  }
0x219: {  	v9 =	vld.idx.msk [tilespmem:v9+s1+$0x0], $0xffff  }
0x21a: {  	v10 =	vld.idx.msk [tilespmem:v10+s1+$0x0], $0xffff  }
0x21b: {  	v11 =	vld.idx.msk [tilespmem:v11+s1+$0x0], $0xffff  }
0x21c: {  	v13 =	vld [tilespmem:s6+$0x0]  }
0x21d: {  	[tilespmem:v5+s0+$0x0] =	vst.idx.add.f32.msk $0xffff, v7  }
.Ltmp7:
0x21e: {  	v6 =	vld [tilespmem:s6+$0x10];
	(pc) =	sbr.rel @p0 .LBB2_16-.Ltmp7, $4  }
0x21f: {  	v5 =	vld [tilespmem:s6+$0xFFFFFFE0]  }
0x220: {  	[tilespmem:v12+s0+$0x0] =	vst.idx.add.f32.msk $0xffff, v9  }
0x221: {  	[tilespmem:v3+s0+$0x0] =	vst.idx.add.f32.msk $0xffff, v1;
	v1 =	vmov v10;
	v3 =	vmov v13  }
0x222: {  	s8 =	sadd.s32 $0x50, s8;
	[tilespmem:v8+s0+$0x0] =	vst.idx.add.f32.msk $0xffff, v2;
	v2 =	vmov v11  }
0x223: {  	_ =	sdelay $0x3  }
0x224: {  	[tilespmem:v3+s0+$0x0] =	vst.idx.add.f32.msk $0xffff, v1  }
0x225: {  	[tilespmem:v6+s0+$0x0] =	vst.idx.add.f32.msk $0xffff, v2  }
0x226: {  	[tilespmem:v5+s0+$0x0] =	vst.idx.add.f32.msk $0xffff, v4  }
0x227: {  	s6 =	rddreg [dreg:$0x13]  }
0x228: {  	[tilespmem:s24], [sflag:$0x2] =	stream.linear.gather [hbm4b:s6+s1], $0x7D0, $0x38;
	[tilespmem:$0x1D800] =	vst v63  }
0x229: {  	s7 =	rddreg [dreg:$0x14]  }
0x22a: {  	[tilespmem:s25], [sflag:$0x4] =	stream.linear.gather [hbm4b:s7+s1], $0x7D0, $0x38;
	[tilespmem:$0x1D800] =	vst v63  }
0x22b: {  	_ =	swait.ge [sflag:s2], $0x7D0  }
0x22c: {  	[sflag:s2] =	ssyncset.done $0x0  }
0x22d: {  	[sflag:s2] =	ssyncadd.s32 $0xFFFFF830  }
0x22e: {  	_ =	swait.ge [sflag:s3], $0x7D0  }
0x22f: {  	[sflag:s3] =	ssyncset.done $0x0  }
0x230: {  	s8 =	simm.s32 $0x1D020;
	[sflag:s3] =	ssyncadd.s32 $0xFFFFF830  }
0x231: {  	v1 =	vld [tilespmem:s8+$0x20]  }
0x232: {  	v2 =	vld [tilespmem:s8+$0xFFFFFFE0]  }
0x233: {  	v3 =	vld [tilespmem:s8+$0xFFFFFFF0]  }
0x234: {  	v5 =	vld [tilespmem:s8+$0x0]  }
0x235: {  	v6 =	vld [tilespmem:s8+$0x10]  }
0x236: {  	s6 =	simm.s32 $0x1C020  }
0x237: {  	v7 =	vld [tilespmem:s6+$0x20]  }
0x238: {  	v8 =	vld [tilespmem:s6+$0xFFFFFFF0]  }
0x239: {  	v9 =	vld.idx.msk [tilespmem:v1+s1+$0x0], $0xffff  }
0x23a: {  	v4 =	vld.idx.msk [tilespmem:v2+s1+$0x0], $0xffff  }
0x23b: {  	v10 =	vld.idx.msk [tilespmem:v3+s1+$0x0], $0xffff  }
0x23c: {  	v1 =	vld.idx.msk [tilespmem:v5+s1+$0x0], $0xffff  }
0x23d: {  	v2 =	vld.idx.msk [tilespmem:v6+s1+$0x0], $0xffff  }
0x23e: {  	v6 =	vld [tilespmem:s6+$0x10]  }
0x23f: {  	v3 =	vld [tilespmem:s6+$0x0]  }
0x240: {  	v5 =	vld [tilespmem:s6+$0xFFFFFFE0]  }
0x241: {  	[tilespmem:v7+s0+$0x0] =	vst.idx.add.f32.msk $0xffff, v9  }
0x242: {  	s7 =	simm.s32 $0x0;
	s8 =	simm.s32 $0x1D070;
	[tilespmem:v8+s0+$0x0] =	vst.idx.add.f32.msk $0xffff, v10  }
.LBB2_18:
0x243: {  	v7 =	vld [tilespmem:s8+$0x20];
	s7 =	sadd.s32 $0x5, s7;
	v8 =	vmov v6  }
0x244: {  	v6 =	vld [tilespmem:s8+$0xFFFFFFE0];
	p0 =	slt.u32 s7, $0x78  }
0x245: {  	v9 =	vld [tilespmem:s8+$0xFFFFFFF0]  }
0x246: {  	v10 =	vld [tilespmem:s8+$0x0]  }
0x247: {  	v11 =	vld [tilespmem:s8+$0x10]  }
0x248: {  	s6 =	sadd.s32 $0x50, s6;
	[tilespmem:v5+s0+$0x0] =	vst.idx.add.f32.msk $0xffff, v4  }
0x249: {  	v5 =	vld [tilespmem:s6+$0x20]  }
0x24a: {  	v12 =	vld [tilespmem:s6+$0xFFFFFFF0]  }
0x24b: {  	v7 =	vld.idx.msk [tilespmem:v7+s1+$0x0], $0xffff  }
0x24c: {  	v4 =	vld.idx.msk [tilespmem:v6+s1+$0x0], $0xffff  }
0x24d: {  	v9 =	vld.idx.msk [tilespmem:v9+s1+$0x0], $0xffff  }
0x24e: {  	v10 =	vld.idx.msk [tilespmem:v10+s1+$0x0], $0xffff  }
0x24f: {  	v11 =	vld.idx.msk [tilespmem:v11+s1+$0x0], $0xffff  }
0x250: {  	v13 =	vld [tilespmem:s6+$0x0]  }
0x251: {  	[tilespmem:v5+s0+$0x0] =	vst.idx.add.f32.msk $0xffff, v7  }
.Ltmp8:
0x252: {  	v6 =	vld [tilespmem:s6+$0x10];
	(pc) =	sbr.rel @p0 .LBB2_18-.Ltmp8, $4  }
0x253: {  	v5 =	vld [tilespmem:s6+$0xFFFFFFE0]  }
0x254: {  	[tilespmem:v12+s0+$0x0] =	vst.idx.add.f32.msk $0xffff, v9  }
0x255: {  	[tilespmem:v3+s0+$0x0] =	vst.idx.add.f32.msk $0xffff, v1;
	v1 =	vmov v10;
	v3 =	vmov v13  }
0x256: {  	s8 =	sadd.s32 $0x50, s8;
	[tilespmem:v8+s0+$0x0] =	vst.idx.add.f32.msk $0xffff, v2;
	v2 =	vmov v11  }
0x257: {  	_ =	sdelay $0x3  }
0x258: {  	[tilespmem:v3+s0+$0x0] =	vst.idx.add.f32.msk $0xffff, v1  }
0x259: {  	[tilespmem:v6+s0+$0x0] =	vst.idx.add.f32.msk $0xffff, v2  }
0x25a: {  	[tilespmem:v5+s0+$0x0] =	vst.idx.add.f32.msk $0xffff, v4  }
0x25b: {  	s6 =	rddreg [dreg:$0x15]  }
0x25c: {  	[tilespmem:s26], [sflag:$0x3] =	stream.linear.gather [hbm4b:s6+s1], $0x7D0, $0x38;
	[tilespmem:$0x1D800] =	vst v63  }
0x25d: {  	s7 =	rddreg [dreg:$0x16]  }
0x25e: {  	[tilespmem:s28], [sflag:$0x5] =	stream.linear.gather [hbm4b:s7+s1], $0x7D0, $0x38;
	[tilespmem:$0x1D800] =	vst v63  }
0x25f: {  	_ =	swait.ge [sflag:s30], $0x7D0  }
0x260: {  	[sflag:s30] =	ssyncset.done $0x0  }
0x261: {  	[sflag:s30] =	ssyncadd.s32 $0xFFFFF830  }
0x262: {  	_ =	swait.ge [sflag:s31], $0x7D0  }
0x263: {  	[sflag:s31] =	ssyncset.done $0x0  }
0x264: {  	s8 =	simm.s32 $0x1C820;
	[sflag:s31] =	ssyncadd.s32 $0xFFFFF830  }
0x265: {  	v1 =	vld [tilespmem:s8+$0x20]  }
0x266: {  	v2 =	vld [tilespmem:s8+$0xFFFFFFE0]  }
0x267: {  	v3 =	vld [tilespmem:s8+$0xFFFFFFF0]  }
0x268: {  	v5 =	vld [tilespmem:s8+$0x0]  }
0x269: {  	v6 =	vld [tilespmem:s8+$0x10]  }
0x26a: {  	s6 =	simm.s32 $0x1B820  }
0x26b: {  	v7 =	vld [tilespmem:s6+$0x20]  }
0x26c: {  	v8 =	vld [tilespmem:s6+$0xFFFFFFF0]  }
0x26d: {  	v9 =	vld.idx.msk [tilespmem:v1+s1+$0x0], $0xffff  }
0x26e: {  	v4 =	vld.idx.msk [tilespmem:v2+s1+$0x0], $0xffff  }
0x26f: {  	v10 =	vld.idx.msk [tilespmem:v3+s1+$0x0], $0xffff  }
0x270: {  	v1 =	vld.idx.msk [tilespmem:v5+s1+$0x0], $0xffff  }
0x271: {  	v2 =	vld.idx.msk [tilespmem:v6+s1+$0x0], $0xffff  }
0x272: {  	v6 =	vld [tilespmem:s6+$0x10]  }
0x273: {  	v3 =	vld [tilespmem:s6+$0x0]  }
0x274: {  	v5 =	vld [tilespmem:s6+$0xFFFFFFE0]  }
0x275: {  	[tilespmem:v7+s0+$0x0] =	vst.idx.add.f32.msk $0xffff, v9  }
0x276: {  	s7 =	simm.s32 $0x0;
	s8 =	simm.s32 $0x1C870;
	[tilespmem:v8+s0+$0x0] =	vst.idx.add.f32.msk $0xffff, v10  }
.LBB2_20:
0x277: {  	v7 =	vld [tilespmem:s8+$0x20];
	s7 =	sadd.s32 $0x5, s7;
	v8 =	vmov v6  }
0x278: {  	v6 =	vld [tilespmem:s8+$0xFFFFFFE0];
	p0 =	slt.u32 s7, $0x78  }
0x279: {  	v9 =	vld [tilespmem:s8+$0xFFFFFFF0]  }
0x27a: {  	v10 =	vld [tilespmem:s8+$0x0]  }
0x27b: {  	v11 =	vld [tilespmem:s8+$0x10]  }
0x27c: {  	s6 =	sadd.s32 $0x50, s6;
	[tilespmem:v5+s0+$0x0] =	vst.idx.add.f32.msk $0xffff, v4  }
0x27d: {  	v5 =	vld [tilespmem:s6+$0x20]  }
0x27e: {  	v12 =	vld [tilespmem:s6+$0xFFFFFFF0]  }
0x27f: {  	v7 =	vld.idx.msk [tilespmem:v7+s1+$0x0], $0xffff  }
0x280: {  	v4 =	vld.idx.msk [tilespmem:v6+s1+$0x0], $0xffff  }
0x281: {  	v9 =	vld.idx.msk [tilespmem:v9+s1+$0x0], $0xffff  }
0x282: {  	v10 =	vld.idx.msk [tilespmem:v10+s1+$0x0], $0xffff  }
0x283: {  	v11 =	vld.idx.msk [tilespmem:v11+s1+$0x0], $0xffff  }
0x284: {  	v13 =	vld [tilespmem:s6+$0x0]  }
0x285: {  	[tilespmem:v5+s0+$0x0] =	vst.idx.add.f32.msk $0xffff, v7  }
.Ltmp9:
0x286: {  	v6 =	vld [tilespmem:s6+$0x10];
	(pc) =	sbr.rel @p0 .LBB2_20-.Ltmp9, $4  }
0x287: {  	v5 =	vld [tilespmem:s6+$0xFFFFFFE0]  }
0x288: {  	[tilespmem:v12+s0+$0x0] =	vst.idx.add.f32.msk $0xffff, v9  }
0x289: {  	[tilespmem:v3+s0+$0x0] =	vst.idx.add.f32.msk $0xffff, v1;
	v1 =	vmov v10;
	v3 =	vmov v13  }
0x28a: {  	s8 =	sadd.s32 $0x50, s8;
	[tilespmem:v8+s0+$0x0] =	vst.idx.add.f32.msk $0xffff, v2;
	v2 =	vmov v11  }
0x28b: {  	_ =	sdelay $0x3  }
0x28c: {  	[tilespmem:v3+s0+$0x0] =	vst.idx.add.f32.msk $0xffff, v1  }
0x28d: {  	[tilespmem:v6+s0+$0x0] =	vst.idx.add.f32.msk $0xffff, v2  }
0x28e: {  	[tilespmem:v5+s0+$0x0] =	vst.idx.add.f32.msk $0xffff, v4  }
0x28f: {  	s6 =	rddreg [dreg:$0x17]  }
0x290: {  	[tilespmem:s24], [sflag:$0x2] =	stream.linear.gather [hbm4b:s6+s1], $0x7D0, $0x38;
	[tilespmem:$0x1D800] =	vst v63  }
0x291: {  	s7 =	rddreg [dreg:$0x18]  }
0x292: {  	[tilespmem:s25], [sflag:$0x4] =	stream.linear.gather [hbm4b:s7+s1], $0x7D0, $0x38;
	[tilespmem:$0x1D800] =	vst v63  }
0x293: {  	_ =	swait.ge [sflag:s2], $0x7D0  }
0x294: {  	[sflag:s2] =	ssyncset.done $0x0  }
0x295: {  	[sflag:s2] =	ssyncadd.s32 $0xFFFFF830  }
0x296: {  	_ =	swait.ge [sflag:s3], $0x7D0  }
0x297: {  	[sflag:s3] =	ssyncset.done $0x0  }
0x298: {  	s8 =	simm.s32 $0x1D020;
	[sflag:s3] =	ssyncadd.s32 $0xFFFFF830  }
0x299: {  	v1 =	vld [tilespmem:s8+$0x20]  }
0x29a: {  	v2 =	vld [tilespmem:s8+$0xFFFFFFE0]  }
0x29b: {  	v3 =	vld [tilespmem:s8+$0xFFFFFFF0]  }
0x29c: {  	v5 =	vld [tilespmem:s8+$0x0]  }
0x29d: {  	v6 =	vld [tilespmem:s8+$0x10]  }
0x29e: {  	s6 =	simm.s32 $0x1C020  }
0x29f: {  	v7 =	vld [tilespmem:s6+$0x20]  }
0x2a0: {  	v8 =	vld [tilespmem:s6+$0xFFFFFFF0]  }
0x2a1: {  	v9 =	vld.idx.msk [tilespmem:v1+s1+$0x0], $0xffff  }
0x2a2: {  	v4 =	vld.idx.msk [tilespmem:v2+s1+$0x0], $0xffff  }
0x2a3: {  	v10 =	vld.idx.msk [tilespmem:v3+s1+$0x0], $0xffff  }
0x2a4: {  	v1 =	vld.idx.msk [tilespmem:v5+s1+$0x0], $0xffff  }
0x2a5: {  	v2 =	vld.idx.msk [tilespmem:v6+s1+$0x0], $0xffff  }
0x2a6: {  	v6 =	vld [tilespmem:s6+$0x10]  }
0x2a7: {  	v3 =	vld [tilespmem:s6+$0x0]  }
0x2a8: {  	v5 =	vld [tilespmem:s6+$0xFFFFFFE0]  }
0x2a9: {  	[tilespmem:v7+s0+$0x0] =	vst.idx.add.f32.msk $0xffff, v9  }
0x2aa: {  	s7 =	simm.s32 $0x0;
	s8 =	simm.s32 $0x1D070;
	[tilespmem:v8+s0+$0x0] =	vst.idx.add.f32.msk $0xffff, v10  }
.LBB2_22:
0x2ab: {  	v7 =	vld [tilespmem:s8+$0x20];
	s7 =	sadd.s32 $0x5, s7;
	v8 =	vmov v6  }
0x2ac: {  	v6 =	vld [tilespmem:s8+$0xFFFFFFE0];
	p0 =	slt.u32 s7, $0x78  }
0x2ad: {  	v9 =	vld [tilespmem:s8+$0xFFFFFFF0]  }
0x2ae: {  	v10 =	vld [tilespmem:s8+$0x0]  }
0x2af: {  	v11 =	vld [tilespmem:s8+$0x10]  }
0x2b0: {  	s6 =	sadd.s32 $0x50, s6;
	[tilespmem:v5+s0+$0x0] =	vst.idx.add.f32.msk $0xffff, v4  }
0x2b1: {  	v5 =	vld [tilespmem:s6+$0x20]  }
0x2b2: {  	v12 =	vld [tilespmem:s6+$0xFFFFFFF0]  }
0x2b3: {  	v7 =	vld.idx.msk [tilespmem:v7+s1+$0x0], $0xffff  }
0x2b4: {  	v4 =	vld.idx.msk [tilespmem:v6+s1+$0x0], $0xffff  }
0x2b5: {  	v9 =	vld.idx.msk [tilespmem:v9+s1+$0x0], $0xffff  }
0x2b6: {  	v10 =	vld.idx.msk [tilespmem:v10+s1+$0x0], $0xffff  }
0x2b7: {  	v11 =	vld.idx.msk [tilespmem:v11+s1+$0x0], $0xffff  }
0x2b8: {  	v13 =	vld [tilespmem:s6+$0x0]  }
0x2b9: {  	[tilespmem:v5+s0+$0x0] =	vst.idx.add.f32.msk $0xffff, v7  }
.Ltmp10:
0x2ba: {  	v6 =	vld [tilespmem:s6+$0x10];
	(pc) =	sbr.rel @p0 .LBB2_22-.Ltmp10, $4  }
0x2bb: {  	v5 =	vld [tilespmem:s6+$0xFFFFFFE0]  }
0x2bc: {  	[tilespmem:v12+s0+$0x0] =	vst.idx.add.f32.msk $0xffff, v9  }
0x2bd: {  	[tilespmem:v3+s0+$0x0] =	vst.idx.add.f32.msk $0xffff, v1;
	v1 =	vmov v10;
	v3 =	vmov v13  }
0x2be: {  	s8 =	sadd.s32 $0x50, s8;
	[tilespmem:v8+s0+$0x0] =	vst.idx.add.f32.msk $0xffff, v2;
	v2 =	vmov v11  }
0x2bf: {  	_ =	sdelay $0x3  }
0x2c0: {  	[tilespmem:v3+s0+$0x0] =	vst.idx.add.f32.msk $0xffff, v1  }
0x2c1: {  	[tilespmem:v6+s0+$0x0] =	vst.idx.add.f32.msk $0xffff, v2  }
0x2c2: {  	[tilespmem:v5+s0+$0x0] =	vst.idx.add.f32.msk $0xffff, v4  }
0x2c3: {  	s6 =	rddreg [dreg:$0x19]  }
0x2c4: {  	[tilespmem:s26], [sflag:$0x3] =	stream.linear.gather [hbm4b:s6+s1], $0x7D0, $0x38;
	[tilespmem:$0x1D800] =	vst v63  }
0x2c5: {  	s7 =	rddreg [dreg:$0x1a]  }
0x2c6: {  	[tilespmem:s28], [sflag:$0x5] =	stream.linear.gather [hbm4b:s7+s1], $0x7D0, $0x38;
	[tilespmem:$0x1D800] =	vst v63  }
0x2c7: {  	_ =	swait.ge [sflag:s30], $0x7D0  }
0x2c8: {  	[sflag:s30] =	ssyncset.done $0x0  }
0x2c9: {  	[sflag:s30] =	ssyncadd.s32 $0xFFFFF830  }
0x2ca: {  	_ =	swait.ge [sflag:s31], $0x7D0  }
0x2cb: {  	[sflag:s31] =	ssyncset.done $0x0  }
0x2cc: {  	s8 =	simm.s32 $0x1C820;
	[sflag:s31] =	ssyncadd.s32 $0xFFFFF830  }
0x2cd: {  	v1 =	vld [tilespmem:s8+$0x20]  }
0x2ce: {  	v2 =	vld [tilespmem:s8+$0xFFFFFFE0]  }
0x2cf: {  	v3 =	vld [tilespmem:s8+$0xFFFFFFF0]  }
0x2d0: {  	v5 =	vld [tilespmem:s8+$0x0]  }
0x2d1: {  	v6 =	vld [tilespmem:s8+$0x10]  }
0x2d2: {  	s6 =	simm.s32 $0x1B820  }
0x2d3: {  	v7 =	vld [tilespmem:s6+$0x20]  }
0x2d4: {  	v8 =	vld [tilespmem:s6+$0xFFFFFFF0]  }
0x2d5: {  	v9 =	vld.idx.msk [tilespmem:v1+s1+$0x0], $0xffff  }
0x2d6: {  	v4 =	vld.idx.msk [tilespmem:v2+s1+$0x0], $0xffff  }
0x2d7: {  	v10 =	vld.idx.msk [tilespmem:v3+s1+$0x0], $0xffff  }
0x2d8: {  	v1 =	vld.idx.msk [tilespmem:v5+s1+$0x0], $0xffff  }
0x2d9: {  	v2 =	vld.idx.msk [tilespmem:v6+s1+$0x0], $0xffff  }
0x2da: {  	v6 =	vld [tilespmem:s6+$0x10]  }
0x2db: {  	v3 =	vld [tilespmem:s6+$0x0]  }
0x2dc: {  	v5 =	vld [tilespmem:s6+$0xFFFFFFE0]  }
0x2dd: {  	[tilespmem:v7+s0+$0x0] =	vst.idx.add.f32.msk $0xffff, v9  }
0x2de: {  	s7 =	simm.s32 $0x0;
	s8 =	simm.s32 $0x1C870;
	[tilespmem:v8+s0+$0x0] =	vst.idx.add.f32.msk $0xffff, v10  }
.LBB2_24:
0x2df: {  	v7 =	vld [tilespmem:s8+$0x20];
	s7 =	sadd.s32 $0x5, s7;
	v8 =	vmov v6  }
0x2e0: {  	v6 =	vld [tilespmem:s8+$0xFFFFFFE0];
	p0 =	slt.u32 s7, $0x78  }
0x2e1: {  	v9 =	vld [tilespmem:s8+$0xFFFFFFF0]  }
0x2e2: {  	v10 =	vld [tilespmem:s8+$0x0]  }
0x2e3: {  	v11 =	vld [tilespmem:s8+$0x10]  }
0x2e4: {  	s6 =	sadd.s32 $0x50, s6;
	[tilespmem:v5+s0+$0x0] =	vst.idx.add.f32.msk $0xffff, v4  }
0x2e5: {  	v5 =	vld [tilespmem:s6+$0x20]  }
0x2e6: {  	v12 =	vld [tilespmem:s6+$0xFFFFFFF0]  }
0x2e7: {  	v7 =	vld.idx.msk [tilespmem:v7+s1+$0x0], $0xffff  }
0x2e8: {  	v4 =	vld.idx.msk [tilespmem:v6+s1+$0x0], $0xffff  }
0x2e9: {  	v9 =	vld.idx.msk [tilespmem:v9+s1+$0x0], $0xffff  }
0x2ea: {  	v10 =	vld.idx.msk [tilespmem:v10+s1+$0x0], $0xffff  }
0x2eb: {  	v11 =	vld.idx.msk [tilespmem:v11+s1+$0x0], $0xffff  }
0x2ec: {  	v13 =	vld [tilespmem:s6+$0x0]  }
0x2ed: {  	[tilespmem:v5+s0+$0x0] =	vst.idx.add.f32.msk $0xffff, v7  }
.Ltmp11:
0x2ee: {  	v6 =	vld [tilespmem:s6+$0x10];
	(pc) =	sbr.rel @p0 .LBB2_24-.Ltmp11, $4  }
0x2ef: {  	v5 =	vld [tilespmem:s6+$0xFFFFFFE0]  }
0x2f0: {  	[tilespmem:v12+s0+$0x0] =	vst.idx.add.f32.msk $0xffff, v9  }
0x2f1: {  	[tilespmem:v3+s0+$0x0] =	vst.idx.add.f32.msk $0xffff, v1;
	v1 =	vmov v10;
	v3 =	vmov v13  }
0x2f2: {  	s8 =	sadd.s32 $0x50, s8;
	[tilespmem:v8+s0+$0x0] =	vst.idx.add.f32.msk $0xffff, v2;
	v2 =	vmov v11  }
0x2f3: {  	_ =	sdelay $0x3  }
0x2f4: {  	[tilespmem:v3+s0+$0x0] =	vst.idx.add.f32.msk $0xffff, v1  }
0x2f5: {  	[tilespmem:v6+s0+$0x0] =	vst.idx.add.f32.msk $0xffff, v2  }
0x2f6: {  	[tilespmem:v5+s0+$0x0] =	vst.idx.add.f32.msk $0xffff, v4  }
0x2f7: {  	s6 =	rddreg [dreg:$0x1b]  }
0x2f8: {  	[tilespmem:s24], [sflag:$0x2] =	stream.linear.gather [hbm4b:s6+s1], $0x7D0, $0x38;
	[tilespmem:$0x1D800] =	vst v63  }
0x2f9: {  	s7 =	rddreg [dreg:$0x1c]  }
0x2fa: {  	[tilespmem:s25], [sflag:$0x4] =	stream.linear.gather [hbm4b:s7+s1], $0x7D0, $0x38;
	[tilespmem:$0x1D800] =	vst v63  }
0x2fb: {  	_ =	swait.ge [sflag:s2], $0x7D0  }
0x2fc: {  	[sflag:s2] =	ssyncset.done $0x0  }
0x2fd: {  	[sflag:s2] =	ssyncadd.s32 $0xFFFFF830  }
0x2fe: {  	_ =	swait.ge [sflag:s3], $0x7D0  }
0x2ff: {  	[sflag:s3] =	ssyncset.done $0x0  }
0x300: {  	s8 =	simm.s32 $0x1D020;
	[sflag:s3] =	ssyncadd.s32 $0xFFFFF830  }
0x301: {  	v1 =	vld [tilespmem:s8+$0x20]  }
0x302: {  	v2 =	vld [tilespmem:s8+$0xFFFFFFE0]  }
0x303: {  	v3 =	vld [tilespmem:s8+$0xFFFFFFF0]  }
0x304: {  	v5 =	vld [tilespmem:s8+$0x0]  }
0x305: {  	v6 =	vld [tilespmem:s8+$0x10]  }
0x306: {  	s6 =	simm.s32 $0x1C020  }
0x307: {  	v7 =	vld [tilespmem:s6+$0x20]  }
0x308: {  	v8 =	vld [tilespmem:s6+$0xFFFFFFF0]  }
0x309: {  	v9 =	vld.idx.msk [tilespmem:v1+s1+$0x0], $0xffff  }
0x30a: {  	v4 =	vld.idx.msk [tilespmem:v2+s1+$0x0], $0xffff  }
0x30b: {  	v10 =	vld.idx.msk [tilespmem:v3+s1+$0x0], $0xffff  }
0x30c: {  	v1 =	vld.idx.msk [tilespmem:v5+s1+$0x0], $0xffff  }
0x30d: {  	v2 =	vld.idx.msk [tilespmem:v6+s1+$0x0], $0xffff  }
0x30e: {  	v6 =	vld [tilespmem:s6+$0x10]  }
0x30f: {  	v3 =	vld [tilespmem:s6+$0x0]  }
0x310: {  	v5 =	vld [tilespmem:s6+$0xFFFFFFE0]  }
0x311: {  	[tilespmem:v7+s0+$0x0] =	vst.idx.add.f32.msk $0xffff, v9  }
0x312: {  	s7 =	simm.s32 $0x0;
	s8 =	simm.s32 $0x1D070;
	[tilespmem:v8+s0+$0x0] =	vst.idx.add.f32.msk $0xffff, v10  }
.LBB2_26:
0x313: {  	v7 =	vld [tilespmem:s8+$0x20];
	s7 =	sadd.s32 $0x5, s7;
	v8 =	vmov v6  }
0x314: {  	v6 =	vld [tilespmem:s8+$0xFFFFFFE0];
	p0 =	slt.u32 s7, $0x78  }
0x315: {  	v9 =	vld [tilespmem:s8+$0xFFFFFFF0]  }
0x316: {  	v10 =	vld [tilespmem:s8+$0x0]  }
0x317: {  	v11 =	vld [tilespmem:s8+$0x10]  }
0x318: {  	s6 =	sadd.s32 $0x50, s6;
	[tilespmem:v5+s0+$0x0] =	vst.idx.add.f32.msk $0xffff, v4  }
0x319: {  	v5 =	vld [tilespmem:s6+$0x20]  }
0x31a: {  	v12 =	vld [tilespmem:s6+$0xFFFFFFF0]  }
0x31b: {  	v7 =	vld.idx.msk [tilespmem:v7+s1+$0x0], $0xffff  }
0x31c: {  	v4 =	vld.idx.msk [tilespmem:v6+s1+$0x0], $0xffff  }
0x31d: {  	v9 =	vld.idx.msk [tilespmem:v9+s1+$0x0], $0xffff  }
0x31e: {  	v10 =	vld.idx.msk [tilespmem:v10+s1+$0x0], $0xffff  }
0x31f: {  	v11 =	vld.idx.msk [tilespmem:v11+s1+$0x0], $0xffff  }
0x320: {  	v13 =	vld [tilespmem:s6+$0x0]  }
0x321: {  	[tilespmem:v5+s0+$0x0] =	vst.idx.add.f32.msk $0xffff, v7  }
.Ltmp12:
0x322: {  	v6 =	vld [tilespmem:s6+$0x10];
	(pc) =	sbr.rel @p0 .LBB2_26-.Ltmp12, $4  }
0x323: {  	v5 =	vld [tilespmem:s6+$0xFFFFFFE0]  }
0x324: {  	[tilespmem:v12+s0+$0x0] =	vst.idx.add.f32.msk $0xffff, v9  }
0x325: {  	[tilespmem:v3+s0+$0x0] =	vst.idx.add.f32.msk $0xffff, v1;
	v1 =	vmov v10;
	v3 =	vmov v13  }
0x326: {  	s8 =	sadd.s32 $0x50, s8;
	[tilespmem:v8+s0+$0x0] =	vst.idx.add.f32.msk $0xffff, v2;
	v2 =	vmov v11  }
0x327: {  	_ =	sdelay $0x3  }
0x328: {  	[tilespmem:v3+s0+$0x0] =	vst.idx.add.f32.msk $0xffff, v1  }
0x329: {  	[tilespmem:v6+s0+$0x0] =	vst.idx.add.f32.msk $0xffff, v2  }
0x32a: {  	[tilespmem:v5+s0+$0x0] =	vst.idx.add.f32.msk $0xffff, v4  }
0x32b: {  	s6 =	rddreg [dreg:$0x1d]  }
0x32c: {  	[tilespmem:s26], [sflag:$0x3] =	stream.linear.gather [hbm4b:s6+s1], $0x7D0, $0x38;
	[tilespmem:$0x1D800] =	vst v63  }
0x32d: {  	s7 =	rddreg [dreg:$0x1e]  }
0x32e: {  	[tilespmem:s28], [sflag:$0x5] =	stream.linear.gather [hbm4b:s7+s1], $0x7D0, $0x38;
	[tilespmem:$0x1D800] =	vst v63  }
0x32f: {  	_ =	swait.ge [sflag:s30], $0x7D0  }
0x330: {  	[sflag:s30] =	ssyncset.done $0x0  }
0x331: {  	[sflag:s30] =	ssyncadd.s32 $0xFFFFF830  }
0x332: {  	_ =	swait.ge [sflag:s31], $0x7D0  }
0x333: {  	[sflag:s31] =	ssyncset.done $0x0  }
0x334: {  	s8 =	simm.s32 $0x1C820;
	[sflag:s31] =	ssyncadd.s32 $0xFFFFF830  }
0x335: {  	v1 =	vld [tilespmem:s8+$0x20]  }
0x336: {  	v2 =	vld [tilespmem:s8+$0xFFFFFFE0]  }
0x337: {  	v3 =	vld [tilespmem:s8+$0xFFFFFFF0]  }
0x338: {  	v5 =	vld [tilespmem:s8+$0x0]  }
0x339: {  	v6 =	vld [tilespmem:s8+$0x10]  }
0x33a: {  	s6 =	simm.s32 $0x1B820  }
0x33b: {  	v7 =	vld [tilespmem:s6+$0x20]  }
0x33c: {  	v8 =	vld [tilespmem:s6+$0xFFFFFFF0]  }
0x33d: {  	v9 =	vld.idx.msk [tilespmem:v1+s1+$0x0], $0xffff  }
0x33e: {  	v4 =	vld.idx.msk [tilespmem:v2+s1+$0x0], $0xffff  }
0x33f: {  	v10 =	vld.idx.msk [tilespmem:v3+s1+$0x0], $0xffff  }
0x340: {  	v1 =	vld.idx.msk [tilespmem:v5+s1+$0x0], $0xffff  }
0x341: {  	v2 =	vld.idx.msk [tilespmem:v6+s1+$0x0], $0xffff  }
0x342: {  	v6 =	vld [tilespmem:s6+$0x10]  }
0x343: {  	v3 =	vld [tilespmem:s6+$0x0]  }
0x344: {  	v5 =	vld [tilespmem:s6+$0xFFFFFFE0]  }
0x345: {  	[tilespmem:v7+s0+$0x0] =	vst.idx.add.f32.msk $0xffff, v9  }
0x346: {  	s7 =	simm.s32 $0x0;
	s8 =	simm.s32 $0x1C870;
	[tilespmem:v8+s0+$0x0] =	vst.idx.add.f32.msk $0xffff, v10  }
.LBB2_28:
0x347: {  	v7 =	vld [tilespmem:s8+$0x20];
	s7 =	sadd.s32 $0x5, s7;
	v8 =	vmov v6  }
0x348: {  	v6 =	vld [tilespmem:s8+$0xFFFFFFE0];
	p0 =	slt.u32 s7, $0x78  }
0x349: {  	v9 =	vld [tilespmem:s8+$0xFFFFFFF0]  }
0x34a: {  	v10 =	vld [tilespmem:s8+$0x0]  }
0x34b: {  	v11 =	vld [tilespmem:s8+$0x10]  }
0x34c: {  	s6 =	sadd.s32 $0x50, s6;
	[tilespmem:v5+s0+$0x0] =	vst.idx.add.f32.msk $0xffff, v4  }
0x34d: {  	v5 =	vld [tilespmem:s6+$0x20]  }
0x34e: {  	v12 =	vld [tilespmem:s6+$0xFFFFFFF0]  }
0x34f: {  	v7 =	vld.idx.msk [tilespmem:v7+s1+$0x0], $0xffff  }
0x350: {  	v4 =	vld.idx.msk [tilespmem:v6+s1+$0x0], $0xffff  }
0x351: {  	v9 =	vld.idx.msk [tilespmem:v9+s1+$0x0], $0xffff  }
0x352: {  	v10 =	vld.idx.msk [tilespmem:v10+s1+$0x0], $0xffff  }
0x353: {  	v11 =	vld.idx.msk [tilespmem:v11+s1+$0x0], $0xffff  }
0x354: {  	v13 =	vld [tilespmem:s6+$0x0]  }
0x355: {  	[tilespmem:v5+s0+$0x0] =	vst.idx.add.f32.msk $0xffff, v7  }
.Ltmp13:
0x356: {  	v6 =	vld [tilespmem:s6+$0x10];
	(pc) =	sbr.rel @p0 .LBB2_28-.Ltmp13, $4  }
0x357: {  	v5 =	vld [tilespmem:s6+$0xFFFFFFE0]  }
0x358: {  	[tilespmem:v12+s0+$0x0] =	vst.idx.add.f32.msk $0xffff, v9  }
0x359: {  	[tilespmem:v3+s0+$0x0] =	vst.idx.add.f32.msk $0xffff, v1;
	v1 =	vmov v10;
	v3 =	vmov v13  }
0x35a: {  	s8 =	sadd.s32 $0x50, s8;
	[tilespmem:v8+s0+$0x0] =	vst.idx.add.f32.msk $0xffff, v2;
	v2 =	vmov v11  }
0x35b: {  	_ =	sdelay $0x3  }
0x35c: {  	[tilespmem:v3+s0+$0x0] =	vst.idx.add.f32.msk $0xffff, v1  }
0x35d: {  	[tilespmem:v6+s0+$0x0] =	vst.idx.add.f32.msk $0xffff, v2  }
0x35e: {  	[tilespmem:v5+s0+$0x0] =	vst.idx.add.f32.msk $0xffff, v4  }
0x35f: {  	s6 =	rddreg [dreg:$0x1f]  }
0x360: {  	s7 =	sld [smem:$0x7F4]  }
0x361: {  	[tilespmem:s24], [sflag:$0x2] =	stream.linear.gather [hbm4b:s6+s1], $0x7D0, $0x38;
	[tilespmem:$0x1D800] =	vst v63  }
0x362: {  	_ = 	snop  }
0x363: {  	[tilespmem:s25], [sflag:$0x4] =	stream.linear.gather [hbm4b:s7+s1], $0x7D0, $0x38;
	[tilespmem:$0x1D800] =	vst v63  }
0x364: {  	_ =	swait.ge [sflag:s2], $0x7D0  }
0x365: {  	[sflag:s2] =	ssyncset.done $0x0  }
0x366: {  	[sflag:s2] =	ssyncadd.s32 $0xFFFFF830  }
0x367: {  	_ =	swait.ge [sflag:s3], $0x7D0  }
0x368: {  	[sflag:s3] =	ssyncset.done $0x0  }
0x369: {  	s8 =	simm.s32 $0x1D020;
	[sflag:s3] =	ssyncadd.s32 $0xFFFFF830  }
0x36a: {  	v1 =	vld [tilespmem:s8+$0x20]  }
0x36b: {  	v2 =	vld [tilespmem:s8+$0xFFFFFFE0]  }
0x36c: {  	v3 =	vld [tilespmem:s8+$0xFFFFFFF0]  }
0x36d: {  	v5 =	vld [tilespmem:s8+$0x0]  }
0x36e: {  	v6 =	vld [tilespmem:s8+$0x10]  }
0x36f: {  	s6 =	simm.s32 $0x1C020  }
0x370: {  	v7 =	vld [tilespmem:s6+$0x20]  }
0x371: {  	v8 =	vld [tilespmem:s6+$0xFFFFFFF0]  }
0x372: {  	v9 =	vld.idx.msk [tilespmem:v1+s1+$0x0], $0xffff  }
0x373: {  	v4 =	vld.idx.msk [tilespmem:v2+s1+$0x0], $0xffff  }
0x374: {  	v10 =	vld.idx.msk [tilespmem:v3+s1+$0x0], $0xffff  }
0x375: {  	v1 =	vld.idx.msk [tilespmem:v5+s1+$0x0], $0xffff  }
0x376: {  	v2 =	vld.idx.msk [tilespmem:v6+s1+$0x0], $0xffff  }
0x377: {  	v6 =	vld [tilespmem:s6+$0x10]  }
0x378: {  	v3 =	vld [tilespmem:s6+$0x0]  }
0x379: {  	v5 =	vld [tilespmem:s6+$0xFFFFFFE0]  }
0x37a: {  	[tilespmem:v7+s0+$0x0] =	vst.idx.add.f32.msk $0xffff, v9  }
0x37b: {  	s7 =	simm.s32 $0x0;
	s8 =	simm.s32 $0x1D070;
	[tilespmem:v8+s0+$0x0] =	vst.idx.add.f32.msk $0xffff, v10  }
.LBB2_30:
0x37c: {  	v7 =	vld [tilespmem:s8+$0x20];
	s7 =	sadd.s32 $0x5, s7;
	v8 =	vmov v6  }
0x37d: {  	v6 =	vld [tilespmem:s8+$0xFFFFFFE0];
	p0 =	slt.u32 s7, $0x78  }
0x37e: {  	v9 =	vld [tilespmem:s8+$0xFFFFFFF0]  }
0x37f: {  	v10 =	vld [tilespmem:s8+$0x0]  }
0x380: {  	v11 =	vld [tilespmem:s8+$0x10]  }
0x381: {  	s6 =	sadd.s32 $0x50, s6;
	[tilespmem:v5+s0+$0x0] =	vst.idx.add.f32.msk $0xffff, v4  }
0x382: {  	v5 =	vld [tilespmem:s6+$0x20]  }
0x383: {  	v12 =	vld [tilespmem:s6+$0xFFFFFFF0]  }
0x384: {  	v7 =	vld.idx.msk [tilespmem:v7+s1+$0x0], $0xffff  }
0x385: {  	v4 =	vld.idx.msk [tilespmem:v6+s1+$0x0], $0xffff  }
0x386: {  	v9 =	vld.idx.msk [tilespmem:v9+s1+$0x0], $0xffff  }
0x387: {  	v10 =	vld.idx.msk [tilespmem:v10+s1+$0x0], $0xffff  }
0x388: {  	v11 =	vld.idx.msk [tilespmem:v11+s1+$0x0], $0xffff  }
0x389: {  	v13 =	vld [tilespmem:s6+$0x0]  }
0x38a: {  	[tilespmem:v5+s0+$0x0] =	vst.idx.add.f32.msk $0xffff, v7  }
.Ltmp14:
0x38b: {  	v6 =	vld [tilespmem:s6+$0x10];
	(pc) =	sbr.rel @p0 .LBB2_30-.Ltmp14, $4  }
0x38c: {  	v5 =	vld [tilespmem:s6+$0xFFFFFFE0]  }
0x38d: {  	[tilespmem:v12+s0+$0x0] =	vst.idx.add.f32.msk $0xffff, v9  }
0x38e: {  	[tilespmem:v3+s0+$0x0] =	vst.idx.add.f32.msk $0xffff, v1;
	v1 =	vmov v10;
	v3 =	vmov v13  }
0x38f: {  	s8 =	sadd.s32 $0x50, s8;
	[tilespmem:v8+s0+$0x0] =	vst.idx.add.f32.msk $0xffff, v2;
	v2 =	vmov v11  }
0x390: {  	_ =	sdelay $0x3  }
0x391: {  	[tilespmem:v3+s0+$0x0] =	vst.idx.add.f32.msk $0xffff, v1  }
0x392: {  	[tilespmem:v6+s0+$0x0] =	vst.idx.add.f32.msk $0xffff, v2  }
0x393: {  	[tilespmem:v5+s0+$0x0] =	vst.idx.add.f32.msk $0xffff, v4  }
0x394: {  	s6 =	sld [smem:$0x7F5];
	_ =	sdelay $0x1  }
0x395: {  	s7 =	sld [smem:$0x7F6]  }
0x396: {  	[tilespmem:s26], [sflag:$0x3] =	stream.linear.gather [hbm4b:s6+s1], $0x7D0, $0x38;
	[tilespmem:$0x1D800] =	vst v63  }
0x397: {  	_ = 	snop  }
0x398: {  	[tilespmem:s28], [sflag:$0x5] =	stream.linear.gather [hbm4b:s7+s1], $0x7D0, $0x38;
	[tilespmem:$0x1D800] =	vst v63  }
0x399: {  	_ =	swait.ge [sflag:s30], $0x7D0  }
0x39a: {  	[sflag:s30] =	ssyncset.done $0x0  }
0x39b: {  	[sflag:s30] =	ssyncadd.s32 $0xFFFFF830  }
0x39c: {  	_ =	swait.ge [sflag:s31], $0x7D0  }
0x39d: {  	[sflag:s31] =	ssyncset.done $0x0  }
0x39e: {  	s8 =	simm.s32 $0x1C820;
	[sflag:s31] =	ssyncadd.s32 $0xFFFFF830  }
0x39f: {  	v1 =	vld [tilespmem:s8+$0x20]  }
0x3a0: {  	v2 =	vld [tilespmem:s8+$0xFFFFFFE0]  }
0x3a1: {  	v3 =	vld [tilespmem:s8+$0xFFFFFFF0]  }
0x3a2: {  	v5 =	vld [tilespmem:s8+$0x0]  }
0x3a3: {  	v6 =	vld [tilespmem:s8+$0x10]  }
0x3a4: {  	s6 =	simm.s32 $0x1B820  }
0x3a5: {  	v7 =	vld [tilespmem:s6+$0x20]  }
0x3a6: {  	v8 =	vld [tilespmem:s6+$0xFFFFFFF0]  }
0x3a7: {  	v9 =	vld.idx.msk [tilespmem:v1+s1+$0x0], $0xffff  }
0x3a8: {  	v4 =	vld.idx.msk [tilespmem:v2+s1+$0x0], $0xffff  }
0x3a9: {  	v10 =	vld.idx.msk [tilespmem:v3+s1+$0x0], $0xffff  }
0x3aa: {  	v1 =	vld.idx.msk [tilespmem:v5+s1+$0x0], $0xffff  }
0x3ab: {  	v2 =	vld.idx.msk [tilespmem:v6+s1+$0x0], $0xffff  }
0x3ac: {  	v6 =	vld [tilespmem:s6+$0x10]  }
0x3ad: {  	v3 =	vld [tilespmem:s6+$0x0]  }
0x3ae: {  	v5 =	vld [tilespmem:s6+$0xFFFFFFE0]  }
0x3af: {  	[tilespmem:v7+s0+$0x0] =	vst.idx.add.f32.msk $0xffff, v9  }
0x3b0: {  	s7 =	simm.s32 $0x0;
	s8 =	simm.s32 $0x1C870;
	[tilespmem:v8+s0+$0x0] =	vst.idx.add.f32.msk $0xffff, v10  }
.LBB2_32:
0x3b1: {  	v7 =	vld [tilespmem:s8+$0x20];
	s7 =	sadd.s32 $0x5, s7;
	v8 =	vmov v6  }
0x3b2: {  	v6 =	vld [tilespmem:s8+$0xFFFFFFE0];
	p0 =	slt.u32 s7, $0x78  }
0x3b3: {  	v9 =	vld [tilespmem:s8+$0xFFFFFFF0]  }
0x3b4: {  	v10 =	vld [tilespmem:s8+$0x0]  }
0x3b5: {  	v11 =	vld [tilespmem:s8+$0x10]  }
0x3b6: {  	s6 =	sadd.s32 $0x50, s6;
	[tilespmem:v5+s0+$0x0] =	vst.idx.add.f32.msk $0xffff, v4  }
0x3b7: {  	v5 =	vld [tilespmem:s6+$0x20]  }
0x3b8: {  	v12 =	vld [tilespmem:s6+$0xFFFFFFF0]  }
0x3b9: {  	v7 =	vld.idx.msk [tilespmem:v7+s1+$0x0], $0xffff  }
0x3ba: {  	v4 =	vld.idx.msk [tilespmem:v6+s1+$0x0], $0xffff  }
0x3bb: {  	v9 =	vld.idx.msk [tilespmem:v9+s1+$0x0], $0xffff  }
0x3bc: {  	v10 =	vld.idx.msk [tilespmem:v10+s1+$0x0], $0xffff  }
0x3bd: {  	v11 =	vld.idx.msk [tilespmem:v11+s1+$0x0], $0xffff  }
0x3be: {  	v13 =	vld [tilespmem:s6+$0x0]  }
0x3bf: {  	[tilespmem:v5+s0+$0x0] =	vst.idx.add.f32.msk $0xffff, v7  }
.Ltmp15:
0x3c0: {  	v6 =	vld [tilespmem:s6+$0x10];
	(pc) =	sbr.rel @p0 .LBB2_32-.Ltmp15, $4  }
0x3c1: {  	v5 =	vld [tilespmem:s6+$0xFFFFFFE0]  }
0x3c2: {  	[tilespmem:v12+s0+$0x0] =	vst.idx.add.f32.msk $0xffff, v9  }
0x3c3: {  	[tilespmem:v3+s0+$0x0] =	vst.idx.add.f32.msk $0xffff, v1;
	v1 =	vmov v10;
	v3 =	vmov v13  }
0x3c4: {  	s8 =	sadd.s32 $0x50, s8;
	[tilespmem:v8+s0+$0x0] =	vst.idx.add.f32.msk $0xffff, v2;
	v2 =	vmov v11  }
0x3c5: {  	_ =	sdelay $0x3  }
0x3c6: {  	[tilespmem:v3+s0+$0x0] =	vst.idx.add.f32.msk $0xffff, v1  }
0x3c7: {  	[tilespmem:v6+s0+$0x0] =	vst.idx.add.f32.msk $0xffff, v2  }
0x3c8: {  	[tilespmem:v5+s0+$0x0] =	vst.idx.add.f32.msk $0xffff, v4  }
0x3c9: {  	s6 =	sld [smem:$0x7F7];
	_ =	sdelay $0x1  }
0x3ca: {  	s7 =	sld [smem:$0x7F8]  }
0x3cb: {  	[tilespmem:s24], [sflag:$0x2] =	stream.linear.gather [hbm4b:s6+s1], $0x7D0, $0x38;
	[tilespmem:$0x1D800] =	vst v63  }
0x3cc: {  	_ = 	snop  }
0x3cd: {  	[tilespmem:s25], [sflag:$0x4] =	stream.linear.gather [hbm4b:s7+s1], $0x7D0, $0x38;
	[tilespmem:$0x1D800] =	vst v63  }
0x3ce: {  	_ =	swait.ge [sflag:s2], $0x7D0  }
0x3cf: {  	[sflag:s2] =	ssyncset.done $0x0  }
0x3d0: {  	[sflag:s2] =	ssyncadd.s32 $0xFFFFF830  }
0x3d1: {  	_ =	swait.ge [sflag:s3], $0x7D0  }
0x3d2: {  	[sflag:s3] =	ssyncset.done $0x0  }
0x3d3: {  	s8 =	simm.s32 $0x1D020;
	[sflag:s3] =	ssyncadd.s32 $0xFFFFF830  }
0x3d4: {  	v1 =	vld [tilespmem:s8+$0x20]  }
0x3d5: {  	v2 =	vld [tilespmem:s8+$0xFFFFFFE0]  }
0x3d6: {  	v3 =	vld [tilespmem:s8+$0xFFFFFFF0]  }
0x3d7: {  	v5 =	vld [tilespmem:s8+$0x0]  }
0x3d8: {  	v6 =	vld [tilespmem:s8+$0x10]  }
0x3d9: {  	s6 =	simm.s32 $0x1C020  }
0x3da: {  	v7 =	vld [tilespmem:s6+$0x20]  }
0x3db: {  	v8 =	vld [tilespmem:s6+$0xFFFFFFF0]  }
0x3dc: {  	v9 =	vld.idx.msk [tilespmem:v1+s1+$0x0], $0xffff  }
0x3dd: {  	v4 =	vld.idx.msk [tilespmem:v2+s1+$0x0], $0xffff  }
0x3de: {  	v10 =	vld.idx.msk [tilespmem:v3+s1+$0x0], $0xffff  }
0x3df: {  	v1 =	vld.idx.msk [tilespmem:v5+s1+$0x0], $0xffff  }
0x3e0: {  	v2 =	vld.idx.msk [tilespmem:v6+s1+$0x0], $0xffff  }
0x3e1: {  	v6 =	vld [tilespmem:s6+$0x10]  }
0x3e2: {  	v3 =	vld [tilespmem:s6+$0x0]  }
0x3e3: {  	v5 =	vld [tilespmem:s6+$0xFFFFFFE0]  }
0x3e4: {  	[tilespmem:v7+s0+$0x0] =	vst.idx.add.f32.msk $0xffff, v9  }
0x3e5: {  	s7 =	simm.s32 $0x0;
	s8 =	simm.s32 $0x1D070;
	[tilespmem:v8+s0+$0x0] =	vst.idx.add.f32.msk $0xffff, v10  }
.LBB2_34:
0x3e6: {  	v7 =	vld [tilespmem:s8+$0x20];
	s7 =	sadd.s32 $0x5, s7;
	v8 =	vmov v6  }
0x3e7: {  	v6 =	vld [tilespmem:s8+$0xFFFFFFE0];
	p0 =	slt.u32 s7, $0x78  }
0x3e8: {  	v9 =	vld [tilespmem:s8+$0xFFFFFFF0]  }
0x3e9: {  	v10 =	vld [tilespmem:s8+$0x0]  }
0x3ea: {  	v11 =	vld [tilespmem:s8+$0x10]  }
0x3eb: {  	s6 =	sadd.s32 $0x50, s6;
	[tilespmem:v5+s0+$0x0] =	vst.idx.add.f32.msk $0xffff, v4  }
0x3ec: {  	v5 =	vld [tilespmem:s6+$0x20]  }
0x3ed: {  	v12 =	vld [tilespmem:s6+$0xFFFFFFF0]  }
0x3ee: {  	v7 =	vld.idx.msk [tilespmem:v7+s1+$0x0], $0xffff  }
0x3ef: {  	v4 =	vld.idx.msk [tilespmem:v6+s1+$0x0], $0xffff  }
0x3f0: {  	v9 =	vld.idx.msk [tilespmem:v9+s1+$0x0], $0xffff  }
0x3f1: {  	v10 =	vld.idx.msk [tilespmem:v10+s1+$0x0], $0xffff  }
0x3f2: {  	v11 =	vld.idx.msk [tilespmem:v11+s1+$0x0], $0xffff  }
0x3f3: {  	v13 =	vld [tilespmem:s6+$0x0]  }
0x3f4: {  	[tilespmem:v5+s0+$0x0] =	vst.idx.add.f32.msk $0xffff, v7  }
.Ltmp16:
0x3f5: {  	v6 =	vld [tilespmem:s6+$0x10];
	(pc) =	sbr.rel @p0 .LBB2_34-.Ltmp16, $4  }
0x3f6: {  	v5 =	vld [tilespmem:s6+$0xFFFFFFE0]  }
0x3f7: {  	[tilespmem:v12+s0+$0x0] =	vst.idx.add.f32.msk $0xffff, v9  }
0x3f8: {  	[tilespmem:v3+s0+$0x0] =	vst.idx.add.f32.msk $0xffff, v1;
	v1 =	vmov v10;
	v3 =	vmov v13  }
0x3f9: {  	s8 =	sadd.s32 $0x50, s8;
	[tilespmem:v8+s0+$0x0] =	vst.idx.add.f32.msk $0xffff, v2;
	v2 =	vmov v11  }
0x3fa: {  	_ =	sdelay $0x3  }
0x3fb: {  	[tilespmem:v3+s0+$0x0] =	vst.idx.add.f32.msk $0xffff, v1  }
0x3fc: {  	[tilespmem:v6+s0+$0x0] =	vst.idx.add.f32.msk $0xffff, v2  }
0x3fd: {  	[tilespmem:v5+s0+$0x0] =	vst.idx.add.f32.msk $0xffff, v4  }
0x3fe: {  	s6 =	sld [smem:$0x7F9];
	_ =	sdelay $0x1  }
0x3ff: {  	s7 =	sld [smem:$0x7FA]  }
0x400: {  	[tilespmem:s26], [sflag:$0x3] =	stream.linear.gather [hbm4b:s6+s1], $0x7D0, $0x38;
	[tilespmem:$0x1D800] =	vst v63  }
0x401: {  	_ = 	snop  }
0x402: {  	[tilespmem:s28], [sflag:$0x5] =	stream.linear.gather [hbm4b:s7+s1], $0x7D0, $0x38;
	[tilespmem:$0x1D800] =	vst v63  }
0x403: {  	_ =	swait.ge [sflag:s30], $0x7D0  }
0x404: {  	[sflag:s30] =	ssyncset.done $0x0  }
0x405: {  	[sflag:s30] =	ssyncadd.s32 $0xFFFFF830  }
0x406: {  	_ =	swait.ge [sflag:s31], $0x7D0  }
0x407: {  	[sflag:s31] =	ssyncset.done $0x0  }
0x408: {  	s8 =	simm.s32 $0x1C820;
	[sflag:s31] =	ssyncadd.s32 $0xFFFFF830  }
0x409: {  	v1 =	vld [tilespmem:s8+$0x20]  }
0x40a: {  	v2 =	vld [tilespmem:s8+$0xFFFFFFE0]  }
0x40b: {  	v3 =	vld [tilespmem:s8+$0xFFFFFFF0]  }
0x40c: {  	v5 =	vld [tilespmem:s8+$0x0]  }
0x40d: {  	v6 =	vld [tilespmem:s8+$0x10]  }
0x40e: {  	s6 =	simm.s32 $0x1B820  }
0x40f: {  	v7 =	vld [tilespmem:s6+$0x20]  }
0x410: {  	v8 =	vld [tilespmem:s6+$0xFFFFFFF0]  }
0x411: {  	v9 =	vld.idx.msk [tilespmem:v1+s1+$0x0], $0xffff  }
0x412: {  	v4 =	vld.idx.msk [tilespmem:v2+s1+$0x0], $0xffff  }
0x413: {  	v10 =	vld.idx.msk [tilespmem:v3+s1+$0x0], $0xffff  }
0x414: {  	v1 =	vld.idx.msk [tilespmem:v5+s1+$0x0], $0xffff  }
0x415: {  	v2 =	vld.idx.msk [tilespmem:v6+s1+$0x0], $0xffff  }
0x416: {  	v6 =	vld [tilespmem:s6+$0x10]  }
0x417: {  	v3 =	vld [tilespmem:s6+$0x0]  }
0x418: {  	v5 =	vld [tilespmem:s6+$0xFFFFFFE0]  }
0x419: {  	[tilespmem:v7+s0+$0x0] =	vst.idx.add.f32.msk $0xffff, v9  }
0x41a: {  	s7 =	simm.s32 $0x0;
	s8 =	simm.s32 $0x1C870;
	[tilespmem:v8+s0+$0x0] =	vst.idx.add.f32.msk $0xffff, v10  }
.LBB2_36:
0x41b: {  	v7 =	vld [tilespmem:s8+$0x20];
	s7 =	sadd.s32 $0x5, s7;
	v8 =	vmov v6  }
0x41c: {  	v6 =	vld [tilespmem:s8+$0xFFFFFFE0];
	p0 =	slt.u32 s7, $0x78  }
0x41d: {  	v9 =	vld [tilespmem:s8+$0xFFFFFFF0]  }
0x41e: {  	v10 =	vld [tilespmem:s8+$0x0]  }
0x41f: {  	v11 =	vld [tilespmem:s8+$0x10]  }
0x420: {  	s6 =	sadd.s32 $0x50, s6;
	[tilespmem:v5+s0+$0x0] =	vst.idx.add.f32.msk $0xffff, v4  }
0x421: {  	v5 =	vld [tilespmem:s6+$0x20]  }
0x422: {  	v12 =	vld [tilespmem:s6+$0xFFFFFFF0]  }
0x423: {  	v7 =	vld.idx.msk [tilespmem:v7+s1+$0x0], $0xffff  }
0x424: {  	v4 =	vld.idx.msk [tilespmem:v6+s1+$0x0], $0xffff  }
0x425: {  	v9 =	vld.idx.msk [tilespmem:v9+s1+$0x0], $0xffff  }
0x426: {  	v10 =	vld.idx.msk [tilespmem:v10+s1+$0x0], $0xffff  }
0x427: {  	v11 =	vld.idx.msk [tilespmem:v11+s1+$0x0], $0xffff  }
0x428: {  	v13 =	vld [tilespmem:s6+$0x0]  }
0x429: {  	[tilespmem:v5+s0+$0x0] =	vst.idx.add.f32.msk $0xffff, v7  }
.Ltmp17:
0x42a: {  	v6 =	vld [tilespmem:s6+$0x10];
	(pc) =	sbr.rel @p0 .LBB2_36-.Ltmp17, $4  }
0x42b: {  	v5 =	vld [tilespmem:s6+$0xFFFFFFE0]  }
0x42c: {  	[tilespmem:v12+s0+$0x0] =	vst.idx.add.f32.msk $0xffff, v9  }
0x42d: {  	[tilespmem:v3+s0+$0x0] =	vst.idx.add.f32.msk $0xffff, v1;
	v1 =	vmov v10;
	v3 =	vmov v13  }
0x42e: {  	s8 =	sadd.s32 $0x50, s8;
	[tilespmem:v8+s0+$0x0] =	vst.idx.add.f32.msk $0xffff, v2;
	v2 =	vmov v11  }
0x42f: {  	_ =	sdelay $0x3  }
0x430: {  	[tilespmem:v3+s0+$0x0] =	vst.idx.add.f32.msk $0xffff, v1  }
0x431: {  	[tilespmem:v6+s0+$0x0] =	vst.idx.add.f32.msk $0xffff, v2  }
0x432: {  	[tilespmem:v5+s0+$0x0] =	vst.idx.add.f32.msk $0xffff, v4  }
0x433: {  	s6 =	sld [smem:$0x7FB];
	_ =	sdelay $0x1  }
0x434: {  	s7 =	sld [smem:$0x7FC]  }
0x435: {  	[tilespmem:s24], [sflag:$0x2] =	stream.linear.gather [hbm4b:s6+s1], $0x7D0, $0x38;
	[tilespmem:$0x1D800] =	vst v63  }
0x436: {  	_ = 	snop  }
0x437: {  	[tilespmem:s25], [sflag:$0x4] =	stream.linear.gather [hbm4b:s7+s1], $0x7D0, $0x38;
	[tilespmem:$0x1D800] =	vst v63  }
0x438: {  	_ =	swait.ge [sflag:s2], $0x7D0  }
0x439: {  	[sflag:s2] =	ssyncset.done $0x0  }
0x43a: {  	[sflag:s2] =	ssyncadd.s32 $0xFFFFF830  }
0x43b: {  	_ =	swait.ge [sflag:s3], $0x7D0  }
0x43c: {  	[sflag:s3] =	ssyncset.done $0x0  }
0x43d: {  	s8 =	simm.s32 $0x1D020;
	[sflag:s3] =	ssyncadd.s32 $0xFFFFF830  }
0x43e: {  	v1 =	vld [tilespmem:s8+$0x20]  }
0x43f: {  	v2 =	vld [tilespmem:s8+$0xFFFFFFE0]  }
0x440: {  	v3 =	vld [tilespmem:s8+$0xFFFFFFF0]  }
0x441: {  	v5 =	vld [tilespmem:s8+$0x0]  }
0x442: {  	v6 =	vld [tilespmem:s8+$0x10]  }
0x443: {  	s6 =	simm.s32 $0x1C020  }
0x444: {  	v7 =	vld [tilespmem:s6+$0x20]  }
0x445: {  	v8 =	vld [tilespmem:s6+$0xFFFFFFF0]  }
0x446: {  	v9 =	vld.idx.msk [tilespmem:v1+s1+$0x0], $0xffff  }
0x447: {  	v4 =	vld.idx.msk [tilespmem:v2+s1+$0x0], $0xffff  }
0x448: {  	v10 =	vld.idx.msk [tilespmem:v3+s1+$0x0], $0xffff  }
0x449: {  	v1 =	vld.idx.msk [tilespmem:v5+s1+$0x0], $0xffff  }
0x44a: {  	v2 =	vld.idx.msk [tilespmem:v6+s1+$0x0], $0xffff  }
0x44b: {  	v6 =	vld [tilespmem:s6+$0x10]  }
0x44c: {  	v3 =	vld [tilespmem:s6+$0x0]  }
0x44d: {  	v5 =	vld [tilespmem:s6+$0xFFFFFFE0]  }
0x44e: {  	[tilespmem:v7+s0+$0x0] =	vst.idx.add.f32.msk $0xffff, v9  }
0x44f: {  	s7 =	simm.s32 $0x0;
	s8 =	simm.s32 $0x1D070;
	[tilespmem:v8+s0+$0x0] =	vst.idx.add.f32.msk $0xffff, v10  }
.LBB2_38:
0x450: {  	v7 =	vld [tilespmem:s8+$0x20];
	s7 =	sadd.s32 $0x5, s7;
	v8 =	vmov v6  }
0x451: {  	v6 =	vld [tilespmem:s8+$0xFFFFFFE0];
	p0 =	slt.u32 s7, $0x78  }
0x452: {  	v9 =	vld [tilespmem:s8+$0xFFFFFFF0]  }
0x453: {  	v10 =	vld [tilespmem:s8+$0x0]  }
0x454: {  	v11 =	vld [tilespmem:s8+$0x10]  }
0x455: {  	s6 =	sadd.s32 $0x50, s6;
	[tilespmem:v5+s0+$0x0] =	vst.idx.add.f32.msk $0xffff, v4  }
0x456: {  	v5 =	vld [tilespmem:s6+$0x20]  }
0x457: {  	v12 =	vld [tilespmem:s6+$0xFFFFFFF0]  }
0x458: {  	v7 =	vld.idx.msk [tilespmem:v7+s1+$0x0], $0xffff  }
0x459: {  	v4 =	vld.idx.msk [tilespmem:v6+s1+$0x0], $0xffff  }
0x45a: {  	v9 =	vld.idx.msk [tilespmem:v9+s1+$0x0], $0xffff  }
0x45b: {  	v10 =	vld.idx.msk [tilespmem:v10+s1+$0x0], $0xffff  }
0x45c: {  	v11 =	vld.idx.msk [tilespmem:v11+s1+$0x0], $0xffff  }
0x45d: {  	v13 =	vld [tilespmem:s6+$0x0]  }
0x45e: {  	[tilespmem:v5+s0+$0x0] =	vst.idx.add.f32.msk $0xffff, v7  }
.Ltmp18:
0x45f: {  	v6 =	vld [tilespmem:s6+$0x10];
	(pc) =	sbr.rel @p0 .LBB2_38-.Ltmp18, $4  }
0x460: {  	v5 =	vld [tilespmem:s6+$0xFFFFFFE0]  }
0x461: {  	[tilespmem:v12+s0+$0x0] =	vst.idx.add.f32.msk $0xffff, v9  }
0x462: {  	[tilespmem:v3+s0+$0x0] =	vst.idx.add.f32.msk $0xffff, v1;
	v1 =	vmov v10;
	v3 =	vmov v13  }
0x463: {  	s8 =	sadd.s32 $0x50, s8;
	[tilespmem:v8+s0+$0x0] =	vst.idx.add.f32.msk $0xffff, v2;
	v2 =	vmov v11  }
0x464: {  	_ =	sdelay $0x3  }
0x465: {  	[tilespmem:v3+s0+$0x0] =	vst.idx.add.f32.msk $0xffff, v1  }
0x466: {  	[tilespmem:v6+s0+$0x0] =	vst.idx.add.f32.msk $0xffff, v2  }
0x467: {  	[tilespmem:v5+s0+$0x0] =	vst.idx.add.f32.msk $0xffff, v4  }
0x468: {  	s6 =	sld [smem:$0x7FD];
	_ =	sdelay $0x2  }
0x469: {  	[tilespmem:s26], [sflag:$0x3] =	stream.linear.gather [hbm4b:s6+s1], $0x7D0, $0x38;
	[tilespmem:$0x1D800] =	vst v63  }
0x46a: {  	_ = 	snop  }
0x46b: {  	[tilespmem:s28], [sflag:$0x5] =	stream.linear.gather [hbm4b:s9+s1], $0x7D0, $0x38;
	[tilespmem:$0x1D800] =	vst v63  }
0x46c: {  	_ =	swait.ge [sflag:s30], $0x7D0  }
0x46d: {  	[sflag:s30] =	ssyncset.done $0x0  }
0x46e: {  	[sflag:s30] =	ssyncadd.s32 $0xFFFFF830  }
0x46f: {  	_ =	swait.ge [sflag:s31], $0x7D0  }
0x470: {  	[sflag:s31] =	ssyncset.done $0x0  }
0x471: {  	s8 =	simm.s32 $0x1C820;
	[sflag:s31] =	ssyncadd.s32 $0xFFFFF830  }
0x472: {  	v1 =	vld [tilespmem:s8+$0x20]  }
0x473: {  	v2 =	vld [tilespmem:s8+$0xFFFFFFE0]  }
0x474: {  	v3 =	vld [tilespmem:s8+$0xFFFFFFF0]  }
0x475: {  	v5 =	vld [tilespmem:s8+$0x0]  }
0x476: {  	v6 =	vld [tilespmem:s8+$0x10]  }
0x477: {  	s6 =	simm.s32 $0x1B820  }
0x478: {  	v7 =	vld [tilespmem:s6+$0x20]  }
0x479: {  	v8 =	vld [tilespmem:s6+$0xFFFFFFF0]  }
0x47a: {  	v9 =	vld.idx.msk [tilespmem:v1+s1+$0x0], $0xffff  }
0x47b: {  	v4 =	vld.idx.msk [tilespmem:v2+s1+$0x0], $0xffff  }
0x47c: {  	v10 =	vld.idx.msk [tilespmem:v3+s1+$0x0], $0xffff  }
0x47d: {  	v1 =	vld.idx.msk [tilespmem:v5+s1+$0x0], $0xffff  }
0x47e: {  	v2 =	vld.idx.msk [tilespmem:v6+s1+$0x0], $0xffff  }
0x47f: {  	v6 =	vld [tilespmem:s6+$0x10]  }
0x480: {  	v3 =	vld [tilespmem:s6+$0x0]  }
0x481: {  	v5 =	vld [tilespmem:s6+$0xFFFFFFE0]  }
0x482: {  	[tilespmem:v7+s0+$0x0] =	vst.idx.add.f32.msk $0xffff, v9  }
0x483: {  	s7 =	simm.s32 $0x0;
	s8 =	simm.s32 $0x1C870;
	[tilespmem:v8+s0+$0x0] =	vst.idx.add.f32.msk $0xffff, v10  }
.LBB2_40:
0x484: {  	v7 =	vld [tilespmem:s8+$0x20];
	s7 =	sadd.s32 $0x5, s7;
	v8 =	vmov v6  }
0x485: {  	v6 =	vld [tilespmem:s8+$0xFFFFFFE0];
	p0 =	slt.u32 s7, $0x78  }
0x486: {  	v9 =	vld [tilespmem:s8+$0xFFFFFFF0]  }
0x487: {  	v10 =	vld [tilespmem:s8+$0x0]  }
0x488: {  	v11 =	vld [tilespmem:s8+$0x10]  }
0x489: {  	s6 =	sadd.s32 $0x50, s6;
	[tilespmem:v5+s0+$0x0] =	vst.idx.add.f32.msk $0xffff, v4  }
0x48a: {  	v5 =	vld [tilespmem:s6+$0x20]  }
0x48b: {  	v12 =	vld [tilespmem:s6+$0xFFFFFFF0]  }
0x48c: {  	v7 =	vld.idx.msk [tilespmem:v7+s1+$0x0], $0xffff  }
0x48d: {  	v4 =	vld.idx.msk [tilespmem:v6+s1+$0x0], $0xffff  }
0x48e: {  	v9 =	vld.idx.msk [tilespmem:v9+s1+$0x0], $0xffff  }
0x48f: {  	v10 =	vld.idx.msk [tilespmem:v10+s1+$0x0], $0xffff  }
0x490: {  	v11 =	vld.idx.msk [tilespmem:v11+s1+$0x0], $0xffff  }
0x491: {  	v13 =	vld [tilespmem:s6+$0x0]  }
0x492: {  	[tilespmem:v5+s0+$0x0] =	vst.idx.add.f32.msk $0xffff, v7  }
.Ltmp19:
0x493: {  	v6 =	vld [tilespmem:s6+$0x10];
	(pc) =	sbr.rel @p0 .LBB2_40-.Ltmp19, $4  }
0x494: {  	v5 =	vld [tilespmem:s6+$0xFFFFFFE0]  }
0x495: {  	[tilespmem:v12+s0+$0x0] =	vst.idx.add.f32.msk $0xffff, v9  }
0x496: {  	[tilespmem:v3+s0+$0x0] =	vst.idx.add.f32.msk $0xffff, v1;
	v1 =	vmov v10;
	v3 =	vmov v13  }
0x497: {  	s8 =	sadd.s32 $0x50, s8;
	[tilespmem:v8+s0+$0x0] =	vst.idx.add.f32.msk $0xffff, v2;
	v2 =	vmov v11  }
0x498: {  	_ =	sdelay $0x3  }
0x499: {  	[tilespmem:v3+s0+$0x0] =	vst.idx.add.f32.msk $0xffff, v1  }
0x49a: {  	[tilespmem:v6+s0+$0x0] =	vst.idx.add.f32.msk $0xffff, v2  }
0x49b: {  	[tilespmem:v5+s0+$0x0] =	vst.idx.add.f32.msk $0xffff, v4  }
0x49c: {  	[tilespmem:s24], [sflag:$0x2] =	stream.linear.gather [hbm4b:s10+s1], $0x7D0, $0x38;
	[tilespmem:$0x1D800] =	vst v63  }
0x49d: {  	_ = 	snop  }
0x49e: {  	[tilespmem:s25], [sflag:$0x4] =	stream.linear.gather [hbm4b:s11+s1], $0x7D0, $0x38;
	[tilespmem:$0x1D800] =	vst v63  }
0x49f: {  	_ =	swait.ge [sflag:s2], $0x7D0  }
0x4a0: {  	[sflag:s2] =	ssyncset.done $0x0  }
0x4a1: {  	[sflag:s2] =	ssyncadd.s32 $0xFFFFF830  }
0x4a2: {  	_ =	swait.ge [sflag:s3], $0x7D0  }
0x4a3: {  	[sflag:s3] =	ssyncset.done $0x0  }
0x4a4: {  	s6 =	simm.s32 $0x1D020;
	[sflag:s3] =	ssyncadd.s32 $0xFFFFF830  }
0x4a5: {  	v1 =	vld [tilespmem:s6+$0x20]  }
0x4a6: {  	v2 =	vld [tilespmem:s6+$0xFFFFFFE0]  }
0x4a7: {  	v3 =	vld [tilespmem:s6+$0xFFFFFFF0]  }
0x4a8: {  	v5 =	vld [tilespmem:s6+$0x0]  }
0x4a9: {  	v6 =	vld [tilespmem:s6+$0x10]  }
0x4aa: {  	s6 =	simm.s32 $0x1C020  }
0x4ab: {  	v7 =	vld [tilespmem:s6+$0x20]  }
0x4ac: {  	v8 =	vld [tilespmem:s6+$0xFFFFFFF0]  }
0x4ad: {  	v9 =	vld.idx.msk [tilespmem:v1+s1+$0x0], $0xffff  }
0x4ae: {  	v4 =	vld.idx.msk [tilespmem:v2+s1+$0x0], $0xffff  }
0x4af: {  	v10 =	vld.idx.msk [tilespmem:v3+s1+$0x0], $0xffff  }
0x4b0: {  	v1 =	vld.idx.msk [tilespmem:v5+s1+$0x0], $0xffff  }
0x4b1: {  	v2 =	vld.idx.msk [tilespmem:v6+s1+$0x0], $0xffff  }
0x4b2: {  	v6 =	vld [tilespmem:s6+$0x10]  }
0x4b3: {  	v3 =	vld [tilespmem:s6+$0x0]  }
0x4b4: {  	v5 =	vld [tilespmem:s6+$0xFFFFFFE0]  }
0x4b5: {  	[tilespmem:v7+s0+$0x0] =	vst.idx.add.f32.msk $0xffff, v9  }
0x4b6: {  	s7 =	simm.s32 $0x0;
	s8 =	simm.s32 $0x1D070;
	[tilespmem:v8+s0+$0x0] =	vst.idx.add.f32.msk $0xffff, v10  }
.LBB2_42:
0x4b7: {  	v7 =	vld [tilespmem:s8+$0x20];
	s7 =	sadd.s32 $0x5, s7;
	v8 =	vmov v6  }
0x4b8: {  	v6 =	vld [tilespmem:s8+$0xFFFFFFE0];
	p0 =	slt.u32 s7, $0x78  }
0x4b9: {  	v9 =	vld [tilespmem:s8+$0xFFFFFFF0]  }
0x4ba: {  	v10 =	vld [tilespmem:s8+$0x0]  }
0x4bb: {  	v11 =	vld [tilespmem:s8+$0x10]  }
0x4bc: {  	s6 =	sadd.s32 $0x50, s6;
	[tilespmem:v5+s0+$0x0] =	vst.idx.add.f32.msk $0xffff, v4  }
0x4bd: {  	v5 =	vld [tilespmem:s6+$0x20]  }
0x4be: {  	v12 =	vld [tilespmem:s6+$0xFFFFFFF0]  }
0x4bf: {  	v7 =	vld.idx.msk [tilespmem:v7+s1+$0x0], $0xffff  }
0x4c0: {  	v4 =	vld.idx.msk [tilespmem:v6+s1+$0x0], $0xffff  }
0x4c1: {  	v9 =	vld.idx.msk [tilespmem:v9+s1+$0x0], $0xffff  }
0x4c2: {  	v10 =	vld.idx.msk [tilespmem:v10+s1+$0x0], $0xffff  }
0x4c3: {  	v11 =	vld.idx.msk [tilespmem:v11+s1+$0x0], $0xffff  }
0x4c4: {  	v13 =	vld [tilespmem:s6+$0x0]  }
0x4c5: {  	[tilespmem:v5+s0+$0x0] =	vst.idx.add.f32.msk $0xffff, v7  }
.Ltmp20:
0x4c6: {  	v6 =	vld [tilespmem:s6+$0x10];
	(pc) =	sbr.rel @p0 .LBB2_42-.Ltmp20, $4  }
0x4c7: {  	v5 =	vld [tilespmem:s6+$0xFFFFFFE0]  }
0x4c8: {  	[tilespmem:v12+s0+$0x0] =	vst.idx.add.f32.msk $0xffff, v9  }
0x4c9: {  	[tilespmem:v3+s0+$0x0] =	vst.idx.add.f32.msk $0xffff, v1;
	v1 =	vmov v10;
	v3 =	vmov v13  }
0x4ca: {  	s8 =	sadd.s32 $0x50, s8;
	[tilespmem:v8+s0+$0x0] =	vst.idx.add.f32.msk $0xffff, v2;
	v2 =	vmov v11  }
0x4cb: {  	_ =	sdelay $0x3  }
0x4cc: {  	[tilespmem:v3+s0+$0x0] =	vst.idx.add.f32.msk $0xffff, v1  }
0x4cd: {  	[tilespmem:v6+s0+$0x0] =	vst.idx.add.f32.msk $0xffff, v2  }
0x4ce: {  	[tilespmem:v5+s0+$0x0] =	vst.idx.add.f32.msk $0xffff, v4  }
0x4cf: {  	[tilespmem:s26], [sflag:$0x3] =	stream.linear.gather [hbm4b:s12+s1], $0x7D0, $0x38;
	[tilespmem:$0x1D800] =	vst v63  }
0x4d0: {  	_ = 	snop  }
0x4d1: {  	[tilespmem:s28], [sflag:$0x5] =	stream.linear.gather [hbm4b:s13+s1], $0x7D0, $0x38;
	[tilespmem:$0x1D800] =	vst v63  }
0x4d2: {  	_ =	swait.ge [sflag:s30], $0x7D0  }
0x4d3: {  	[sflag:s30] =	ssyncset.done $0x0  }
0x4d4: {  	[sflag:s30] =	ssyncadd.s32 $0xFFFFF830  }
0x4d5: {  	_ =	swait.ge [sflag:s31], $0x7D0  }
0x4d6: {  	[sflag:s31] =	ssyncset.done $0x0  }
0x4d7: {  	s6 =	simm.s32 $0x1C820;
	[sflag:s31] =	ssyncadd.s32 $0xFFFFF830  }
0x4d8: {  	v1 =	vld [tilespmem:s6+$0x20]  }
0x4d9: {  	v2 =	vld [tilespmem:s6+$0xFFFFFFE0]  }
0x4da: {  	v3 =	vld [tilespmem:s6+$0xFFFFFFF0]  }
0x4db: {  	v5 =	vld [tilespmem:s6+$0x0]  }
0x4dc: {  	v6 =	vld [tilespmem:s6+$0x10]  }
0x4dd: {  	s6 =	simm.s32 $0x1B820  }
0x4de: {  	v7 =	vld [tilespmem:s6+$0x20]  }
0x4df: {  	v8 =	vld [tilespmem:s6+$0xFFFFFFF0]  }
0x4e0: {  	v9 =	vld.idx.msk [tilespmem:v1+s1+$0x0], $0xffff  }
0x4e1: {  	v4 =	vld.idx.msk [tilespmem:v2+s1+$0x0], $0xffff  }
0x4e2: {  	v10 =	vld.idx.msk [tilespmem:v3+s1+$0x0], $0xffff  }
0x4e3: {  	v1 =	vld.idx.msk [tilespmem:v5+s1+$0x0], $0xffff  }
0x4e4: {  	v2 =	vld.idx.msk [tilespmem:v6+s1+$0x0], $0xffff  }
0x4e5: {  	v6 =	vld [tilespmem:s6+$0x10]  }
0x4e6: {  	v3 =	vld [tilespmem:s6+$0x0]  }
0x4e7: {  	v5 =	vld [tilespmem:s6+$0xFFFFFFE0]  }
0x4e8: {  	[tilespmem:v7+s0+$0x0] =	vst.idx.add.f32.msk $0xffff, v9  }
0x4e9: {  	s7 =	simm.s32 $0x0;
	s8 =	simm.s32 $0x1C870;
	[tilespmem:v8+s0+$0x0] =	vst.idx.add.f32.msk $0xffff, v10  }
.LBB2_44:
0x4ea: {  	v7 =	vld [tilespmem:s8+$0x20];
	s7 =	sadd.s32 $0x5, s7;
	v8 =	vmov v6  }
0x4eb: {  	v6 =	vld [tilespmem:s8+$0xFFFFFFE0];
	p0 =	slt.u32 s7, $0x78  }
0x4ec: {  	v9 =	vld [tilespmem:s8+$0xFFFFFFF0]  }
0x4ed: {  	v10 =	vld [tilespmem:s8+$0x0]  }
0x4ee: {  	v11 =	vld [tilespmem:s8+$0x10]  }
0x4ef: {  	s6 =	sadd.s32 $0x50, s6;
	[tilespmem:v5+s0+$0x0] =	vst.idx.add.f32.msk $0xffff, v4  }
0x4f0: {  	v5 =	vld [tilespmem:s6+$0x20]  }
0x4f1: {  	v12 =	vld [tilespmem:s6+$0xFFFFFFF0]  }
0x4f2: {  	v7 =	vld.idx.msk [tilespmem:v7+s1+$0x0], $0xffff  }
0x4f3: {  	v4 =	vld.idx.msk [tilespmem:v6+s1+$0x0], $0xffff  }
0x4f4: {  	v9 =	vld.idx.msk [tilespmem:v9+s1+$0x0], $0xffff  }
0x4f5: {  	v10 =	vld.idx.msk [tilespmem:v10+s1+$0x0], $0xffff  }
0x4f6: {  	v11 =	vld.idx.msk [tilespmem:v11+s1+$0x0], $0xffff  }
0x4f7: {  	v13 =	vld [tilespmem:s6+$0x0]  }
0x4f8: {  	[tilespmem:v5+s0+$0x0] =	vst.idx.add.f32.msk $0xffff, v7  }
.Ltmp21:
0x4f9: {  	v6 =	vld [tilespmem:s6+$0x10];
	(pc) =	sbr.rel @p0 .LBB2_44-.Ltmp21, $4  }
0x4fa: {  	v5 =	vld [tilespmem:s6+$0xFFFFFFE0]  }
0x4fb: {  	[tilespmem:v12+s0+$0x0] =	vst.idx.add.f32.msk $0xffff, v9  }
0x4fc: {  	[tilespmem:v3+s0+$0x0] =	vst.idx.add.f32.msk $0xffff, v1;
	v1 =	vmov v10;
	v3 =	vmov v13  }
0x4fd: {  	s8 =	sadd.s32 $0x50, s8;
	[tilespmem:v8+s0+$0x0] =	vst.idx.add.f32.msk $0xffff, v2;
	v2 =	vmov v11  }
0x4fe: {  	_ =	sdelay $0x3  }
0x4ff: {  	[tilespmem:v3+s0+$0x0] =	vst.idx.add.f32.msk $0xffff, v1  }
0x500: {  	[tilespmem:v6+s0+$0x0] =	vst.idx.add.f32.msk $0xffff, v2  }
0x501: {  	[tilespmem:v5+s0+$0x0] =	vst.idx.add.f32.msk $0xffff, v4  }
0x502: {  	[tilespmem:s24], [sflag:$0x2] =	stream.linear.gather [hbm4b:s14+s1], $0x7D0, $0x38;
	[tilespmem:$0x1D800] =	vst v63  }
0x503: {  	_ = 	snop  }
0x504: {  	[tilespmem:s25], [sflag:$0x4] =	stream.linear.gather [hbm4b:s15+s1], $0x7D0, $0x38;
	[tilespmem:$0x1D800] =	vst v63  }
0x505: {  	_ =	swait.ge [sflag:s2], $0x7D0  }
0x506: {  	[sflag:s2] =	ssyncset.done $0x0  }
0x507: {  	[sflag:s2] =	ssyncadd.s32 $0xFFFFF830  }
0x508: {  	_ =	swait.ge [sflag:s3], $0x7D0  }
0x509: {  	[sflag:s3] =	ssyncset.done $0x0  }
0x50a: {  	s6 =	simm.s32 $0x1D020;
	[sflag:s3] =	ssyncadd.s32 $0xFFFFF830  }
0x50b: {  	v1 =	vld [tilespmem:s6+$0x20]  }
0x50c: {  	v2 =	vld [tilespmem:s6+$0xFFFFFFE0]  }
0x50d: {  	v3 =	vld [tilespmem:s6+$0xFFFFFFF0]  }
0x50e: {  	v5 =	vld [tilespmem:s6+$0x0]  }
0x50f: {  	v6 =	vld [tilespmem:s6+$0x10]  }
0x510: {  	s6 =	simm.s32 $0x1C020  }
0x511: {  	v7 =	vld [tilespmem:s6+$0x20]  }
0x512: {  	v8 =	vld [tilespmem:s6+$0xFFFFFFF0]  }
0x513: {  	v9 =	vld.idx.msk [tilespmem:v1+s1+$0x0], $0xffff  }
0x514: {  	v4 =	vld.idx.msk [tilespmem:v2+s1+$0x0], $0xffff  }
0x515: {  	v10 =	vld.idx.msk [tilespmem:v3+s1+$0x0], $0xffff  }
0x516: {  	v1 =	vld.idx.msk [tilespmem:v5+s1+$0x0], $0xffff  }
0x517: {  	v2 =	vld.idx.msk [tilespmem:v6+s1+$0x0], $0xffff  }
0x518: {  	v6 =	vld [tilespmem:s6+$0x10]  }
0x519: {  	v3 =	vld [tilespmem:s6+$0x0]  }
0x51a: {  	v5 =	vld [tilespmem:s6+$0xFFFFFFE0]  }
0x51b: {  	[tilespmem:v7+s0+$0x0] =	vst.idx.add.f32.msk $0xffff, v9  }
0x51c: {  	s7 =	simm.s32 $0x0;
	s8 =	simm.s32 $0x1D070;
	[tilespmem:v8+s0+$0x0] =	vst.idx.add.f32.msk $0xffff, v10  }
.LBB2_46:
0x51d: {  	v7 =	vld [tilespmem:s8+$0x20];
	s7 =	sadd.s32 $0x5, s7;
	v8 =	vmov v6  }
0x51e: {  	v6 =	vld [tilespmem:s8+$0xFFFFFFE0];
	p0 =	slt.u32 s7, $0x78  }
0x51f: {  	v9 =	vld [tilespmem:s8+$0xFFFFFFF0]  }
0x520: {  	v10 =	vld [tilespmem:s8+$0x0]  }
0x521: {  	v11 =	vld [tilespmem:s8+$0x10]  }
0x522: {  	s6 =	sadd.s32 $0x50, s6;
	[tilespmem:v5+s0+$0x0] =	vst.idx.add.f32.msk $0xffff, v4  }
0x523: {  	v5 =	vld [tilespmem:s6+$0x20]  }
0x524: {  	v12 =	vld [tilespmem:s6+$0xFFFFFFF0]  }
0x525: {  	v7 =	vld.idx.msk [tilespmem:v7+s1+$0x0], $0xffff  }
0x526: {  	v4 =	vld.idx.msk [tilespmem:v6+s1+$0x0], $0xffff  }
0x527: {  	v9 =	vld.idx.msk [tilespmem:v9+s1+$0x0], $0xffff  }
0x528: {  	v10 =	vld.idx.msk [tilespmem:v10+s1+$0x0], $0xffff  }
0x529: {  	v11 =	vld.idx.msk [tilespmem:v11+s1+$0x0], $0xffff  }
0x52a: {  	v13 =	vld [tilespmem:s6+$0x0]  }
0x52b: {  	[tilespmem:v5+s0+$0x0] =	vst.idx.add.f32.msk $0xffff, v7  }
.Ltmp22:
0x52c: {  	v6 =	vld [tilespmem:s6+$0x10];
	(pc) =	sbr.rel @p0 .LBB2_46-.Ltmp22, $4  }
0x52d: {  	v5 =	vld [tilespmem:s6+$0xFFFFFFE0]  }
0x52e: {  	[tilespmem:v12+s0+$0x0] =	vst.idx.add.f32.msk $0xffff, v9  }
0x52f: {  	[tilespmem:v3+s0+$0x0] =	vst.idx.add.f32.msk $0xffff, v1;
	v1 =	vmov v10;
	v3 =	vmov v13  }
0x530: {  	s8 =	sadd.s32 $0x50, s8;
	[tilespmem:v8+s0+$0x0] =	vst.idx.add.f32.msk $0xffff, v2;
	v2 =	vmov v11  }
0x531: {  	_ =	sdelay $0x3  }
0x532: {  	[tilespmem:v3+s0+$0x0] =	vst.idx.add.f32.msk $0xffff, v1  }
0x533: {  	[tilespmem:v6+s0+$0x0] =	vst.idx.add.f32.msk $0xffff, v2  }
0x534: {  	[tilespmem:v5+s0+$0x0] =	vst.idx.add.f32.msk $0xffff, v4  }
0x535: {  	[tilespmem:s26], [sflag:$0x3] =	stream.linear.gather [hbm4b:s16+s1], $0x7D0, $0x38;
	[tilespmem:$0x1D800] =	vst v63  }
0x536: {  	_ = 	snop  }
0x537: {  	[tilespmem:s28], [sflag:$0x5] =	stream.linear.gather [hbm4b:s17+s1], $0x7D0, $0x38;
	[tilespmem:$0x1D800] =	vst v63  }
0x538: {  	_ =	swait.ge [sflag:s30], $0x7D0  }
0x539: {  	[sflag:s30] =	ssyncset.done $0x0  }
0x53a: {  	[sflag:s30] =	ssyncadd.s32 $0xFFFFF830  }
0x53b: {  	_ =	swait.ge [sflag:s31], $0x7D0  }
0x53c: {  	[sflag:s31] =	ssyncset.done $0x0  }
0x53d: {  	s6 =	simm.s32 $0x1C820;
	[sflag:s31] =	ssyncadd.s32 $0xFFFFF830  }
0x53e: {  	v1 =	vld [tilespmem:s6+$0x20]  }
0x53f: {  	v2 =	vld [tilespmem:s6+$0xFFFFFFE0]  }
0x540: {  	v3 =	vld [tilespmem:s6+$0xFFFFFFF0]  }
0x541: {  	v5 =	vld [tilespmem:s6+$0x0]  }
0x542: {  	v6 =	vld [tilespmem:s6+$0x10]  }
0x543: {  	s6 =	simm.s32 $0x1B820  }
0x544: {  	v7 =	vld [tilespmem:s6+$0x20]  }
0x545: {  	v8 =	vld [tilespmem:s6+$0xFFFFFFF0]  }
0x546: {  	v9 =	vld.idx.msk [tilespmem:v1+s1+$0x0], $0xffff  }
0x547: {  	v4 =	vld.idx.msk [tilespmem:v2+s1+$0x0], $0xffff  }
0x548: {  	v10 =	vld.idx.msk [tilespmem:v3+s1+$0x0], $0xffff  }
0x549: {  	v1 =	vld.idx.msk [tilespmem:v5+s1+$0x0], $0xffff  }
0x54a: {  	v2 =	vld.idx.msk [tilespmem:v6+s1+$0x0], $0xffff  }
0x54b: {  	v6 =	vld [tilespmem:s6+$0x10]  }
0x54c: {  	v3 =	vld [tilespmem:s6+$0x0]  }
0x54d: {  	v5 =	vld [tilespmem:s6+$0xFFFFFFE0]  }
0x54e: {  	[tilespmem:v7+s0+$0x0] =	vst.idx.add.f32.msk $0xffff, v9  }
0x54f: {  	s7 =	simm.s32 $0x0;
	s8 =	simm.s32 $0x1C870;
	[tilespmem:v8+s0+$0x0] =	vst.idx.add.f32.msk $0xffff, v10  }
.LBB2_48:
0x550: {  	v7 =	vld [tilespmem:s8+$0x20];
	s7 =	sadd.s32 $0x5, s7;
	v8 =	vmov v6  }
0x551: {  	v6 =	vld [tilespmem:s8+$0xFFFFFFE0];
	p0 =	slt.u32 s7, $0x78  }
0x552: {  	v9 =	vld [tilespmem:s8+$0xFFFFFFF0]  }
0x553: {  	v10 =	vld [tilespmem:s8+$0x0]  }
0x554: {  	v11 =	vld [tilespmem:s8+$0x10]  }
0x555: {  	s6 =	sadd.s32 $0x50, s6;
	[tilespmem:v5+s0+$0x0] =	vst.idx.add.f32.msk $0xffff, v4  }
0x556: {  	v5 =	vld [tilespmem:s6+$0x20]  }
0x557: {  	v12 =	vld [tilespmem:s6+$0xFFFFFFF0]  }
0x558: {  	v7 =	vld.idx.msk [tilespmem:v7+s1+$0x0], $0xffff  }
0x559: {  	v4 =	vld.idx.msk [tilespmem:v6+s1+$0x0], $0xffff  }
0x55a: {  	v9 =	vld.idx.msk [tilespmem:v9+s1+$0x0], $0xffff  }
0x55b: {  	v10 =	vld.idx.msk [tilespmem:v10+s1+$0x0], $0xffff  }
0x55c: {  	v11 =	vld.idx.msk [tilespmem:v11+s1+$0x0], $0xffff  }
0x55d: {  	v13 =	vld [tilespmem:s6+$0x0]  }
0x55e: {  	[tilespmem:v5+s0+$0x0] =	vst.idx.add.f32.msk $0xffff, v7  }
.Ltmp23:
0x55f: {  	v6 =	vld [tilespmem:s6+$0x10];
	(pc) =	sbr.rel @p0 .LBB2_48-.Ltmp23, $4  }
0x560: {  	v5 =	vld [tilespmem:s6+$0xFFFFFFE0]  }
0x561: {  	[tilespmem:v12+s0+$0x0] =	vst.idx.add.f32.msk $0xffff, v9  }
0x562: {  	[tilespmem:v3+s0+$0x0] =	vst.idx.add.f32.msk $0xffff, v1;
	v1 =	vmov v10;
	v3 =	vmov v13  }
0x563: {  	s8 =	sadd.s32 $0x50, s8;
	[tilespmem:v8+s0+$0x0] =	vst.idx.add.f32.msk $0xffff, v2;
	v2 =	vmov v11  }
0x564: {  	_ =	sdelay $0x3  }
0x565: {  	[tilespmem:v3+s0+$0x0] =	vst.idx.add.f32.msk $0xffff, v1  }
0x566: {  	[tilespmem:v6+s0+$0x0] =	vst.idx.add.f32.msk $0xffff, v2  }
0x567: {  	[tilespmem:v5+s0+$0x0] =	vst.idx.add.f32.msk $0xffff, v4  }
0x568: {  	[tilespmem:s24], [sflag:$0x2] =	stream.linear.gather [hbm4b:s20+s1], $0x7D0, $0x38;
	[tilespmem:$0x1D800] =	vst v63  }
0x569: {  	_ = 	snop  }
0x56a: {  	[tilespmem:s25], [sflag:$0x4] =	stream.linear.gather [hbm4b:s21+s1], $0x7D0, $0x38;
	[tilespmem:$0x1D800] =	vst v63  }
0x56b: {  	_ =	swait.ge [sflag:s2], $0x7D0  }
0x56c: {  	[sflag:s2] =	ssyncset.done $0x0  }
0x56d: {  	[sflag:s2] =	ssyncadd.s32 $0xFFFFF830  }
0x56e: {  	_ =	swait.ge [sflag:s3], $0x7D0  }
0x56f: {  	[sflag:s3] =	ssyncset.done $0x0  }
0x570: {  	s6 =	simm.s32 $0x1D020;
	[sflag:s3] =	ssyncadd.s32 $0xFFFFF830  }
0x571: {  	v1 =	vld [tilespmem:s6+$0x20]  }
0x572: {  	v2 =	vld [tilespmem:s6+$0xFFFFFFE0]  }
0x573: {  	v3 =	vld [tilespmem:s6+$0xFFFFFFF0]  }
0x574: {  	v5 =	vld [tilespmem:s6+$0x0]  }
0x575: {  	v6 =	vld [tilespmem:s6+$0x10]  }
0x576: {  	s6 =	simm.s32 $0x1C020  }
0x577: {  	v7 =	vld [tilespmem:s6+$0x20]  }
0x578: {  	v8 =	vld [tilespmem:s6+$0xFFFFFFF0]  }
0x579: {  	v9 =	vld.idx.msk [tilespmem:v1+s1+$0x0], $0xffff  }
0x57a: {  	v4 =	vld.idx.msk [tilespmem:v2+s1+$0x0], $0xffff  }
0x57b: {  	v10 =	vld.idx.msk [tilespmem:v3+s1+$0x0], $0xffff  }
0x57c: {  	v1 =	vld.idx.msk [tilespmem:v5+s1+$0x0], $0xffff  }
0x57d: {  	v2 =	vld.idx.msk [tilespmem:v6+s1+$0x0], $0xffff  }
0x57e: {  	v6 =	vld [tilespmem:s6+$0x10]  }
0x57f: {  	v3 =	vld [tilespmem:s6+$0x0]  }
0x580: {  	v5 =	vld [tilespmem:s6+$0xFFFFFFE0]  }
0x581: {  	[tilespmem:v7+s0+$0x0] =	vst.idx.add.f32.msk $0xffff, v9  }
0x582: {  	s7 =	simm.s32 $0x0;
	s8 =	simm.s32 $0x1D070;
	[tilespmem:v8+s0+$0x0] =	vst.idx.add.f32.msk $0xffff, v10  }
.LBB2_50:
0x583: {  	v7 =	vld [tilespmem:s8+$0x20];
	s7 =	sadd.s32 $0x5, s7;
	v8 =	vmov v6  }
0x584: {  	v6 =	vld [tilespmem:s8+$0xFFFFFFE0];
	p0 =	slt.u32 s7, $0x78  }
0x585: {  	v9 =	vld [tilespmem:s8+$0xFFFFFFF0]  }
0x586: {  	v10 =	vld [tilespmem:s8+$0x0]  }
0x587: {  	v11 =	vld [tilespmem:s8+$0x10]  }
0x588: {  	s6 =	sadd.s32 $0x50, s6;
	[tilespmem:v5+s0+$0x0] =	vst.idx.add.f32.msk $0xffff, v4  }
0x589: {  	v5 =	vld [tilespmem:s6+$0x20]  }
0x58a: {  	v12 =	vld [tilespmem:s6+$0xFFFFFFF0]  }
0x58b: {  	v7 =	vld.idx.msk [tilespmem:v7+s1+$0x0], $0xffff  }
0x58c: {  	v4 =	vld.idx.msk [tilespmem:v6+s1+$0x0], $0xffff  }
0x58d: {  	v9 =	vld.idx.msk [tilespmem:v9+s1+$0x0], $0xffff  }
0x58e: {  	v10 =	vld.idx.msk [tilespmem:v10+s1+$0x0], $0xffff  }
0x58f: {  	v11 =	vld.idx.msk [tilespmem:v11+s1+$0x0], $0xffff  }
0x590: {  	v13 =	vld [tilespmem:s6+$0x0]  }
0x591: {  	[tilespmem:v5+s0+$0x0] =	vst.idx.add.f32.msk $0xffff, v7  }
.Ltmp24:
0x592: {  	v6 =	vld [tilespmem:s6+$0x10];
	(pc) =	sbr.rel @p0 .LBB2_50-.Ltmp24, $4  }
0x593: {  	v5 =	vld [tilespmem:s6+$0xFFFFFFE0]  }
0x594: {  	[tilespmem:v12+s0+$0x0] =	vst.idx.add.f32.msk $0xffff, v9  }
0x595: {  	[tilespmem:v3+s0+$0x0] =	vst.idx.add.f32.msk $0xffff, v1;
	v1 =	vmov v10;
	v3 =	vmov v13  }
0x596: {  	s8 =	sadd.s32 $0x50, s8;
	[tilespmem:v8+s0+$0x0] =	vst.idx.add.f32.msk $0xffff, v2;
	v2 =	vmov v11  }
0x597: {  	_ =	sdelay $0x3  }
0x598: {  	[tilespmem:v3+s0+$0x0] =	vst.idx.add.f32.msk $0xffff, v1  }
0x599: {  	[tilespmem:v6+s0+$0x0] =	vst.idx.add.f32.msk $0xffff, v2  }
0x59a: {  	[tilespmem:v5+s0+$0x0] =	vst.idx.add.f32.msk $0xffff, v4  }
0x59b: {  	_ =	swait.ge [sflag:s30], $0x7D0  }
0x59c: {  	[sflag:s30] =	ssyncset.done $0x0  }
0x59d: {  	[sflag:s30] =	ssyncadd.s32 $0xFFFFF830  }
0x59e: {  	_ =	swait.ge [sflag:s31], $0x7D0  }
0x59f: {  	[sflag:s31] =	ssyncset.done $0x0  }
0x5a0: {  	s6 =	simm.s32 $0x1C820;
	[sflag:s31] =	ssyncadd.s32 $0xFFFFF830  }
0x5a1: {  	v1 =	vld [tilespmem:s6+$0x20]  }
0x5a2: {  	v2 =	vld [tilespmem:s6+$0xFFFFFFE0]  }
0x5a3: {  	v3 =	vld [tilespmem:s6+$0xFFFFFFF0]  }
0x5a4: {  	v5 =	vld [tilespmem:s6+$0x0]  }
0x5a5: {  	v6 =	vld [tilespmem:s6+$0x10]  }
0x5a6: {  	s6 =	simm.s32 $0x1B820  }
0x5a7: {  	v7 =	vld [tilespmem:s6+$0x20]  }
0x5a8: {  	v8 =	vld [tilespmem:s6+$0xFFFFFFF0]  }
0x5a9: {  	v9 =	vld.idx.msk [tilespmem:v1+s1+$0x0], $0xffff  }
0x5aa: {  	v4 =	vld.idx.msk [tilespmem:v2+s1+$0x0], $0xffff  }
0x5ab: {  	v10 =	vld.idx.msk [tilespmem:v3+s1+$0x0], $0xffff  }
0x5ac: {  	v1 =	vld.idx.msk [tilespmem:v5+s1+$0x0], $0xffff  }
0x5ad: {  	v2 =	vld.idx.msk [tilespmem:v6+s1+$0x0], $0xffff  }
0x5ae: {  	v6 =	vld [tilespmem:s6+$0x10]  }
0x5af: {  	v3 =	vld [tilespmem:s6+$0x0]  }
0x5b0: {  	v5 =	vld [tilespmem:s6+$0xFFFFFFE0]  }
0x5b1: {  	[tilespmem:v7+s0+$0x0] =	vst.idx.add.f32.msk $0xffff, v9  }
0x5b2: {  	s7 =	simm.s32 $0x0;
	s8 =	simm.s32 $0x1C870;
	[tilespmem:v8+s0+$0x0] =	vst.idx.add.f32.msk $0xffff, v10  }
.LBB2_52:
0x5b3: {  	v7 =	vld [tilespmem:s8+$0x20];
	s7 =	sadd.s32 $0x5, s7;
	v8 =	vmov v6  }
0x5b4: {  	v6 =	vld [tilespmem:s8+$0xFFFFFFE0];
	p0 =	slt.u32 s7, $0x78  }
0x5b5: {  	v9 =	vld [tilespmem:s8+$0xFFFFFFF0]  }
0x5b6: {  	v10 =	vld [tilespmem:s8+$0x0]  }
0x5b7: {  	v11 =	vld [tilespmem:s8+$0x10]  }
0x5b8: {  	s6 =	sadd.s32 $0x50, s6;
	[tilespmem:v5+s0+$0x0] =	vst.idx.add.f32.msk $0xffff, v4  }
0x5b9: {  	v5 =	vld [tilespmem:s6+$0x20]  }
0x5ba: {  	v12 =	vld [tilespmem:s6+$0xFFFFFFF0]  }
0x5bb: {  	v7 =	vld.idx.msk [tilespmem:v7+s1+$0x0], $0xffff  }
0x5bc: {  	v4 =	vld.idx.msk [tilespmem:v6+s1+$0x0], $0xffff  }
0x5bd: {  	v9 =	vld.idx.msk [tilespmem:v9+s1+$0x0], $0xffff  }
0x5be: {  	v10 =	vld.idx.msk [tilespmem:v10+s1+$0x0], $0xffff  }
0x5bf: {  	v11 =	vld.idx.msk [tilespmem:v11+s1+$0x0], $0xffff  }
0x5c0: {  	v13 =	vld [tilespmem:s6+$0x0]  }
0x5c1: {  	[tilespmem:v5+s0+$0x0] =	vst.idx.add.f32.msk $0xffff, v7  }
.Ltmp25:
0x5c2: {  	v6 =	vld [tilespmem:s6+$0x10];
	(pc) =	sbr.rel @p0 .LBB2_52-.Ltmp25, $4  }
0x5c3: {  	v5 =	vld [tilespmem:s6+$0xFFFFFFE0]  }
0x5c4: {  	[tilespmem:v12+s0+$0x0] =	vst.idx.add.f32.msk $0xffff, v9  }
0x5c5: {  	[tilespmem:v3+s0+$0x0] =	vst.idx.add.f32.msk $0xffff, v1;
	v1 =	vmov v10;
	v3 =	vmov v13  }
0x5c6: {  	s8 =	sadd.s32 $0x50, s8;
	[tilespmem:v8+s0+$0x0] =	vst.idx.add.f32.msk $0xffff, v2;
	v2 =	vmov v11  }
0x5c7: {  	_ =	sdelay $0x3  }
0x5c8: {  	[tilespmem:v3+s0+$0x0] =	vst.idx.add.f32.msk $0xffff, v1;
	s5 =	sadd.s32 $0x1, s5  }
0x5c9: {  	[tilespmem:v6+s0+$0x0] =	vst.idx.add.f32.msk $0xffff, v2;
	p0 =	sne.s32 s5, s23  }
.Ltmp26:
0x5ca: {  	[tilespmem:v5+s0+$0x0] =	vst.idx.add.f32.msk $0xffff, v4;
	(pc) =	sbr.rel @p0 .LBB2_1-.Ltmp26, $4  }
0x5cb: {  	[hbm4b:s22+s1] =	stream.linear.scatter [tilespmem:s0], [sflag:$0x6], $0x19000, $0x38;
	[tilespmem:$0x1D800] =	vst v63  }
0x5cc: {  	_ =	swait.ge [sflag:s4], $0x19000  }
0x5cd: {  	[sflag:s4] =	ssyncset.done $0x0  }
0x5ce: {  	[sflag:s4] =	ssyncadd.s32 $0xFFFE7000  }
0x5cf: {  	_ =	sfence.sel $0x180000  }
0x5d0: {  	[bflag:$0x0] =	sbarrier.arrive $0xFFFF  }
0x5d1: {  	_ =	strace $0x9000004A  }
0x5d2: {  	s0 =	stileid.u32;
	[bflag:$0x2] =	sbarrier.arrive $0xFFFF  }
0x5d3: {  	p0 =	sne.s32 s0, $0x0;
	s0 =	rddreg [dreg:$0x4]  }
0x5d4: {  	s0 =	sadd.s32 @!p0 $0x100000, s0  }
0x5d5: {  	[sflag:s0] =	ssyncadd.tile.s32 @!p0 $0x1;
	_ =	shalt  }
.Lfunc_end2:
_tile_overlayer_lowered:
.L_overlay_start_2:
0x5d6: {  	(tag) =	ssettag $0x2  }
0x5d7: {  	s0 =	rddreg [dreg:$0x0];
	s2 =	stileid.u32  }
0x5d8: {  	s1 =	rddreg [dreg:$0x1];
	p0 =	sne.s32 s2, $0x0  }
0x5d9: {  	s3 =	rddreg [dreg:$0x2];
	[bflag:$0x3] =	sbarrier.arrive $0xFFFF;
	s2 =	simm.s32 @!p0 $0x1C06  }
0x5da: {  	[timem:s3], [sflag:s2] =	dma.local @!p0 [hbm:s0], s1  }
0x5db: {  	s0 =	simm.s32 @!p0 $0x6  }
0x5dc: {  	_ =	swait.ge @!p0 [sflag:s0], s1  }
0x5dd: {  	s1 =	ssub.s32 @!p0 $0x0, s1;
	[sflag:s0] =	ssyncset.done @!p0 $0x0  }
0x5de: {  	[sflag:s0] =	ssyncadd.s32 @!p0 s1  }
0x5df: {  	[bflag:$0x3] =	sbarrier.arrive $0xFFFF  }
0x5e0: {  	_ =	shalt  }

// kernel: kernel.7.cloned.1.call-start
scs
__scs_entry_jumppad:
0x0: {  	(pc) =	sbr.rel $0x88, $3  }
0x1: {  	(tag) =	ssettag $0x0;
	lr =	simm.s32 $0x1  }
0x2: {  	[smem:$0x3F98] =	sst lr;
	_ =	strace $0xD0000000  }
0x3: {  	_ = 	snop  }
0x4: {  	_ = 	snop  }
0x5: {  	_ = 	snop  }
0x6: {  	_ = 	snop  }
0x7: {  	_ = 	snop  }
__scs_overlays_trampoline_lowered:
0x8: {  	[smem:$0x3FA7] =	sst s0  }
0x9: {  	[smem:$0x3FA8] =	sst s1  }
0xa: {  	[smem:$0x3FA9] =	sst s2  }
0xb: {  	[smem:$0x3FAA] =	sst s3  }
0xc: {  	[smem:$0x3FAB] =	sst s4  }
0xd: {  	[smem:$0x3FAC] =	sst s5  }
0xe: {  	[smem:$0x3FAD] =	sst s6  }
0xf: {  	[smem:$0x3FAE] =	sst s7  }
0x10: {  	[smem:$0x3FAF] =	sst s8  }
0x11: {  	[smem:$0x3FB0] =	sst s9;
	s0 =	simm.s32 @!p0 $0x0  }
0x12: {  	s1 =	sld [smem:$0x3F96];
	s0 =	simm.s32 @p0 $0x1  }
0x13: {  	[smem:$0x3FB1] =	sst s0;
	s0 =	simm.s32 @!p1 $0x0  }
0x14: {  	s2 =	sld [smem:$0x3F95];
	s0 =	simm.s32 @p1 $0x1  }
0x15: {  	[smem:$0x3FB2] =	sst s0;
	s0 =	simm.s32 @!p2 $0x0  }
0x16: {  	s3 =	sld [smem:$0x3FDB];
	s0 =	simm.s32 @p2 $0x1  }
0x17: {  	s4 =	simm.s32 $0x1BF5;
	[smem:$0x3FB4] =	sst s0  }
0x18: {  	s0 =	sld [smem:$0x3F97];
	_ =	swait.ge [sflag:s4], $0x0  }
0x19: {  	s7 =	sld [smem:$0x3F98]  }
0x1a: {  	s8 =	sadd.s32 $0xFFFFE003, lr  }
0x1b: {  	s9 =	sadd.s32 $0xFFFFFEF7, lr;
	s5 =	simm.s32 $0xFFFFFFFF;
	p2 =	slt.u32 s8, $0xFFFFF086  }
0x1c: {  	p1 =	slt.u32 s9, $0xF7A;
	s5 =	simm.s32 @!p2 $0x0  }
0x1d: {  	s5 =	simm.s32 @p1 $0x1;
	p0 =	seq.s32 s7, s2  }
0x1e: {  	s7 =	smul.u32 @!p0 $0xF7A, s2;
	p2 =	seq.s32 @!p0 s5, $0x0  }
0x1f: {  	s9 =	smul.u32 $0xF7A, s1;
	s8 =	simm.s32 @!p0 $0x1BF5;
	p2 =	por !p2, p0  }
0x20: {  	[sflag:s8] =	ssyncset.s32 @!p0 $0xFFFFF086;
	s6 =	sadd.s32 @!p0 s3, s7;
	s7 =	simm.s32 @!p0 $0x108  }
0x21: {  	s3 =	sadd.s32 s3, s9;
	s6 =	sadd.s32 @!p0 $0x88, s6;
	s7 =	simm.s32 @p2 $0x1082  }
0x22: {  	[simem:s7], [sflag:s8] =	dma.local @!p0 [hbm:s6], $0xF7A  }
0x23: {  	s9 =	sor.u32 $0xD0000000, s2;
	s6 =	simm.s32 $0x108;
	_ =	swait.ge @!p0 [sflag:s8], $0x0  }
0x24: {  	s3 =	sadd.s32 $0x88, s3;
	s6 =	simm.s32 @!p1 $0x1082;
	[sflag:s4] =	ssyncset.s32 $0xFFFFF086  }
0x25: {  	[simem:s6], [sflag:s4] =	dma.local [hbm:s3], $0xF7A  }
0x26: {  	[smem:$0x3F98] =	sst s1;
	(tag) =	ssettag s2;
	_ =	strace s9  }
0x27: {  	s1 =	sld [smem:$0x3FA8]  }
0x28: {  	s2 =	sld [smem:$0x3FA9]  }
0x29: {  	s4 =	sld [smem:$0x3FAB]  }
0x2a: {  	p0 =	seq.s32 s5, $0x0;
	s5 =	sld [smem:$0x3FAC]  }
0x2b: {  	s6 =	sld [smem:$0x3FAD]  }
0x2c: {  	s7 =	sld [smem:$0x3FAE]  }
0x2d: {  	s3 =	simm.s32 $0x108;
	s8 =	sld [smem:$0x3FAF]  }
0x2e: {  	s3 =	simm.s32 @!p0 $0x1082;
	s9 =	sld [smem:$0x3FB0]  }
0x2f: {  	lr =	sadd.s32 s0, s3;
	s0 =	sld [smem:$0x3FA7]  }
0x30: {  	s3 =	sld [smem:$0x3FAA]  }
0x31: {  	[smem:$0x3FB3] =	sst s10  }
0x32: {  	s10 =	sld [smem:$0x3FB1];
	_ =	sdelay $0x3  }
0x33: {  	p0 =	seq.s32 s10, $0x1;
	s10 =	sld [smem:$0x3FB3];
	_ =	sdelay $0x3  }
0x34: {  	[smem:$0x3FB3] =	sst s10  }
0x35: {  	s10 =	sld [smem:$0x3FB2];
	_ =	sdelay $0x3  }
0x36: {  	p1 =	seq.s32 s10, $0x1;
	s10 =	sld [smem:$0x3FB3];
	_ =	sdelay $0x3  }
0x37: {  	[smem:$0x3FB3] =	sst s10  }
0x38: {  	s10 =	sld [smem:$0x3FB4]  }
0x39: {  	_ = 	snop;
	(pc) =	sbr.ind lr, $3  }
0x3a: {  	_ = 	snop  }
0x3b: {  	_ = 	snop  }
0x3c: {  	p2 =	seq.s32 s10, $0x1;
	s10 =	sld [smem:$0x3FB3]  }
0x3d: {  	_ =	shalt  }
0x3e: {  	_ =	shalt  }
0x3f: {  	_ =	shalt  }
0x40: {  	_ =	shalt  }
0x41: {  	_ =	shalt  }
0x42: {  	_ =	shalt  }
0x43: {  	_ =	shalt  }
0x44: {  	_ =	shalt  }
0x45: {  	_ =	shalt  }
0x46: {  	_ =	shalt  }
0x47: {  	_ =	shalt  }
0x48: {  	_ =	shalt  }
0x49: {  	_ =	shalt  }
0x4a: {  	_ =	shalt  }
0x4b: {  	_ =	shalt  }
0x4c: {  	_ =	shalt  }
0x4d: {  	_ =	shalt  }
0x4e: {  	_ =	shalt  }
0x4f: {  	_ =	shalt  }
0x50: {  	_ =	shalt  }
0x51: {  	_ =	shalt  }
0x52: {  	_ =	shalt  }
0x53: {  	_ =	shalt  }
0x54: {  	_ =	shalt  }
0x55: {  	_ =	shalt  }
0x56: {  	_ =	shalt  }
0x57: {  	_ =	shalt  }
0x58: {  	_ =	shalt  }
0x59: {  	_ =	shalt  }
0x5a: {  	_ =	shalt  }
0x5b: {  	_ =	shalt  }
0x5c: {  	_ =	shalt  }
0x5d: {  	_ =	shalt  }
0x5e: {  	_ =	shalt  }
0x5f: {  	_ =	shalt  }
0x60: {  	_ =	shalt  }
0x61: {  	_ =	shalt  }
0x62: {  	_ =	shalt  }
0x63: {  	_ =	shalt  }
0x64: {  	_ =	shalt  }
0x65: {  	_ =	shalt  }
0x66: {  	_ =	shalt  }
0x67: {  	_ =	shalt  }
0x68: {  	_ =	shalt  }
0x69: {  	_ =	shalt  }
0x6a: {  	_ =	shalt  }
0x6b: {  	_ =	shalt  }
0x6c: {  	_ =	shalt  }
0x6d: {  	_ =	shalt  }
0x6e: {  	_ =	shalt  }
0x6f: {  	_ =	shalt  }
0x70: {  	_ =	shalt  }
0x71: {  	_ =	shalt  }
0x72: {  	_ =	shalt  }
0x73: {  	_ =	shalt  }
0x74: {  	_ =	shalt  }
0x75: {  	_ =	shalt  }
0x76: {  	_ =	shalt  }
0x77: {  	_ =	shalt  }
0x78: {  	_ =	shalt  }
0x79: {  	_ =	shalt  }
0x7a: {  	_ =	shalt  }
0x7b: {  	_ =	shalt  }
0x7c: {  	_ =	shalt  }
0x7d: {  	_ =	shalt  }
0x7e: {  	_ =	shalt  }
0x7f: {  	_ =	shalt  }
0x80: {  	_ =	shalt  }
0x81: {  	_ =	shalt  }
0x82: {  	_ =	shalt  }
0x83: {  	_ =	shalt  }
0x84: {  	_ =	shalt  }
0x85: {  	_ =	shalt  }
0x86: {  	_ =	shalt  }
0x87: {  	_ =	shalt  }
.Lfunc_end0:
.L_simem_size_0:
called_computation_lowered:
.L_overlay_start_0:
0x88: {  	s2 =	sld [smem:$0x3FD9]  }
0x89: {  	s3 =	sld [smem:$0x3FFE];
	_ =	sdelay $0x1  }
0x8a: {  	s1 =	srdreg.scid  }
0x8b: {  	s0 =	sand.u32 $0x1, s1  }
0x8c: {  	s17 =	sshll.u32 s0, $0xA;
	s2 =	sadd.s32 s3, s2  }
0x8d: {  	s2 =	sadd.s32 s2, s17  }
0x8e: {  	[smem:$0x3FBF] =	sst s2  }
0x8f: {  	_ = 	snop  }
0x90: {  	s2 =	sld [smem:$0x3FC3]  }
0x91: {  	s18 =	sld [smem:$0x3FC2]  }
0x92: {  	s4 =	sld [smem:$0x3FD0];
	(tm) =	ssettm $0x1  }
0x93: {  	s5 =	sld [smem:$0x3FFB];
	_ =	sdelay $0x3  }
0x94: {  	_ =	strace s5  }
0x95: {  	s5 =	sld [smem:$0x3FFC];
	_ =	sdelay $0x3  }
0x96: {  	_ =	strace s5  }
0x97: {  	s5 =	sld [smem:$0x3FFD];
	_ =	sdelay $0x3  }
0x98: {  	_ =	strace s5  }
0x99: {  	_ =	strace $0x8FFFFFFF  }
0x9a: {  	s19 =	sld [smem:$0x3FDB];
	_ =	sdelay $0x1  }
0x9b: {  	s6 =	simm.s32 $_scs_section_size  }
0x9c: {  	s7 =	simm.s32 $_size__tile_overlayer_lowered;
	s8 =	simm.s32 $_tile_overlayer_lowered  }
0x9d: {  	s22 =	simm.s32 $0x1BFF;
	s21 =	sshll.u32 s8, $0x1;
	s5 =	sadd.s32 s6, s19  }
0x9e: {  	s9 =	simm.s32 $0x0;
	s20 =	sshll.u32 s7, $0x1;
	s7 =	sadd.s32 s21, s5  }
0x9f: {  	[timem:s9], [sflag:s22] =	dma.local [hbm:s7], s20  }
0xa0: {  	_ =	swait.ge [sflag:s22], s20  }
0xa1: {  	s6 =	ssub.s32 $0x0, s20;
	[sflag:s22] =	ssyncset.done $0x0  }
0xa2: {  	[sflag:s22] =	ssyncadd.s32 s6;
	_ =	sdelay $0x1  }
0xa3: {  	s23 =	simm.s32 $0x1B8B  }
0xa4: {  	_ =	swait.ge [sflag:s23], $0x1  }
0xa5: {  	[sflag:s23] =	ssyncset.done $0x0  }
0xa6: {  	s25 =	simm.s32 $0x1B8E;
	s24 =	sld [smem:$0x3FFE];
	[sflag:s23] =	ssyncadd.s32 $0xFFFFFFFF  }
0xa7: {  	s26 =	simm.s32 $execute0_lowered;
	[smem:$0x3FD2] =	sst s25  }
0xa8: {  	s7 =	sshll.u32 s26, $0x1;
	_ =	strace $0x80000046;
	[dreg:$0x1] =	wrdreg $0xFFFFFFFF  }
0xa9: {  	s28 =	simm.s32 $_size_execute0_lowered;
	s5 =	sadd.s32 s5, s7;
	[dreg:$0x0] =	wrdreg $0x0  }
0xaa: {  	s7 =	sshll.u32 s28, $0x1;
	[dreg:$0x2] =	wrdreg s5  }
0xab: {  	[dreg:$0x3] =	wrdreg s7  }
0xac: {  	[dreg:$0x4] =	wrdreg $0xC0  }
0xad: {  	_ =	task [dreg:s9], $0x5FFFF  }
0xae: {  	[dreg:$0x1] =	wrdreg $0xFFFFFFFF  }
0xaf: {  	[dreg:$0x0] =	wrdreg $0x60  }
0xb0: {  	[dreg:$0x2] =	wrdreg s24  }
0xb1: {  	[dreg:$0x3] =	wrdreg s2  }
0xb2: {  	[dreg:$0x4] =	wrdreg s18  }
0xb3: {  	[dreg:$0x5] =	wrdreg s4  }
0xb4: {  	[dreg:$0x6] =	wrdreg $0x1D8000  }
0xb5: {  	[dreg:$0x7] =	wrdreg $0x9  }
0xb6: {  	_ =	task.clear_ibuf [dreg:s9], $0x8FFFF;
	_ =	strace $0x90000046  }
0xb7: {  	s29 =	simm.s32 $0x9;
	_ =	strace $0x80000048  }
0xb8: {  	_ =	swait.ge [sflag:s29], $0x1  }
0xb9: {  	[sflag:s29] =	ssyncadd.s32 $0xFFFFFFFF  }
0xba: {  	_ =	strace $0x90000048  }
0xbb: {  	_ =	sfence  }
0xbc: {  	s30 =	sld [smem:$0x0];
	_ =	sdelay $0x2  }
0xbd: {  	s31 =	sshll.u32 s1, $0xD;
	s1 =	sshrl.u32 s1, $0x2  }
0xbe: {  	s3 =	sand.u32 $0x4000, s31;
	s1 =	sadd.s32 s1, s30  }
0xbf: {  	s0 =	sor.u32 s3, s0;
	s1 =	sshll.u32 s1, $0x11  }
0xc0: {  	s0 =	sor.u32 s1, s0  }
0xc1: {  	s0 =	sadd.s32 $0x8F2B, s0  }
0xc2: {  	[sflag:s0] =	ssyncadd.remote.s32 $0x1  }
0xc3: {  	_ =	sfence.sel $0xFFFF  }
0xc4: {  	[dreg:$0x0] =	wrdreg $0xFFFFFFFF;
	(pc) =	sbr.abs _section_cstart, $3  }
0xc5: {  	[dreg:$0x1] =	wrdreg $0xFFFFFFFF  }
0xc6: {  	_ =	task.clear_ibuf [dreg:s9], $0x2FFFF;
	_ =	strace $0x9FFFFFFF  }
0xc7: {  	(tm) =	ssettm $0x7FFFFFFF  }
tec
execute0_lowered:
.L_overlay_start_1:
0x0: {  	(tag) =	ssettag $0x1  }
0x1: {  	s0 =	srdreg.scid;
	s1 =	stileid.u32  }
0x2: {  	s4 =	sand.u32 $0x1, s0;
	s19 =	sshll.u32 s1, $0x1  }
0x3: {  	s5 =	sor.u32 s4, s19  }
0x4: {  	s6 =	smul.u32 $0xC350, s5  }
0x5: {  	s2 =	rddreg [dreg:$0x1]  }
0x6: {  	s3 =	rddreg [dreg:$0x2];
	s6 =	sshrl.u32 s6, $0x3  }
0x7: {  	s0 =	simm.s32 $0x0;
	s4 =	ssub.s32 $0x2, s4;
	s8 =	sadd.s32 $0xFA, s6  }
0x8: {  	[smem:$0x7FF] =	sst s0;
	s7 =	sshrl.u32 s4, $0x1;
	s20 =	sadd.s32 s2, s8  }
0x9: {  	s21 =	sadd.s32 $0x1F4, s6;
	s8 =	sadd.s32 s3, s8;
	[dreg:$0x6] =	wrdreg s20  }
0xa: {  	s4 =	ssub.s32 s4, s7;
	s22 =	sadd.s32 s2, s21;
	[dreg:$0x7] =	wrdreg s8  }
0xb: {  	s23 =	sadd.s32 $0x2EE, s6;
	s7 =	sadd.s32 s3, s21;
	[dreg:$0x8] =	wrdreg s22  }
0xc: {  	s25 =	sadd.s32 $0x3E8, s6;
	s24 =	sadd.s32 s2, s23;
	[dreg:$0x9] =	wrdreg s7  }
0xd: {  	s9 =	sadd.s32 $0x4E2, s6;
	s26 =	sadd.s32 s2, s25;
	[dreg:$0xa] =	wrdreg s24  }
0xe: {  	s11 =	sadd.s32 $0x5DC, s6;
	s10 =	sadd.s32 s2, s9;
	[dreg:$0xc] =	wrdreg s26  }
0xf: {  	s13 =	sadd.s32 $0x6D6, s6;
	s12 =	sadd.s32 s2, s11;
	[dreg:$0xe] =	wrdreg s10  }
0x10: {  	s15 =	sadd.s32 $0x7D0, s6;
	s14 =	sadd.s32 s2, s13;
	[dreg:$0x10] =	wrdreg s12  }
0x11: {  	s17 =	sadd.s32 $0x8CA, s6;
	s16 =	sadd.s32 s2, s15;
	[dreg:$0x12] =	wrdreg s14  }
0x12: {  	s18 =	sadd.s32 s2, s17;
	[dreg:$0x14] =	wrdreg s16  }
0x13: {  	s28 =	simm.s32 $0x1C000;
	s8 =	sadd.s32 s3, s23;
	[dreg:$0x16] =	wrdreg s18  }
0x14: {  	s19 =	sadd.s32 $0x9C4, s6;
	s7 =	sadd.s32 s3, s25;
	[dreg:$0xb] =	wrdreg s8  }
0x15: {  	s21 =	sadd.s32 $0xABE, s6;
	s20 =	sadd.s32 s2, s19;
	[dreg:$0xd] =	wrdreg s7  }
0x16: {  	s29 =	simm.s32 $0x1;
	s22 =	sadd.s32 s2, s21;
	[dreg:$0x18] =	wrdreg s20  }
0x17: {  	s30 =	simm.s32 $0x2;
	s8 =	sadd.s32 s3, s9;
	[dreg:$0x1a] =	wrdreg s22  }
0x18: {  	s23 =	sadd.s32 $0xBB8, s6;
	s7 =	sadd.s32 s3, s11;
	[dreg:$0xf] =	wrdreg s8  }
0x19: {  	s25 =	sadd.s32 $0xCB2, s6;
	s24 =	sadd.s32 s2, s23;
	[dreg:$0x11] =	wrdreg s7  }
0x1a: {  	s31 =	simm.s32 $0x4;
	s26 =	sadd.s32 s2, s25;
	[dreg:$0x1c] =	wrdreg s24  }
0x1b: {  	p0 =	sne.s32 s1, $0x0;
	s1 =	simm.s32 $0x19000;
	[dreg:$0x1e] =	wrdreg s26  }
0x1c: {  	s5 =	smul.u32 $0x500, s5;
	s8 =	sadd.s32 s3, s13;
	s26 =	rddreg [dreg:$0x3]  }
0x1d: {  	s9 =	sadd.s32 $0xDAC, s6;
	s7 =	sadd.s32 s3, s15;
	[dreg:$0x13] =	wrdreg s8  }
0x1e: {  	s11 =	sadd.s32 $0xEA6, s6;
	s10 =	sadd.s32 s2, s9;
	[dreg:$0x15] =	wrdreg s7  }
0x1f: {  	s22 =	sadd.s32 $0x1482, s6;
	s12 =	sadd.s32 s2, s11;
	[smem:$0x7F2] =	sst s10  }
0x20: {  	s13 =	sadd.s32 $0xFA0, s6;
	s8 =	sadd.s32 s3, s17;
	[smem:$0x7F4] =	sst s12  }
0x21: {  	s15 =	sadd.s32 $0x109A, s6;
	s7 =	sadd.s32 s3, s19;
	[dreg:$0x17] =	wrdreg s8  }
0x22: {  	s24 =	sadd.s32 $0x1676, s6;
	s14 =	sadd.s32 s2, s13;
	[dreg:$0x19] =	wrdreg s7  }
0x23: {  	s16 =	sadd.s32 s2, s15;
	s17 =	sadd.s32 $0x1194, s6;
	[smem:$0x7F6] =	sst s14  }
0x24: {  	s19 =	sadd.s32 $0x128E, s6;
	s8 =	sadd.s32 s3, s21;
	[smem:$0x7F8] =	sst s16  }
0x25: {  	s12 =	sadd.s32 s3, s22;
	s7 =	sadd.s32 s3, s23;
	[dreg:$0x1b] =	wrdreg s8  }
0x26: {  	s18 =	sadd.s32 s2, s17;
	s20 =	sadd.s32 s2, s19;
	[dreg:$0x1d] =	wrdreg s7  }
0x27: {  	s21 =	sadd.s32 $0x1388, s6;
	s23 =	sadd.s32 $0x157C, s6;
	[smem:$0x7FA] =	sst s18  }
0x28: {  	s16 =	sadd.s32 s3, s24;
	s8 =	sadd.s32 s3, s25;
	[smem:$0x7FC] =	sst s20  }
0x29: {  	s7 =	sadd.s32 s3, s9;
	s9 =	sadd.s32 s2, s21;
	s25 =	rddreg [dreg:$0x0]  }
0x2a: {  	s10 =	sadd.s32 s3, s21;
	s14 =	sadd.s32 s3, s23;
	[dreg:$0x1f] =	wrdreg s8  }
0x2b: {  	s18 =	sadd.s32 s3, s6;
	s21 =	simm.s32 $0x1D000;
	[smem:$0x7F3] =	sst s7  }
0x2c: {  	s8 =	sadd.s32 s3, s11;
	s7 =	sadd.s32 s3, s13;
	s11 =	sadd.s32 s2, s22  }
0x2d: {  	s13 =	sadd.s32 s2, s23;
	s22 =	sadd.s32 s26, s5;
	s23 =	sadd.s32 $0x1200, s25  }
0x2e: {  	s25 =	simm.s32 $0x1B800;
	s26 =	simm.s32 $0x1C800;
	[smem:$0x7F5] =	sst s8  }
0x2f: {  	s5 =	simm.s32 $0x0;
	[smem:$0x7F7] =	sst s7;
	s8 =	sadd.s32 s3, s15  }
0x30: {  	s7 =	sadd.s32 s3, s17;
	s15 =	sadd.s32 s2, s24;
	s17 =	sadd.s32 s2, s6  }
0x31: {  	s6 =	sadd.s32 $0x1770, s6;
	s24 =	smax.u32 s4, $0x1;
	[smem:$0x7F9] =	sst s8  }
0x32: {  	s4 =	simm.s32 $0x6;
	[smem:$0x7FB] =	sst s7;
	s8 =	sadd.s32 s3, s19  }
0x33: {  	s19 =	sadd.s32 s2, s6;
	s20 =	sadd.s32 s3, s6;
	[smem:$0x7FD] =	sst s8  }
0x34: {  	v0 =	vimm.f32 $0.0e+00;
	s2 =	simm.s32 $0x3;
	s3 =	simm.s32 $0x5;
	_ =	strace $0x80000047  }
.LBB2_1:
0x35: {  	[tilespmem:s25], [sflag:$0x2] =	stream.linear.gather [hbm4b:s17+s0], $0x7D0, $0x38;
	[tilespmem:$0x1F100] =	vst v63  }
0x36: {  	_ = 	snop  }
0x37: {  	[tilespmem:s26], [sflag:$0x4] =	stream.linear.gather [hbm4b:s18+s0], $0x7D0, $0x38;
	[tilespmem:$0x1F100] =	vst v63  }
0x38: {  	s6 =	rddreg [dreg:$0x6]  }
0x39: {  	[tilespmem:s28], [sflag:$0x3] =	stream.linear.gather [hbm4b:s6+s0], $0x7D0, $0x38;
	[tilespmem:$0x1F100] =	vst v63  }
0x3a: {  	s8 =	rddreg [dreg:$0x7]  }
0x3b: {  	[tilespmem:s21], [sflag:$0x5] =	stream.linear.gather [hbm4b:s8+s0], $0x7D0, $0x38;
	[tilespmem:$0x1F100] =	vst v63  }
0x3c: {  	s8 =	rddreg [dreg:$0x4]  }
0x3d: {  	s7 =	simm.s32 @!p0 $0x1C06;
	s6 =	sshrl.u32 @!p0 s8, $0x3  }
0x3e: {  	[spmem:s6], [sflag:s7] =	dma.local @!p0 [hbm:s23], $0x3200  }
0x3f: {  	s6 =	simm.s32 @!p0 $0x6  }
0x40: {  	_ =	swait.ge @!p0 [sflag:s6], $0x3200  }
0x41: {  	[sflag:s6] =	ssyncset.done @!p0 $0x0  }
0x42: {  	[sflag:s6] =	ssyncadd.s32 @!p0 $0xFFFFCE00  }
0x43: {  	s6 =	simm.s32 $0x19200;
	[bflag:$0x0] =	sbarrier.arrive $0xFFFF  }
0x44: {  	[tilespmem:s0], [sflag:$0x1] =	stream.linear.gather [spmem:s8], $0x19000, $0x38;
	[tilespmem:$0x1F100] =	vst v63  }
0x45: {  	[tilespmem:s6+$0xFFFFFE00] =	vst v0  }
0x46: {  	[tilespmem:s6+$0x1F0] =	vst v0  }
0x47: {  	[tilespmem:s6+$0x1E0] =	vst v0  }
0x48: {  	[tilespmem:s6+$0x1D0] =	vst v0  }
0x49: {  	[tilespmem:s6+$0x1C0] =	vst v0  }
0x4a: {  	[tilespmem:s6+$0x1B0] =	vst v0  }
0x4b: {  	[tilespmem:s6+$0x1A0] =	vst v0  }
0x4c: {  	[tilespmem:s6+$0x190] =	vst v0  }
0x4d: {  	[tilespmem:s6+$0x180] =	vst v0  }
0x4e: {  	[tilespmem:s6+$0x170] =	vst v0  }
0x4f: {  	[tilespmem:s6+$0x160] =	vst v0  }
0x50: {  	[tilespmem:s6+$0x150] =	vst v0  }
0x51: {  	[tilespmem:s6+$0x140] =	vst v0  }
0x52: {  	[tilespmem:s6+$0x130] =	vst v0  }
0x53: {  	[tilespmem:s6+$0x120] =	vst v0  }
0x54: {  	[tilespmem:s6+$0x110] =	vst v0  }
0x55: {  	[tilespmem:s6+$0x100] =	vst v0  }
0x56: {  	[tilespmem:s6+$0xF0] =	vst v0  }
0x57: {  	[tilespmem:s6+$0xE0] =	vst v0  }
0x58: {  	[tilespmem:s6+$0xD0] =	vst v0  }
0x59: {  	[tilespmem:s6+$0xC0] =	vst v0  }
0x5a: {  	[tilespmem:s6+$0xB0] =	vst v0  }
0x5b: {  	[tilespmem:s6+$0xA0] =	vst v0  }
0x5c: {  	[tilespmem:s6+$0x90] =	vst v0  }
0x5d: {  	[tilespmem:s6+$0x80] =	vst v0  }
0x5e: {  	[tilespmem:s6+$0x70] =	vst v0  }
0x5f: {  	[tilespmem:s6+$0x60] =	vst v0  }
0x60: {  	[tilespmem:s6+$0x50] =	vst v0  }
0x61: {  	[tilespmem:s6+$0x40] =	vst v0  }
0x62: {  	[tilespmem:s6+$0x30] =	vst v0  }
0x63: {  	[tilespmem:s6+$0x20] =	vst v0  }
0x64: {  	[tilespmem:s6+$0x10] =	vst v0  }
0x65: {  	[tilespmem:s6+$0x0] =	vst v0  }
0x66: {  	[tilespmem:s6+$0xFFFFFFF0] =	vst v0  }
0x67: {  	[tilespmem:s6+$0xFFFFFFE0] =	vst v0  }
0x68: {  	[tilespmem:s6+$0xFFFFFFD0] =	vst v0  }
0x69: {  	[tilespmem:s6+$0xFFFFFFC0] =	vst v0  }
0x6a: {  	[tilespmem:s6+$0xFFFFFFB0] =	vst v0  }
0x6b: {  	[tilespmem:s6+$0xFFFFFFA0] =	vst v0  }
0x6c: {  	[tilespmem:s6+$0xFFFFFF90] =	vst v0  }
0x6d: {  	[tilespmem:s6+$0xFFFFFF80] =	vst v0  }
0x6e: {  	[tilespmem:s6+$0xFFFFFF70] =	vst v0  }
0x6f: {  	[tilespmem:s6+$0xFFFFFF60] =	vst v0  }
0x70: {  	[tilespmem:s6+$0xFFFFFF50] =	vst v0  }
0x71: {  	[tilespmem:s6+$0xFFFFFF40] =	vst v0  }
0x72: {  	[tilespmem:s6+$0xFFFFFF30] =	vst v0  }
0x73: {  	[tilespmem:s6+$0xFFFFFF20] =	vst v0  }
0x74: {  	[tilespmem:s6+$0xFFFFFF10] =	vst v0  }
0x75: {  	[tilespmem:s6+$0xFFFFFF00] =	vst v0  }
0x76: {  	[tilespmem:s6+$0xFFFFFEF0] =	vst v0  }
0x77: {  	[tilespmem:s6+$0xFFFFFEE0] =	vst v0  }
0x78: {  	[tilespmem:s6+$0xFFFFFED0] =	vst v0  }
0x79: {  	[tilespmem:s6+$0xFFFFFEC0] =	vst v0  }
0x7a: {  	[tilespmem:s6+$0xFFFFFEB0] =	vst v0  }
0x7b: {  	[tilespmem:s6+$0xFFFFFEA0] =	vst v0  }
0x7c: {  	[tilespmem:s6+$0xFFFFFE90] =	vst v0  }
0x7d: {  	[tilespmem:s6+$0xFFFFFE80] =	vst v0  }
0x7e: {  	[tilespmem:s6+$0xFFFFFE70] =	vst v0  }
0x7f: {  	[tilespmem:s6+$0xFFFFFE60] =	vst v0  }
0x80: {  	[tilespmem:s6+$0xFFFFFE50] =	vst v0  }
0x81: {  	[tilespmem:s6+$0xFFFFFE40] =	vst v0  }
0x82: {  	[tilespmem:s6+$0xFFFFFE30] =	vst v0  }
0x83: {  	s7 =	simm.s32 $0x0;
	[tilespmem:s6+$0xFFFFFE20] =	vst v0  }
.LBB2_2:
0x84: {  	s7 =	sadd.s32 $0x8, s7;
	[tilespmem:s6+$0xFFFFFE10] =	vst v0;
	s6 =	sadd.s32 $0x400, s6  }
0x85: {  	[tilespmem:s6+$0xFFFFFE00] =	vst v0;
	p1 =	slt.u32 s7, $0x48  }
0x86: {  	[tilespmem:s6+$0x1F0] =	vst v0  }
0x87: {  	[tilespmem:s6+$0x1E0] =	vst v0  }
0x88: {  	[tilespmem:s6+$0x1D0] =	vst v0  }
0x89: {  	[tilespmem:s6+$0x1C0] =	vst v0  }
0x8a: {  	[tilespmem:s6+$0x1B0] =	vst v0  }
0x8b: {  	[tilespmem:s6+$0x1A0] =	vst v0  }
0x8c: {  	[tilespmem:s6+$0x190] =	vst v0  }
0x8d: {  	[tilespmem:s6+$0x180] =	vst v0  }
0x8e: {  	[tilespmem:s6+$0x170] =	vst v0  }
0x8f: {  	[tilespmem:s6+$0x160] =	vst v0  }
0x90: {  	[tilespmem:s6+$0x150] =	vst v0  }
0x91: {  	[tilespmem:s6+$0x140] =	vst v0  }
0x92: {  	[tilespmem:s6+$0x130] =	vst v0  }
0x93: {  	[tilespmem:s6+$0x120] =	vst v0  }
0x94: {  	[tilespmem:s6+$0x110] =	vst v0  }
0x95: {  	[tilespmem:s6+$0x100] =	vst v0  }
0x96: {  	[tilespmem:s6+$0xF0] =	vst v0  }
0x97: {  	[tilespmem:s6+$0xE0] =	vst v0  }
0x98: {  	[tilespmem:s6+$0xD0] =	vst v0  }
0x99: {  	[tilespmem:s6+$0xC0] =	vst v0  }
0x9a: {  	[tilespmem:s6+$0xB0] =	vst v0  }
0x9b: {  	[tilespmem:s6+$0xA0] =	vst v0  }
0x9c: {  	[tilespmem:s6+$0x90] =	vst v0  }
0x9d: {  	[tilespmem:s6+$0x80] =	vst v0  }
0x9e: {  	[tilespmem:s6+$0x70] =	vst v0  }
0x9f: {  	[tilespmem:s6+$0x60] =	vst v0  }
0xa0: {  	[tilespmem:s6+$0x50] =	vst v0  }
0xa1: {  	[tilespmem:s6+$0x40] =	vst v0  }
0xa2: {  	[tilespmem:s6+$0x30] =	vst v0  }
0xa3: {  	[tilespmem:s6+$0x20] =	vst v0  }
0xa4: {  	[tilespmem:s6+$0x10] =	vst v0  }
0xa5: {  	[tilespmem:s6+$0x0] =	vst v0  }
0xa6: {  	[tilespmem:s6+$0xFFFFFFF0] =	vst v0  }
0xa7: {  	[tilespmem:s6+$0xFFFFFFE0] =	vst v0  }
0xa8: {  	[tilespmem:s6+$0xFFFFFFD0] =	vst v0  }
0xa9: {  	[tilespmem:s6+$0xFFFFFFC0] =	vst v0  }
0xaa: {  	[tilespmem:s6+$0xFFFFFFB0] =	vst v0  }
0xab: {  	[tilespmem:s6+$0xFFFFFFA0] =	vst v0  }
0xac: {  	[tilespmem:s6+$0xFFFFFF90] =	vst v0  }
0xad: {  	[tilespmem:s6+$0xFFFFFF80] =	vst v0  }
0xae: {  	[tilespmem:s6+$0xFFFFFF70] =	vst v0  }
0xaf: {  	[tilespmem:s6+$0xFFFFFF60] =	vst v0  }
0xb0: {  	[tilespmem:s6+$0xFFFFFF50] =	vst v0  }
0xb1: {  	[tilespmem:s6+$0xFFFFFF40] =	vst v0  }
0xb2: {  	[tilespmem:s6+$0xFFFFFF30] =	vst v0  }
0xb3: {  	[tilespmem:s6+$0xFFFFFF20] =	vst v0  }
0xb4: {  	[tilespmem:s6+$0xFFFFFF10] =	vst v0  }
0xb5: {  	[tilespmem:s6+$0xFFFFFF00] =	vst v0  }
0xb6: {  	[tilespmem:s6+$0xFFFFFEF0] =	vst v0  }
0xb7: {  	[tilespmem:s6+$0xFFFFFEE0] =	vst v0  }
0xb8: {  	[tilespmem:s6+$0xFFFFFED0] =	vst v0  }
0xb9: {  	[tilespmem:s6+$0xFFFFFEC0] =	vst v0  }
0xba: {  	[tilespmem:s6+$0xFFFFFEB0] =	vst v0  }
0xbb: {  	[tilespmem:s6+$0xFFFFFEA0] =	vst v0  }
0xbc: {  	[tilespmem:s6+$0xFFFFFE90] =	vst v0  }
0xbd: {  	[tilespmem:s6+$0xFFFFFE80] =	vst v0  }
0xbe: {  	[tilespmem:s6+$0xFFFFFE70] =	vst v0  }
.Ltmp0:
0xbf: {  	[tilespmem:s6+$0xFFFFFE60] =	vst v0;
	(pc) =	sbr.rel @p1 .LBB2_2-.Ltmp0, $4  }
0xc0: {  	[tilespmem:s6+$0xFFFFFE50] =	vst v0  }
0xc1: {  	[tilespmem:s6+$0xFFFFFE40] =	vst v0  }
0xc2: {  	[tilespmem:s6+$0xFFFFFE30] =	vst v0  }
0xc3: {  	[tilespmem:s6+$0xFFFFFE20] =	vst v0  }
0xc4: {  	[tilespmem:s6+$0xFFFFFE10] =	vst v0  }
0xc5: {  	_ =	swait.ge [sflag:s29], $0x19000  }
0xc6: {  	[sflag:s29] =	ssyncset.done $0x0  }
0xc7: {  	[sflag:s29] =	ssyncadd.s32 $0xFFFE7000  }
0xc8: {  	_ =	swait.ge [sflag:s30], $0x7D0  }
0xc9: {  	[sflag:s30] =	ssyncset.done $0x0  }
0xca: {  	[sflag:s30] =	ssyncadd.s32 $0xFFFFF830  }
0xcb: {  	_ =	swait.ge [sflag:s31], $0x7D0  }
0xcc: {  	[sflag:s31] =	ssyncset.done $0x0  }
0xcd: {  	s8 =	simm.s32 $0x1B820;
	[sflag:s31] =	ssyncadd.s32 $0xFFFFF830  }
0xce: {  	v1 =	vld [tilespmem:s8+$0x20]  }
0xcf: {  	v2 =	vld [tilespmem:s8+$0xFFFFFFF0]  }
0xd0: {  	v4 =	vld [tilespmem:s8+$0x0]  }
0xd1: {  	v5 =	vld [tilespmem:s8+$0x10]  }
0xd2: {  	v6 =	vld [tilespmem:s8+$0xFFFFFFE0]  }
0xd3: {  	s6 =	simm.s32 $0x1C820  }
0xd4: {  	v7 =	vld [tilespmem:s6+$0x20]  }
0xd5: {  	v8 =	vld [tilespmem:s6+$0xFFFFFFE0]  }
0xd6: {  	v9 =	vld.idx.msk [tilespmem:v1+s0+$0x0], $0xffff  }
0xd7: {  	v3 =	vld.idx.msk [tilespmem:v2+s0+$0x0], $0xffff  }
0xd8: {  	v1 =	vld.idx.msk [tilespmem:v4+s0+$0x0], $0xffff  }
0xd9: {  	v2 =	vld.idx.msk [tilespmem:v5+s0+$0x0], $0xffff  }
0xda: {  	v10 =	vld.idx.msk [tilespmem:v6+s0+$0x0], $0xffff  }
0xdb: {  	v6 =	vld [tilespmem:s6+$0x0]  }
0xdc: {  	v5 =	vld [tilespmem:s6+$0x10]  }
0xdd: {  	v4 =	vld [tilespmem:s6+$0xFFFFFFF0]  }
0xde: {  	[tilespmem:v7+s1+$0x0] =	vst.idx.add.f32.msk $0xffff, v9  }
0xdf: {  	s7 =	simm.s32 $0x0;
	s8 =	simm.s32 $0x1B870;
	[tilespmem:v8+s1+$0x0] =	vst.idx.add.f32.msk $0xffff, v10  }
.LBB2_4:
0xe0: {  	v7 =	vld [tilespmem:s8+$0x20];
	s7 =	sadd.s32 $0x5, s7;
	v8 =	vmov v6  }
0xe1: {  	v6 =	vld [tilespmem:s8+$0xFFFFFFF0];
	p1 =	slt.u32 s7, $0x78;
	v9 =	vmov v5  }
0xe2: {  	v5 =	vld [tilespmem:s8+$0x0]  }
0xe3: {  	v10 =	vld [tilespmem:s8+$0x10]  }
0xe4: {  	v11 =	vld [tilespmem:s8+$0xFFFFFFE0]  }
0xe5: {  	s6 =	sadd.s32 $0x50, s6;
	[tilespmem:v4+s1+$0x0] =	vst.idx.add.f32.msk $0xffff, v3  }
0xe6: {  	v12 =	vld [tilespmem:s6+$0x20]  }
0xe7: {  	v13 =	vld [tilespmem:s6+$0xFFFFFFE0]  }
0xe8: {  	v7 =	vld.idx.msk [tilespmem:v7+s0+$0x0], $0xffff  }
0xe9: {  	v3 =	vld.idx.msk [tilespmem:v6+s0+$0x0], $0xffff  }
0xea: {  	v14 =	vld.idx.msk [tilespmem:v5+s0+$0x0], $0xffff  }
0xeb: {  	v10 =	vld.idx.msk [tilespmem:v10+s0+$0x0], $0xffff  }
0xec: {  	v11 =	vld.idx.msk [tilespmem:v11+s0+$0x0], $0xffff  }
0xed: {  	v4 =	vld [tilespmem:s6+$0xFFFFFFF0]  }
0xee: {  	[tilespmem:v12+s1+$0x0] =	vst.idx.add.f32.msk $0xffff, v7  }
.Ltmp1:
0xef: {  	v6 =	vld [tilespmem:s6+$0x0];
	(pc) =	sbr.rel @p1 .LBB2_4-.Ltmp1, $4  }
0xf0: {  	v5 =	vld [tilespmem:s6+$0x10]  }
0xf1: {  	[tilespmem:v8+s1+$0x0] =	vst.idx.add.f32.msk $0xffff, v1;
	v1 =	vmov v14  }
0xf2: {  	[tilespmem:v13+s1+$0x0] =	vst.idx.add.f32.msk $0xffff, v11  }
0xf3: {  	s8 =	sadd.s32 $0x50, s8;
	[tilespmem:v9+s1+$0x0] =	vst.idx.add.f32.msk $0xffff, v2;
	v2 =	vmov v10  }
0xf4: {  	_ =	sdelay $0x3  }
0xf5: {  	[tilespmem:v4+s1+$0x0] =	vst.idx.add.f32.msk $0xffff, v3  }
0xf6: {  	[tilespmem:v6+s1+$0x0] =	vst.idx.add.f32.msk $0xffff, v1  }
0xf7: {  	[tilespmem:v5+s1+$0x0] =	vst.idx.add.f32.msk $0xffff, v2  }
0xf8: {  	s6 =	rddreg [dreg:$0x8]  }
0xf9: {  	[tilespmem:s25], [sflag:$0x2] =	stream.linear.gather [hbm4b:s6+s0], $0x7D0, $0x38;
	[tilespmem:$0x1F100] =	vst v63  }
0xfa: {  	s7 =	rddreg [dreg:$0x9]  }
0xfb: {  	[tilespmem:s26], [sflag:$0x4] =	stream.linear.gather [hbm4b:s7+s0], $0x7D0, $0x38;
	[tilespmem:$0x1F100] =	vst v63  }
0xfc: {  	_ =	swait.ge [sflag:s2], $0x7D0  }
0xfd: {  	[sflag:s2] =	ssyncset.done $0x0  }
0xfe: {  	[sflag:s2] =	ssyncadd.s32 $0xFFFFF830  }
0xff: {  	_ =	swait.ge [sflag:s3], $0x7D0  }
0x100: {  	[sflag:s3] =	ssyncset.done $0x0  }
0x101: {  	s8 =	simm.s32 $0x1C020;
	[sflag:s3] =	ssyncadd.s32 $0xFFFFF830  }
0x102: {  	v1 =	vld [tilespmem:s8+$0x20]  }
0x103: {  	v2 =	vld [tilespmem:s8+$0xFFFFFFF0]  }
0x104: {  	v4 =	vld [tilespmem:s8+$0x0]  }
0x105: {  	v5 =	vld [tilespmem:s8+$0x10]  }
0x106: {  	v6 =	vld [tilespmem:s8+$0xFFFFFFE0]  }
0x107: {  	s6 =	simm.s32 $0x1D020  }
0x108: {  	v7 =	vld [tilespmem:s6+$0x20]  }
0x109: {  	v8 =	vld [tilespmem:s6+$0xFFFFFFE0]  }
0x10a: {  	v9 =	vld.idx.msk [tilespmem:v1+s0+$0x0], $0xffff  }
0x10b: {  	v3 =	vld.idx.msk [tilespmem:v2+s0+$0x0], $0xffff  }
0x10c: {  	v1 =	vld.idx.msk [tilespmem:v4+s0+$0x0], $0xffff  }
0x10d: {  	v2 =	vld.idx.msk [tilespmem:v5+s0+$0x0], $0xffff  }
0x10e: {  	v10 =	vld.idx.msk [tilespmem:v6+s0+$0x0], $0xffff  }
0x10f: {  	v6 =	vld [tilespmem:s6+$0x0]  }
0x110: {  	v5 =	vld [tilespmem:s6+$0x10]  }
0x111: {  	v4 =	vld [tilespmem:s6+$0xFFFFFFF0]  }
0x112: {  	[tilespmem:v7+s1+$0x0] =	vst.idx.add.f32.msk $0xffff, v9  }
0x113: {  	s7 =	simm.s32 $0x0;
	s8 =	simm.s32 $0x1C070;
	[tilespmem:v8+s1+$0x0] =	vst.idx.add.f32.msk $0xffff, v10  }
.LBB2_6:
0x114: {  	v7 =	vld [tilespmem:s8+$0x20];
	s7 =	sadd.s32 $0x5, s7;
	v8 =	vmov v6  }
0x115: {  	v6 =	vld [tilespmem:s8+$0xFFFFFFF0];
	p1 =	slt.u32 s7, $0x78;
	v9 =	vmov v5  }
0x116: {  	v5 =	vld [tilespmem:s8+$0x0]  }
0x117: {  	v10 =	vld [tilespmem:s8+$0x10]  }
0x118: {  	v11 =	vld [tilespmem:s8+$0xFFFFFFE0]  }
0x119: {  	s6 =	sadd.s32 $0x50, s6;
	[tilespmem:v4+s1+$0x0] =	vst.idx.add.f32.msk $0xffff, v3  }
0x11a: {  	v12 =	vld [tilespmem:s6+$0x20]  }
0x11b: {  	v13 =	vld [tilespmem:s6+$0xFFFFFFE0]  }
0x11c: {  	v7 =	vld.idx.msk [tilespmem:v7+s0+$0x0], $0xffff  }
0x11d: {  	v3 =	vld.idx.msk [tilespmem:v6+s0+$0x0], $0xffff  }
0x11e: {  	v14 =	vld.idx.msk [tilespmem:v5+s0+$0x0], $0xffff  }
0x11f: {  	v10 =	vld.idx.msk [tilespmem:v10+s0+$0x0], $0xffff  }
0x120: {  	v11 =	vld.idx.msk [tilespmem:v11+s0+$0x0], $0xffff  }
0x121: {  	v4 =	vld [tilespmem:s6+$0xFFFFFFF0]  }
0x122: {  	[tilespmem:v12+s1+$0x0] =	vst.idx.add.f32.msk $0xffff, v7  }
.Ltmp2:
0x123: {  	v6 =	vld [tilespmem:s6+$0x0];
	(pc) =	sbr.rel @p1 .LBB2_6-.Ltmp2, $4  }
0x124: {  	v5 =	vld [tilespmem:s6+$0x10]  }
0x125: {  	[tilespmem:v8+s1+$0x0] =	vst.idx.add.f32.msk $0xffff, v1;
	v1 =	vmov v14  }
0x126: {  	[tilespmem:v13+s1+$0x0] =	vst.idx.add.f32.msk $0xffff, v11  }
0x127: {  	s8 =	sadd.s32 $0x50, s8;
	[tilespmem:v9+s1+$0x0] =	vst.idx.add.f32.msk $0xffff, v2;
	v2 =	vmov v10  }
0x128: {  	_ =	sdelay $0x3  }
0x129: {  	[tilespmem:v4+s1+$0x0] =	vst.idx.add.f32.msk $0xffff, v3  }
0x12a: {  	[tilespmem:v6+s1+$0x0] =	vst.idx.add.f32.msk $0xffff, v1  }
0x12b: {  	[tilespmem:v5+s1+$0x0] =	vst.idx.add.f32.msk $0xffff, v2  }
0x12c: {  	s6 =	rddreg [dreg:$0xa]  }
0x12d: {  	[tilespmem:s28], [sflag:$0x3] =	stream.linear.gather [hbm4b:s6+s0], $0x7D0, $0x38;
	[tilespmem:$0x1F100] =	vst v63  }
0x12e: {  	s7 =	rddreg [dreg:$0xb]  }
0x12f: {  	[tilespmem:s21], [sflag:$0x5] =	stream.linear.gather [hbm4b:s7+s0], $0x7D0, $0x38;
	[tilespmem:$0x1F100] =	vst v63  }
0x130: {  	_ =	swait.ge [sflag:s30], $0x7D0  }
0x131: {  	[sflag:s30] =	ssyncset.done $0x0  }
0x132: {  	[sflag:s30] =	ssyncadd.s32 $0xFFFFF830  }
0x133: {  	_ =	swait.ge [sflag:s31], $0x7D0  }
0x134: {  	[sflag:s31] =	ssyncset.done $0x0  }
0x135: {  	s8 =	simm.s32 $0x1B820;
	[sflag:s31] =	ssyncadd.s32 $0xFFFFF830  }
0x136: {  	v1 =	vld [tilespmem:s8+$0x20]  }
0x137: {  	v2 =	vld [tilespmem:s8+$0xFFFFFFF0]  }
0x138: {  	v4 =	vld [tilespmem:s8+$0x0]  }
0x139: {  	v5 =	vld [tilespmem:s8+$0x10]  }
0x13a: {  	v6 =	vld [tilespmem:s8+$0xFFFFFFE0]  }
0x13b: {  	s6 =	simm.s32 $0x1C820  }
0x13c: {  	v7 =	vld [tilespmem:s6+$0x20]  }
0x13d: {  	v8 =	vld [tilespmem:s6+$0xFFFFFFE0]  }
0x13e: {  	v9 =	vld.idx.msk [tilespmem:v1+s0+$0x0], $0xffff  }
0x13f: {  	v3 =	vld.idx.msk [tilespmem:v2+s0+$0x0], $0xffff  }
0x140: {  	v1 =	vld.idx.msk [tilespmem:v4+s0+$0x0], $0xffff  }
0x141: {  	v2 =	vld.idx.msk [tilespmem:v5+s0+$0x0], $0xffff  }
0x142: {  	v10 =	vld.idx.msk [tilespmem:v6+s0+$0x0], $0xffff  }
0x143: {  	v6 =	vld [tilespmem:s6+$0x0]  }
0x144: {  	v5 =	vld [tilespmem:s6+$0x10]  }
0x145: {  	v4 =	vld [tilespmem:s6+$0xFFFFFFF0]  }
0x146: {  	[tilespmem:v7+s1+$0x0] =	vst.idx.add.f32.msk $0xffff, v9  }
0x147: {  	s7 =	simm.s32 $0x0;
	s8 =	simm.s32 $0x1B870;
	[tilespmem:v8+s1+$0x0] =	vst.idx.add.f32.msk $0xffff, v10  }
.LBB2_8:
0x148: {  	v7 =	vld [tilespmem:s8+$0x20];
	s7 =	sadd.s32 $0x5, s7;
	v8 =	vmov v6  }
0x149: {  	v6 =	vld [tilespmem:s8+$0xFFFFFFF0];
	p1 =	slt.u32 s7, $0x78;
	v9 =	vmov v5  }
0x14a: {  	v5 =	vld [tilespmem:s8+$0x0]  }
0x14b: {  	v10 =	vld [tilespmem:s8+$0x10]  }
0x14c: {  	v11 =	vld [tilespmem:s8+$0xFFFFFFE0]  }
0x14d: {  	s6 =	sadd.s32 $0x50, s6;
	[tilespmem:v4+s1+$0x0] =	vst.idx.add.f32.msk $0xffff, v3  }
0x14e: {  	v12 =	vld [tilespmem:s6+$0x20]  }
0x14f: {  	v13 =	vld [tilespmem:s6+$0xFFFFFFE0]  }
0x150: {  	v7 =	vld.idx.msk [tilespmem:v7+s0+$0x0], $0xffff  }
0x151: {  	v3 =	vld.idx.msk [tilespmem:v6+s0+$0x0], $0xffff  }
0x152: {  	v14 =	vld.idx.msk [tilespmem:v5+s0+$0x0], $0xffff  }
0x153: {  	v10 =	vld.idx.msk [tilespmem:v10+s0+$0x0], $0xffff  }
0x154: {  	v11 =	vld.idx.msk [tilespmem:v11+s0+$0x0], $0xffff  }
0x155: {  	v4 =	vld [tilespmem:s6+$0xFFFFFFF0]  }
0x156: {  	[tilespmem:v12+s1+$0x0] =	vst.idx.add.f32.msk $0xffff, v7  }
.Ltmp3:
0x157: {  	v6 =	vld [tilespmem:s6+$0x0];
	(pc) =	sbr.rel @p1 .LBB2_8-.Ltmp3, $4  }
0x158: {  	v5 =	vld [tilespmem:s6+$0x10]  }
0x159: {  	[tilespmem:v8+s1+$0x0] =	vst.idx.add.f32.msk $0xffff, v1;
	v1 =	vmov v14  }
0x15a: {  	[tilespmem:v13+s1+$0x0] =	vst.idx.add.f32.msk $0xffff, v11  }
0x15b: {  	s8 =	sadd.s32 $0x50, s8;
	[tilespmem:v9+s1+$0x0] =	vst.idx.add.f32.msk $0xffff, v2;
	v2 =	vmov v10  }
0x15c: {  	_ =	sdelay $0x3  }
0x15d: {  	[tilespmem:v4+s1+$0x0] =	vst.idx.add.f32.msk $0xffff, v3  }
0x15e: {  	[tilespmem:v6+s1+$0x0] =	vst.idx.add.f32.msk $0xffff, v1  }
0x15f: {  	[tilespmem:v5+s1+$0x0] =	vst.idx.add.f32.msk $0xffff, v2  }
0x160: {  	s6 =	rddreg [dreg:$0xc]  }
0x161: {  	[tilespmem:s25], [sflag:$0x2] =	stream.linear.gather [hbm4b:s6+s0], $0x7D0, $0x38;
	[tilespmem:$0x1F100] =	vst v63  }
0x162: {  	s7 =	rddreg [dreg:$0xd]  }
0x163: {  	[tilespmem:s26], [sflag:$0x4] =	stream.linear.gather [hbm4b:s7+s0], $0x7D0, $0x38;
	[tilespmem:$0x1F100] =	vst v63  }
0x164: {  	_ =	swait.ge [sflag:s2], $0x7D0  }
0x165: {  	[sflag:s2] =	ssyncset.done $0x0  }
0x166: {  	[sflag:s2] =	ssyncadd.s32 $0xFFFFF830  }
0x167: {  	_ =	swait.ge [sflag:s3], $0x7D0  }
0x168: {  	[sflag:s3] =	ssyncset.done $0x0  }
0x169: {  	s8 =	simm.s32 $0x1C020;
	[sflag:s3] =	ssyncadd.s32 $0xFFFFF830  }
0x16a: {  	v1 =	vld [tilespmem:s8+$0x20]  }
0x16b: {  	v2 =	vld [tilespmem:s8+$0xFFFFFFF0]  }
0x16c: {  	v4 =	vld [tilespmem:s8+$0x0]  }
0x16d: {  	v5 =	vld [tilespmem:s8+$0x10]  }
0x16e: {  	v6 =	vld [tilespmem:s8+$0xFFFFFFE0]  }
0x16f: {  	s6 =	simm.s32 $0x1D020  }
0x170: {  	v7 =	vld [tilespmem:s6+$0x20]  }
0x171: {  	v8 =	vld [tilespmem:s6+$0xFFFFFFE0]  }
0x172: {  	v9 =	vld.idx.msk [tilespmem:v1+s0+$0x0], $0xffff  }
0x173: {  	v3 =	vld.idx.msk [tilespmem:v2+s0+$0x0], $0xffff  }
0x174: {  	v1 =	vld.idx.msk [tilespmem:v4+s0+$0x0], $0xffff  }
0x175: {  	v2 =	vld.idx.msk [tilespmem:v5+s0+$0x0], $0xffff  }
0x176: {  	v10 =	vld.idx.msk [tilespmem:v6+s0+$0x0], $0xffff  }
0x177: {  	v6 =	vld [tilespmem:s6+$0x0]  }
0x178: {  	v5 =	vld [tilespmem:s6+$0x10]  }
0x179: {  	v4 =	vld [tilespmem:s6+$0xFFFFFFF0]  }
0x17a: {  	[tilespmem:v7+s1+$0x0] =	vst.idx.add.f32.msk $0xffff, v9  }
0x17b: {  	s7 =	simm.s32 $0x0;
	s8 =	simm.s32 $0x1C070;
	[tilespmem:v8+s1+$0x0] =	vst.idx.add.f32.msk $0xffff, v10  }
.LBB2_10:
0x17c: {  	v7 =	vld [tilespmem:s8+$0x20];
	s7 =	sadd.s32 $0x5, s7;
	v8 =	vmov v6  }
0x17d: {  	v6 =	vld [tilespmem:s8+$0xFFFFFFF0];
	p1 =	slt.u32 s7, $0x78;
	v9 =	vmov v5  }
0x17e: {  	v5 =	vld [tilespmem:s8+$0x0]  }
0x17f: {  	v10 =	vld [tilespmem:s8+$0x10]  }
0x180: {  	v11 =	vld [tilespmem:s8+$0xFFFFFFE0]  }
0x181: {  	s6 =	sadd.s32 $0x50, s6;
	[tilespmem:v4+s1+$0x0] =	vst.idx.add.f32.msk $0xffff, v3  }
0x182: {  	v12 =	vld [tilespmem:s6+$0x20]  }
0x183: {  	v13 =	vld [tilespmem:s6+$0xFFFFFFE0]  }
0x184: {  	v7 =	vld.idx.msk [tilespmem:v7+s0+$0x0], $0xffff  }
0x185: {  	v3 =	vld.idx.msk [tilespmem:v6+s0+$0x0], $0xffff  }
0x186: {  	v14 =	vld.idx.msk [tilespmem:v5+s0+$0x0], $0xffff  }
0x187: {  	v10 =	vld.idx.msk [tilespmem:v10+s0+$0x0], $0xffff  }
0x188: {  	v11 =	vld.idx.msk [tilespmem:v11+s0+$0x0], $0xffff  }
0x189: {  	v4 =	vld [tilespmem:s6+$0xFFFFFFF0]  }
0x18a: {  	[tilespmem:v12+s1+$0x0] =	vst.idx.add.f32.msk $0xffff, v7  }
.Ltmp4:
0x18b: {  	v6 =	vld [tilespmem:s6+$0x0];
	(pc) =	sbr.rel @p1 .LBB2_10-.Ltmp4, $4  }
0x18c: {  	v5 =	vld [tilespmem:s6+$0x10]  }
0x18d: {  	[tilespmem:v8+s1+$0x0] =	vst.idx.add.f32.msk $0xffff, v1;
	v1 =	vmov v14  }
0x18e: {  	[tilespmem:v13+s1+$0x0] =	vst.idx.add.f32.msk $0xffff, v11  }
0x18f: {  	s8 =	sadd.s32 $0x50, s8;
	[tilespmem:v9+s1+$0x0] =	vst.idx.add.f32.msk $0xffff, v2;
	v2 =	vmov v10  }
0x190: {  	_ =	sdelay $0x3  }
0x191: {  	[tilespmem:v4+s1+$0x0] =	vst.idx.add.f32.msk $0xffff, v3  }
0x192: {  	[tilespmem:v6+s1+$0x0] =	vst.idx.add.f32.msk $0xffff, v1  }
0x193: {  	[tilespmem:v5+s1+$0x0] =	vst.idx.add.f32.msk $0xffff, v2  }
0x194: {  	s6 =	rddreg [dreg:$0xe]  }
0x195: {  	[tilespmem:s28], [sflag:$0x3] =	stream.linear.gather [hbm4b:s6+s0], $0x7D0, $0x38;
	[tilespmem:$0x1F100] =	vst v63  }
0x196: {  	s7 =	rddreg [dreg:$0xf]  }
0x197: {  	[tilespmem:s21], [sflag:$0x5] =	stream.linear.gather [hbm4b:s7+s0], $0x7D0, $0x38;
	[tilespmem:$0x1F100] =	vst v63  }
0x198: {  	_ =	swait.ge [sflag:s30], $0x7D0  }
0x199: {  	[sflag:s30] =	ssyncset.done $0x0  }
0x19a: {  	[sflag:s30] =	ssyncadd.s32 $0xFFFFF830  }
0x19b: {  	_ =	swait.ge [sflag:s31], $0x7D0  }
0x19c: {  	[sflag:s31] =	ssyncset.done $0x0  }
0x19d: {  	s8 =	simm.s32 $0x1B820;
	[sflag:s31] =	ssyncadd.s32 $0xFFFFF830  }
0x19e: {  	v1 =	vld [tilespmem:s8+$0x20]  }
0x19f: {  	v2 =	vld [tilespmem:s8+$0xFFFFFFF0]  }
0x1a0: {  	v4 =	vld [tilespmem:s8+$0x0]  }
0x1a1: {  	v5 =	vld [tilespmem:s8+$0x10]  }
0x1a2: {  	v6 =	vld [tilespmem:s8+$0xFFFFFFE0]  }
0x1a3: {  	s6 =	simm.s32 $0x1C820  }
0x1a4: {  	v7 =	vld [tilespmem:s6+$0x20]  }
0x1a5: {  	v8 =	vld [tilespmem:s6+$0xFFFFFFE0]  }
0x1a6: {  	v9 =	vld.idx.msk [tilespmem:v1+s0+$0x0], $0xffff  }
0x1a7: {  	v3 =	vld.idx.msk [tilespmem:v2+s0+$0x0], $0xffff  }
0x1a8: {  	v1 =	vld.idx.msk [tilespmem:v4+s0+$0x0], $0xffff  }
0x1a9: {  	v2 =	vld.idx.msk [tilespmem:v5+s0+$0x0], $0xffff  }
0x1aa: {  	v10 =	vld.idx.msk [tilespmem:v6+s0+$0x0], $0xffff  }
0x1ab: {  	v6 =	vld [tilespmem:s6+$0x0]  }
0x1ac: {  	v5 =	vld [tilespmem:s6+$0x10]  }
0x1ad: {  	v4 =	vld [tilespmem:s6+$0xFFFFFFF0]  }
0x1ae: {  	[tilespmem:v7+s1+$0x0] =	vst.idx.add.f32.msk $0xffff, v9  }
0x1af: {  	s7 =	simm.s32 $0x0;
	s8 =	simm.s32 $0x1B870;
	[tilespmem:v8+s1+$0x0] =	vst.idx.add.f32.msk $0xffff, v10  }
.LBB2_12:
0x1b0: {  	v7 =	vld [tilespmem:s8+$0x20];
	s7 =	sadd.s32 $0x5, s7;
	v8 =	vmov v6  }
0x1b1: {  	v6 =	vld [tilespmem:s8+$0xFFFFFFF0];
	p1 =	slt.u32 s7, $0x78;
	v9 =	vmov v5  }
0x1b2: {  	v5 =	vld [tilespmem:s8+$0x0]  }
0x1b3: {  	v10 =	vld [tilespmem:s8+$0x10]  }
0x1b4: {  	v11 =	vld [tilespmem:s8+$0xFFFFFFE0]  }
0x1b5: {  	s6 =	sadd.s32 $0x50, s6;
	[tilespmem:v4+s1+$0x0] =	vst.idx.add.f32.msk $0xffff, v3  }
0x1b6: {  	v12 =	vld [tilespmem:s6+$0x20]  }
0x1b7: {  	v13 =	vld [tilespmem:s6+$0xFFFFFFE0]  }
0x1b8: {  	v7 =	vld.idx.msk [tilespmem:v7+s0+$0x0], $0xffff  }
0x1b9: {  	v3 =	vld.idx.msk [tilespmem:v6+s0+$0x0], $0xffff  }
0x1ba: {  	v14 =	vld.idx.msk [tilespmem:v5+s0+$0x0], $0xffff  }
0x1bb: {  	v10 =	vld.idx.msk [tilespmem:v10+s0+$0x0], $0xffff  }
0x1bc: {  	v11 =	vld.idx.msk [tilespmem:v11+s0+$0x0], $0xffff  }
0x1bd: {  	v4 =	vld [tilespmem:s6+$0xFFFFFFF0]  }
0x1be: {  	[tilespmem:v12+s1+$0x0] =	vst.idx.add.f32.msk $0xffff, v7  }
.Ltmp5:
0x1bf: {  	v6 =	vld [tilespmem:s6+$0x0];
	(pc) =	sbr.rel @p1 .LBB2_12-.Ltmp5, $4  }
0x1c0: {  	v5 =	vld [tilespmem:s6+$0x10]  }
0x1c1: {  	[tilespmem:v8+s1+$0x0] =	vst.idx.add.f32.msk $0xffff, v1;
	v1 =	vmov v14  }
0x1c2: {  	[tilespmem:v13+s1+$0x0] =	vst.idx.add.f32.msk $0xffff, v11  }
0x1c3: {  	s8 =	sadd.s32 $0x50, s8;
	[tilespmem:v9+s1+$0x0] =	vst.idx.add.f32.msk $0xffff, v2;
	v2 =	vmov v10  }
0x1c4: {  	_ =	sdelay $0x3  }
0x1c5: {  	[tilespmem:v4+s1+$0x0] =	vst.idx.add.f32.msk $0xffff, v3  }
0x1c6: {  	[tilespmem:v6+s1+$0x0] =	vst.idx.add.f32.msk $0xffff, v1  }
0x1c7: {  	[tilespmem:v5+s1+$0x0] =	vst.idx.add.f32.msk $0xffff, v2  }
0x1c8: {  	s6 =	rddreg [dreg:$0x10]  }
0x1c9: {  	[tilespmem:s25], [sflag:$0x2] =	stream.linear.gather [hbm4b:s6+s0], $0x7D0, $0x38;
	[tilespmem:$0x1F100] =	vst v63  }
0x1ca: {  	s7 =	rddreg [dreg:$0x11]  }
0x1cb: {  	[tilespmem:s26], [sflag:$0x4] =	stream.linear.gather [hbm4b:s7+s0], $0x7D0, $0x38;
	[tilespmem:$0x1F100] =	vst v63  }
0x1cc: {  	_ =	swait.ge [sflag:s2], $0x7D0  }
0x1cd: {  	[sflag:s2] =	ssyncset.done $0x0  }
0x1ce: {  	[sflag:s2] =	ssyncadd.s32 $0xFFFFF830  }
0x1cf: {  	_ =	swait.ge [sflag:s3], $0x7D0  }
0x1d0: {  	[sflag:s3] =	ssyncset.done $0x0  }
0x1d1: {  	s8 =	simm.s32 $0x1C020;
	[sflag:s3] =	ssyncadd.s32 $0xFFFFF830  }
0x1d2: {  	v1 =	vld [tilespmem:s8+$0x20]  }
0x1d3: {  	v2 =	vld [tilespmem:s8+$0xFFFFFFF0]  }
0x1d4: {  	v4 =	vld [tilespmem:s8+$0x0]  }
0x1d5: {  	v5 =	vld [tilespmem:s8+$0x10]  }
0x1d6: {  	v6 =	vld [tilespmem:s8+$0xFFFFFFE0]  }
0x1d7: {  	s6 =	simm.s32 $0x1D020  }
0x1d8: {  	v7 =	vld [tilespmem:s6+$0x20]  }
0x1d9: {  	v8 =	vld [tilespmem:s6+$0xFFFFFFE0]  }
0x1da: {  	v9 =	vld.idx.msk [tilespmem:v1+s0+$0x0], $0xffff  }
0x1db: {  	v3 =	vld.idx.msk [tilespmem:v2+s0+$0x0], $0xffff  }
0x1dc: {  	v1 =	vld.idx.msk [tilespmem:v4+s0+$0x0], $0xffff  }
0x1dd: {  	v2 =	vld.idx.msk [tilespmem:v5+s0+$0x0], $0xffff  }
0x1de: {  	v10 =	vld.idx.msk [tilespmem:v6+s0+$0x0], $0xffff  }
0x1df: {  	v6 =	vld [tilespmem:s6+$0x0]  }
0x1e0: {  	v5 =	vld [tilespmem:s6+$0x10]  }
0x1e1: {  	v4 =	vld [tilespmem:s6+$0xFFFFFFF0]  }
0x1e2: {  	[tilespmem:v7+s1+$0x0] =	vst.idx.add.f32.msk $0xffff, v9  }
0x1e3: {  	s7 =	simm.s32 $0x0;
	s8 =	simm.s32 $0x1C070;
	[tilespmem:v8+s1+$0x0] =	vst.idx.add.f32.msk $0xffff, v10  }
.LBB2_14:
0x1e4: {  	v7 =	vld [tilespmem:s8+$0x20];
	s7 =	sadd.s32 $0x5, s7;
	v8 =	vmov v6  }
0x1e5: {  	v6 =	vld [tilespmem:s8+$0xFFFFFFF0];
	p1 =	slt.u32 s7, $0x78;
	v9 =	vmov v5  }
0x1e6: {  	v5 =	vld [tilespmem:s8+$0x0]  }
0x1e7: {  	v10 =	vld [tilespmem:s8+$0x10]  }
0x1e8: {  	v11 =	vld [tilespmem:s8+$0xFFFFFFE0]  }
0x1e9: {  	s6 =	sadd.s32 $0x50, s6;
	[tilespmem:v4+s1+$0x0] =	vst.idx.add.f32.msk $0xffff, v3  }
0x1ea: {  	v12 =	vld [tilespmem:s6+$0x20]  }
0x1eb: {  	v13 =	vld [tilespmem:s6+$0xFFFFFFE0]  }
0x1ec: {  	v7 =	vld.idx.msk [tilespmem:v7+s0+$0x0], $0xffff  }
0x1ed: {  	v3 =	vld.idx.msk [tilespmem:v6+s0+$0x0], $0xffff  }
0x1ee: {  	v14 =	vld.idx.msk [tilespmem:v5+s0+$0x0], $0xffff  }
0x1ef: {  	v10 =	vld.idx.msk [tilespmem:v10+s0+$0x0], $0xffff  }
0x1f0: {  	v11 =	vld.idx.msk [tilespmem:v11+s0+$0x0], $0xffff  }
0x1f1: {  	v4 =	vld [tilespmem:s6+$0xFFFFFFF0]  }
0x1f2: {  	[tilespmem:v12+s1+$0x0] =	vst.idx.add.f32.msk $0xffff, v7  }
.Ltmp6:
0x1f3: {  	v6 =	vld [tilespmem:s6+$0x0];
	(pc) =	sbr.rel @p1 .LBB2_14-.Ltmp6, $4  }
0x1f4: {  	v5 =	vld [tilespmem:s6+$0x10]  }
0x1f5: {  	[tilespmem:v8+s1+$0x0] =	vst.idx.add.f32.msk $0xffff, v1;
	v1 =	vmov v14  }
0x1f6: {  	[tilespmem:v13+s1+$0x0] =	vst.idx.add.f32.msk $0xffff, v11  }
0x1f7: {  	s8 =	sadd.s32 $0x50, s8;
	[tilespmem:v9+s1+$0x0] =	vst.idx.add.f32.msk $0xffff, v2;
	v2 =	vmov v10  }
0x1f8: {  	_ =	sdelay $0x3  }
0x1f9: {  	[tilespmem:v4+s1+$0x0] =	vst.idx.add.f32.msk $0xffff, v3  }
0x1fa: {  	[tilespmem:v6+s1+$0x0] =	vst.idx.add.f32.msk $0xffff, v1  }
0x1fb: {  	[tilespmem:v5+s1+$0x0] =	vst.idx.add.f32.msk $0xffff, v2  }
0x1fc: {  	s6 =	rddreg [dreg:$0x12]  }
0x1fd: {  	[tilespmem:s28], [sflag:$0x3] =	stream.linear.gather [hbm4b:s6+s0], $0x7D0, $0x38;
	[tilespmem:$0x1F100] =	vst v63  }
0x1fe: {  	s7 =	rddreg [dreg:$0x13]  }
0x1ff: {  	[tilespmem:s21], [sflag:$0x5] =	stream.linear.gather [hbm4b:s7+s0], $0x7D0, $0x38;
	[tilespmem:$0x1F100] =	vst v63  }
0x200: {  	_ =	swait.ge [sflag:s30], $0x7D0  }
0x201: {  	[sflag:s30] =	ssyncset.done $0x0  }
0x202: {  	[sflag:s30] =	ssyncadd.s32 $0xFFFFF830  }
0x203: {  	_ =	swait.ge [sflag:s31], $0x7D0  }
0x204: {  	[sflag:s31] =	ssyncset.done $0x0  }
0x205: {  	s8 =	simm.s32 $0x1B820;
	[sflag:s31] =	ssyncadd.s32 $0xFFFFF830  }
0x206: {  	v1 =	vld [tilespmem:s8+$0x20]  }
0x207: {  	v2 =	vld [tilespmem:s8+$0xFFFFFFF0]  }
0x208: {  	v4 =	vld [tilespmem:s8+$0x0]  }
0x209: {  	v5 =	vld [tilespmem:s8+$0x10]  }
0x20a: {  	v6 =	vld [tilespmem:s8+$0xFFFFFFE0]  }
0x20b: {  	s6 =	simm.s32 $0x1C820  }
0x20c: {  	v7 =	vld [tilespmem:s6+$0x20]  }
0x20d: {  	v8 =	vld [tilespmem:s6+$0xFFFFFFE0]  }
0x20e: {  	v9 =	vld.idx.msk [tilespmem:v1+s0+$0x0], $0xffff  }
0x20f: {  	v3 =	vld.idx.msk [tilespmem:v2+s0+$0x0], $0xffff  }
0x210: {  	v1 =	vld.idx.msk [tilespmem:v4+s0+$0x0], $0xffff  }
0x211: {  	v2 =	vld.idx.msk [tilespmem:v5+s0+$0x0], $0xffff  }
0x212: {  	v10 =	vld.idx.msk [tilespmem:v6+s0+$0x0], $0xffff  }
0x213: {  	v6 =	vld [tilespmem:s6+$0x0]  }
0x214: {  	v5 =	vld [tilespmem:s6+$0x10]  }
0x215: {  	v4 =	vld [tilespmem:s6+$0xFFFFFFF0]  }
0x216: {  	[tilespmem:v7+s1+$0x0] =	vst.idx.add.f32.msk $0xffff, v9  }
0x217: {  	s7 =	simm.s32 $0x0;
	s8 =	simm.s32 $0x1B870;
	[tilespmem:v8+s1+$0x0] =	vst.idx.add.f32.msk $0xffff, v10  }
.LBB2_16:
0x218: {  	v7 =	vld [tilespmem:s8+$0x20];
	s7 =	sadd.s32 $0x5, s7;
	v8 =	vmov v6  }
0x219: {  	v6 =	vld [tilespmem:s8+$0xFFFFFFF0];
	p1 =	slt.u32 s7, $0x78;
	v9 =	vmov v5  }
0x21a: {  	v5 =	vld [tilespmem:s8+$0x0]  }
0x21b: {  	v10 =	vld [tilespmem:s8+$0x10]  }
0x21c: {  	v11 =	vld [tilespmem:s8+$0xFFFFFFE0]  }
0x21d: {  	s6 =	sadd.s32 $0x50, s6;
	[tilespmem:v4+s1+$0x0] =	vst.idx.add.f32.msk $0xffff, v3  }
0x21e: {  	v12 =	vld [tilespmem:s6+$0x20]  }
0x21f: {  	v13 =	vld [tilespmem:s6+$0xFFFFFFE0]  }
0x220: {  	v7 =	vld.idx.msk [tilespmem:v7+s0+$0x0], $0xffff  }
0x221: {  	v3 =	vld.idx.msk [tilespmem:v6+s0+$0x0], $0xffff  }
0x222: {  	v14 =	vld.idx.msk [tilespmem:v5+s0+$0x0], $0xffff  }
0x223: {  	v10 =	vld.idx.msk [tilespmem:v10+s0+$0x0], $0xffff  }
0x224: {  	v11 =	vld.idx.msk [tilespmem:v11+s0+$0x0], $0xffff  }
0x225: {  	v4 =	vld [tilespmem:s6+$0xFFFFFFF0]  }
0x226: {  	[tilespmem:v12+s1+$0x0] =	vst.idx.add.f32.msk $0xffff, v7  }
.Ltmp7:
0x227: {  	v6 =	vld [tilespmem:s6+$0x0];
	(pc) =	sbr.rel @p1 .LBB2_16-.Ltmp7, $4  }
0x228: {  	v5 =	vld [tilespmem:s6+$0x10]  }
0x229: {  	[tilespmem:v8+s1+$0x0] =	vst.idx.add.f32.msk $0xffff, v1;
	v1 =	vmov v14  }
0x22a: {  	[tilespmem:v13+s1+$0x0] =	vst.idx.add.f32.msk $0xffff, v11  }
0x22b: {  	s8 =	sadd.s32 $0x50, s8;
	[tilespmem:v9+s1+$0x0] =	vst.idx.add.f32.msk $0xffff, v2;
	v2 =	vmov v10  }
0x22c: {  	_ =	sdelay $0x3  }
0x22d: {  	[tilespmem:v4+s1+$0x0] =	vst.idx.add.f32.msk $0xffff, v3  }
0x22e: {  	[tilespmem:v6+s1+$0x0] =	vst.idx.add.f32.msk $0xffff, v1  }
0x22f: {  	[tilespmem:v5+s1+$0x0] =	vst.idx.add.f32.msk $0xffff, v2  }
0x230: {  	s6 =	rddreg [dreg:$0x14]  }
0x231: {  	[tilespmem:s25], [sflag:$0x2] =	stream.linear.gather [hbm4b:s6+s0], $0x7D0, $0x38;
	[tilespmem:$0x1F100] =	vst v63  }
0x232: {  	s7 =	rddreg [dreg:$0x15]  }
0x233: {  	[tilespmem:s26], [sflag:$0x4] =	stream.linear.gather [hbm4b:s7+s0], $0x7D0, $0x38;
	[tilespmem:$0x1F100] =	vst v63  }
0x234: {  	_ =	swait.ge [sflag:s2], $0x7D0  }
0x235: {  	[sflag:s2] =	ssyncset.done $0x0  }
0x236: {  	[sflag:s2] =	ssyncadd.s32 $0xFFFFF830  }
0x237: {  	_ =	swait.ge [sflag:s3], $0x7D0  }
0x238: {  	[sflag:s3] =	ssyncset.done $0x0  }
0x239: {  	s8 =	simm.s32 $0x1C020;
	[sflag:s3] =	ssyncadd.s32 $0xFFFFF830  }
0x23a: {  	v1 =	vld [tilespmem:s8+$0x20]  }
0x23b: {  	v2 =	vld [tilespmem:s8+$0xFFFFFFF0]  }
0x23c: {  	v4 =	vld [tilespmem:s8+$0x0]  }
0x23d: {  	v5 =	vld [tilespmem:s8+$0x10]  }
0x23e: {  	v6 =	vld [tilespmem:s8+$0xFFFFFFE0]  }
0x23f: {  	s6 =	simm.s32 $0x1D020  }
0x240: {  	v7 =	vld [tilespmem:s6+$0x20]  }
0x241: {  	v8 =	vld [tilespmem:s6+$0xFFFFFFE0]  }
0x242: {  	v9 =	vld.idx.msk [tilespmem:v1+s0+$0x0], $0xffff  }
0x243: {  	v3 =	vld.idx.msk [tilespmem:v2+s0+$0x0], $0xffff  }
0x244: {  	v1 =	vld.idx.msk [tilespmem:v4+s0+$0x0], $0xffff  }
0x245: {  	v2 =	vld.idx.msk [tilespmem:v5+s0+$0x0], $0xffff  }
0x246: {  	v10 =	vld.idx.msk [tilespmem:v6+s0+$0x0], $0xffff  }
0x247: {  	v6 =	vld [tilespmem:s6+$0x0]  }
0x248: {  	v5 =	vld [tilespmem:s6+$0x10]  }
0x249: {  	v4 =	vld [tilespmem:s6+$0xFFFFFFF0]  }
0x24a: {  	[tilespmem:v7+s1+$0x0] =	vst.idx.add.f32.msk $0xffff, v9  }
0x24b: {  	s7 =	simm.s32 $0x0;
	s8 =	simm.s32 $0x1C070;
	[tilespmem:v8+s1+$0x0] =	vst.idx.add.f32.msk $0xffff, v10  }
.LBB2_18:
0x24c: {  	v7 =	vld [tilespmem:s8+$0x20];
	s7 =	sadd.s32 $0x5, s7;
	v8 =	vmov v6  }
0x24d: {  	v6 =	vld [tilespmem:s8+$0xFFFFFFF0];
	p1 =	slt.u32 s7, $0x78;
	v9 =	vmov v5  }
0x24e: {  	v5 =	vld [tilespmem:s8+$0x0]  }
0x24f: {  	v10 =	vld [tilespmem:s8+$0x10]  }
0x250: {  	v11 =	vld [tilespmem:s8+$0xFFFFFFE0]  }
0x251: {  	s6 =	sadd.s32 $0x50, s6;
	[tilespmem:v4+s1+$0x0] =	vst.idx.add.f32.msk $0xffff, v3  }
0x252: {  	v12 =	vld [tilespmem:s6+$0x20]  }
0x253: {  	v13 =	vld [tilespmem:s6+$0xFFFFFFE0]  }
0x254: {  	v7 =	vld.idx.msk [tilespmem:v7+s0+$0x0], $0xffff  }
0x255: {  	v3 =	vld.idx.msk [tilespmem:v6+s0+$0x0], $0xffff  }
0x256: {  	v14 =	vld.idx.msk [tilespmem:v5+s0+$0x0], $0xffff  }
0x257: {  	v10 =	vld.idx.msk [tilespmem:v10+s0+$0x0], $0xffff  }
0x258: {  	v11 =	vld.idx.msk [tilespmem:v11+s0+$0x0], $0xffff  }
0x259: {  	v4 =	vld [tilespmem:s6+$0xFFFFFFF0]  }
0x25a: {  	[tilespmem:v12+s1+$0x0] =	vst.idx.add.f32.msk $0xffff, v7  }
.Ltmp8:
0x25b: {  	v6 =	vld [tilespmem:s6+$0x0];
	(pc) =	sbr.rel @p1 .LBB2_18-.Ltmp8, $4  }
0x25c: {  	v5 =	vld [tilespmem:s6+$0x10]  }
0x25d: {  	[tilespmem:v8+s1+$0x0] =	vst.idx.add.f32.msk $0xffff, v1;
	v1 =	vmov v14  }
0x25e: {  	[tilespmem:v13+s1+$0x0] =	vst.idx.add.f32.msk $0xffff, v11  }
0x25f: {  	s8 =	sadd.s32 $0x50, s8;
	[tilespmem:v9+s1+$0x0] =	vst.idx.add.f32.msk $0xffff, v2;
	v2 =	vmov v10  }
0x260: {  	_ =	sdelay $0x3  }
0x261: {  	[tilespmem:v4+s1+$0x0] =	vst.idx.add.f32.msk $0xffff, v3  }
0x262: {  	[tilespmem:v6+s1+$0x0] =	vst.idx.add.f32.msk $0xffff, v1  }
0x263: {  	[tilespmem:v5+s1+$0x0] =	vst.idx.add.f32.msk $0xffff, v2  }
0x264: {  	s6 =	rddreg [dreg:$0x16]  }
0x265: {  	[tilespmem:s28], [sflag:$0x3] =	stream.linear.gather [hbm4b:s6+s0], $0x7D0, $0x38;
	[tilespmem:$0x1F100] =	vst v63  }
0x266: {  	s7 =	rddreg [dreg:$0x17]  }
0x267: {  	[tilespmem:s21], [sflag:$0x5] =	stream.linear.gather [hbm4b:s7+s0], $0x7D0, $0x38;
	[tilespmem:$0x1F100] =	vst v63  }
0x268: {  	_ =	swait.ge [sflag:s30], $0x7D0  }
0x269: {  	[sflag:s30] =	ssyncset.done $0x0  }
0x26a: {  	[sflag:s30] =	ssyncadd.s32 $0xFFFFF830  }
0x26b: {  	_ =	swait.ge [sflag:s31], $0x7D0  }
0x26c: {  	[sflag:s31] =	ssyncset.done $0x0  }
0x26d: {  	s8 =	simm.s32 $0x1B820;
	[sflag:s31] =	ssyncadd.s32 $0xFFFFF830  }
0x26e: {  	v1 =	vld [tilespmem:s8+$0x20]  }
0x26f: {  	v2 =	vld [tilespmem:s8+$0xFFFFFFF0]  }
0x270: {  	v4 =	vld [tilespmem:s8+$0x0]  }
0x271: {  	v5 =	vld [tilespmem:s8+$0x10]  }
0x272: {  	v6 =	vld [tilespmem:s8+$0xFFFFFFE0]  }
0x273: {  	s6 =	simm.s32 $0x1C820  }
0x274: {  	v7 =	vld [tilespmem:s6+$0x20]  }
0x275: {  	v8 =	vld [tilespmem:s6+$0xFFFFFFE0]  }
0x276: {  	v9 =	vld.idx.msk [tilespmem:v1+s0+$0x0], $0xffff  }
0x277: {  	v3 =	vld.idx.msk [tilespmem:v2+s0+$0x0], $0xffff  }
0x278: {  	v1 =	vld.idx.msk [tilespmem:v4+s0+$0x0], $0xffff  }
0x279: {  	v2 =	vld.idx.msk [tilespmem:v5+s0+$0x0], $0xffff  }
0x27a: {  	v10 =	vld.idx.msk [tilespmem:v6+s0+$0x0], $0xffff  }
0x27b: {  	v6 =	vld [tilespmem:s6+$0x0]  }
0x27c: {  	v5 =	vld [tilespmem:s6+$0x10]  }
0x27d: {  	v4 =	vld [tilespmem:s6+$0xFFFFFFF0]  }
0x27e: {  	[tilespmem:v7+s1+$0x0] =	vst.idx.add.f32.msk $0xffff, v9  }
0x27f: {  	s7 =	simm.s32 $0x0;
	s8 =	simm.s32 $0x1B870;
	[tilespmem:v8+s1+$0x0] =	vst.idx.add.f32.msk $0xffff, v10  }
.LBB2_20:
0x280: {  	v7 =	vld [tilespmem:s8+$0x20];
	s7 =	sadd.s32 $0x5, s7;
	v8 =	vmov v6  }
0x281: {  	v6 =	vld [tilespmem:s8+$0xFFFFFFF0];
	p1 =	slt.u32 s7, $0x78;
	v9 =	vmov v5  }
0x282: {  	v5 =	vld [tilespmem:s8+$0x0]  }
0x283: {  	v10 =	vld [tilespmem:s8+$0x10]  }
0x284: {  	v11 =	vld [tilespmem:s8+$0xFFFFFFE0]  }
0x285: {  	s6 =	sadd.s32 $0x50, s6;
	[tilespmem:v4+s1+$0x0] =	vst.idx.add.f32.msk $0xffff, v3  }
0x286: {  	v12 =	vld [tilespmem:s6+$0x20]  }
0x287: {  	v13 =	vld [tilespmem:s6+$0xFFFFFFE0]  }
0x288: {  	v7 =	vld.idx.msk [tilespmem:v7+s0+$0x0], $0xffff  }
0x289: {  	v3 =	vld.idx.msk [tilespmem:v6+s0+$0x0], $0xffff  }
0x28a: {  	v14 =	vld.idx.msk [tilespmem:v5+s0+$0x0], $0xffff  }
0x28b: {  	v10 =	vld.idx.msk [tilespmem:v10+s0+$0x0], $0xffff  }
0x28c: {  	v11 =	vld.idx.msk [tilespmem:v11+s0+$0x0], $0xffff  }
0x28d: {  	v4 =	vld [tilespmem:s6+$0xFFFFFFF0]  }
0x28e: {  	[tilespmem:v12+s1+$0x0] =	vst.idx.add.f32.msk $0xffff, v7  }
.Ltmp9:
0x28f: {  	v6 =	vld [tilespmem:s6+$0x0];
	(pc) =	sbr.rel @p1 .LBB2_20-.Ltmp9, $4  }
0x290: {  	v5 =	vld [tilespmem:s6+$0x10]  }
0x291: {  	[tilespmem:v8+s1+$0x0] =	vst.idx.add.f32.msk $0xffff, v1;
	v1 =	vmov v14  }
0x292: {  	[tilespmem:v13+s1+$0x0] =	vst.idx.add.f32.msk $0xffff, v11  }
0x293: {  	s8 =	sadd.s32 $0x50, s8;
	[tilespmem:v9+s1+$0x0] =	vst.idx.add.f32.msk $0xffff, v2;
	v2 =	vmov v10  }
0x294: {  	_ =	sdelay $0x3  }
0x295: {  	[tilespmem:v4+s1+$0x0] =	vst.idx.add.f32.msk $0xffff, v3  }
0x296: {  	[tilespmem:v6+s1+$0x0] =	vst.idx.add.f32.msk $0xffff, v1  }
0x297: {  	[tilespmem:v5+s1+$0x0] =	vst.idx.add.f32.msk $0xffff, v2  }
0x298: {  	s6 =	rddreg [dreg:$0x18]  }
0x299: {  	[tilespmem:s25], [sflag:$0x2] =	stream.linear.gather [hbm4b:s6+s0], $0x7D0, $0x38;
	[tilespmem:$0x1F100] =	vst v63  }
0x29a: {  	s7 =	rddreg [dreg:$0x19]  }
0x29b: {  	[tilespmem:s26], [sflag:$0x4] =	stream.linear.gather [hbm4b:s7+s0], $0x7D0, $0x38;
	[tilespmem:$0x1F100] =	vst v63  }
0x29c: {  	_ =	swait.ge [sflag:s2], $0x7D0  }
0x29d: {  	[sflag:s2] =	ssyncset.done $0x0  }
0x29e: {  	[sflag:s2] =	ssyncadd.s32 $0xFFFFF830  }
0x29f: {  	_ =	swait.ge [sflag:s3], $0x7D0  }
0x2a0: {  	[sflag:s3] =	ssyncset.done $0x0  }
0x2a1: {  	s8 =	simm.s32 $0x1C020;
	[sflag:s3] =	ssyncadd.s32 $0xFFFFF830  }
0x2a2: {  	v1 =	vld [tilespmem:s8+$0x20]  }
0x2a3: {  	v2 =	vld [tilespmem:s8+$0xFFFFFFF0]  }
0x2a4: {  	v4 =	vld [tilespmem:s8+$0x0]  }
0x2a5: {  	v5 =	vld [tilespmem:s8+$0x10]  }
0x2a6: {  	v6 =	vld [tilespmem:s8+$0xFFFFFFE0]  }
0x2a7: {  	s6 =	simm.s32 $0x1D020  }
0x2a8: {  	v7 =	vld [tilespmem:s6+$0x20]  }
0x2a9: {  	v8 =	vld [tilespmem:s6+$0xFFFFFFE0]  }
0x2aa: {  	v9 =	vld.idx.msk [tilespmem:v1+s0+$0x0], $0xffff  }
0x2ab: {  	v3 =	vld.idx.msk [tilespmem:v2+s0+$0x0], $0xffff  }
0x2ac: {  	v1 =	vld.idx.msk [tilespmem:v4+s0+$0x0], $0xffff  }
0x2ad: {  	v2 =	vld.idx.msk [tilespmem:v5+s0+$0x0], $0xffff  }
0x2ae: {  	v10 =	vld.idx.msk [tilespmem:v6+s0+$0x0], $0xffff  }
0x2af: {  	v6 =	vld [tilespmem:s6+$0x0]  }
0x2b0: {  	v5 =	vld [tilespmem:s6+$0x10]  }
0x2b1: {  	v4 =	vld [tilespmem:s6+$0xFFFFFFF0]  }
0x2b2: {  	[tilespmem:v7+s1+$0x0] =	vst.idx.add.f32.msk $0xffff, v9  }
0x2b3: {  	s7 =	simm.s32 $0x0;
	s8 =	simm.s32 $0x1C070;
	[tilespmem:v8+s1+$0x0] =	vst.idx.add.f32.msk $0xffff, v10  }
.LBB2_22:
0x2b4: {  	v7 =	vld [tilespmem:s8+$0x20];
	s7 =	sadd.s32 $0x5, s7;
	v8 =	vmov v6  }
0x2b5: {  	v6 =	vld [tilespmem:s8+$0xFFFFFFF0];
	p1 =	slt.u32 s7, $0x78;
	v9 =	vmov v5  }
0x2b6: {  	v5 =	vld [tilespmem:s8+$0x0]  }
0x2b7: {  	v10 =	vld [tilespmem:s8+$0x10]  }
0x2b8: {  	v11 =	vld [tilespmem:s8+$0xFFFFFFE0]  }
0x2b9: {  	s6 =	sadd.s32 $0x50, s6;
	[tilespmem:v4+s1+$0x0] =	vst.idx.add.f32.msk $0xffff, v3  }
0x2ba: {  	v12 =	vld [tilespmem:s6+$0x20]  }
0x2bb: {  	v13 =	vld [tilespmem:s6+$0xFFFFFFE0]  }
0x2bc: {  	v7 =	vld.idx.msk [tilespmem:v7+s0+$0x0], $0xffff  }
0x2bd: {  	v3 =	vld.idx.msk [tilespmem:v6+s0+$0x0], $0xffff  }
0x2be: {  	v14 =	vld.idx.msk [tilespmem:v5+s0+$0x0], $0xffff  }
0x2bf: {  	v10 =	vld.idx.msk [tilespmem:v10+s0+$0x0], $0xffff  }
0x2c0: {  	v11 =	vld.idx.msk [tilespmem:v11+s0+$0x0], $0xffff  }
0x2c1: {  	v4 =	vld [tilespmem:s6+$0xFFFFFFF0]  }
0x2c2: {  	[tilespmem:v12+s1+$0x0] =	vst.idx.add.f32.msk $0xffff, v7  }
.Ltmp10:
0x2c3: {  	v6 =	vld [tilespmem:s6+$0x0];
	(pc) =	sbr.rel @p1 .LBB2_22-.Ltmp10, $4  }
0x2c4: {  	v5 =	vld [tilespmem:s6+$0x10]  }
0x2c5: {  	[tilespmem:v8+s1+$0x0] =	vst.idx.add.f32.msk $0xffff, v1;
	v1 =	vmov v14  }
0x2c6: {  	[tilespmem:v13+s1+$0x0] =	vst.idx.add.f32.msk $0xffff, v11  }
0x2c7: {  	s8 =	sadd.s32 $0x50, s8;
	[tilespmem:v9+s1+$0x0] =	vst.idx.add.f32.msk $0xffff, v2;
	v2 =	vmov v10  }
0x2c8: {  	_ =	sdelay $0x3  }
0x2c9: {  	[tilespmem:v4+s1+$0x0] =	vst.idx.add.f32.msk $0xffff, v3  }
0x2ca: {  	[tilespmem:v6+s1+$0x0] =	vst.idx.add.f32.msk $0xffff, v1  }
0x2cb: {  	[tilespmem:v5+s1+$0x0] =	vst.idx.add.f32.msk $0xffff, v2  }
0x2cc: {  	s6 =	rddreg [dreg:$0x1a]  }
0x2cd: {  	[tilespmem:s28], [sflag:$0x3] =	stream.linear.gather [hbm4b:s6+s0], $0x7D0, $0x38;
	[tilespmem:$0x1F100] =	vst v63  }
0x2ce: {  	s7 =	rddreg [dreg:$0x1b]  }
0x2cf: {  	[tilespmem:s21], [sflag:$0x5] =	stream.linear.gather [hbm4b:s7+s0], $0x7D0, $0x38;
	[tilespmem:$0x1F100] =	vst v63  }
0x2d0: {  	_ =	swait.ge [sflag:s30], $0x7D0  }
0x2d1: {  	[sflag:s30] =	ssyncset.done $0x0  }
0x2d2: {  	[sflag:s30] =	ssyncadd.s32 $0xFFFFF830  }
0x2d3: {  	_ =	swait.ge [sflag:s31], $0x7D0  }
0x2d4: {  	[sflag:s31] =	ssyncset.done $0x0  }
0x2d5: {  	s8 =	simm.s32 $0x1B820;
	[sflag:s31] =	ssyncadd.s32 $0xFFFFF830  }
0x2d6: {  	v1 =	vld [tilespmem:s8+$0x20]  }
0x2d7: {  	v2 =	vld [tilespmem:s8+$0xFFFFFFF0]  }
0x2d8: {  	v4 =	vld [tilespmem:s8+$0x0]  }
0x2d9: {  	v5 =	vld [tilespmem:s8+$0x10]  }
0x2da: {  	v6 =	vld [tilespmem:s8+$0xFFFFFFE0]  }
0x2db: {  	s6 =	simm.s32 $0x1C820  }
0x2dc: {  	v7 =	vld [tilespmem:s6+$0x20]  }
0x2dd: {  	v8 =	vld [tilespmem:s6+$0xFFFFFFE0]  }
0x2de: {  	v9 =	vld.idx.msk [tilespmem:v1+s0+$0x0], $0xffff  }
0x2df: {  	v3 =	vld.idx.msk [tilespmem:v2+s0+$0x0], $0xffff  }
0x2e0: {  	v1 =	vld.idx.msk [tilespmem:v4+s0+$0x0], $0xffff  }
0x2e1: {  	v2 =	vld.idx.msk [tilespmem:v5+s0+$0x0], $0xffff  }
0x2e2: {  	v10 =	vld.idx.msk [tilespmem:v6+s0+$0x0], $0xffff  }
0x2e3: {  	v6 =	vld [tilespmem:s6+$0x0]  }
0x2e4: {  	v5 =	vld [tilespmem:s6+$0x10]  }
0x2e5: {  	v4 =	vld [tilespmem:s6+$0xFFFFFFF0]  }
0x2e6: {  	[tilespmem:v7+s1+$0x0] =	vst.idx.add.f32.msk $0xffff, v9  }
0x2e7: {  	s7 =	simm.s32 $0x0;
	s8 =	simm.s32 $0x1B870;
	[tilespmem:v8+s1+$0x0] =	vst.idx.add.f32.msk $0xffff, v10  }
.LBB2_24:
0x2e8: {  	v7 =	vld [tilespmem:s8+$0x20];
	s7 =	sadd.s32 $0x5, s7;
	v8 =	vmov v6  }
0x2e9: {  	v6 =	vld [tilespmem:s8+$0xFFFFFFF0];
	p1 =	slt.u32 s7, $0x78;
	v9 =	vmov v5  }
0x2ea: {  	v5 =	vld [tilespmem:s8+$0x0]  }
0x2eb: {  	v10 =	vld [tilespmem:s8+$0x10]  }
0x2ec: {  	v11 =	vld [tilespmem:s8+$0xFFFFFFE0]  }
0x2ed: {  	s6 =	sadd.s32 $0x50, s6;
	[tilespmem:v4+s1+$0x0] =	vst.idx.add.f32.msk $0xffff, v3  }
0x2ee: {  	v12 =	vld [tilespmem:s6+$0x20]  }
0x2ef: {  	v13 =	vld [tilespmem:s6+$0xFFFFFFE0]  }
0x2f0: {  	v7 =	vld.idx.msk [tilespmem:v7+s0+$0x0], $0xffff  }
0x2f1: {  	v3 =	vld.idx.msk [tilespmem:v6+s0+$0x0], $0xffff  }
0x2f2: {  	v14 =	vld.idx.msk [tilespmem:v5+s0+$0x0], $0xffff  }
0x2f3: {  	v10 =	vld.idx.msk [tilespmem:v10+s0+$0x0], $0xffff  }
0x2f4: {  	v11 =	vld.idx.msk [tilespmem:v11+s0+$0x0], $0xffff  }
0x2f5: {  	v4 =	vld [tilespmem:s6+$0xFFFFFFF0]  }
0x2f6: {  	[tilespmem:v12+s1+$0x0] =	vst.idx.add.f32.msk $0xffff, v7  }
.Ltmp11:
0x2f7: {  	v6 =	vld [tilespmem:s6+$0x0];
	(pc) =	sbr.rel @p1 .LBB2_24-.Ltmp11, $4  }
0x2f8: {  	v5 =	vld [tilespmem:s6+$0x10]  }
0x2f9: {  	[tilespmem:v8+s1+$0x0] =	vst.idx.add.f32.msk $0xffff, v1;
	v1 =	vmov v14  }
0x2fa: {  	[tilespmem:v13+s1+$0x0] =	vst.idx.add.f32.msk $0xffff, v11  }
0x2fb: {  	s8 =	sadd.s32 $0x50, s8;
	[tilespmem:v9+s1+$0x0] =	vst.idx.add.f32.msk $0xffff, v2;
	v2 =	vmov v10  }
0x2fc: {  	_ =	sdelay $0x3  }
0x2fd: {  	[tilespmem:v4+s1+$0x0] =	vst.idx.add.f32.msk $0xffff, v3  }
0x2fe: {  	[tilespmem:v6+s1+$0x0] =	vst.idx.add.f32.msk $0xffff, v1  }
0x2ff: {  	[tilespmem:v5+s1+$0x0] =	vst.idx.add.f32.msk $0xffff, v2  }
0x300: {  	s6 =	rddreg [dreg:$0x1c]  }
0x301: {  	[tilespmem:s25], [sflag:$0x2] =	stream.linear.gather [hbm4b:s6+s0], $0x7D0, $0x38;
	[tilespmem:$0x1F100] =	vst v63  }
0x302: {  	s7 =	rddreg [dreg:$0x1d]  }
0x303: {  	[tilespmem:s26], [sflag:$0x4] =	stream.linear.gather [hbm4b:s7+s0], $0x7D0, $0x38;
	[tilespmem:$0x1F100] =	vst v63  }
0x304: {  	_ =	swait.ge [sflag:s2], $0x7D0  }
0x305: {  	[sflag:s2] =	ssyncset.done $0x0  }
0x306: {  	[sflag:s2] =	ssyncadd.s32 $0xFFFFF830  }
0x307: {  	_ =	swait.ge [sflag:s3], $0x7D0  }
0x308: {  	[sflag:s3] =	ssyncset.done $0x0  }
0x309: {  	s8 =	simm.s32 $0x1C020;
	[sflag:s3] =	ssyncadd.s32 $0xFFFFF830  }
0x30a: {  	v1 =	vld [tilespmem:s8+$0x20]  }
0x30b: {  	v2 =	vld [tilespmem:s8+$0xFFFFFFF0]  }
0x30c: {  	v4 =	vld [tilespmem:s8+$0x0]  }
0x30d: {  	v5 =	vld [tilespmem:s8+$0x10]  }
0x30e: {  	v6 =	vld [tilespmem:s8+$0xFFFFFFE0]  }
0x30f: {  	s6 =	simm.s32 $0x1D020  }
0x310: {  	v7 =	vld [tilespmem:s6+$0x20]  }
0x311: {  	v8 =	vld [tilespmem:s6+$0xFFFFFFE0]  }
0x312: {  	v9 =	vld.idx.msk [tilespmem:v1+s0+$0x0], $0xffff  }
0x313: {  	v3 =	vld.idx.msk [tilespmem:v2+s0+$0x0], $0xffff  }
0x314: {  	v1 =	vld.idx.msk [tilespmem:v4+s0+$0x0], $0xffff  }
0x315: {  	v2 =	vld.idx.msk [tilespmem:v5+s0+$0x0], $0xffff  }
0x316: {  	v10 =	vld.idx.msk [tilespmem:v6+s0+$0x0], $0xffff  }
0x317: {  	v6 =	vld [tilespmem:s6+$0x0]  }
0x318: {  	v5 =	vld [tilespmem:s6+$0x10]  }
0x319: {  	v4 =	vld [tilespmem:s6+$0xFFFFFFF0]  }
0x31a: {  	[tilespmem:v7+s1+$0x0] =	vst.idx.add.f32.msk $0xffff, v9  }
0x31b: {  	s7 =	simm.s32 $0x0;
	s8 =	simm.s32 $0x1C070;
	[tilespmem:v8+s1+$0x0] =	vst.idx.add.f32.msk $0xffff, v10  }
.LBB2_26:
0x31c: {  	v7 =	vld [tilespmem:s8+$0x20];
	s7 =	sadd.s32 $0x5, s7;
	v8 =	vmov v6  }
0x31d: {  	v6 =	vld [tilespmem:s8+$0xFFFFFFF0];
	p1 =	slt.u32 s7, $0x78;
	v9 =	vmov v5  }
0x31e: {  	v5 =	vld [tilespmem:s8+$0x0]  }
0x31f: {  	v10 =	vld [tilespmem:s8+$0x10]  }
0x320: {  	v11 =	vld [tilespmem:s8+$0xFFFFFFE0]  }
0x321: {  	s6 =	sadd.s32 $0x50, s6;
	[tilespmem:v4+s1+$0x0] =	vst.idx.add.f32.msk $0xffff, v3  }
0x322: {  	v12 =	vld [tilespmem:s6+$0x20]  }
0x323: {  	v13 =	vld [tilespmem:s6+$0xFFFFFFE0]  }
0x324: {  	v7 =	vld.idx.msk [tilespmem:v7+s0+$0x0], $0xffff  }
0x325: {  	v3 =	vld.idx.msk [tilespmem:v6+s0+$0x0], $0xffff  }
0x326: {  	v14 =	vld.idx.msk [tilespmem:v5+s0+$0x0], $0xffff  }
0x327: {  	v10 =	vld.idx.msk [tilespmem:v10+s0+$0x0], $0xffff  }
0x328: {  	v11 =	vld.idx.msk [tilespmem:v11+s0+$0x0], $0xffff  }
0x329: {  	v4 =	vld [tilespmem:s6+$0xFFFFFFF0]  }
0x32a: {  	[tilespmem:v12+s1+$0x0] =	vst.idx.add.f32.msk $0xffff, v7  }
.Ltmp12:
0x32b: {  	v6 =	vld [tilespmem:s6+$0x0];
	(pc) =	sbr.rel @p1 .LBB2_26-.Ltmp12, $4  }
0x32c: {  	v5 =	vld [tilespmem:s6+$0x10]  }
0x32d: {  	[tilespmem:v8+s1+$0x0] =	vst.idx.add.f32.msk $0xffff, v1;
	v1 =	vmov v14  }
0x32e: {  	[tilespmem:v13+s1+$0x0] =	vst.idx.add.f32.msk $0xffff, v11  }
0x32f: {  	s8 =	sadd.s32 $0x50, s8;
	[tilespmem:v9+s1+$0x0] =	vst.idx.add.f32.msk $0xffff, v2;
	v2 =	vmov v10  }
0x330: {  	_ =	sdelay $0x3  }
0x331: {  	[tilespmem:v4+s1+$0x0] =	vst.idx.add.f32.msk $0xffff, v3  }
0x332: {  	[tilespmem:v6+s1+$0x0] =	vst.idx.add.f32.msk $0xffff, v1  }
0x333: {  	[tilespmem:v5+s1+$0x0] =	vst.idx.add.f32.msk $0xffff, v2  }
0x334: {  	s6 =	rddreg [dreg:$0x1e]  }
0x335: {  	[tilespmem:s28], [sflag:$0x3] =	stream.linear.gather [hbm4b:s6+s0], $0x7D0, $0x38;
	[tilespmem:$0x1F100] =	vst v63  }
0x336: {  	s7 =	rddreg [dreg:$0x1f]  }
0x337: {  	[tilespmem:s21], [sflag:$0x5] =	stream.linear.gather [hbm4b:s7+s0], $0x7D0, $0x38;
	[tilespmem:$0x1F100] =	vst v63  }
0x338: {  	_ =	swait.ge [sflag:s30], $0x7D0  }
0x339: {  	[sflag:s30] =	ssyncset.done $0x0  }
0x33a: {  	[sflag:s30] =	ssyncadd.s32 $0xFFFFF830  }
0x33b: {  	_ =	swait.ge [sflag:s31], $0x7D0  }
0x33c: {  	[sflag:s31] =	ssyncset.done $0x0  }
0x33d: {  	s8 =	simm.s32 $0x1B820;
	[sflag:s31] =	ssyncadd.s32 $0xFFFFF830  }
0x33e: {  	v1 =	vld [tilespmem:s8+$0x20]  }
0x33f: {  	v2 =	vld [tilespmem:s8+$0xFFFFFFF0]  }
0x340: {  	v4 =	vld [tilespmem:s8+$0x0]  }
0x341: {  	v5 =	vld [tilespmem:s8+$0x10]  }
0x342: {  	v6 =	vld [tilespmem:s8+$0xFFFFFFE0]  }
0x343: {  	s6 =	simm.s32 $0x1C820  }
0x344: {  	v7 =	vld [tilespmem:s6+$0x20]  }
0x345: {  	v8 =	vld [tilespmem:s6+$0xFFFFFFE0]  }
0x346: {  	v9 =	vld.idx.msk [tilespmem:v1+s0+$0x0], $0xffff  }
0x347: {  	v3 =	vld.idx.msk [tilespmem:v2+s0+$0x0], $0xffff  }
0x348: {  	v1 =	vld.idx.msk [tilespmem:v4+s0+$0x0], $0xffff  }
0x349: {  	v2 =	vld.idx.msk [tilespmem:v5+s0+$0x0], $0xffff  }
0x34a: {  	v10 =	vld.idx.msk [tilespmem:v6+s0+$0x0], $0xffff  }
0x34b: {  	v6 =	vld [tilespmem:s6+$0x0]  }
0x34c: {  	v5 =	vld [tilespmem:s6+$0x10]  }
0x34d: {  	v4 =	vld [tilespmem:s6+$0xFFFFFFF0]  }
0x34e: {  	[tilespmem:v7+s1+$0x0] =	vst.idx.add.f32.msk $0xffff, v9  }
0x34f: {  	s7 =	simm.s32 $0x0;
	s8 =	simm.s32 $0x1B870;
	[tilespmem:v8+s1+$0x0] =	vst.idx.add.f32.msk $0xffff, v10  }
.LBB2_28:
0x350: {  	v7 =	vld [tilespmem:s8+$0x20];
	s7 =	sadd.s32 $0x5, s7;
	v8 =	vmov v6  }
0x351: {  	v6 =	vld [tilespmem:s8+$0xFFFFFFF0];
	p1 =	slt.u32 s7, $0x78;
	v9 =	vmov v5  }
0x352: {  	v5 =	vld [tilespmem:s8+$0x0]  }
0x353: {  	v10 =	vld [tilespmem:s8+$0x10]  }
0x354: {  	v11 =	vld [tilespmem:s8+$0xFFFFFFE0]  }
0x355: {  	s6 =	sadd.s32 $0x50, s6;
	[tilespmem:v4+s1+$0x0] =	vst.idx.add.f32.msk $0xffff, v3  }
0x356: {  	v12 =	vld [tilespmem:s6+$0x20]  }
0x357: {  	v13 =	vld [tilespmem:s6+$0xFFFFFFE0]  }
0x358: {  	v7 =	vld.idx.msk [tilespmem:v7+s0+$0x0], $0xffff  }
0x359: {  	v3 =	vld.idx.msk [tilespmem:v6+s0+$0x0], $0xffff  }
0x35a: {  	v14 =	vld.idx.msk [tilespmem:v5+s0+$0x0], $0xffff  }
0x35b: {  	v10 =	vld.idx.msk [tilespmem:v10+s0+$0x0], $0xffff  }
0x35c: {  	v11 =	vld.idx.msk [tilespmem:v11+s0+$0x0], $0xffff  }
0x35d: {  	v4 =	vld [tilespmem:s6+$0xFFFFFFF0]  }
0x35e: {  	[tilespmem:v12+s1+$0x0] =	vst.idx.add.f32.msk $0xffff, v7  }
.Ltmp13:
0x35f: {  	v6 =	vld [tilespmem:s6+$0x0];
	(pc) =	sbr.rel @p1 .LBB2_28-.Ltmp13, $4  }
0x360: {  	v5 =	vld [tilespmem:s6+$0x10]  }
0x361: {  	[tilespmem:v8+s1+$0x0] =	vst.idx.add.f32.msk $0xffff, v1;
	v1 =	vmov v14  }
0x362: {  	[tilespmem:v13+s1+$0x0] =	vst.idx.add.f32.msk $0xffff, v11  }
0x363: {  	s8 =	sadd.s32 $0x50, s8;
	[tilespmem:v9+s1+$0x0] =	vst.idx.add.f32.msk $0xffff, v2;
	v2 =	vmov v10  }
0x364: {  	_ =	sdelay $0x3  }
0x365: {  	[tilespmem:v4+s1+$0x0] =	vst.idx.add.f32.msk $0xffff, v3  }
0x366: {  	[tilespmem:v6+s1+$0x0] =	vst.idx.add.f32.msk $0xffff, v1  }
0x367: {  	[tilespmem:v5+s1+$0x0] =	vst.idx.add.f32.msk $0xffff, v2  }
0x368: {  	s6 =	sld [smem:$0x7F2];
	_ =	sdelay $0x1  }
0x369: {  	s7 =	sld [smem:$0x7F3]  }
0x36a: {  	[tilespmem:s25], [sflag:$0x2] =	stream.linear.gather [hbm4b:s6+s0], $0x7D0, $0x38;
	[tilespmem:$0x1F100] =	vst v63  }
0x36b: {  	_ = 	snop  }
0x36c: {  	[tilespmem:s26], [sflag:$0x4] =	stream.linear.gather [hbm4b:s7+s0], $0x7D0, $0x38;
	[tilespmem:$0x1F100] =	vst v63  }
0x36d: {  	_ =	swait.ge [sflag:s2], $0x7D0  }
0x36e: {  	[sflag:s2] =	ssyncset.done $0x0  }
0x36f: {  	[sflag:s2] =	ssyncadd.s32 $0xFFFFF830  }
0x370: {  	_ =	swait.ge [sflag:s3], $0x7D0  }
0x371: {  	[sflag:s3] =	ssyncset.done $0x0  }
0x372: {  	s8 =	simm.s32 $0x1C020;
	[sflag:s3] =	ssyncadd.s32 $0xFFFFF830  }
0x373: {  	v1 =	vld [tilespmem:s8+$0x20]  }
0x374: {  	v2 =	vld [tilespmem:s8+$0xFFFFFFF0]  }
0x375: {  	v4 =	vld [tilespmem:s8+$0x0]  }
0x376: {  	v5 =	vld [tilespmem:s8+$0x10]  }
0x377: {  	v6 =	vld [tilespmem:s8+$0xFFFFFFE0]  }
0x378: {  	s6 =	simm.s32 $0x1D020  }
0x379: {  	v7 =	vld [tilespmem:s6+$0x20]  }
0x37a: {  	v8 =	vld [tilespmem:s6+$0xFFFFFFE0]  }
0x37b: {  	v9 =	vld.idx.msk [tilespmem:v1+s0+$0x0], $0xffff  }
0x37c: {  	v3 =	vld.idx.msk [tilespmem:v2+s0+$0x0], $0xffff  }
0x37d: {  	v1 =	vld.idx.msk [tilespmem:v4+s0+$0x0], $0xffff  }
0x37e: {  	v2 =	vld.idx.msk [tilespmem:v5+s0+$0x0], $0xffff  }
0x37f: {  	v10 =	vld.idx.msk [tilespmem:v6+s0+$0x0], $0xffff  }
0x380: {  	v6 =	vld [tilespmem:s6+$0x0]  }
0x381: {  	v5 =	vld [tilespmem:s6+$0x10]  }
0x382: {  	v4 =	vld [tilespmem:s6+$0xFFFFFFF0]  }
0x383: {  	[tilespmem:v7+s1+$0x0] =	vst.idx.add.f32.msk $0xffff, v9  }
0x384: {  	s7 =	simm.s32 $0x0;
	s8 =	simm.s32 $0x1C070;
	[tilespmem:v8+s1+$0x0] =	vst.idx.add.f32.msk $0xffff, v10  }
.LBB2_30:
0x385: {  	v7 =	vld [tilespmem:s8+$0x20];
	s7 =	sadd.s32 $0x5, s7;
	v8 =	vmov v6  }
0x386: {  	v6 =	vld [tilespmem:s8+$0xFFFFFFF0];
	p1 =	slt.u32 s7, $0x78;
	v9 =	vmov v5  }
0x387: {  	v5 =	vld [tilespmem:s8+$0x0]  }
0x388: {  	v10 =	vld [tilespmem:s8+$0x10]  }
0x389: {  	v11 =	vld [tilespmem:s8+$0xFFFFFFE0]  }
0x38a: {  	s6 =	sadd.s32 $0x50, s6;
	[tilespmem:v4+s1+$0x0] =	vst.idx.add.f32.msk $0xffff, v3  }
0x38b: {  	v12 =	vld [tilespmem:s6+$0x20]  }
0x38c: {  	v13 =	vld [tilespmem:s6+$0xFFFFFFE0]  }
0x38d: {  	v7 =	vld.idx.msk [tilespmem:v7+s0+$0x0], $0xffff  }
0x38e: {  	v3 =	vld.idx.msk [tilespmem:v6+s0+$0x0], $0xffff  }
0x38f: {  	v14 =	vld.idx.msk [tilespmem:v5+s0+$0x0], $0xffff  }
0x390: {  	v10 =	vld.idx.msk [tilespmem:v10+s0+$0x0], $0xffff  }
0x391: {  	v11 =	vld.idx.msk [tilespmem:v11+s0+$0x0], $0xffff  }
0x392: {  	v4 =	vld [tilespmem:s6+$0xFFFFFFF0]  }
0x393: {  	[tilespmem:v12+s1+$0x0] =	vst.idx.add.f32.msk $0xffff, v7  }
.Ltmp14:
0x394: {  	v6 =	vld [tilespmem:s6+$0x0];
	(pc) =	sbr.rel @p1 .LBB2_30-.Ltmp14, $4  }
0x395: {  	v5 =	vld [tilespmem:s6+$0x10]  }
0x396: {  	[tilespmem:v8+s1+$0x0] =	vst.idx.add.f32.msk $0xffff, v1;
	v1 =	vmov v14  }
0x397: {  	[tilespmem:v13+s1+$0x0] =	vst.idx.add.f32.msk $0xffff, v11  }
0x398: {  	s8 =	sadd.s32 $0x50, s8;
	[tilespmem:v9+s1+$0x0] =	vst.idx.add.f32.msk $0xffff, v2;
	v2 =	vmov v10  }
0x399: {  	_ =	sdelay $0x3  }
0x39a: {  	[tilespmem:v4+s1+$0x0] =	vst.idx.add.f32.msk $0xffff, v3  }
0x39b: {  	[tilespmem:v6+s1+$0x0] =	vst.idx.add.f32.msk $0xffff, v1  }
0x39c: {  	[tilespmem:v5+s1+$0x0] =	vst.idx.add.f32.msk $0xffff, v2  }
0x39d: {  	s6 =	sld [smem:$0x7F4];
	_ =	sdelay $0x1  }
0x39e: {  	s7 =	sld [smem:$0x7F5]  }
0x39f: {  	[tilespmem:s28], [sflag:$0x3] =	stream.linear.gather [hbm4b:s6+s0], $0x7D0, $0x38;
	[tilespmem:$0x1F100] =	vst v63  }
0x3a0: {  	_ = 	snop  }
0x3a1: {  	[tilespmem:s21], [sflag:$0x5] =	stream.linear.gather [hbm4b:s7+s0], $0x7D0, $0x38;
	[tilespmem:$0x1F100] =	vst v63  }
0x3a2: {  	_ =	swait.ge [sflag:s30], $0x7D0  }
0x3a3: {  	[sflag:s30] =	ssyncset.done $0x0  }
0x3a4: {  	[sflag:s30] =	ssyncadd.s32 $0xFFFFF830  }
0x3a5: {  	_ =	swait.ge [sflag:s31], $0x7D0  }
0x3a6: {  	[sflag:s31] =	ssyncset.done $0x0  }
0x3a7: {  	s8 =	simm.s32 $0x1B820;
	[sflag:s31] =	ssyncadd.s32 $0xFFFFF830  }
0x3a8: {  	v1 =	vld [tilespmem:s8+$0x20]  }
0x3a9: {  	v2 =	vld [tilespmem:s8+$0xFFFFFFF0]  }
0x3aa: {  	v4 =	vld [tilespmem:s8+$0x0]  }
0x3ab: {  	v5 =	vld [tilespmem:s8+$0x10]  }
0x3ac: {  	v6 =	vld [tilespmem:s8+$0xFFFFFFE0]  }
0x3ad: {  	s6 =	simm.s32 $0x1C820  }
0x3ae: {  	v7 =	vld [tilespmem:s6+$0x20]  }
0x3af: {  	v8 =	vld [tilespmem:s6+$0xFFFFFFE0]  }
0x3b0: {  	v9 =	vld.idx.msk [tilespmem:v1+s0+$0x0], $0xffff  }
0x3b1: {  	v3 =	vld.idx.msk [tilespmem:v2+s0+$0x0], $0xffff  }
0x3b2: {  	v1 =	vld.idx.msk [tilespmem:v4+s0+$0x0], $0xffff  }
0x3b3: {  	v2 =	vld.idx.msk [tilespmem:v5+s0+$0x0], $0xffff  }
0x3b4: {  	v10 =	vld.idx.msk [tilespmem:v6+s0+$0x0], $0xffff  }
0x3b5: {  	v6 =	vld [tilespmem:s6+$0x0]  }
0x3b6: {  	v5 =	vld [tilespmem:s6+$0x10]  }
0x3b7: {  	v4 =	vld [tilespmem:s6+$0xFFFFFFF0]  }
0x3b8: {  	[tilespmem:v7+s1+$0x0] =	vst.idx.add.f32.msk $0xffff, v9  }
0x3b9: {  	s7 =	simm.s32 $0x0;
	s8 =	simm.s32 $0x1B870;
	[tilespmem:v8+s1+$0x0] =	vst.idx.add.f32.msk $0xffff, v10  }
.LBB2_32:
0x3ba: {  	v7 =	vld [tilespmem:s8+$0x20];
	s7 =	sadd.s32 $0x5, s7;
	v8 =	vmov v6  }
0x3bb: {  	v6 =	vld [tilespmem:s8+$0xFFFFFFF0];
	p1 =	slt.u32 s7, $0x78;
	v9 =	vmov v5  }
0x3bc: {  	v5 =	vld [tilespmem:s8+$0x0]  }
0x3bd: {  	v10 =	vld [tilespmem:s8+$0x10]  }
0x3be: {  	v11 =	vld [tilespmem:s8+$0xFFFFFFE0]  }
0x3bf: {  	s6 =	sadd.s32 $0x50, s6;
	[tilespmem:v4+s1+$0x0] =	vst.idx.add.f32.msk $0xffff, v3  }
0x3c0: {  	v12 =	vld [tilespmem:s6+$0x20]  }
0x3c1: {  	v13 =	vld [tilespmem:s6+$0xFFFFFFE0]  }
0x3c2: {  	v7 =	vld.idx.msk [tilespmem:v7+s0+$0x0], $0xffff  }
0x3c3: {  	v3 =	vld.idx.msk [tilespmem:v6+s0+$0x0], $0xffff  }
0x3c4: {  	v14 =	vld.idx.msk [tilespmem:v5+s0+$0x0], $0xffff  }
0x3c5: {  	v10 =	vld.idx.msk [tilespmem:v10+s0+$0x0], $0xffff  }
0x3c6: {  	v11 =	vld.idx.msk [tilespmem:v11+s0+$0x0], $0xffff  }
0x3c7: {  	v4 =	vld [tilespmem:s6+$0xFFFFFFF0]  }
0x3c8: {  	[tilespmem:v12+s1+$0x0] =	vst.idx.add.f32.msk $0xffff, v7  }
.Ltmp15:
0x3c9: {  	v6 =	vld [tilespmem:s6+$0x0];
	(pc) =	sbr.rel @p1 .LBB2_32-.Ltmp15, $4  }
0x3ca: {  	v5 =	vld [tilespmem:s6+$0x10]  }
0x3cb: {  	[tilespmem:v8+s1+$0x0] =	vst.idx.add.f32.msk $0xffff, v1;
	v1 =	vmov v14  }
0x3cc: {  	[tilespmem:v13+s1+$0x0] =	vst.idx.add.f32.msk $0xffff, v11  }
0x3cd: {  	s8 =	sadd.s32 $0x50, s8;
	[tilespmem:v9+s1+$0x0] =	vst.idx.add.f32.msk $0xffff, v2;
	v2 =	vmov v10  }
0x3ce: {  	_ =	sdelay $0x3  }
0x3cf: {  	[tilespmem:v4+s1+$0x0] =	vst.idx.add.f32.msk $0xffff, v3  }
0x3d0: {  	[tilespmem:v6+s1+$0x0] =	vst.idx.add.f32.msk $0xffff, v1  }
0x3d1: {  	[tilespmem:v5+s1+$0x0] =	vst.idx.add.f32.msk $0xffff, v2  }
0x3d2: {  	s6 =	sld [smem:$0x7F6];
	_ =	sdelay $0x1  }
0x3d3: {  	s7 =	sld [smem:$0x7F7]  }
0x3d4: {  	[tilespmem:s25], [sflag:$0x2] =	stream.linear.gather [hbm4b:s6+s0], $0x7D0, $0x38;
	[tilespmem:$0x1F100] =	vst v63  }
0x3d5: {  	_ = 	snop  }
0x3d6: {  	[tilespmem:s26], [sflag:$0x4] =	stream.linear.gather [hbm4b:s7+s0], $0x7D0, $0x38;
	[tilespmem:$0x1F100] =	vst v63  }
0x3d7: {  	_ =	swait.ge [sflag:s2], $0x7D0  }
0x3d8: {  	[sflag:s2] =	ssyncset.done $0x0  }
0x3d9: {  	[sflag:s2] =	ssyncadd.s32 $0xFFFFF830  }
0x3da: {  	_ =	swait.ge [sflag:s3], $0x7D0  }
0x3db: {  	[sflag:s3] =	ssyncset.done $0x0  }
0x3dc: {  	s8 =	simm.s32 $0x1C020;
	[sflag:s3] =	ssyncadd.s32 $0xFFFFF830  }
0x3dd: {  	v1 =	vld [tilespmem:s8+$0x20]  }
0x3de: {  	v2 =	vld [tilespmem:s8+$0xFFFFFFF0]  }
0x3df: {  	v4 =	vld [tilespmem:s8+$0x0]  }
0x3e0: {  	v5 =	vld [tilespmem:s8+$0x10]  }
0x3e1: {  	v6 =	vld [tilespmem:s8+$0xFFFFFFE0]  }
0x3e2: {  	s6 =	simm.s32 $0x1D020  }
0x3e3: {  	v7 =	vld [tilespmem:s6+$0x20]  }
0x3e4: {  	v8 =	vld [tilespmem:s6+$0xFFFFFFE0]  }
0x3e5: {  	v9 =	vld.idx.msk [tilespmem:v1+s0+$0x0], $0xffff  }
0x3e6: {  	v3 =	vld.idx.msk [tilespmem:v2+s0+$0x0], $0xffff  }
0x3e7: {  	v1 =	vld.idx.msk [tilespmem:v4+s0+$0x0], $0xffff  }
0x3e8: {  	v2 =	vld.idx.msk [tilespmem:v5+s0+$0x0], $0xffff  }
0x3e9: {  	v10 =	vld.idx.msk [tilespmem:v6+s0+$0x0], $0xffff  }
0x3ea: {  	v6 =	vld [tilespmem:s6+$0x0]  }
0x3eb: {  	v5 =	vld [tilespmem:s6+$0x10]  }
0x3ec: {  	v4 =	vld [tilespmem:s6+$0xFFFFFFF0]  }
0x3ed: {  	[tilespmem:v7+s1+$0x0] =	vst.idx.add.f32.msk $0xffff, v9  }
0x3ee: {  	s7 =	simm.s32 $0x0;
	s8 =	simm.s32 $0x1C070;
	[tilespmem:v8+s1+$0x0] =	vst.idx.add.f32.msk $0xffff, v10  }
.LBB2_34:
0x3ef: {  	v7 =	vld [tilespmem:s8+$0x20];
	s7 =	sadd.s32 $0x5, s7;
	v8 =	vmov v6  }
0x3f0: {  	v6 =	vld [tilespmem:s8+$0xFFFFFFF0];
	p1 =	slt.u32 s7, $0x78;
	v9 =	vmov v5  }
0x3f1: {  	v5 =	vld [tilespmem:s8+$0x0]  }
0x3f2: {  	v10 =	vld [tilespmem:s8+$0x10]  }
0x3f3: {  	v11 =	vld [tilespmem:s8+$0xFFFFFFE0]  }
0x3f4: {  	s6 =	sadd.s32 $0x50, s6;
	[tilespmem:v4+s1+$0x0] =	vst.idx.add.f32.msk $0xffff, v3  }
0x3f5: {  	v12 =	vld [tilespmem:s6+$0x20]  }
0x3f6: {  	v13 =	vld [tilespmem:s6+$0xFFFFFFE0]  }
0x3f7: {  	v7 =	vld.idx.msk [tilespmem:v7+s0+$0x0], $0xffff  }
0x3f8: {  	v3 =	vld.idx.msk [tilespmem:v6+s0+$0x0], $0xffff  }
0x3f9: {  	v14 =	vld.idx.msk [tilespmem:v5+s0+$0x0], $0xffff  }
0x3fa: {  	v10 =	vld.idx.msk [tilespmem:v10+s0+$0x0], $0xffff  }
0x3fb: {  	v11 =	vld.idx.msk [tilespmem:v11+s0+$0x0], $0xffff  }
0x3fc: {  	v4 =	vld [tilespmem:s6+$0xFFFFFFF0]  }
0x3fd: {  	[tilespmem:v12+s1+$0x0] =	vst.idx.add.f32.msk $0xffff, v7  }
.Ltmp16:
0x3fe: {  	v6 =	vld [tilespmem:s6+$0x0];
	(pc) =	sbr.rel @p1 .LBB2_34-.Ltmp16, $4  }
0x3ff: {  	v5 =	vld [tilespmem:s6+$0x10]  }
0x400: {  	[tilespmem:v8+s1+$0x0] =	vst.idx.add.f32.msk $0xffff, v1;
	v1 =	vmov v14  }
0x401: {  	[tilespmem:v13+s1+$0x0] =	vst.idx.add.f32.msk $0xffff, v11  }
0x402: {  	s8 =	sadd.s32 $0x50, s8;
	[tilespmem:v9+s1+$0x0] =	vst.idx.add.f32.msk $0xffff, v2;
	v2 =	vmov v10  }
0x403: {  	_ =	sdelay $0x3  }
0x404: {  	[tilespmem:v4+s1+$0x0] =	vst.idx.add.f32.msk $0xffff, v3  }
0x405: {  	[tilespmem:v6+s1+$0x0] =	vst.idx.add.f32.msk $0xffff, v1  }
0x406: {  	[tilespmem:v5+s1+$0x0] =	vst.idx.add.f32.msk $0xffff, v2  }
0x407: {  	s6 =	sld [smem:$0x7F8];
	_ =	sdelay $0x1  }
0x408: {  	s7 =	sld [smem:$0x7F9]  }
0x409: {  	[tilespmem:s28], [sflag:$0x3] =	stream.linear.gather [hbm4b:s6+s0], $0x7D0, $0x38;
	[tilespmem:$0x1F100] =	vst v63  }
0x40a: {  	_ = 	snop  }
0x40b: {  	[tilespmem:s21], [sflag:$0x5] =	stream.linear.gather [hbm4b:s7+s0], $0x7D0, $0x38;
	[tilespmem:$0x1F100] =	vst v63  }
0x40c: {  	_ =	swait.ge [sflag:s30], $0x7D0  }
0x40d: {  	[sflag:s30] =	ssyncset.done $0x0  }
0x40e: {  	[sflag:s30] =	ssyncadd.s32 $0xFFFFF830  }
0x40f: {  	_ =	swait.ge [sflag:s31], $0x7D0  }
0x410: {  	[sflag:s31] =	ssyncset.done $0x0  }
0x411: {  	s8 =	simm.s32 $0x1B820;
	[sflag:s31] =	ssyncadd.s32 $0xFFFFF830  }
0x412: {  	v1 =	vld [tilespmem:s8+$0x20]  }
0x413: {  	v2 =	vld [tilespmem:s8+$0xFFFFFFF0]  }
0x414: {  	v4 =	vld [tilespmem:s8+$0x0]  }
0x415: {  	v5 =	vld [tilespmem:s8+$0x10]  }
0x416: {  	v6 =	vld [tilespmem:s8+$0xFFFFFFE0]  }
0x417: {  	s6 =	simm.s32 $0x1C820  }
0x418: {  	v7 =	vld [tilespmem:s6+$0x20]  }
0x419: {  	v8 =	vld [tilespmem:s6+$0xFFFFFFE0]  }
0x41a: {  	v9 =	vld.idx.msk [tilespmem:v1+s0+$0x0], $0xffff  }
0x41b: {  	v3 =	vld.idx.msk [tilespmem:v2+s0+$0x0], $0xffff  }
0x41c: {  	v1 =	vld.idx.msk [tilespmem:v4+s0+$0x0], $0xffff  }
0x41d: {  	v2 =	vld.idx.msk [tilespmem:v5+s0+$0x0], $0xffff  }
0x41e: {  	v10 =	vld.idx.msk [tilespmem:v6+s0+$0x0], $0xffff  }
0x41f: {  	v6 =	vld [tilespmem:s6+$0x0]  }
0x420: {  	v5 =	vld [tilespmem:s6+$0x10]  }
0x421: {  	v4 =	vld [tilespmem:s6+$0xFFFFFFF0]  }
0x422: {  	[tilespmem:v7+s1+$0x0] =	vst.idx.add.f32.msk $0xffff, v9  }
0x423: {  	s7 =	simm.s32 $0x0;
	s8 =	simm.s32 $0x1B870;
	[tilespmem:v8+s1+$0x0] =	vst.idx.add.f32.msk $0xffff, v10  }
.LBB2_36:
0x424: {  	v7 =	vld [tilespmem:s8+$0x20];
	s7 =	sadd.s32 $0x5, s7;
	v8 =	vmov v6  }
0x425: {  	v6 =	vld [tilespmem:s8+$0xFFFFFFF0];
	p1 =	slt.u32 s7, $0x78;
	v9 =	vmov v5  }
0x426: {  	v5 =	vld [tilespmem:s8+$0x0]  }
0x427: {  	v10 =	vld [tilespmem:s8+$0x10]  }
0x428: {  	v11 =	vld [tilespmem:s8+$0xFFFFFFE0]  }
0x429: {  	s6 =	sadd.s32 $0x50, s6;
	[tilespmem:v4+s1+$0x0] =	vst.idx.add.f32.msk $0xffff, v3  }
0x42a: {  	v12 =	vld [tilespmem:s6+$0x20]  }
0x42b: {  	v13 =	vld [tilespmem:s6+$0xFFFFFFE0]  }
0x42c: {  	v7 =	vld.idx.msk [tilespmem:v7+s0+$0x0], $0xffff  }
0x42d: {  	v3 =	vld.idx.msk [tilespmem:v6+s0+$0x0], $0xffff  }
0x42e: {  	v14 =	vld.idx.msk [tilespmem:v5+s0+$0x0], $0xffff  }
0x42f: {  	v10 =	vld.idx.msk [tilespmem:v10+s0+$0x0], $0xffff  }
0x430: {  	v11 =	vld.idx.msk [tilespmem:v11+s0+$0x0], $0xffff  }
0x431: {  	v4 =	vld [tilespmem:s6+$0xFFFFFFF0]  }
0x432: {  	[tilespmem:v12+s1+$0x0] =	vst.idx.add.f32.msk $0xffff, v7  }
.Ltmp17:
0x433: {  	v6 =	vld [tilespmem:s6+$0x0];
	(pc) =	sbr.rel @p1 .LBB2_36-.Ltmp17, $4  }
0x434: {  	v5 =	vld [tilespmem:s6+$0x10]  }
0x435: {  	[tilespmem:v8+s1+$0x0] =	vst.idx.add.f32.msk $0xffff, v1;
	v1 =	vmov v14  }
0x436: {  	[tilespmem:v13+s1+$0x0] =	vst.idx.add.f32.msk $0xffff, v11  }
0x437: {  	s8 =	sadd.s32 $0x50, s8;
	[tilespmem:v9+s1+$0x0] =	vst.idx.add.f32.msk $0xffff, v2;
	v2 =	vmov v10  }
0x438: {  	_ =	sdelay $0x3  }
0x439: {  	[tilespmem:v4+s1+$0x0] =	vst.idx.add.f32.msk $0xffff, v3  }
0x43a: {  	[tilespmem:v6+s1+$0x0] =	vst.idx.add.f32.msk $0xffff, v1  }
0x43b: {  	[tilespmem:v5+s1+$0x0] =	vst.idx.add.f32.msk $0xffff, v2  }
0x43c: {  	s6 =	sld [smem:$0x7FA];
	_ =	sdelay $0x1  }
0x43d: {  	s7 =	sld [smem:$0x7FB]  }
0x43e: {  	[tilespmem:s25], [sflag:$0x2] =	stream.linear.gather [hbm4b:s6+s0], $0x7D0, $0x38;
	[tilespmem:$0x1F100] =	vst v63  }
0x43f: {  	_ = 	snop  }
0x440: {  	[tilespmem:s26], [sflag:$0x4] =	stream.linear.gather [hbm4b:s7+s0], $0x7D0, $0x38;
	[tilespmem:$0x1F100] =	vst v63  }
0x441: {  	_ =	swait.ge [sflag:s2], $0x7D0  }
0x442: {  	[sflag:s2] =	ssyncset.done $0x0  }
0x443: {  	[sflag:s2] =	ssyncadd.s32 $0xFFFFF830  }
0x444: {  	_ =	swait.ge [sflag:s3], $0x7D0  }
0x445: {  	[sflag:s3] =	ssyncset.done $0x0  }
0x446: {  	s8 =	simm.s32 $0x1C020;
	[sflag:s3] =	ssyncadd.s32 $0xFFFFF830  }
0x447: {  	v1 =	vld [tilespmem:s8+$0x20]  }
0x448: {  	v2 =	vld [tilespmem:s8+$0xFFFFFFF0]  }
0x449: {  	v4 =	vld [tilespmem:s8+$0x0]  }
0x44a: {  	v5 =	vld [tilespmem:s8+$0x10]  }
0x44b: {  	v6 =	vld [tilespmem:s8+$0xFFFFFFE0]  }
0x44c: {  	s6 =	simm.s32 $0x1D020  }
0x44d: {  	v7 =	vld [tilespmem:s6+$0x20]  }
0x44e: {  	v8 =	vld [tilespmem:s6+$0xFFFFFFE0]  }
0x44f: {  	v9 =	vld.idx.msk [tilespmem:v1+s0+$0x0], $0xffff  }
0x450: {  	v3 =	vld.idx.msk [tilespmem:v2+s0+$0x0], $0xffff  }
0x451: {  	v1 =	vld.idx.msk [tilespmem:v4+s0+$0x0], $0xffff  }
0x452: {  	v2 =	vld.idx.msk [tilespmem:v5+s0+$0x0], $0xffff  }
0x453: {  	v10 =	vld.idx.msk [tilespmem:v6+s0+$0x0], $0xffff  }
0x454: {  	v6 =	vld [tilespmem:s6+$0x0]  }
0x455: {  	v5 =	vld [tilespmem:s6+$0x10]  }
0x456: {  	v4 =	vld [tilespmem:s6+$0xFFFFFFF0]  }
0x457: {  	[tilespmem:v7+s1+$0x0] =	vst.idx.add.f32.msk $0xffff, v9  }
0x458: {  	s7 =	simm.s32 $0x0;
	s8 =	simm.s32 $0x1C070;
	[tilespmem:v8+s1+$0x0] =	vst.idx.add.f32.msk $0xffff, v10  }
.LBB2_38:
0x459: {  	v7 =	vld [tilespmem:s8+$0x20];
	s7 =	sadd.s32 $0x5, s7;
	v8 =	vmov v6  }
0x45a: {  	v6 =	vld [tilespmem:s8+$0xFFFFFFF0];
	p1 =	slt.u32 s7, $0x78;
	v9 =	vmov v5  }
0x45b: {  	v5 =	vld [tilespmem:s8+$0x0]  }
0x45c: {  	v10 =	vld [tilespmem:s8+$0x10]  }
0x45d: {  	v11 =	vld [tilespmem:s8+$0xFFFFFFE0]  }
0x45e: {  	s6 =	sadd.s32 $0x50, s6;
	[tilespmem:v4+s1+$0x0] =	vst.idx.add.f32.msk $0xffff, v3  }
0x45f: {  	v12 =	vld [tilespmem:s6+$0x20]  }
0x460: {  	v13 =	vld [tilespmem:s6+$0xFFFFFFE0]  }
0x461: {  	v7 =	vld.idx.msk [tilespmem:v7+s0+$0x0], $0xffff  }
0x462: {  	v3 =	vld.idx.msk [tilespmem:v6+s0+$0x0], $0xffff  }
0x463: {  	v14 =	vld.idx.msk [tilespmem:v5+s0+$0x0], $0xffff  }
0x464: {  	v10 =	vld.idx.msk [tilespmem:v10+s0+$0x0], $0xffff  }
0x465: {  	v11 =	vld.idx.msk [tilespmem:v11+s0+$0x0], $0xffff  }
0x466: {  	v4 =	vld [tilespmem:s6+$0xFFFFFFF0]  }
0x467: {  	[tilespmem:v12+s1+$0x0] =	vst.idx.add.f32.msk $0xffff, v7  }
.Ltmp18:
0x468: {  	v6 =	vld [tilespmem:s6+$0x0];
	(pc) =	sbr.rel @p1 .LBB2_38-.Ltmp18, $4  }
0x469: {  	v5 =	vld [tilespmem:s6+$0x10]  }
0x46a: {  	[tilespmem:v8+s1+$0x0] =	vst.idx.add.f32.msk $0xffff, v1;
	v1 =	vmov v14  }
0x46b: {  	[tilespmem:v13+s1+$0x0] =	vst.idx.add.f32.msk $0xffff, v11  }
0x46c: {  	s8 =	sadd.s32 $0x50, s8;
	[tilespmem:v9+s1+$0x0] =	vst.idx.add.f32.msk $0xffff, v2;
	v2 =	vmov v10  }
0x46d: {  	_ =	sdelay $0x3  }
0x46e: {  	[tilespmem:v4+s1+$0x0] =	vst.idx.add.f32.msk $0xffff, v3  }
0x46f: {  	[tilespmem:v6+s1+$0x0] =	vst.idx.add.f32.msk $0xffff, v1  }
0x470: {  	[tilespmem:v5+s1+$0x0] =	vst.idx.add.f32.msk $0xffff, v2  }
0x471: {  	s6 =	sld [smem:$0x7FC];
	_ =	sdelay $0x1  }
0x472: {  	s7 =	sld [smem:$0x7FD]  }
0x473: {  	[tilespmem:s28], [sflag:$0x3] =	stream.linear.gather [hbm4b:s6+s0], $0x7D0, $0x38;
	[tilespmem:$0x1F100] =	vst v63  }
0x474: {  	_ = 	snop  }
0x475: {  	[tilespmem:s21], [sflag:$0x5] =	stream.linear.gather [hbm4b:s7+s0], $0x7D0, $0x38;
	[tilespmem:$0x1F100] =	vst v63  }
0x476: {  	_ =	swait.ge [sflag:s30], $0x7D0  }
0x477: {  	[sflag:s30] =	ssyncset.done $0x0  }
0x478: {  	[sflag:s30] =	ssyncadd.s32 $0xFFFFF830  }
0x479: {  	_ =	swait.ge [sflag:s31], $0x7D0  }
0x47a: {  	[sflag:s31] =	ssyncset.done $0x0  }
0x47b: {  	s8 =	simm.s32 $0x1B820;
	[sflag:s31] =	ssyncadd.s32 $0xFFFFF830  }
0x47c: {  	v1 =	vld [tilespmem:s8+$0x20]  }
0x47d: {  	v2 =	vld [tilespmem:s8+$0xFFFFFFF0]  }
0x47e: {  	v4 =	vld [tilespmem:s8+$0x0]  }
0x47f: {  	v5 =	vld [tilespmem:s8+$0x10]  }
0x480: {  	v6 =	vld [tilespmem:s8+$0xFFFFFFE0]  }
0x481: {  	s6 =	simm.s32 $0x1C820  }
0x482: {  	v7 =	vld [tilespmem:s6+$0x20]  }
0x483: {  	v8 =	vld [tilespmem:s6+$0xFFFFFFE0]  }
0x484: {  	v9 =	vld.idx.msk [tilespmem:v1+s0+$0x0], $0xffff  }
0x485: {  	v3 =	vld.idx.msk [tilespmem:v2+s0+$0x0], $0xffff  }
0x486: {  	v1 =	vld.idx.msk [tilespmem:v4+s0+$0x0], $0xffff  }
0x487: {  	v2 =	vld.idx.msk [tilespmem:v5+s0+$0x0], $0xffff  }
0x488: {  	v10 =	vld.idx.msk [tilespmem:v6+s0+$0x0], $0xffff  }
0x489: {  	v6 =	vld [tilespmem:s6+$0x0]  }
0x48a: {  	v5 =	vld [tilespmem:s6+$0x10]  }
0x48b: {  	v4 =	vld [tilespmem:s6+$0xFFFFFFF0]  }
0x48c: {  	[tilespmem:v7+s1+$0x0] =	vst.idx.add.f32.msk $0xffff, v9  }
0x48d: {  	s7 =	simm.s32 $0x0;
	s8 =	simm.s32 $0x1B870;
	[tilespmem:v8+s1+$0x0] =	vst.idx.add.f32.msk $0xffff, v10  }
.LBB2_40:
0x48e: {  	v7 =	vld [tilespmem:s8+$0x20];
	s7 =	sadd.s32 $0x5, s7;
	v8 =	vmov v6  }
0x48f: {  	v6 =	vld [tilespmem:s8+$0xFFFFFFF0];
	p1 =	slt.u32 s7, $0x78;
	v9 =	vmov v5  }
0x490: {  	v5 =	vld [tilespmem:s8+$0x0]  }
0x491: {  	v10 =	vld [tilespmem:s8+$0x10]  }
0x492: {  	v11 =	vld [tilespmem:s8+$0xFFFFFFE0]  }
0x493: {  	s6 =	sadd.s32 $0x50, s6;
	[tilespmem:v4+s1+$0x0] =	vst.idx.add.f32.msk $0xffff, v3  }
0x494: {  	v12 =	vld [tilespmem:s6+$0x20]  }
0x495: {  	v13 =	vld [tilespmem:s6+$0xFFFFFFE0]  }
0x496: {  	v7 =	vld.idx.msk [tilespmem:v7+s0+$0x0], $0xffff  }
0x497: {  	v3 =	vld.idx.msk [tilespmem:v6+s0+$0x0], $0xffff  }
0x498: {  	v14 =	vld.idx.msk [tilespmem:v5+s0+$0x0], $0xffff  }
0x499: {  	v10 =	vld.idx.msk [tilespmem:v10+s0+$0x0], $0xffff  }
0x49a: {  	v11 =	vld.idx.msk [tilespmem:v11+s0+$0x0], $0xffff  }
0x49b: {  	v4 =	vld [tilespmem:s6+$0xFFFFFFF0]  }
0x49c: {  	[tilespmem:v12+s1+$0x0] =	vst.idx.add.f32.msk $0xffff, v7  }
.Ltmp19:
0x49d: {  	v6 =	vld [tilespmem:s6+$0x0];
	(pc) =	sbr.rel @p1 .LBB2_40-.Ltmp19, $4  }
0x49e: {  	v5 =	vld [tilespmem:s6+$0x10]  }
0x49f: {  	[tilespmem:v8+s1+$0x0] =	vst.idx.add.f32.msk $0xffff, v1;
	v1 =	vmov v14  }
0x4a0: {  	[tilespmem:v13+s1+$0x0] =	vst.idx.add.f32.msk $0xffff, v11  }
0x4a1: {  	s8 =	sadd.s32 $0x50, s8;
	[tilespmem:v9+s1+$0x0] =	vst.idx.add.f32.msk $0xffff, v2;
	v2 =	vmov v10  }
0x4a2: {  	_ =	sdelay $0x3  }
0x4a3: {  	[tilespmem:v4+s1+$0x0] =	vst.idx.add.f32.msk $0xffff, v3  }
0x4a4: {  	[tilespmem:v6+s1+$0x0] =	vst.idx.add.f32.msk $0xffff, v1  }
0x4a5: {  	[tilespmem:v5+s1+$0x0] =	vst.idx.add.f32.msk $0xffff, v2  }
0x4a6: {  	[tilespmem:s25], [sflag:$0x2] =	stream.linear.gather [hbm4b:s9+s0], $0x7D0, $0x38;
	[tilespmem:$0x1F100] =	vst v63  }
0x4a7: {  	_ = 	snop  }
0x4a8: {  	[tilespmem:s26], [sflag:$0x4] =	stream.linear.gather [hbm4b:s10+s0], $0x7D0, $0x38;
	[tilespmem:$0x1F100] =	vst v63  }
0x4a9: {  	_ =	swait.ge [sflag:s2], $0x7D0  }
0x4aa: {  	[sflag:s2] =	ssyncset.done $0x0  }
0x4ab: {  	[sflag:s2] =	ssyncadd.s32 $0xFFFFF830  }
0x4ac: {  	_ =	swait.ge [sflag:s3], $0x7D0  }
0x4ad: {  	[sflag:s3] =	ssyncset.done $0x0  }
0x4ae: {  	s6 =	simm.s32 $0x1C020;
	[sflag:s3] =	ssyncadd.s32 $0xFFFFF830  }
0x4af: {  	v1 =	vld [tilespmem:s6+$0x20]  }
0x4b0: {  	v2 =	vld [tilespmem:s6+$0xFFFFFFF0]  }
0x4b1: {  	v4 =	vld [tilespmem:s6+$0x0]  }
0x4b2: {  	v5 =	vld [tilespmem:s6+$0x10]  }
0x4b3: {  	v6 =	vld [tilespmem:s6+$0xFFFFFFE0]  }
0x4b4: {  	s6 =	simm.s32 $0x1D020  }
0x4b5: {  	v7 =	vld [tilespmem:s6+$0x20]  }
0x4b6: {  	v8 =	vld [tilespmem:s6+$0xFFFFFFE0]  }
0x4b7: {  	v9 =	vld.idx.msk [tilespmem:v1+s0+$0x0], $0xffff  }
0x4b8: {  	v3 =	vld.idx.msk [tilespmem:v2+s0+$0x0], $0xffff  }
0x4b9: {  	v1 =	vld.idx.msk [tilespmem:v4+s0+$0x0], $0xffff  }
0x4ba: {  	v2 =	vld.idx.msk [tilespmem:v5+s0+$0x0], $0xffff  }
0x4bb: {  	v10 =	vld.idx.msk [tilespmem:v6+s0+$0x0], $0xffff  }
0x4bc: {  	v6 =	vld [tilespmem:s6+$0x0]  }
0x4bd: {  	v5 =	vld [tilespmem:s6+$0x10]  }
0x4be: {  	v4 =	vld [tilespmem:s6+$0xFFFFFFF0]  }
0x4bf: {  	[tilespmem:v7+s1+$0x0] =	vst.idx.add.f32.msk $0xffff, v9  }
0x4c0: {  	s7 =	simm.s32 $0x0;
	s8 =	simm.s32 $0x1C070;
	[tilespmem:v8+s1+$0x0] =	vst.idx.add.f32.msk $0xffff, v10  }
.LBB2_42:
0x4c1: {  	v7 =	vld [tilespmem:s8+$0x20];
	s7 =	sadd.s32 $0x5, s7;
	v8 =	vmov v6  }
0x4c2: {  	v6 =	vld [tilespmem:s8+$0xFFFFFFF0];
	p1 =	slt.u32 s7, $0x78;
	v9 =	vmov v5  }
0x4c3: {  	v5 =	vld [tilespmem:s8+$0x0]  }
0x4c4: {  	v10 =	vld [tilespmem:s8+$0x10]  }
0x4c5: {  	v11 =	vld [tilespmem:s8+$0xFFFFFFE0]  }
0x4c6: {  	s6 =	sadd.s32 $0x50, s6;
	[tilespmem:v4+s1+$0x0] =	vst.idx.add.f32.msk $0xffff, v3  }
0x4c7: {  	v12 =	vld [tilespmem:s6+$0x20]  }
0x4c8: {  	v13 =	vld [tilespmem:s6+$0xFFFFFFE0]  }
0x4c9: {  	v7 =	vld.idx.msk [tilespmem:v7+s0+$0x0], $0xffff  }
0x4ca: {  	v3 =	vld.idx.msk [tilespmem:v6+s0+$0x0], $0xffff  }
0x4cb: {  	v14 =	vld.idx.msk [tilespmem:v5+s0+$0x0], $0xffff  }
0x4cc: {  	v10 =	vld.idx.msk [tilespmem:v10+s0+$0x0], $0xffff  }
0x4cd: {  	v11 =	vld.idx.msk [tilespmem:v11+s0+$0x0], $0xffff  }
0x4ce: {  	v4 =	vld [tilespmem:s6+$0xFFFFFFF0]  }
0x4cf: {  	[tilespmem:v12+s1+$0x0] =	vst.idx.add.f32.msk $0xffff, v7  }
.Ltmp20:
0x4d0: {  	v6 =	vld [tilespmem:s6+$0x0];
	(pc) =	sbr.rel @p1 .LBB2_42-.Ltmp20, $4  }
0x4d1: {  	v5 =	vld [tilespmem:s6+$0x10]  }
0x4d2: {  	[tilespmem:v8+s1+$0x0] =	vst.idx.add.f32.msk $0xffff, v1;
	v1 =	vmov v14  }
0x4d3: {  	[tilespmem:v13+s1+$0x0] =	vst.idx.add.f32.msk $0xffff, v11  }
0x4d4: {  	s8 =	sadd.s32 $0x50, s8;
	[tilespmem:v9+s1+$0x0] =	vst.idx.add.f32.msk $0xffff, v2;
	v2 =	vmov v10  }
0x4d5: {  	_ =	sdelay $0x3  }
0x4d6: {  	[tilespmem:v4+s1+$0x0] =	vst.idx.add.f32.msk $0xffff, v3  }
0x4d7: {  	[tilespmem:v6+s1+$0x0] =	vst.idx.add.f32.msk $0xffff, v1  }
0x4d8: {  	[tilespmem:v5+s1+$0x0] =	vst.idx.add.f32.msk $0xffff, v2  }
0x4d9: {  	[tilespmem:s28], [sflag:$0x3] =	stream.linear.gather [hbm4b:s11+s0], $0x7D0, $0x38;
	[tilespmem:$0x1F100] =	vst v63  }
0x4da: {  	_ = 	snop  }
0x4db: {  	[tilespmem:s21], [sflag:$0x5] =	stream.linear.gather [hbm4b:s12+s0], $0x7D0, $0x38;
	[tilespmem:$0x1F100] =	vst v63  }
0x4dc: {  	_ =	swait.ge [sflag:s30], $0x7D0  }
0x4dd: {  	[sflag:s30] =	ssyncset.done $0x0  }
0x4de: {  	[sflag:s30] =	ssyncadd.s32 $0xFFFFF830  }
0x4df: {  	_ =	swait.ge [sflag:s31], $0x7D0  }
0x4e0: {  	[sflag:s31] =	ssyncset.done $0x0  }
0x4e1: {  	s6 =	simm.s32 $0x1B820;
	[sflag:s31] =	ssyncadd.s32 $0xFFFFF830  }
0x4e2: {  	v1 =	vld [tilespmem:s6+$0x20]  }
0x4e3: {  	v2 =	vld [tilespmem:s6+$0xFFFFFFF0]  }
0x4e4: {  	v4 =	vld [tilespmem:s6+$0x0]  }
0x4e5: {  	v5 =	vld [tilespmem:s6+$0x10]  }
0x4e6: {  	v6 =	vld [tilespmem:s6+$0xFFFFFFE0]  }
0x4e7: {  	s6 =	simm.s32 $0x1C820  }
0x4e8: {  	v7 =	vld [tilespmem:s6+$0x20]  }
0x4e9: {  	v8 =	vld [tilespmem:s6+$0xFFFFFFE0]  }
0x4ea: {  	v9 =	vld.idx.msk [tilespmem:v1+s0+$0x0], $0xffff  }
0x4eb: {  	v3 =	vld.idx.msk [tilespmem:v2+s0+$0x0], $0xffff  }
0x4ec: {  	v1 =	vld.idx.msk [tilespmem:v4+s0+$0x0], $0xffff  }
0x4ed: {  	v2 =	vld.idx.msk [tilespmem:v5+s0+$0x0], $0xffff  }
0x4ee: {  	v10 =	vld.idx.msk [tilespmem:v6+s0+$0x0], $0xffff  }
0x4ef: {  	v6 =	vld [tilespmem:s6+$0x0]  }
0x4f0: {  	v5 =	vld [tilespmem:s6+$0x10]  }
0x4f1: {  	v4 =	vld [tilespmem:s6+$0xFFFFFFF0]  }
0x4f2: {  	[tilespmem:v7+s1+$0x0] =	vst.idx.add.f32.msk $0xffff, v9  }
0x4f3: {  	s7 =	simm.s32 $0x0;
	s8 =	simm.s32 $0x1B870;
	[tilespmem:v8+s1+$0x0] =	vst.idx.add.f32.msk $0xffff, v10  }
.LBB2_44:
0x4f4: {  	v7 =	vld [tilespmem:s8+$0x20];
	s7 =	sadd.s32 $0x5, s7;
	v8 =	vmov v6  }
0x4f5: {  	v6 =	vld [tilespmem:s8+$0xFFFFFFF0];
	p1 =	slt.u32 s7, $0x78;
	v9 =	vmov v5  }
0x4f6: {  	v5 =	vld [tilespmem:s8+$0x0]  }
0x4f7: {  	v10 =	vld [tilespmem:s8+$0x10]  }
0x4f8: {  	v11 =	vld [tilespmem:s8+$0xFFFFFFE0]  }
0x4f9: {  	s6 =	sadd.s32 $0x50, s6;
	[tilespmem:v4+s1+$0x0] =	vst.idx.add.f32.msk $0xffff, v3  }
0x4fa: {  	v12 =	vld [tilespmem:s6+$0x20]  }
0x4fb: {  	v13 =	vld [tilespmem:s6+$0xFFFFFFE0]  }
0x4fc: {  	v7 =	vld.idx.msk [tilespmem:v7+s0+$0x0], $0xffff  }
0x4fd: {  	v3 =	vld.idx.msk [tilespmem:v6+s0+$0x0], $0xffff  }
0x4fe: {  	v14 =	vld.idx.msk [tilespmem:v5+s0+$0x0], $0xffff  }
0x4ff: {  	v10 =	vld.idx.msk [tilespmem:v10+s0+$0x0], $0xffff  }
0x500: {  	v11 =	vld.idx.msk [tilespmem:v11+s0+$0x0], $0xffff  }
0x501: {  	v4 =	vld [tilespmem:s6+$0xFFFFFFF0]  }
0x502: {  	[tilespmem:v12+s1+$0x0] =	vst.idx.add.f32.msk $0xffff, v7  }
.Ltmp21:
0x503: {  	v6 =	vld [tilespmem:s6+$0x0];
	(pc) =	sbr.rel @p1 .LBB2_44-.Ltmp21, $4  }
0x504: {  	v5 =	vld [tilespmem:s6+$0x10]  }
0x505: {  	[tilespmem:v8+s1+$0x0] =	vst.idx.add.f32.msk $0xffff, v1;
	v1 =	vmov v14  }
0x506: {  	[tilespmem:v13+s1+$0x0] =	vst.idx.add.f32.msk $0xffff, v11  }
0x507: {  	s8 =	sadd.s32 $0x50, s8;
	[tilespmem:v9+s1+$0x0] =	vst.idx.add.f32.msk $0xffff, v2;
	v2 =	vmov v10  }
0x508: {  	_ =	sdelay $0x3  }
0x509: {  	[tilespmem:v4+s1+$0x0] =	vst.idx.add.f32.msk $0xffff, v3  }
0x50a: {  	[tilespmem:v6+s1+$0x0] =	vst.idx.add.f32.msk $0xffff, v1  }
0x50b: {  	[tilespmem:v5+s1+$0x0] =	vst.idx.add.f32.msk $0xffff, v2  }
0x50c: {  	[tilespmem:s25], [sflag:$0x2] =	stream.linear.gather [hbm4b:s13+s0], $0x7D0, $0x38;
	[tilespmem:$0x1F100] =	vst v63  }
0x50d: {  	_ = 	snop  }
0x50e: {  	[tilespmem:s26], [sflag:$0x4] =	stream.linear.gather [hbm4b:s14+s0], $0x7D0, $0x38;
	[tilespmem:$0x1F100] =	vst v63  }
0x50f: {  	_ =	swait.ge [sflag:s2], $0x7D0  }
0x510: {  	[sflag:s2] =	ssyncset.done $0x0  }
0x511: {  	[sflag:s2] =	ssyncadd.s32 $0xFFFFF830  }
0x512: {  	_ =	swait.ge [sflag:s3], $0x7D0  }
0x513: {  	[sflag:s3] =	ssyncset.done $0x0  }
0x514: {  	s6 =	simm.s32 $0x1C020;
	[sflag:s3] =	ssyncadd.s32 $0xFFFFF830  }
0x515: {  	v1 =	vld [tilespmem:s6+$0x20]  }
0x516: {  	v2 =	vld [tilespmem:s6+$0xFFFFFFF0]  }
0x517: {  	v4 =	vld [tilespmem:s6+$0x0]  }
0x518: {  	v5 =	vld [tilespmem:s6+$0x10]  }
0x519: {  	v6 =	vld [tilespmem:s6+$0xFFFFFFE0]  }
0x51a: {  	s6 =	simm.s32 $0x1D020  }
0x51b: {  	v7 =	vld [tilespmem:s6+$0x20]  }
0x51c: {  	v8 =	vld [tilespmem:s6+$0xFFFFFFE0]  }
0x51d: {  	v9 =	vld.idx.msk [tilespmem:v1+s0+$0x0], $0xffff  }
0x51e: {  	v3 =	vld.idx.msk [tilespmem:v2+s0+$0x0], $0xffff  }
0x51f: {  	v1 =	vld.idx.msk [tilespmem:v4+s0+$0x0], $0xffff  }
0x520: {  	v2 =	vld.idx.msk [tilespmem:v5+s0+$0x0], $0xffff  }
0x521: {  	v10 =	vld.idx.msk [tilespmem:v6+s0+$0x0], $0xffff  }
0x522: {  	v6 =	vld [tilespmem:s6+$0x0]  }
0x523: {  	v5 =	vld [tilespmem:s6+$0x10]  }
0x524: {  	v4 =	vld [tilespmem:s6+$0xFFFFFFF0]  }
0x525: {  	[tilespmem:v7+s1+$0x0] =	vst.idx.add.f32.msk $0xffff, v9  }
0x526: {  	s7 =	simm.s32 $0x0;
	s8 =	simm.s32 $0x1C070;
	[tilespmem:v8+s1+$0x0] =	vst.idx.add.f32.msk $0xffff, v10  }
.LBB2_46:
0x527: {  	v7 =	vld [tilespmem:s8+$0x20];
	s7 =	sadd.s32 $0x5, s7;
	v8 =	vmov v6  }
0x528: {  	v6 =	vld [tilespmem:s8+$0xFFFFFFF0];
	p1 =	slt.u32 s7, $0x78;
	v9 =	vmov v5  }
0x529: {  	v5 =	vld [tilespmem:s8+$0x0]  }
0x52a: {  	v10 =	vld [tilespmem:s8+$0x10]  }
0x52b: {  	v11 =	vld [tilespmem:s8+$0xFFFFFFE0]  }
0x52c: {  	s6 =	sadd.s32 $0x50, s6;
	[tilespmem:v4+s1+$0x0] =	vst.idx.add.f32.msk $0xffff, v3  }
0x52d: {  	v12 =	vld [tilespmem:s6+$0x20]  }
0x52e: {  	v13 =	vld [tilespmem:s6+$0xFFFFFFE0]  }
0x52f: {  	v7 =	vld.idx.msk [tilespmem:v7+s0+$0x0], $0xffff  }
0x530: {  	v3 =	vld.idx.msk [tilespmem:v6+s0+$0x0], $0xffff  }
0x531: {  	v14 =	vld.idx.msk [tilespmem:v5+s0+$0x0], $0xffff  }
0x532: {  	v10 =	vld.idx.msk [tilespmem:v10+s0+$0x0], $0xffff  }
0x533: {  	v11 =	vld.idx.msk [tilespmem:v11+s0+$0x0], $0xffff  }
0x534: {  	v4 =	vld [tilespmem:s6+$0xFFFFFFF0]  }
0x535: {  	[tilespmem:v12+s1+$0x0] =	vst.idx.add.f32.msk $0xffff, v7  }
.Ltmp22:
0x536: {  	v6 =	vld [tilespmem:s6+$0x0];
	(pc) =	sbr.rel @p1 .LBB2_46-.Ltmp22, $4  }
0x537: {  	v5 =	vld [tilespmem:s6+$0x10]  }
0x538: {  	[tilespmem:v8+s1+$0x0] =	vst.idx.add.f32.msk $0xffff, v1;
	v1 =	vmov v14  }
0x539: {  	[tilespmem:v13+s1+$0x0] =	vst.idx.add.f32.msk $0xffff, v11  }
0x53a: {  	s8 =	sadd.s32 $0x50, s8;
	[tilespmem:v9+s1+$0x0] =	vst.idx.add.f32.msk $0xffff, v2;
	v2 =	vmov v10  }
0x53b: {  	_ =	sdelay $0x3  }
0x53c: {  	[tilespmem:v4+s1+$0x0] =	vst.idx.add.f32.msk $0xffff, v3  }
0x53d: {  	[tilespmem:v6+s1+$0x0] =	vst.idx.add.f32.msk $0xffff, v1  }
0x53e: {  	[tilespmem:v5+s1+$0x0] =	vst.idx.add.f32.msk $0xffff, v2  }
0x53f: {  	[tilespmem:s28], [sflag:$0x3] =	stream.linear.gather [hbm4b:s15+s0], $0x7D0, $0x38;
	[tilespmem:$0x1F100] =	vst v63  }
0x540: {  	_ = 	snop  }
0x541: {  	[tilespmem:s21], [sflag:$0x5] =	stream.linear.gather [hbm4b:s16+s0], $0x7D0, $0x38;
	[tilespmem:$0x1F100] =	vst v63  }
0x542: {  	_ =	swait.ge [sflag:s30], $0x7D0  }
0x543: {  	[sflag:s30] =	ssyncset.done $0x0  }
0x544: {  	[sflag:s30] =	ssyncadd.s32 $0xFFFFF830  }
0x545: {  	_ =	swait.ge [sflag:s31], $0x7D0  }
0x546: {  	[sflag:s31] =	ssyncset.done $0x0  }
0x547: {  	s6 =	simm.s32 $0x1B820;
	[sflag:s31] =	ssyncadd.s32 $0xFFFFF830  }
0x548: {  	v1 =	vld [tilespmem:s6+$0x20]  }
0x549: {  	v2 =	vld [tilespmem:s6+$0xFFFFFFF0]  }
0x54a: {  	v4 =	vld [tilespmem:s6+$0x0]  }
0x54b: {  	v5 =	vld [tilespmem:s6+$0x10]  }
0x54c: {  	v6 =	vld [tilespmem:s6+$0xFFFFFFE0]  }
0x54d: {  	s6 =	simm.s32 $0x1C820  }
0x54e: {  	v7 =	vld [tilespmem:s6+$0x20]  }
0x54f: {  	v8 =	vld [tilespmem:s6+$0xFFFFFFE0]  }
0x550: {  	v9 =	vld.idx.msk [tilespmem:v1+s0+$0x0], $0xffff  }
0x551: {  	v3 =	vld.idx.msk [tilespmem:v2+s0+$0x0], $0xffff  }
0x552: {  	v1 =	vld.idx.msk [tilespmem:v4+s0+$0x0], $0xffff  }
0x553: {  	v2 =	vld.idx.msk [tilespmem:v5+s0+$0x0], $0xffff  }
0x554: {  	v10 =	vld.idx.msk [tilespmem:v6+s0+$0x0], $0xffff  }
0x555: {  	v6 =	vld [tilespmem:s6+$0x0]  }
0x556: {  	v5 =	vld [tilespmem:s6+$0x10]  }
0x557: {  	v4 =	vld [tilespmem:s6+$0xFFFFFFF0]  }
0x558: {  	[tilespmem:v7+s1+$0x0] =	vst.idx.add.f32.msk $0xffff, v9  }
0x559: {  	s7 =	simm.s32 $0x0;
	s8 =	simm.s32 $0x1B870;
	[tilespmem:v8+s1+$0x0] =	vst.idx.add.f32.msk $0xffff, v10  }
.LBB2_48:
0x55a: {  	v7 =	vld [tilespmem:s8+$0x20];
	s7 =	sadd.s32 $0x5, s7;
	v8 =	vmov v6  }
0x55b: {  	v6 =	vld [tilespmem:s8+$0xFFFFFFF0];
	p1 =	slt.u32 s7, $0x78;
	v9 =	vmov v5  }
0x55c: {  	v5 =	vld [tilespmem:s8+$0x0]  }
0x55d: {  	v10 =	vld [tilespmem:s8+$0x10]  }
0x55e: {  	v11 =	vld [tilespmem:s8+$0xFFFFFFE0]  }
0x55f: {  	s6 =	sadd.s32 $0x50, s6;
	[tilespmem:v4+s1+$0x0] =	vst.idx.add.f32.msk $0xffff, v3  }
0x560: {  	v12 =	vld [tilespmem:s6+$0x20]  }
0x561: {  	v13 =	vld [tilespmem:s6+$0xFFFFFFE0]  }
0x562: {  	v7 =	vld.idx.msk [tilespmem:v7+s0+$0x0], $0xffff  }
0x563: {  	v3 =	vld.idx.msk [tilespmem:v6+s0+$0x0], $0xffff  }
0x564: {  	v14 =	vld.idx.msk [tilespmem:v5+s0+$0x0], $0xffff  }
0x565: {  	v10 =	vld.idx.msk [tilespmem:v10+s0+$0x0], $0xffff  }
0x566: {  	v11 =	vld.idx.msk [tilespmem:v11+s0+$0x0], $0xffff  }
0x567: {  	v4 =	vld [tilespmem:s6+$0xFFFFFFF0]  }
0x568: {  	[tilespmem:v12+s1+$0x0] =	vst.idx.add.f32.msk $0xffff, v7  }
.Ltmp23:
0x569: {  	v6 =	vld [tilespmem:s6+$0x0];
	(pc) =	sbr.rel @p1 .LBB2_48-.Ltmp23, $4  }
0x56a: {  	v5 =	vld [tilespmem:s6+$0x10]  }
0x56b: {  	[tilespmem:v8+s1+$0x0] =	vst.idx.add.f32.msk $0xffff, v1;
	v1 =	vmov v14  }
0x56c: {  	[tilespmem:v13+s1+$0x0] =	vst.idx.add.f32.msk $0xffff, v11  }
0x56d: {  	s8 =	sadd.s32 $0x50, s8;
	[tilespmem:v9+s1+$0x0] =	vst.idx.add.f32.msk $0xffff, v2;
	v2 =	vmov v10  }
0x56e: {  	_ =	sdelay $0x3  }
0x56f: {  	[tilespmem:v4+s1+$0x0] =	vst.idx.add.f32.msk $0xffff, v3  }
0x570: {  	[tilespmem:v6+s1+$0x0] =	vst.idx.add.f32.msk $0xffff, v1  }
0x571: {  	[tilespmem:v5+s1+$0x0] =	vst.idx.add.f32.msk $0xffff, v2  }
0x572: {  	[tilespmem:s25], [sflag:$0x2] =	stream.linear.gather [hbm4b:s19+s0], $0x7D0, $0x38;
	[tilespmem:$0x1F100] =	vst v63  }
0x573: {  	_ = 	snop  }
0x574: {  	[tilespmem:s26], [sflag:$0x4] =	stream.linear.gather [hbm4b:s20+s0], $0x7D0, $0x38;
	[tilespmem:$0x1F100] =	vst v63  }
0x575: {  	_ =	swait.ge [sflag:s2], $0x7D0  }
0x576: {  	[sflag:s2] =	ssyncset.done $0x0  }
0x577: {  	[sflag:s2] =	ssyncadd.s32 $0xFFFFF830  }
0x578: {  	_ =	swait.ge [sflag:s3], $0x7D0  }
0x579: {  	[sflag:s3] =	ssyncset.done $0x0  }
0x57a: {  	s6 =	simm.s32 $0x1C020;
	[sflag:s3] =	ssyncadd.s32 $0xFFFFF830  }
0x57b: {  	v1 =	vld [tilespmem:s6+$0x20]  }
0x57c: {  	v2 =	vld [tilespmem:s6+$0xFFFFFFF0]  }
0x57d: {  	v4 =	vld [tilespmem:s6+$0x0]  }
0x57e: {  	v5 =	vld [tilespmem:s6+$0x10]  }
0x57f: {  	v6 =	vld [tilespmem:s6+$0xFFFFFFE0]  }
0x580: {  	s6 =	simm.s32 $0x1D020  }
0x581: {  	v7 =	vld [tilespmem:s6+$0x20]  }
0x582: {  	v8 =	vld [tilespmem:s6+$0xFFFFFFE0]  }
0x583: {  	v9 =	vld.idx.msk [tilespmem:v1+s0+$0x0], $0xffff  }
0x584: {  	v3 =	vld.idx.msk [tilespmem:v2+s0+$0x0], $0xffff  }
0x585: {  	v1 =	vld.idx.msk [tilespmem:v4+s0+$0x0], $0xffff  }
0x586: {  	v2 =	vld.idx.msk [tilespmem:v5+s0+$0x0], $0xffff  }
0x587: {  	v10 =	vld.idx.msk [tilespmem:v6+s0+$0x0], $0xffff  }
0x588: {  	v6 =	vld [tilespmem:s6+$0x0]  }
0x589: {  	v5 =	vld [tilespmem:s6+$0x10]  }
0x58a: {  	v4 =	vld [tilespmem:s6+$0xFFFFFFF0]  }
0x58b: {  	[tilespmem:v7+s1+$0x0] =	vst.idx.add.f32.msk $0xffff, v9  }
0x58c: {  	s7 =	simm.s32 $0x0;
	s8 =	simm.s32 $0x1C070;
	[tilespmem:v8+s1+$0x0] =	vst.idx.add.f32.msk $0xffff, v10  }
.LBB2_50:
0x58d: {  	v7 =	vld [tilespmem:s8+$0x20];
	s7 =	sadd.s32 $0x5, s7;
	v8 =	vmov v6  }
0x58e: {  	v6 =	vld [tilespmem:s8+$0xFFFFFFF0];
	p1 =	slt.u32 s7, $0x78;
	v9 =	vmov v5  }
0x58f: {  	v5 =	vld [tilespmem:s8+$0x0]  }
0x590: {  	v10 =	vld [tilespmem:s8+$0x10]  }
0x591: {  	v11 =	vld [tilespmem:s8+$0xFFFFFFE0]  }
0x592: {  	s6 =	sadd.s32 $0x50, s6;
	[tilespmem:v4+s1+$0x0] =	vst.idx.add.f32.msk $0xffff, v3  }
0x593: {  	v12 =	vld [tilespmem:s6+$0x20]  }
0x594: {  	v13 =	vld [tilespmem:s6+$0xFFFFFFE0]  }
0x595: {  	v7 =	vld.idx.msk [tilespmem:v7+s0+$0x0], $0xffff  }
0x596: {  	v3 =	vld.idx.msk [tilespmem:v6+s0+$0x0], $0xffff  }
0x597: {  	v14 =	vld.idx.msk [tilespmem:v5+s0+$0x0], $0xffff  }
0x598: {  	v10 =	vld.idx.msk [tilespmem:v10+s0+$0x0], $0xffff  }
0x599: {  	v11 =	vld.idx.msk [tilespmem:v11+s0+$0x0], $0xffff  }
0x59a: {  	v4 =	vld [tilespmem:s6+$0xFFFFFFF0]  }
0x59b: {  	[tilespmem:v12+s1+$0x0] =	vst.idx.add.f32.msk $0xffff, v7  }
.Ltmp24:
0x59c: {  	v6 =	vld [tilespmem:s6+$0x0];
	(pc) =	sbr.rel @p1 .LBB2_50-.Ltmp24, $4  }
0x59d: {  	v5 =	vld [tilespmem:s6+$0x10]  }
0x59e: {  	[tilespmem:v8+s1+$0x0] =	vst.idx.add.f32.msk $0xffff, v1;
	v1 =	vmov v14  }
0x59f: {  	[tilespmem:v13+s1+$0x0] =	vst.idx.add.f32.msk $0xffff, v11  }
0x5a0: {  	s8 =	sadd.s32 $0x50, s8;
	[tilespmem:v9+s1+$0x0] =	vst.idx.add.f32.msk $0xffff, v2;
	v2 =	vmov v10  }
0x5a1: {  	_ =	sdelay $0x3  }
0x5a2: {  	[tilespmem:v4+s1+$0x0] =	vst.idx.add.f32.msk $0xffff, v3  }
0x5a3: {  	[tilespmem:v6+s1+$0x0] =	vst.idx.add.f32.msk $0xffff, v1  }
0x5a4: {  	[tilespmem:v5+s1+$0x0] =	vst.idx.add.f32.msk $0xffff, v2  }
0x5a5: {  	_ =	swait.ge [sflag:s30], $0x7D0  }
0x5a6: {  	[sflag:s30] =	ssyncset.done $0x0  }
0x5a7: {  	[sflag:s30] =	ssyncadd.s32 $0xFFFFF830  }
0x5a8: {  	_ =	swait.ge [sflag:s31], $0x7D0  }
0x5a9: {  	[sflag:s31] =	ssyncset.done $0x0  }
0x5aa: {  	s6 =	simm.s32 $0x1B820;
	[sflag:s31] =	ssyncadd.s32 $0xFFFFF830  }
0x5ab: {  	v1 =	vld [tilespmem:s6+$0x20]  }
0x5ac: {  	v2 =	vld [tilespmem:s6+$0xFFFFFFF0]  }
0x5ad: {  	v4 =	vld [tilespmem:s6+$0x0]  }
0x5ae: {  	v5 =	vld [tilespmem:s6+$0x10]  }
0x5af: {  	v6 =	vld [tilespmem:s6+$0xFFFFFFE0]  }
0x5b0: {  	s6 =	simm.s32 $0x1C820  }
0x5b1: {  	v7 =	vld [tilespmem:s6+$0x20]  }
0x5b2: {  	v8 =	vld [tilespmem:s6+$0xFFFFFFE0]  }
0x5b3: {  	v9 =	vld.idx.msk [tilespmem:v1+s0+$0x0], $0xffff  }
0x5b4: {  	v3 =	vld.idx.msk [tilespmem:v2+s0+$0x0], $0xffff  }
0x5b5: {  	v1 =	vld.idx.msk [tilespmem:v4+s0+$0x0], $0xffff  }
0x5b6: {  	v2 =	vld.idx.msk [tilespmem:v5+s0+$0x0], $0xffff  }
0x5b7: {  	v10 =	vld.idx.msk [tilespmem:v6+s0+$0x0], $0xffff  }
0x5b8: {  	v6 =	vld [tilespmem:s6+$0x0]  }
0x5b9: {  	v5 =	vld [tilespmem:s6+$0x10]  }
0x5ba: {  	v4 =	vld [tilespmem:s6+$0xFFFFFFF0]  }
0x5bb: {  	[tilespmem:v7+s1+$0x0] =	vst.idx.add.f32.msk $0xffff, v9  }
0x5bc: {  	s7 =	simm.s32 $0x0;
	s8 =	simm.s32 $0x1B870;
	[tilespmem:v8+s1+$0x0] =	vst.idx.add.f32.msk $0xffff, v10  }
.LBB2_52:
0x5bd: {  	v7 =	vld [tilespmem:s8+$0x20];
	s7 =	sadd.s32 $0x5, s7;
	v8 =	vmov v6  }
0x5be: {  	v6 =	vld [tilespmem:s8+$0xFFFFFFF0];
	p1 =	slt.u32 s7, $0x78;
	v9 =	vmov v5  }
0x5bf: {  	v5 =	vld [tilespmem:s8+$0x0]  }
0x5c0: {  	v10 =	vld [tilespmem:s8+$0x10]  }
0x5c1: {  	v11 =	vld [tilespmem:s8+$0xFFFFFFE0]  }
0x5c2: {  	s6 =	sadd.s32 $0x50, s6;
	[tilespmem:v4+s1+$0x0] =	vst.idx.add.f32.msk $0xffff, v3  }
0x5c3: {  	v12 =	vld [tilespmem:s6+$0x20]  }
0x5c4: {  	v13 =	vld [tilespmem:s6+$0xFFFFFFE0]  }
0x5c5: {  	v7 =	vld.idx.msk [tilespmem:v7+s0+$0x0], $0xffff  }
0x5c6: {  	v3 =	vld.idx.msk [tilespmem:v6+s0+$0x0], $0xffff  }
0x5c7: {  	v14 =	vld.idx.msk [tilespmem:v5+s0+$0x0], $0xffff  }
0x5c8: {  	v10 =	vld.idx.msk [tilespmem:v10+s0+$0x0], $0xffff  }
0x5c9: {  	v11 =	vld.idx.msk [tilespmem:v11+s0+$0x0], $0xffff  }
0x5ca: {  	v4 =	vld [tilespmem:s6+$0xFFFFFFF0]  }
0x5cb: {  	[tilespmem:v12+s1+$0x0] =	vst.idx.add.f32.msk $0xffff, v7  }
.Ltmp25:
0x5cc: {  	v6 =	vld [tilespmem:s6+$0x0];
	(pc) =	sbr.rel @p1 .LBB2_52-.Ltmp25, $4  }
0x5cd: {  	v5 =	vld [tilespmem:s6+$0x10]  }
0x5ce: {  	[tilespmem:v8+s1+$0x0] =	vst.idx.add.f32.msk $0xffff, v1;
	v1 =	vmov v14  }
0x5cf: {  	[tilespmem:v13+s1+$0x0] =	vst.idx.add.f32.msk $0xffff, v11  }
0x5d0: {  	s8 =	sadd.s32 $0x50, s8;
	[tilespmem:v9+s1+$0x0] =	vst.idx.add.f32.msk $0xffff, v2;
	v2 =	vmov v10  }
0x5d1: {  	_ =	sdelay $0x3  }
0x5d2: {  	[tilespmem:v4+s1+$0x0] =	vst.idx.add.f32.msk $0xffff, v3;
	s5 =	sadd.s32 $0x1, s5  }
0x5d3: {  	[tilespmem:v6+s1+$0x0] =	vst.idx.add.f32.msk $0xffff, v1;
	p1 =	sne.s32 s5, s24  }
.Ltmp26:
0x5d4: {  	[tilespmem:v5+s1+$0x0] =	vst.idx.add.f32.msk $0xffff, v2;
	(pc) =	sbr.rel @p1 .LBB2_1-.Ltmp26, $4  }
0x5d5: {  	[hbm4b:s22+s0] =	stream.linear.scatter [tilespmem:s1], [sflag:$0x6], $0x2800, $0x38;
	[tilespmem:$0x1F100] =	vst v63  }
0x5d6: {  	_ =	swait.ge [sflag:s4], $0x2800  }
0x5d7: {  	[sflag:s4] =	ssyncset.done $0x0  }
0x5d8: {  	[sflag:s4] =	ssyncadd.s32 $0xFFFFD800  }
0x5d9: {  	_ =	sfence.sel $0x180000  }
0x5da: {  	[bflag:$0x0] =	sbarrier.arrive $0xFFFF  }
0x5db: {  	_ =	strace $0x90000047  }
0x5dc: {  	[bflag:$0x2] =	sbarrier.arrive $0xFFFF  }
0x5dd: {  	s0 =	rddreg [dreg:$0x5]  }
0x5de: {  	s0 =	sadd.s32 @!p0 $0x100000, s0  }
0x5df: {  	[sflag:s0] =	ssyncadd.tile.s32 @!p0 $0x1;
	_ =	shalt  }
.Lfunc_end2:
_tile_overlayer_lowered:
.L_overlay_start_2:
0x5e0: {  	(tag) =	ssettag $0x2  }
0x5e1: {  	s0 =	rddreg [dreg:$0x0];
	s2 =	stileid.u32  }
0x5e2: {  	s1 =	rddreg [dreg:$0x1];
	p0 =	sne.s32 s2, $0x0  }
0x5e3: {  	s3 =	rddreg [dreg:$0x2];
	[bflag:$0x3] =	sbarrier.arrive $0xFFFF;
	s2 =	simm.s32 @!p0 $0x1C06  }
0x5e4: {  	[timem:s3], [sflag:s2] =	dma.local @!p0 [hbm:s0], s1  }
0x5e5: {  	s0 =	simm.s32 @!p0 $0x6  }
0x5e6: {  	_ =	swait.ge @!p0 [sflag:s0], s1  }
0x5e7: {  	s1 =	ssub.s32 @!p0 $0x0, s1;
	[sflag:s0] =	ssyncset.done @!p0 $0x0  }
0x5e8: {  	[sflag:s0] =	ssyncadd.s32 @!p0 s1  }
0x5e9: {  	[bflag:$0x3] =	sbarrier.arrive $0xFFFF  }
0x5ea: {  	_ =	shalt  }

</sc_bundles>
